<compile_context>
chip_gen: v7x
topology: tpu7x:2x2x1
jax: 0.10.2.dev20260603
libtpu: 0.0.44.dev20260713+nightly
codegen_flags: <defaults>
</compile_context>

<pallas_src>
import functools

import jax
import jax.numpy as jnp
from jax import lax
from jax.experimental import pallas as pl
from jax.experimental.pallas import tpu as pltpu
from jax.experimental.pallas import tpu_sc as plsc

N_NODES = 10000
N_EDGES = 320000
D = 128

NC = 2
NS = 16
L = 16
NW = NC * NS
E_PER_W = 10240
E_PAD = E_PER_W * NW - N_EDGES
SUB = 64
SEG = 512
N_SEG = E_PER_W // SEG
N_SUB = SEG // SUB
NBUF = 4
NSTG = 3
ROWS_PER_TILE = N_NODES // NS
DUMP_ROWS = 632
DUMP_LAST = N_NODES - (NS - 1) * DUMP_ROWS


def _bcast_lane(vec, j):
    idx = jnp.full((L, 1), j, dtype=jnp.int32)
    return lax.gather(
        vec, idx,
        dimension_numbers=lax.GatherDimensionNumbers(
            offset_dims=(), collapsed_slice_dims=(0,), start_index_map=(0,)),
        slice_sizes=(1,),
        mode=lax.GatherScatterMode.PROMISE_IN_BOUNDS)


def _sc_aggregate(ego, src, dst3, w):
    mesh = plsc.VectorSubcoreMesh(core_axis_name="c", subcore_axis_name="s")

    @functools.partial(
        pl.kernel,
        out_type=jax.ShapeDtypeStruct((NC, N_NODES, D), jnp.float32),
        mesh=mesh,
        scratch_types=[
            pltpu.VMEM((NSTG * N_SUB, SUB), jnp.int32),
            pltpu.VMEM((NSTG * N_SUB, SUB), jnp.int32),
            pltpu.VMEM((NSTG * N_SUB, SUB), jnp.float32),
            pltpu.VMEM((NBUF, SUB, D), jnp.float32),
            pltpu.VMEM_SHARED((N_NODES, D), jnp.float32),
            pltpu.SemaphoreType.DMA,
            pltpu.SemaphoreType.DMA,
            pltpu.SemaphoreType.DMA,
            pltpu.SemaphoreType.DMA,
            pltpu.SemaphoreType.DMA,
            pltpu.SemaphoreType.DMA,
            pltpu.SemaphoreType.DMA,
            pltpu.SemaphoreType.DMA,
            pltpu.SemaphoreType.DMA,
            pltpu.SemaphoreType.DMA,
            pltpu.SemaphoreType.DMA,
        ],
    )
    def k(ego_hbm, src_hbm, dst_hbm, w_hbm, out_hbm,
          src_v, dst_v, w_v, rows_v, acc_sh,
          sg0, sg1, sg2, sg3, ss0, ss1, ss2, ss3, st0, st1, st2):
        sem_g = [sg0, sg1, sg2, sg3]
        sem_s = [ss0, ss1, ss2, ss3]
        sem_t = [st0, st1, st2]
        cid = lax.axis_index("c")
        sid = lax.axis_index("s")
        wid = cid * NS + sid

        def start_gather(sb, c, rb):
            pltpu.async_copy(
                ego_hbm.at[src_v.at[sb * N_SUB + c]],
                rows_v.at[rb], sem_g[rb])

        def wait_gather(rb):
            pltpu.make_async_copy(
                ego_hbm.at[src_v.at[0]],
                rows_v.at[rb], sem_g[rb]).wait()

        def start_scatter(sb, c, rb):
            pltpu.async_copy(rows_v.at[rb],
                             acc_sh.at[dst_v.at[sb * N_SUB + c]],
                             sem_s[rb], add=True)

        def wait_scatter(rb):
            pltpu.make_async_copy(rows_v.at[rb], acc_sh.at[dst_v.at[0]],
                                  sem_s[rb]).wait()

        def start_stage(s1, tb):
            sl = pl.ds(tb * N_SUB, N_SUB)
            pltpu.async_copy(src_hbm.at[wid, s1], src_v.at[sl], sem_t[tb])
            pltpu.async_copy(dst_hbm.at[wid, s1], dst_v.at[sl], sem_t[tb])
            pltpu.async_copy(w_hbm.at[wid, s1], w_v.at[sl], sem_t[tb])

        def wait_stage(tb):
            sl = pl.ds(tb * N_SUB, N_SUB)
            pltpu.make_async_copy(src_hbm.at[wid, 0], src_v.at[sl],
                                  sem_t[tb]).wait()
            pltpu.make_async_copy(dst_hbm.at[wid, 0], dst_v.at[sl],
                                  sem_t[tb]).wait()
            pltpu.make_async_copy(w_hbm.at[wid, 0], w_v.at[sl],
                                  sem_t[tb]).wait()

        def scale(sb, c, rb):
            def grp_body(g, _):
                wv = w_v[sb * N_SUB + c, pl.ds(g * L, L)]

                @plsc.parallel_loop(0, L, 1, unroll=4)
                def _edge(j):
                    wj = _bcast_lane(wv, j)
                    e = g * L + j
                    for fb in range(D // L):
                        x = rows_v[rb, e, pl.ds(fb * L, L)]
                        rows_v[rb, e, pl.ds(fb * L, L)] = x * wj
                return 0
            lax.fori_loop(0, SUB // L, grp_body, 0)

        pltpu.sync_copy(src_hbm.at[wid, 0], src_v.at[pl.ds(0, N_SUB)])
        pltpu.sync_copy(dst_hbm.at[wid, 0], dst_v.at[pl.ds(0, N_SUB)])
        pltpu.sync_copy(w_hbm.at[wid, 0], w_v.at[pl.ds(0, N_SUB)])
        start_gather(0, 0, 0)
        start_gather(0, 1, 1)
        start_stage(1, 1)

        def zero_body(i, _):
            r = i // (D // L)
            c = (i % (D // L)) * L
            rows_v[3, r, pl.ds(c, L)] = jnp.zeros((L,), jnp.float32)
            return 0
        lax.fori_loop(0, SUB * (D // L), zero_body, 0)
        r_base = sid * ROWS_PER_TILE
        for t in range(ROWS_PER_TILE // SUB):
            pltpu.sync_copy(rows_v.at[3],
                            acc_sh.at[pl.ds(r_base + t * SUB, SUB)])
        pltpu.sync_copy(
            rows_v.at[3, pl.ds(0, ROWS_PER_TILE % SUB)],
            acc_sh.at[pl.ds(r_base + (ROWS_PER_TILE // SUB) * SUB,
                            ROWS_PER_TILE % SUB)])
        plsc.subcore_barrier()
        pltpu.async_copy(rows_v.at[3], acc_sh.at[dst_v.at[0]],
                         sem_s[2], add=True)
        pltpu.async_copy(rows_v.at[3], acc_sh.at[dst_v.at[0]],
                         sem_s[3], add=True)

        def seg_body(s, _):
            sb = s % NSTG
            sbn = (s + 1) % NSTG

            def chunk(c, rb, cross):
                wait_gather(rb)
                wait_scatter((rb + 2) % 4)
                if cross is None:
                    start_gather(sb, c + 2, (rb + 2) % 4)
                elif cross >= 0:
                    @pl.when(s < N_SEG - 1)
                    def _x():
                        start_gather(sbn, jnp.int32(cross), (rb + 2) % 4)
                scale(sb, c, rb)
                start_scatter(sb, c, rb)

            def quad(jj, _):
                c0 = 4 * jj
                for i in range(4):
                    chunk(c0 + i, i, None)
                return 0
            lax.fori_loop(0, N_SUB // 4 - 1, quad, 0)

            @pl.when(s < N_SEG - 2)
            def _stage_next():
                for tb in range(NSTG):
                    @pl.when((s + 2) % NSTG == tb)
                    def _st():
                        start_stage(s + 2, tb)

            chunk(jnp.int32(N_SUB - 4), 0, None)
            chunk(jnp.int32(N_SUB - 3), 1, None)

            @pl.when(s < N_SEG - 1)
            def _wait_next_stage():
                for tb in range(NSTG):
                    @pl.when(sbn == tb)
                    def _wt():
                        wait_stage(tb)

            chunk(jnp.int32(N_SUB - 2), 2, 0)
            chunk(jnp.int32(N_SUB - 1), 3, 1)
            return 0
        lax.fori_loop(0, N_SEG, seg_body, 0)

        wait_scatter(2)
        wait_scatter(3)
        plsc.subcore_barrier()

        @pl.when(sid < NS - 1)
        def _dump_main():
            r0 = sid * DUMP_ROWS
            pltpu.sync_copy(acc_sh.at[pl.ds(r0, DUMP_ROWS)],
                            out_hbm.at[cid, pl.ds(r0, DUMP_ROWS)])

        @pl.when(sid == NS - 1)
        def _dump_last():
            r0 = (NS - 1) * DUMP_ROWS
            pltpu.sync_copy(acc_sh.at[pl.ds(r0, DUMP_LAST)],
                            out_hbm.at[cid, pl.ds(r0, DUMP_LAST)])

    return k(ego, src, dst3, w)


def _norm_kernel(p_ref, o_ref):
    h = p_ref[0] + p_ref[1]
    n2 = jnp.sum(h * h, axis=1, keepdims=True)
    n = jnp.sqrt(n2)
    o_ref[...] = h / jnp.maximum(n, 1e-12)


def _combine_normalize(partials):
    return pl.pallas_call(
        _norm_kernel,
        out_shape=jax.ShapeDtypeStruct((N_NODES, D), jnp.float32),
    )(partials)


@jax.jit
def kernel(ego_embedding, edge_index, edge_weight):
    pad_i = jnp.arange(E_PAD, dtype=jnp.int32) % N_NODES
    src = jnp.concatenate(
        [edge_index[0].astype(jnp.int32), pad_i]).reshape(
            NW, N_SEG, N_SUB, SUB)
    dst = jnp.concatenate(
        [edge_index[1].astype(jnp.int32), pad_i]).reshape(
            NW, N_SEG, N_SUB, SUB)
    w = jnp.concatenate(
        [edge_weight, jnp.zeros((E_PAD,), jnp.float32)]).reshape(
            NW, N_SEG, N_SUB, SUB)
    partials = _sc_aggregate(ego_embedding, src, dst, w)
    return _combine_normalize(partials)

# --- scband reference (transcript-rebuilt; emitter-appended) ---
"""Pipeline reference for scband-light-gcnconv-61675730371171 (READ-ONLY COPY).

The authoritative reference and input builder live on the scoring server;
editing this copy changes nothing except your own understanding.
"""

import jax, jax.numpy as jnp
import numpy as np


def setup_inputs(seed: int = 0) -> dict:
    key = jax.random.key(seed)
    k1, k2, k3 = jax.random.split(key, 3)
    n_nodes = 10000
    n_edges = 320000
    d_feat = 128
    ego_embedding = jax.random.normal(k1, (n_nodes, d_feat), dtype=jnp.float32)
    edge_index = jax.random.randint(k2, (2, n_edges), 0, n_nodes, dtype=jnp.int64)
    edge_weight = jax.random.uniform(k3, (n_edges,), dtype=jnp.float32)
    return {"ego_embedding": ego_embedding, "edge_index": edge_index, "edge_weight": edge_weight}


def reference(ego_embedding, edge_index, edge_weight):
    # DGL update_all(fn.u_mul_e('h','edge_weight','m'), fn.sum('m','h'))
    src = edge_index[0]
    dst = edge_index[1]
    # gather source node features (memory-bound gather)
    m = jnp.take(ego_embedding, src, axis=0) * edge_weight[:, None]
    # scatter-add messages to destination nodes
    h = jax.ops.segment_sum(m, dst, num_segments=ego_embedding.shape[0])
    # F.normalize(h, dim=1, p=2) with eps=1e-12
    norm = jnp.linalg.norm(h, ord=2, axis=1, keepdims=True)
    h = h / jnp.maximum(norm, 1e-12)
    return h

if __name__ == "__main__":
    import jax
    _d = setup_inputs()
    print(jax.jit(kernel)(*tuple(_d.values())))

</pallas_src>

<mosaic_0001>
#map = affine_map<(d0, d1) -> (0, 0)>
#map1 = affine_map<(d0, d1) -> (0, 0, 0, 0)>
#map2 = affine_map<(d0, d1) -> (0, 0, 0)>
module attributes {stable_mosaic.version = 14 : i64} {
  func.func @k(%arg0: i32, %arg1: i32, %arg2: memref<10000x128xf32, #tpu.memory_space<hbm>>, %arg3: memref<32x20x8x64xi32, #tpu.memory_space<hbm>>, %arg4: memref<32x20x8x64xi32, #tpu.memory_space<hbm>>, %arg5: memref<32x20x8x64xf32, #tpu.memory_space<hbm>>, %arg6: memref<2x10000x128xf32, #tpu.memory_space<hbm>>, %arg7: memref<24x64xi32, #tpu.memory_space<vmem>>, %arg8: memref<24x64xi32, #tpu.memory_space<vmem>>, %arg9: memref<24x64xf32, #tpu.memory_space<vmem>>, %arg10: memref<4x64x128xf32, #tpu.memory_space<vmem>>, %arg11: memref<10000x128xf32, #tpu.memory_space<vmem_shared>>, %arg12: memref<!tpu.dma_semaphore, #tpu.memory_space<semaphore_mem>>, %arg13: memref<!tpu.dma_semaphore, #tpu.memory_space<semaphore_mem>>, %arg14: memref<!tpu.dma_semaphore, #tpu.memory_space<semaphore_mem>>, %arg15: memref<!tpu.dma_semaphore, #tpu.memory_space<semaphore_mem>>, %arg16: memref<!tpu.dma_semaphore, #tpu.memory_space<semaphore_mem>>, %arg17: memref<!tpu.dma_semaphore, #tpu.memory_space<semaphore_mem>>, %arg18: memref<!tpu.dma_semaphore, #tpu.memory_space<semaphore_mem>>, %arg19: memref<!tpu.dma_semaphore, #tpu.memory_space<semaphore_mem>>, %arg20: memref<!tpu.dma_semaphore, #tpu.memory_space<semaphore_mem>>, %arg21: memref<!tpu.dma_semaphore, #tpu.memory_space<semaphore_mem>>, %arg22: memref<!tpu.dma_semaphore, #tpu.memory_space<semaphore_mem>>) attributes {dimension_semantics = [#tpu.dimension_semantics<core_parallel>, #tpu.dimension_semantics<subcore_parallel>], iteration_bounds = array<i64: 2, 16>, scalar_prefetch = 0 : i64, scratch_operands = 16 : i64, tpu.core_type = #tpu.core_type<sc_vector_subcore>, window_params = [{transform_indices = #map}, {transform_indices = #map1}, {transform_indices = #map1}, {transform_indices = #map1}, {transform_indices = #map2}]} {
    %mul3A = arith.constant 16 : i32
    %mul3A_0 = arith.muli %arg0, %mul3A : i32
    %add3A = arith.addi %mul3A_0, %arg1 : i32
    %run_scoped3A = arith.constant 0 : i32
    "tpu.region"() ({
      %run_scoped3A_170 = tpu.sem_alloc : memref<!tpu.dma_semaphore, #tpu.memory_space<semaphore_mem>>
      %dma_start3A_171 = arith.constant 0 : i32
      %dma_start3A_172 = arith.constant 0 : i32
      %dma_start3A_173 = tpu.memref_slice %arg7[%dma_start3A_171, %dma_start3A_172] : memref<24x64xi32, #tpu.memory_space<vmem>> -> memref<8x64xi32, #tpu.memory_space<vmem>>
      %dma_start3A_174 = arith.constant 0 : i32
      %dma_start3A_175 = arith.constant 0 : i32
      %dma_start3A_176 = tpu.memref_slice %arg3[%add3A, %run_scoped3A, %dma_start3A_174, %dma_start3A_175] : memref<32x20x8x64xi32, #tpu.memory_space<hbm>> -> memref<1x1x8x64xi32, #tpu.memory_space<hbm>>
      %dma_start3A_177 = tpu.memref_squeeze %dma_start3A_176 : memref<1x1x8x64xi32, #tpu.memory_space<hbm>> -> memref<8x64xi32, #tpu.memory_space<hbm>>
      %dma_start3A_178 = arith.constant 0 : i32
      %dma_start3A_179 = arith.constant 0 : i32
      %dma_start3A_180 = tpu.memref_slice %arg7[%dma_start3A_178, %dma_start3A_179] : memref<24x64xi32, #tpu.memory_space<vmem>> -> memref<8x64xi32, #tpu.memory_space<vmem>>
      %dma_start3A_181 = arith.constant 0 : i32
      %dma_start3A_182 = arith.constant 0 : i32
      %dma_start3A_183 = tpu.memref_slice %arg3[%add3A, %run_scoped3A, %dma_start3A_181, %dma_start3A_182] : memref<32x20x8x64xi32, #tpu.memory_space<hbm>> -> memref<1x1x8x64xi32, #tpu.memory_space<hbm>>
      %dma_start3A_184 = tpu.memref_squeeze %dma_start3A_183 : memref<1x1x8x64xi32, #tpu.memory_space<hbm>> -> memref<8x64xi32, #tpu.memory_space<hbm>>
      tpu.enqueue_dma source(%dma_start3A_184 : memref<8x64xi32, #tpu.memory_space<hbm>>) target(%dma_start3A_180 : memref<8x64xi32, #tpu.memory_space<vmem>>) target_semaphore(%run_scoped3A_170 : memref<!tpu.dma_semaphore, #tpu.memory_space<semaphore_mem>>)
      %dma_wait3A_185 = arith.constant 0 : i32
      %dma_wait3A_186 = arith.constant 0 : i32
      %dma_wait3A_187 = tpu.memref_slice %arg7[%dma_wait3A_185, %dma_wait3A_186] : memref<24x64xi32, #tpu.memory_space<vmem>> -> memref<8x64xi32, #tpu.memory_space<vmem>>
      %dma_wait3A_188 = arith.constant 0 : i32
      %dma_wait3A_189 = arith.constant 0 : i32
      %dma_wait3A_190 = tpu.memref_slice %arg3[%add3A, %run_scoped3A, %dma_wait3A_188, %dma_wait3A_189] : memref<32x20x8x64xi32, #tpu.memory_space<hbm>> -> memref<1x1x8x64xi32, #tpu.memory_space<hbm>>
      %dma_wait3A_191 = tpu.memref_squeeze %dma_wait3A_190 : memref<1x1x8x64xi32, #tpu.memory_space<hbm>> -> memref<8x64xi32, #tpu.memory_space<hbm>>
      %dma_wait3A_192 = arith.constant 0 : i32
      %dma_wait3A_193 = arith.constant 0 : i32
      %dma_wait3A_194 = tpu.memref_slice %arg7[%dma_wait3A_192, %dma_wait3A_193] : memref<24x64xi32, #tpu.memory_space<vmem>> -> memref<8x64xi32, #tpu.memory_space<vmem>>
      %dma_wait3A_195 = arith.constant 0 : i32
      %dma_wait3A_196 = arith.constant 0 : i32
      %dma_wait3A_197 = tpu.memref_slice %arg3[%add3A, %run_scoped3A, %dma_wait3A_195, %dma_wait3A_196] : memref<32x20x8x64xi32, #tpu.memory_space<hbm>> -> memref<1x1x8x64xi32, #tpu.memory_space<hbm>>
      %dma_wait3A_198 = tpu.memref_squeeze %dma_wait3A_197 : memref<1x1x8x64xi32, #tpu.memory_space<hbm>> -> memref<8x64xi32, #tpu.memory_space<hbm>>
      tpu.wait_dma2 semaphore(%run_scoped3A_170 : memref<!tpu.dma_semaphore, #tpu.memory_space<semaphore_mem>>) src(%dma_wait3A_198 : memref<8x64xi32, #tpu.memory_space<hbm>>) dst(%dma_wait3A_194 : memref<8x64xi32, #tpu.memory_space<vmem>>)
      tpu.yield
    }) : () -> ()
    %run_scoped3A_1 = arith.constant 0 : i32
    "tpu.region"() ({
      %run_scoped3A_170 = tpu.sem_alloc : memref<!tpu.dma_semaphore, #tpu.memory_space<semaphore_mem>>
      %dma_start3A_171 = arith.constant 0 : i32
      %dma_start3A_172 = arith.constant 0 : i32
      %dma_start3A_173 = tpu.memref_slice %arg8[%dma_start3A_171, %dma_start3A_172] : memref<24x64xi32, #tpu.memory_space<vmem>> -> memref<8x64xi32, #tpu.memory_space<vmem>>
      %dma_start3A_174 = arith.constant 0 : i32
      %dma_start3A_175 = arith.constant 0 : i32
      %dma_start3A_176 = tpu.memref_slice %arg4[%add3A, %run_scoped3A_1, %dma_start3A_174, %dma_start3A_175] : memref<32x20x8x64xi32, #tpu.memory_space<hbm>> -> memref<1x1x8x64xi32, #tpu.memory_space<hbm>>
      %dma_start3A_177 = tpu.memref_squeeze %dma_start3A_176 : memref<1x1x8x64xi32, #tpu.memory_space<hbm>> -> memref<8x64xi32, #tpu.memory_space<hbm>>
      %dma_start3A_178 = arith.constant 0 : i32
      %dma_start3A_179 = arith.constant 0 : i32
      %dma_start3A_180 = tpu.memref_slice %arg8[%dma_start3A_178, %dma_start3A_179] : memref<24x64xi32, #tpu.memory_space<vmem>> -> memref<8x64xi32, #tpu.memory_space<vmem>>
      %dma_start3A_181 = arith.constant 0 : i32
      %dma_start3A_182 = arith.constant 0 : i32
      %dma_start3A_183 = tpu.memref_slice %arg4[%add3A, %run_scoped3A_1, %dma_start3A_181, %dma_start3A_182] : memref<32x20x8x64xi32, #tpu.memory_space<hbm>> -> memref<1x1x8x64xi32, #tpu.memory_space<hbm>>
      %dma_start3A_184 = tpu.memref_squeeze %dma_start3A_183 : memref<1x1x8x64xi32, #tpu.memory_space<hbm>> -> memref<8x64xi32, #tpu.memory_space<hbm>>
      tpu.enqueue_dma source(%dma_start3A_184 : memref<8x64xi32, #tpu.memory_space<hbm>>) target(%dma_start3A_180 : memref<8x64xi32, #tpu.memory_space<vmem>>) target_semaphore(%run_scoped3A_170 : memref<!tpu.dma_semaphore, #tpu.memory_space<semaphore_mem>>)
      %dma_wait3A_185 = arith.constant 0 : i32
      %dma_wait3A_186 = arith.constant 0 : i32
      %dma_wait3A_187 = tpu.memref_slice %arg8[%dma_wait3A_185, %dma_wait3A_186] : memref<24x64xi32, #tpu.memory_space<vmem>> -> memref<8x64xi32, #tpu.memory_space<vmem>>
      %dma_wait3A_188 = arith.constant 0 : i32
      %dma_wait3A_189 = arith.constant 0 : i32
      %dma_wait3A_190 = tpu.memref_slice %arg4[%add3A, %run_scoped3A_1, %dma_wait3A_188, %dma_wait3A_189] : memref<32x20x8x64xi32, #tpu.memory_space<hbm>> -> memref<1x1x8x64xi32, #tpu.memory_space<hbm>>
      %dma_wait3A_191 = tpu.memref_squeeze %dma_wait3A_190 : memref<1x1x8x64xi32, #tpu.memory_space<hbm>> -> memref<8x64xi32, #tpu.memory_space<hbm>>
      %dma_wait3A_192 = arith.constant 0 : i32
      %dma_wait3A_193 = arith.constant 0 : i32
      %dma_wait3A_194 = tpu.memref_slice %arg8[%dma_wait3A_192, %dma_wait3A_193] : memref<24x64xi32, #tpu.memory_space<vmem>> -> memref<8x64xi32, #tpu.memory_space<vmem>>
      %dma_wait3A_195 = arith.constant 0 : i32
      %dma_wait3A_196 = arith.constant 0 : i32
      %dma_wait3A_197 = tpu.memref_slice %arg4[%add3A, %run_scoped3A_1, %dma_wait3A_195, %dma_wait3A_196] : memref<32x20x8x64xi32, #tpu.memory_space<hbm>> -> memref<1x1x8x64xi32, #tpu.memory_space<hbm>>
      %dma_wait3A_198 = tpu.memref_squeeze %dma_wait3A_197 : memref<1x1x8x64xi32, #tpu.memory_space<hbm>> -> memref<8x64xi32, #tpu.memory_space<hbm>>
      tpu.wait_dma2 semaphore(%run_scoped3A_170 : memref<!tpu.dma_semaphore, #tpu.memory_space<semaphore_mem>>) src(%dma_wait3A_198 : memref<8x64xi32, #tpu.memory_space<hbm>>) dst(%dma_wait3A_194 : memref<8x64xi32, #tpu.memory_space<vmem>>)
      tpu.yield
    }) : () -> ()
    %run_scoped3A_2 = arith.constant 0 : i32
    "tpu.region"() ({
      %run_scoped3A_170 = tpu.sem_alloc : memref<!tpu.dma_semaphore, #tpu.memory_space<semaphore_mem>>
      %dma_start3A_171 = arith.constant 0 : i32
      %dma_start3A_172 = arith.constant 0 : i32
      %dma_start3A_173 = tpu.memref_slice %arg9[%dma_start3A_171, %dma_start3A_172] : memref<24x64xf32, #tpu.memory_space<vmem>> -> memref<8x64xf32, #tpu.memory_space<vmem>>
      %dma_start3A_174 = arith.constant 0 : i32
      %dma_start3A_175 = arith.constant 0 : i32
      %dma_start3A_176 = tpu.memref_slice %arg5[%add3A, %run_scoped3A_2, %dma_start3A_174, %dma_start3A_175] : memref<32x20x8x64xf32, #tpu.memory_space<hbm>> -> memref<1x1x8x64xf32, #tpu.memory_space<hbm>>
      %dma_start3A_177 = tpu.memref_squeeze %dma_start3A_176 : memref<1x1x8x64xf32, #tpu.memory_space<hbm>> -> memref<8x64xf32, #tpu.memory_space<hbm>>
      %dma_start3A_178 = arith.constant 0 : i32
      %dma_start3A_179 = arith.constant 0 : i32
      %dma_start3A_180 = tpu.memref_slice %arg9[%dma_start3A_178, %dma_start3A_179] : memref<24x64xf32, #tpu.memory_space<vmem>> -> memref<8x64xf32, #tpu.memory_space<vmem>>
      %dma_start3A_181 = arith.constant 0 : i32
      %dma_start3A_182 = arith.constant 0 : i32
      %dma_start3A_183 = tpu.memref_slice %arg5[%add3A, %run_scoped3A_2, %dma_start3A_181, %dma_start3A_182] : memref<32x20x8x64xf32, #tpu.memory_space<hbm>> -> memref<1x1x8x64xf32, #tpu.memory_space<hbm>>
      %dma_start3A_184 = tpu.memref_squeeze %dma_start3A_183 : memref<1x1x8x64xf32, #tpu.memory_space<hbm>> -> memref<8x64xf32, #tpu.memory_space<hbm>>
      tpu.enqueue_dma source(%dma_start3A_184 : memref<8x64xf32, #tpu.memory_space<hbm>>) target(%dma_start3A_180 : memref<8x64xf32, #tpu.memory_space<vmem>>) target_semaphore(%run_scoped3A_170 : memref<!tpu.dma_semaphore, #tpu.memory_space<semaphore_mem>>)
      %dma_wait3A_185 = arith.constant 0 : i32
      %dma_wait3A_186 = arith.constant 0 : i32
      %dma_wait3A_187 = tpu.memref_slice %arg9[%dma_wait3A_185, %dma_wait3A_186] : memref<24x64xf32, #tpu.memory_space<vmem>> -> memref<8x64xf32, #tpu.memory_space<vmem>>
      %dma_wait3A_188 = arith.constant 0 : i32
      %dma_wait3A_189 = arith.constant 0 : i32
      %dma_wait3A_190 = tpu.memref_slice %arg5[%add3A, %run_scoped3A_2, %dma_wait3A_188, %dma_wait3A_189] : memref<32x20x8x64xf32, #tpu.memory_space<hbm>> -> memref<1x1x8x64xf32, #tpu.memory_space<hbm>>
      %dma_wait3A_191 = tpu.memref_squeeze %dma_wait3A_190 : memref<1x1x8x64xf32, #tpu.memory_space<hbm>> -> memref<8x64xf32, #tpu.memory_space<hbm>>
      %dma_wait3A_192 = arith.constant 0 : i32
      %dma_wait3A_193 = arith.constant 0 : i32
      %dma_wait3A_194 = tpu.memref_slice %arg9[%dma_wait3A_192, %dma_wait3A_193] : memref<24x64xf32, #tpu.memory_space<vmem>> -> memref<8x64xf32, #tpu.memory_space<vmem>>
      %dma_wait3A_195 = arith.constant 0 : i32
      %dma_wait3A_196 = arith.constant 0 : i32
      %dma_wait3A_197 = tpu.memref_slice %arg5[%add3A, %run_scoped3A_2, %dma_wait3A_195, %dma_wait3A_196] : memref<32x20x8x64xf32, #tpu.memory_space<hbm>> -> memref<1x1x8x64xf32, #tpu.memory_space<hbm>>
      %dma_wait3A_198 = tpu.memref_squeeze %dma_wait3A_197 : memref<1x1x8x64xf32, #tpu.memory_space<hbm>> -> memref<8x64xf32, #tpu.memory_space<hbm>>
      tpu.wait_dma2 semaphore(%run_scoped3A_170 : memref<!tpu.dma_semaphore, #tpu.memory_space<semaphore_mem>>) src(%dma_wait3A_198 : memref<8x64xf32, #tpu.memory_space<hbm>>) dst(%dma_wait3A_194 : memref<8x64xf32, #tpu.memory_space<vmem>>)
      tpu.yield
    }) : () -> ()
    %dma_start3A = arith.constant 0 : i32
    %dma_start3A_3 = arith.constant 0 : i32
    %dma_start3A_4 = arith.constant 0 : i32
    %dma_start3A_5 = arith.constant 0 : i32
    %dma_start3A_6 = tpu.memref_slice %arg10[%dma_start3A_3, %dma_start3A_4, %dma_start3A_5] : memref<4x64x128xf32, #tpu.memory_space<vmem>> -> memref<1x64x128xf32, #tpu.memory_space<vmem>>
    %dma_start3A_7 = tpu.memref_squeeze %dma_start3A_6 : memref<1x64x128xf32, #tpu.memory_space<vmem>> -> memref<64x128xf32, #tpu.memory_space<vmem>>
    %dma_start3A_8 = arith.constant 0 : i32
    %dma_start3A_9 = tpu.memref_slice %arg7[%dma_start3A, %dma_start3A_8] : memref<24x64xi32, #tpu.memory_space<vmem>> -> memref<1x64xi32, #tpu.memory_space<vmem>>
    %dma_start3A_10 = tpu.memref_squeeze %dma_start3A_9 : memref<1x64xi32, #tpu.memory_space<vmem>> -> memref<64xi32, #tpu.memory_space<vmem>>
    %dma_start3A_11 = arith.constant 0 : i32
    %dma_start3A_12 = arith.constant 0 : i32
    %dma_start3A_13 = tpu.memref_slice %arg2[%dma_start3A_11, %dma_start3A_12] : memref<10000x128xf32, #tpu.memory_space<hbm>> -> memref<10000x128xf32, #tpu.memory_space<hbm>>
    tpu.enqueue_indirect_dma source(%dma_start3A_13 : memref<10000x128xf32, #tpu.memory_space<hbm>>) target(%dma_start3A_7 : memref<64x128xf32, #tpu.memory_space<vmem>>) offsets(%dma_start3A_10 : memref<64xi32, #tpu.memory_space<vmem>>) semaphore(%arg12 : memref<!tpu.dma_semaphore, #tpu.memory_space<semaphore_mem>>)
    %dma_start3A_14 = arith.constant 1 : i32
    %dma_start3A_15 = arith.constant 1 : i32
    %dma_start3A_16 = arith.constant 0 : i32
    %dma_start3A_17 = arith.constant 0 : i32
    %dma_start3A_18 = tpu.memref_slice %arg10[%dma_start3A_15, %dma_start3A_16, %dma_start3A_17] : memref<4x64x128xf32, #tpu.memory_space<vmem>> -> memref<1x64x128xf32, #tpu.memory_space<vmem>>
    %dma_start3A_19 = tpu.memref_squeeze %dma_start3A_18 : memref<1x64x128xf32, #tpu.memory_space<vmem>> -> memref<64x128xf32, #tpu.memory_space<vmem>>
    %dma_start3A_20 = arith.constant 0 : i32
    %dma_start3A_21 = tpu.memref_slice %arg7[%dma_start3A_14, %dma_start3A_20] : memref<24x64xi32, #tpu.memory_space<vmem>> -> memref<1x64xi32, #tpu.memory_space<vmem>>
    %dma_start3A_22 = tpu.memref_squeeze %dma_start3A_21 : memref<1x64xi32, #tpu.memory_space<vmem>> -> memref<64xi32, #tpu.memory_space<vmem>>
    %dma_start3A_23 = arith.constant 0 : i32
    %dma_start3A_24 = arith.constant 0 : i32
    %dma_start3A_25 = tpu.memref_slice %arg2[%dma_start3A_23, %dma_start3A_24] : memref<10000x128xf32, #tpu.memory_space<hbm>> -> memref<10000x128xf32, #tpu.memory_space<hbm>>
    tpu.enqueue_indirect_dma source(%dma_start3A_25 : memref<10000x128xf32, #tpu.memory_space<hbm>>) target(%dma_start3A_19 : memref<64x128xf32, #tpu.memory_space<vmem>>) offsets(%dma_start3A_22 : memref<64xi32, #tpu.memory_space<vmem>>) semaphore(%arg13 : memref<!tpu.dma_semaphore, #tpu.memory_space<semaphore_mem>>)
    %dma_start3A_26 = arith.constant 1 : i32
    %dma_start3A_27 = arith.constant 8 : i32
    %dma_start3A_28 = arith.constant 0 : i32
    %dma_start3A_29 = tpu.memref_slice %arg7[%dma_start3A_27, %dma_start3A_28] : memref<24x64xi32, #tpu.memory_space<vmem>> -> memref<8x64xi32, #tpu.memory_space<vmem>>
    %dma_start3A_30 = arith.constant 0 : i32
    %dma_start3A_31 = arith.constant 0 : i32
    %dma_start3A_32 = tpu.memref_slice %arg3[%add3A, %dma_start3A_26, %dma_start3A_30, %dma_start3A_31] : memref<32x20x8x64xi32, #tpu.memory_space<hbm>> -> memref<1x1x8x64xi32, #tpu.memory_space<hbm>>
    %dma_start3A_33 = tpu.memref_squeeze %dma_start3A_32 : memref<1x1x8x64xi32, #tpu.memory_space<hbm>> -> memref<8x64xi32, #tpu.memory_space<hbm>>
    %dma_start3A_34 = arith.constant 8 : i32
    %dma_start3A_35 = arith.constant 0 : i32
    %dma_start3A_36 = tpu.memref_slice %arg7[%dma_start3A_34, %dma_start3A_35] : memref<24x64xi32, #tpu.memory_space<vmem>> -> memref<8x64xi32, #tpu.memory_space<vmem>>
    %dma_start3A_37 = arith.constant 0 : i32
    %dma_start3A_38 = arith.constant 0 : i32
    %dma_start3A_39 = tpu.memref_slice %arg3[%add3A, %dma_start3A_26, %dma_start3A_37, %dma_start3A_38] : memref<32x20x8x64xi32, #tpu.memory_space<hbm>> -> memref<1x1x8x64xi32, #tpu.memory_space<hbm>>
    %dma_start3A_40 = tpu.memref_squeeze %dma_start3A_39 : memref<1x1x8x64xi32, #tpu.memory_space<hbm>> -> memref<8x64xi32, #tpu.memory_space<hbm>>
    tpu.enqueue_dma source(%dma_start3A_40 : memref<8x64xi32, #tpu.memory_space<hbm>>) target(%dma_start3A_36 : memref<8x64xi32, #tpu.memory_space<vmem>>) target_semaphore(%arg21 : memref<!tpu.dma_semaphore, #tpu.memory_space<semaphore_mem>>)
    %dma_start3A_41 = arith.constant 1 : i32
    %dma_start3A_42 = arith.constant 8 : i32
    %dma_start3A_43 = arith.constant 0 : i32
    %dma_start3A_44 = tpu.memref_slice %arg8[%dma_start3A_42, %dma_start3A_43] : memref<24x64xi32, #tpu.memory_space<vmem>> -> memref<8x64xi32, #tpu.memory_space<vmem>>
    %dma_start3A_45 = arith.constant 0 : i32
    %dma_start3A_46 = arith.constant 0 : i32
    %dma_start3A_47 = tpu.memref_slice %arg4[%add3A, %dma_start3A_41, %dma_start3A_45, %dma_start3A_46] : memref<32x20x8x64xi32, #tpu.memory_space<hbm>> -> memref<1x1x8x64xi32, #tpu.memory_space<hbm>>
    %dma_start3A_48 = tpu.memref_squeeze %dma_start3A_47 : memref<1x1x8x64xi32, #tpu.memory_space<hbm>> -> memref<8x64xi32, #tpu.memory_space<hbm>>
    %dma_start3A_49 = arith.constant 8 : i32
    %dma_start3A_50 = arith.constant 0 : i32
    %dma_start3A_51 = tpu.memref_slice %arg8[%dma_start3A_49, %dma_start3A_50] : memref<24x64xi32, #tpu.memory_space<vmem>> -> memref<8x64xi32, #tpu.memory_space<vmem>>
    %dma_start3A_52 = arith.constant 0 : i32
    %dma_start3A_53 = arith.constant 0 : i32
    %dma_start3A_54 = tpu.memref_slice %arg4[%add3A, %dma_start3A_41, %dma_start3A_52, %dma_start3A_53] : memref<32x20x8x64xi32, #tpu.memory_space<hbm>> -> memref<1x1x8x64xi32, #tpu.memory_space<hbm>>
    %dma_start3A_55 = tpu.memref_squeeze %dma_start3A_54 : memref<1x1x8x64xi32, #tpu.memory_space<hbm>> -> memref<8x64xi32, #tpu.memory_space<hbm>>
    tpu.enqueue_dma source(%dma_start3A_55 : memref<8x64xi32, #tpu.memory_space<hbm>>) target(%dma_start3A_51 : memref<8x64xi32, #tpu.memory_space<vmem>>) target_semaphore(%arg21 : memref<!tpu.dma_semaphore, #tpu.memory_space<semaphore_mem>>)
    %dma_start3A_56 = arith.constant 1 : i32
    %dma_start3A_57 = arith.constant 8 : i32
    %dma_start3A_58 = arith.constant 0 : i32
    %dma_start3A_59 = tpu.memref_slice %arg9[%dma_start3A_57, %dma_start3A_58] : memref<24x64xf32, #tpu.memory_space<vmem>> -> memref<8x64xf32, #tpu.memory_space<vmem>>
    %dma_start3A_60 = arith.constant 0 : i32
    %dma_start3A_61 = arith.constant 0 : i32
    %dma_start3A_62 = tpu.memref_slice %arg5[%add3A, %dma_start3A_56, %dma_start3A_60, %dma_start3A_61] : memref<32x20x8x64xf32, #tpu.memory_space<hbm>> -> memref<1x1x8x64xf32, #tpu.memory_space<hbm>>
    %dma_start3A_63 = tpu.memref_squeeze %dma_start3A_62 : memref<1x1x8x64xf32, #tpu.memory_space<hbm>> -> memref<8x64xf32, #tpu.memory_space<hbm>>
    %dma_start3A_64 = arith.constant 8 : i32
    %dma_start3A_65 = arith.constant 0 : i32
    %dma_start3A_66 = tpu.memref_slice %arg9[%dma_start3A_64, %dma_start3A_65] : memref<24x64xf32, #tpu.memory_space<vmem>> -> memref<8x64xf32, #tpu.memory_space<vmem>>
    %dma_start3A_67 = arith.constant 0 : i32
    %dma_start3A_68 = arith.constant 0 : i32
    %dma_start3A_69 = tpu.memref_slice %arg5[%add3A, %dma_start3A_56, %dma_start3A_67, %dma_start3A_68] : memref<32x20x8x64xf32, #tpu.memory_space<hbm>> -> memref<1x1x8x64xf32, #tpu.memory_space<hbm>>
    %dma_start3A_70 = tpu.memref_squeeze %dma_start3A_69 : memref<1x1x8x64xf32, #tpu.memory_space<hbm>> -> memref<8x64xf32, #tpu.memory_space<hbm>>
    tpu.enqueue_dma source(%dma_start3A_70 : memref<8x64xf32, #tpu.memory_space<hbm>>) target(%dma_start3A_66 : memref<8x64xf32, #tpu.memory_space<vmem>>) target_semaphore(%arg21 : memref<!tpu.dma_semaphore, #tpu.memory_space<semaphore_mem>>)
    %scan3A = arith.constant 0 : i32
    %scan3A_71 = arith.constant 0 : i32
    %scan3A_72 = arith.constant 512 : i32
    %scan3A_73 = arith.addi %scan3A_71, %scan3A_72 : i32
    %scan3A_74 = arith.constant 1 : i32
    %scan3A_75 = scf.for %scan3A_170 = %scan3A_71 to %scan3A_73 step %scan3A_74 iter_args(%scan3A_171 = %scan3A) -> (i32)  : i32 {
      %jit3A = arith.constant 8 : i32
      %div3A = arith.divsi %scan3A_170, %jit3A : i32
      %sign3A = arith.constant 0 : i32
      %sign3A_172 = arith.cmpi sgt, %scan3A_170, %sign3A : i32
      %sign3A_173 = arith.extui %sign3A_172 : i1 to i32
      %sign3A_174 = arith.constant 0 : i32
      %sign3A_175 = arith.cmpi slt, %scan3A_170, %sign3A_174 : i32
      %sign3A_176 = arith.extui %sign3A_175 : i1 to i32
      %sign3A_177 = arith.subi %sign3A_173, %sign3A_176 : i32
      %sign3A_178 = arith.constant 0 : i32
      %sign3A_179 = arith.cmpi sgt, %jit3A, %sign3A_178 : i32
      %sign3A_180 = arith.extui %sign3A_179 : i1 to i32
      %sign3A_181 = arith.constant 0 : i32
      %sign3A_182 = arith.cmpi slt, %jit3A, %sign3A_181 : i32
      %sign3A_183 = arith.extui %sign3A_182 : i1 to i32
      %sign3A_184 = arith.subi %sign3A_180, %sign3A_183 : i32
      %ne3A = arith.cmpi ne, %sign3A_177, %sign3A_184 : i32
      %rem3A = arith.remsi %scan3A_170, %jit3A : i32
      %ne3A_185 = arith.constant 0 : i32
      %ne3A_186 = arith.cmpi ne, %rem3A, %ne3A_185 : i32
      %and3A = arith.andi %ne3A, %ne3A_186 : i1
      %sub3A = arith.constant 1 : i32
      %sub3A_187 = arith.subi %div3A, %sub3A : i32
      %select_n3A = arith.select %and3A, %sub3A_187, %div3A : i32
      %jit3A_188 = arith.constant 8 : i32
      %eq3A_189 = arith.constant 0 : i32
      %eq3A_190 = arith.cmpi eq, %jit3A_188, %eq3A_189 : i32
      %jit3A_191 = arith.constant 1 : i32
      %select_n3A_192 = arith.select %eq3A_190, %jit3A_191, %jit3A_188 : i32
      %rem3A_193 = arith.remsi %scan3A_170, %select_n3A_192 : i32
      %ne3A_194 = arith.constant 0 : i32
      %ne3A_195 = arith.cmpi ne, %rem3A_193, %ne3A_194 : i32
      %lt3A_196 = arith.constant 0 : i32
      %lt3A_197 = arith.cmpi slt, %rem3A_193, %lt3A_196 : i32
      %lt3A_198 = arith.constant 0 : i32
      %lt3A_199 = arith.cmpi slt, %select_n3A_192, %lt3A_198 : i32
      %ne3A_200 = arith.xori %lt3A_197, %lt3A_199 : i1
      %and3A_201 = arith.andi %ne3A_200, %ne3A_195 : i1
      %add3A_202 = arith.addi %rem3A_193, %select_n3A_192 : i32
      %select_n3A_203 = arith.select %and3A_201, %add3A_202, %rem3A_193 : i32
      %mul3A_204 = arith.constant 16 : i32
      %mul3A_205 = arith.muli %select_n3A_203, %mul3A_204 : i32
      %broadcast_in_dim3A = arith.constant 0.000000e+00 : f32
      %broadcast_in_dim3A_206 = vector.broadcast %broadcast_in_dim3A : f32 to vector<16xf32>
      %swap3A = arith.constant 3 : i32
      %swap3A_207 = arith.index_cast %swap3A : i32 to index
      %swap3A_208 = arith.index_cast %select_n3A : i32 to index
      %swap3A_209 = arith.index_cast %mul3A_205 : i32 to index
      %swap3A_210 = tpu.vector_load %arg10[%swap3A_207, %swap3A_208, %swap3A_209] {strides = array<i32>} : memref<4x64x128xf32, #tpu.memory_space<vmem>>, vector<1x1x16xf32>,
      %swap3A_211 = vector.shape_cast %swap3A_210 : vector<1x1x16xf32> to vector<16xf32>
      %swap3A_212 = vector.shape_cast %broadcast_in_dim3A_206 : vector<16xf32> to vector<1x1x16xf32>
      tpu.vector_store %arg10[%swap3A_207, %swap3A_208, %swap3A_209], %swap3A_212 {strides = array<i32>} : memref<4x64x128xf32, #tpu.memory_space<vmem>>, vector<1x1x16xf32>,
      %scan3A_213 = arith.constant 0 : i32
      scf.yield %scan3A_213 : i32
    }
    %scan3A_76 = arith.constant 512 : i32
    %mul3A_77 = arith.constant 625 : i32
    %mul3A_78 = arith.muli %arg1, %mul3A_77 : i32
    %add3A_79 = arith.constant 0 : i32
    %add3A_80 = arith.addi %mul3A_78, %add3A_79 : i32
    %run_scoped3A_81 = arith.constant 3 : i32
    "tpu.region"() ({
      %run_scoped3A_170 = tpu.sem_alloc : memref<!tpu.dma_semaphore, #tpu.memory_space<semaphore_mem>>
      %dma_start3A_171 = arith.constant 0 : i32
      %dma_start3A_172 = arith.constant 0 : i32
      %dma_start3A_173 = tpu.memref_slice %arg10[%run_scoped3A_81, %dma_start3A_171, %dma_start3A_172] : memref<4x64x128xf32, #tpu.memory_space<vmem>> -> memref<1x64x128xf32, #tpu.memory_space<vmem>>
      %dma_start3A_174 = tpu.memref_squeeze %dma_start3A_173 : memref<1x64x128xf32, #tpu.memory_space<vmem>> -> memref<64x128xf32, #tpu.memory_space<vmem>>
      %dma_start3A_175 = arith.constant 0 : i32
      %dma_start3A_176 = tpu.memref_slice %arg11[%add3A_80, %dma_start3A_175] : memref<10000x128xf32, #tpu.memory_space<vmem_shared>> -> memref<64x128xf32, #tpu.memory_space<vmem_shared>>
      %dma_start3A_177 = arith.constant 0 : i32
      %dma_start3A_178 = tpu.memref_slice %arg11[%add3A_80, %dma_start3A_177] : memref<10000x128xf32, #tpu.memory_space<vmem_shared>> -> memref<64x128xf32, #tpu.memory_space<vmem_shared>>
      %dma_start3A_179 = arith.constant 0 : i32
      %dma_start3A_180 = arith.constant 0 : i32
      %dma_start3A_181 = tpu.memref_slice %arg10[%run_scoped3A_81, %dma_start3A_179, %dma_start3A_180] : memref<4x64x128xf32, #tpu.memory_space<vmem>> -> memref<1x64x128xf32, #tpu.memory_space<vmem>>
      %dma_start3A_182 = tpu.memref_squeeze %dma_start3A_181 : memref<1x64x128xf32, #tpu.memory_space<vmem>> -> memref<64x128xf32, #tpu.memory_space<vmem>>
      tpu.enqueue_dma source(%dma_start3A_182 : memref<64x128xf32, #tpu.memory_space<vmem>>) target(%dma_start3A_178 : memref<64x128xf32, #tpu.memory_space<vmem_shared>>) target_semaphore(%run_scoped3A_170 : memref<!tpu.dma_semaphore, #tpu.memory_space<semaphore_mem>>)
      %dma_wait3A_183 = arith.constant 0 : i32
      %dma_wait3A_184 = arith.constant 0 : i32
      %dma_wait3A_185 = tpu.memref_slice %arg10[%run_scoped3A_81, %dma_wait3A_183, %dma_wait3A_184] : memref<4x64x128xf32, #tpu.memory_space<vmem>> -> memref<1x64x128xf32, #tpu.memory_space<vmem>>
      %dma_wait3A_186 = tpu.memref_squeeze %dma_wait3A_185 : memref<1x64x128xf32, #tpu.memory_space<vmem>> -> memref<64x128xf32, #tpu.memory_space<vmem>>
      %dma_wait3A_187 = arith.constant 0 : i32
      %dma_wait3A_188 = tpu.memref_slice %arg11[%add3A_80, %dma_wait3A_187] : memref<10000x128xf32, #tpu.memory_space<vmem_shared>> -> memref<64x128xf32, #tpu.memory_space<vmem_shared>>
      %dma_wait3A_189 = arith.constant 0 : i32
      %dma_wait3A_190 = tpu.memref_slice %arg11[%add3A_80, %dma_wait3A_189] : memref<10000x128xf32, #tpu.memory_space<vmem_shared>> -> memref<64x128xf32, #tpu.memory_space<vmem_shared>>
      %dma_wait3A_191 = arith.constant 0 : i32
      %dma_wait3A_192 = arith.constant 0 : i32
      %dma_wait3A_193 = tpu.memref_slice %arg10[%run_scoped3A_81, %dma_wait3A_191, %dma_wait3A_192] : memref<4x64x128xf32, #tpu.memory_space<vmem>> -> memref<1x64x128xf32, #tpu.memory_space<vmem>>
      %dma_wait3A_194 = tpu.memref_squeeze %dma_wait3A_193 : memref<1x64x128xf32, #tpu.memory_space<vmem>> -> memref<64x128xf32, #tpu.memory_space<vmem>>
      tpu.wait_dma2 semaphore(%run_scoped3A_170 : memref<!tpu.dma_semaphore, #tpu.memory_space<semaphore_mem>>) src(%dma_wait3A_194 : memref<64x128xf32, #tpu.memory_space<vmem>>) dst(%dma_wait3A_190 : memref<64x128xf32, #tpu.memory_space<vmem_shared>>)
      tpu.yield
    }) : () -> ()
    %add3A_82 = arith.constant 64 : i32
    %add3A_83 = arith.addi %mul3A_78, %add3A_82 : i32
    %run_scoped3A_84 = arith.constant 3 : i32
    "tpu.region"() ({
      %run_scoped3A_170 = tpu.sem_alloc : memref<!tpu.dma_semaphore, #tpu.memory_space<semaphore_mem>>
      %dma_start3A_171 = arith.constant 0 : i32
      %dma_start3A_172 = arith.constant 0 : i32
      %dma_start3A_173 = tpu.memref_slice %arg10[%run_scoped3A_84, %dma_start3A_171, %dma_start3A_172] : memref<4x64x128xf32, #tpu.memory_space<vmem>> -> memref<1x64x128xf32, #tpu.memory_space<vmem>>
      %dma_start3A_174 = tpu.memref_squeeze %dma_start3A_173 : memref<1x64x128xf32, #tpu.memory_space<vmem>> -> memref<64x128xf32, #tpu.memory_space<vmem>>
      %dma_start3A_175 = arith.constant 0 : i32
      %dma_start3A_176 = tpu.memref_slice %arg11[%add3A_83, %dma_start3A_175] : memref<10000x128xf32, #tpu.memory_space<vmem_shared>> -> memref<64x128xf32, #tpu.memory_space<vmem_shared>>
      %dma_start3A_177 = arith.constant 0 : i32
      %dma_start3A_178 = tpu.memref_slice %arg11[%add3A_83, %dma_start3A_177] : memref<10000x128xf32, #tpu.memory_space<vmem_shared>> -> memref<64x128xf32, #tpu.memory_space<vmem_shared>>
      %dma_start3A_179 = arith.constant 0 : i32
      %dma_start3A_180 = arith.constant 0 : i32
      %dma_start3A_181 = tpu.memref_slice %arg10[%run_scoped3A_84, %dma_start3A_179, %dma_start3A_180] : memref<4x64x128xf32, #tpu.memory_space<vmem>> -> memref<1x64x128xf32, #tpu.memory_space<vmem>>
      %dma_start3A_182 = tpu.memref_squeeze %dma_start3A_181 : memref<1x64x128xf32, #tpu.memory_space<vmem>> -> memref<64x128xf32, #tpu.memory_space<vmem>>
      tpu.enqueue_dma source(%dma_start3A_182 : memref<64x128xf32, #tpu.memory_space<vmem>>) target(%dma_start3A_178 : memref<64x128xf32, #tpu.memory_space<vmem_shared>>) target_semaphore(%run_scoped3A_170 : memref<!tpu.dma_semaphore, #tpu.memory_space<semaphore_mem>>)
      %dma_wait3A_183 = arith.constant 0 : i32
      %dma_wait3A_184 = arith.constant 0 : i32
      %dma_wait3A_185 = tpu.memref_slice %arg10[%run_scoped3A_84, %dma_wait3A_183, %dma_wait3A_184] : memref<4x64x128xf32, #tpu.memory_space<vmem>> -> memref<1x64x128xf32, #tpu.memory_space<vmem>>
      %dma_wait3A_186 = tpu.memref_squeeze %dma_wait3A_185 : memref<1x64x128xf32, #tpu.memory_space<vmem>> -> memref<64x128xf32, #tpu.memory_space<vmem>>
      %dma_wait3A_187 = arith.constant 0 : i32
      %dma_wait3A_188 = tpu.memref_slice %arg11[%add3A_83, %dma_wait3A_187] : memref<10000x128xf32, #tpu.memory_space<vmem_shared>> -> memref<64x128xf32, #tpu.memory_space<vmem_shared>>
      %dma_wait3A_189 = arith.constant 0 : i32
      %dma_wait3A_190 = tpu.memref_slice %arg11[%add3A_83, %dma_wait3A_189] : memref<10000x128xf32, #tpu.memory_space<vmem_shared>> -> memref<64x128xf32, #tpu.memory_space<vmem_shared>>
      %dma_wait3A_191 = arith.constant 0 : i32
      %dma_wait3A_192 = arith.constant 0 : i32
      %dma_wait3A_193 = tpu.memref_slice %arg10[%run_scoped3A_84, %dma_wait3A_191, %dma_wait3A_192] : memref<4x64x128xf32, #tpu.memory_space<vmem>> -> memref<1x64x128xf32, #tpu.memory_space<vmem>>
      %dma_wait3A_194 = tpu.memref_squeeze %dma_wait3A_193 : memref<1x64x128xf32, #tpu.memory_space<vmem>> -> memref<64x128xf32, #tpu.memory_space<vmem>>
      tpu.wait_dma2 semaphore(%run_scoped3A_170 : memref<!tpu.dma_semaphore, #tpu.memory_space<semaphore_mem>>) src(%dma_wait3A_194 : memref<64x128xf32, #tpu.memory_space<vmem>>) dst(%dma_wait3A_190 : memref<64x128xf32, #tpu.memory_space<vmem_shared>>)
      tpu.yield
    }) : () -> ()
    %add3A_85 = arith.constant 128 : i32
    %add3A_86 = arith.addi %mul3A_78, %add3A_85 : i32
    %run_scoped3A_87 = arith.constant 3 : i32
    "tpu.region"() ({
      %run_scoped3A_170 = tpu.sem_alloc : memref<!tpu.dma_semaphore, #tpu.memory_space<semaphore_mem>>
      %dma_start3A_171 = arith.constant 0 : i32
      %dma_start3A_172 = arith.constant 0 : i32
      %dma_start3A_173 = tpu.memref_slice %arg10[%run_scoped3A_87, %dma_start3A_171, %dma_start3A_172] : memref<4x64x128xf32, #tpu.memory_space<vmem>> -> memref<1x64x128xf32, #tpu.memory_space<vmem>>
      %dma_start3A_174 = tpu.memref_squeeze %dma_start3A_173 : memref<1x64x128xf32, #tpu.memory_space<vmem>> -> memref<64x128xf32, #tpu.memory_space<vmem>>
      %dma_start3A_175 = arith.constant 0 : i32
      %dma_start3A_176 = tpu.memref_slice %arg11[%add3A_86, %dma_start3A_175] : memref<10000x128xf32, #tpu.memory_space<vmem_shared>> -> memref<64x128xf32, #tpu.memory_space<vmem_shared>>
      %dma_start3A_177 = arith.constant 0 : i32
      %dma_start3A_178 = tpu.memref_slice %arg11[%add3A_86, %dma_start3A_177] : memref<10000x128xf32, #tpu.memory_space<vmem_shared>> -> memref<64x128xf32, #tpu.memory_space<vmem_shared>>
      %dma_start3A_179 = arith.constant 0 : i32
      %dma_start3A_180 = arith.constant 0 : i32
      %dma_start3A_181 = tpu.memref_slice %arg10[%run_scoped3A_87, %dma_start3A_179, %dma_start3A_180] : memref<4x64x128xf32, #tpu.memory_space<vmem>> -> memref<1x64x128xf32, #tpu.memory_space<vmem>>
      %dma_start3A_182 = tpu.memref_squeeze %dma_start3A_181 : memref<1x64x128xf32, #tpu.memory_space<vmem>> -> memref<64x128xf32, #tpu.memory_space<vmem>>
      tpu.enqueue_dma source(%dma_start3A_182 : memref<64x128xf32, #tpu.memory_space<vmem>>) target(%dma_start3A_178 : memref<64x128xf32, #tpu.memory_space<vmem_shared>>) target_semaphore(%run_scoped3A_170 : memref<!tpu.dma_semaphore, #tpu.memory_space<semaphore_mem>>)
      %dma_wait3A_183 = arith.constant 0 : i32
      %dma_wait3A_184 = arith.constant 0 : i32
      %dma_wait3A_185 = tpu.memref_slice %arg10[%run_scoped3A_87, %dma_wait3A_183, %dma_wait3A_184] : memref<4x64x128xf32, #tpu.memory_space<vmem>> -> memref<1x64x128xf32, #tpu.memory_space<vmem>>
      %dma_wait3A_186 = tpu.memref_squeeze %dma_wait3A_185 : memref<1x64x128xf32, #tpu.memory_space<vmem>> -> memref<64x128xf32, #tpu.memory_space<vmem>>
      %dma_wait3A_187 = arith.constant 0 : i32
      %dma_wait3A_188 = tpu.memref_slice %arg11[%add3A_86, %dma_wait3A_187] : memref<10000x128xf32, #tpu.memory_space<vmem_shared>> -> memref<64x128xf32, #tpu.memory_space<vmem_shared>>
      %dma_wait3A_189 = arith.constant 0 : i32
      %dma_wait3A_190 = tpu.memref_slice %arg11[%add3A_86, %dma_wait3A_189] : memref<10000x128xf32, #tpu.memory_space<vmem_shared>> -> memref<64x128xf32, #tpu.memory_space<vmem_shared>>
      %dma_wait3A_191 = arith.constant 0 : i32
      %dma_wait3A_192 = arith.constant 0 : i32
      %dma_wait3A_193 = tpu.memref_slice %arg10[%run_scoped3A_87, %dma_wait3A_191, %dma_wait3A_192] : memref<4x64x128xf32, #tpu.memory_space<vmem>> -> memref<1x64x128xf32, #tpu.memory_space<vmem>>
      %dma_wait3A_194 = tpu.memref_squeeze %dma_wait3A_193 : memref<1x64x128xf32, #tpu.memory_space<vmem>> -> memref<64x128xf32, #tpu.memory_space<vmem>>
      tpu.wait_dma2 semaphore(%run_scoped3A_170 : memref<!tpu.dma_semaphore, #tpu.memory_space<semaphore_mem>>) src(%dma_wait3A_194 : memref<64x128xf32, #tpu.memory_space<vmem>>) dst(%dma_wait3A_190 : memref<64x128xf32, #tpu.memory_space<vmem_shared>>)
      tpu.yield
    }) : () -> ()
    %add3A_88 = arith.constant 192 : i32
    %add3A_89 = arith.addi %mul3A_78, %add3A_88 : i32
    %run_scoped3A_90 = arith.constant 3 : i32
    "tpu.region"() ({
      %run_scoped3A_170 = tpu.sem_alloc : memref<!tpu.dma_semaphore, #tpu.memory_space<semaphore_mem>>
      %dma_start3A_171 = arith.constant 0 : i32
      %dma_start3A_172 = arith.constant 0 : i32
      %dma_start3A_173 = tpu.memref_slice %arg10[%run_scoped3A_90, %dma_start3A_171, %dma_start3A_172] : memref<4x64x128xf32, #tpu.memory_space<vmem>> -> memref<1x64x128xf32, #tpu.memory_space<vmem>>
      %dma_start3A_174 = tpu.memref_squeeze %dma_start3A_173 : memref<1x64x128xf32, #tpu.memory_space<vmem>> -> memref<64x128xf32, #tpu.memory_space<vmem>>
      %dma_start3A_175 = arith.constant 0 : i32
      %dma_start3A_176 = tpu.memref_slice %arg11[%add3A_89, %dma_start3A_175] : memref<10000x128xf32, #tpu.memory_space<vmem_shared>> -> memref<64x128xf32, #tpu.memory_space<vmem_shared>>
      %dma_start3A_177 = arith.constant 0 : i32
      %dma_start3A_178 = tpu.memref_slice %arg11[%add3A_89, %dma_start3A_177] : memref<10000x128xf32, #tpu.memory_space<vmem_shared>> -> memref<64x128xf32, #tpu.memory_space<vmem_shared>>
      %dma_start3A_179 = arith.constant 0 : i32
      %dma_start3A_180 = arith.constant 0 : i32
      %dma_start3A_181 = tpu.memref_slice %arg10[%run_scoped3A_90, %dma_start3A_179, %dma_start3A_180] : memref<4x64x128xf32, #tpu.memory_space<vmem>> -> memref<1x64x128xf32, #tpu.memory_space<vmem>>
      %dma_start3A_182 = tpu.memref_squeeze %dma_start3A_181 : memref<1x64x128xf32, #tpu.memory_space<vmem>> -> memref<64x128xf32, #tpu.memory_space<vmem>>
      tpu.enqueue_dma source(%dma_start3A_182 : memref<64x128xf32, #tpu.memory_space<vmem>>) target(%dma_start3A_178 : memref<64x128xf32, #tpu.memory_space<vmem_shared>>) target_semaphore(%run_scoped3A_170 : memref<!tpu.dma_semaphore, #tpu.memory_space<semaphore_mem>>)
      %dma_wait3A_183 = arith.constant 0 : i32
      %dma_wait3A_184 = arith.constant 0 : i32
      %dma_wait3A_185 = tpu.memref_slice %arg10[%run_scoped3A_90, %dma_wait3A_183, %dma_wait3A_184] : memref<4x64x128xf32, #tpu.memory_space<vmem>> -> memref<1x64x128xf32, #tpu.memory_space<vmem>>
      %dma_wait3A_186 = tpu.memref_squeeze %dma_wait3A_185 : memref<1x64x128xf32, #tpu.memory_space<vmem>> -> memref<64x128xf32, #tpu.memory_space<vmem>>
      %dma_wait3A_187 = arith.constant 0 : i32
      %dma_wait3A_188 = tpu.memref_slice %arg11[%add3A_89, %dma_wait3A_187] : memref<10000x128xf32, #tpu.memory_space<vmem_shared>> -> memref<64x128xf32, #tpu.memory_space<vmem_shared>>
      %dma_wait3A_189 = arith.constant 0 : i32
      %dma_wait3A_190 = tpu.memref_slice %arg11[%add3A_89, %dma_wait3A_189] : memref<10000x128xf32, #tpu.memory_space<vmem_shared>> -> memref<64x128xf32, #tpu.memory_space<vmem_shared>>
      %dma_wait3A_191 = arith.constant 0 : i32
      %dma_wait3A_192 = arith.constant 0 : i32
      %dma_wait3A_193 = tpu.memref_slice %arg10[%run_scoped3A_90, %dma_wait3A_191, %dma_wait3A_192] : memref<4x64x128xf32, #tpu.memory_space<vmem>> -> memref<1x64x128xf32, #tpu.memory_space<vmem>>
      %dma_wait3A_194 = tpu.memref_squeeze %dma_wait3A_193 : memref<1x64x128xf32, #tpu.memory_space<vmem>> -> memref<64x128xf32, #tpu.memory_space<vmem>>
      tpu.wait_dma2 semaphore(%run_scoped3A_170 : memref<!tpu.dma_semaphore, #tpu.memory_space<semaphore_mem>>) src(%dma_wait3A_194 : memref<64x128xf32, #tpu.memory_space<vmem>>) dst(%dma_wait3A_190 : memref<64x128xf32, #tpu.memory_space<vmem_shared>>)
      tpu.yield
    }) : () -> ()
    %add3A_91 = arith.constant 256 : i32
    %add3A_92 = arith.addi %mul3A_78, %add3A_91 : i32
    %run_scoped3A_93 = arith.constant 3 : i32
    "tpu.region"() ({
      %run_scoped3A_170 = tpu.sem_alloc : memref<!tpu.dma_semaphore, #tpu.memory_space<semaphore_mem>>
      %dma_start3A_171 = arith.constant 0 : i32
      %dma_start3A_172 = arith.constant 0 : i32
      %dma_start3A_173 = tpu.memref_slice %arg10[%run_scoped3A_93, %dma_start3A_171, %dma_start3A_172] : memref<4x64x128xf32, #tpu.memory_space<vmem>> -> memref<1x64x128xf32, #tpu.memory_space<vmem>>
      %dma_start3A_174 = tpu.memref_squeeze %dma_start3A_173 : memref<1x64x128xf32, #tpu.memory_space<vmem>> -> memref<64x128xf32, #tpu.memory_space<vmem>>
      %dma_start3A_175 = arith.constant 0 : i32
      %dma_start3A_176 = tpu.memref_slice %arg11[%add3A_92, %dma_start3A_175] : memref<10000x128xf32, #tpu.memory_space<vmem_shared>> -> memref<64x128xf32, #tpu.memory_space<vmem_shared>>
      %dma_start3A_177 = arith.constant 0 : i32
      %dma_start3A_178 = tpu.memref_slice %arg11[%add3A_92, %dma_start3A_177] : memref<10000x128xf32, #tpu.memory_space<vmem_shared>> -> memref<64x128xf32, #tpu.memory_space<vmem_shared>>
      %dma_start3A_179 = arith.constant 0 : i32
      %dma_start3A_180 = arith.constant 0 : i32
      %dma_start3A_181 = tpu.memref_slice %arg10[%run_scoped3A_93, %dma_start3A_179, %dma_start3A_180] : memref<4x64x128xf32, #tpu.memory_space<vmem>> -> memref<1x64x128xf32, #tpu.memory_space<vmem>>
      %dma_start3A_182 = tpu.memref_squeeze %dma_start3A_181 : memref<1x64x128xf32, #tpu.memory_space<vmem>> -> memref<64x128xf32, #tpu.memory_space<vmem>>
      tpu.enqueue_dma source(%dma_start3A_182 : memref<64x128xf32, #tpu.memory_space<vmem>>) target(%dma_start3A_178 : memref<64x128xf32, #tpu.memory_space<vmem_shared>>) target_semaphore(%run_scoped3A_170 : memref<!tpu.dma_semaphore, #tpu.memory_space<semaphore_mem>>)
      %dma_wait3A_183 = arith.constant 0 : i32
      %dma_wait3A_184 = arith.constant 0 : i32
      %dma_wait3A_185 = tpu.memref_slice %arg10[%run_scoped3A_93, %dma_wait3A_183, %dma_wait3A_184] : memref<4x64x128xf32, #tpu.memory_space<vmem>> -> memref<1x64x128xf32, #tpu.memory_space<vmem>>
      %dma_wait3A_186 = tpu.memref_squeeze %dma_wait3A_185 : memref<1x64x128xf32, #tpu.memory_space<vmem>> -> memref<64x128xf32, #tpu.memory_space<vmem>>
      %dma_wait3A_187 = arith.constant 0 : i32
      %dma_wait3A_188 = tpu.memref_slice %arg11[%add3A_92, %dma_wait3A_187] : memref<10000x128xf32, #tpu.memory_space<vmem_shared>> -> memref<64x128xf32, #tpu.memory_space<vmem_shared>>
      %dma_wait3A_189 = arith.constant 0 : i32
      %dma_wait3A_190 = tpu.memref_slice %arg11[%add3A_92, %dma_wait3A_189] : memref<10000x128xf32, #tpu.memory_space<vmem_shared>> -> memref<64x128xf32, #tpu.memory_space<vmem_shared>>
      %dma_wait3A_191 = arith.constant 0 : i32
      %dma_wait3A_192 = arith.constant 0 : i32
      %dma_wait3A_193 = tpu.memref_slice %arg10[%run_scoped3A_93, %dma_wait3A_191, %dma_wait3A_192] : memref<4x64x128xf32, #tpu.memory_space<vmem>> -> memref<1x64x128xf32, #tpu.memory_space<vmem>>
      %dma_wait3A_194 = tpu.memref_squeeze %dma_wait3A_193 : memref<1x64x128xf32, #tpu.memory_space<vmem>> -> memref<64x128xf32, #tpu.memory_space<vmem>>
      tpu.wait_dma2 semaphore(%run_scoped3A_170 : memref<!tpu.dma_semaphore, #tpu.memory_space<semaphore_mem>>) src(%dma_wait3A_194 : memref<64x128xf32, #tpu.memory_space<vmem>>) dst(%dma_wait3A_190 : memref<64x128xf32, #tpu.memory_space<vmem_shared>>)
      tpu.yield
    }) : () -> ()
    %add3A_94 = arith.constant 320 : i32
    %add3A_95 = arith.addi %mul3A_78, %add3A_94 : i32
    %run_scoped3A_96 = arith.constant 3 : i32
    "tpu.region"() ({
      %run_scoped3A_170 = tpu.sem_alloc : memref<!tpu.dma_semaphore, #tpu.memory_space<semaphore_mem>>
      %dma_start3A_171 = arith.constant 0 : i32
      %dma_start3A_172 = arith.constant 0 : i32
      %dma_start3A_173 = tpu.memref_slice %arg10[%run_scoped3A_96, %dma_start3A_171, %dma_start3A_172] : memref<4x64x128xf32, #tpu.memory_space<vmem>> -> memref<1x64x128xf32, #tpu.memory_space<vmem>>
      %dma_start3A_174 = tpu.memref_squeeze %dma_start3A_173 : memref<1x64x128xf32, #tpu.memory_space<vmem>> -> memref<64x128xf32, #tpu.memory_space<vmem>>
      %dma_start3A_175 = arith.constant 0 : i32
      %dma_start3A_176 = tpu.memref_slice %arg11[%add3A_95, %dma_start3A_175] : memref<10000x128xf32, #tpu.memory_space<vmem_shared>> -> memref<64x128xf32, #tpu.memory_space<vmem_shared>>
      %dma_start3A_177 = arith.constant 0 : i32
      %dma_start3A_178 = tpu.memref_slice %arg11[%add3A_95, %dma_start3A_177] : memref<10000x128xf32, #tpu.memory_space<vmem_shared>> -> memref<64x128xf32, #tpu.memory_space<vmem_shared>>
      %dma_start3A_179 = arith.constant 0 : i32
      %dma_start3A_180 = arith.constant 0 : i32
      %dma_start3A_181 = tpu.memref_slice %arg10[%run_scoped3A_96, %dma_start3A_179, %dma_start3A_180] : memref<4x64x128xf32, #tpu.memory_space<vmem>> -> memref<1x64x128xf32, #tpu.memory_space<vmem>>
      %dma_start3A_182 = tpu.memref_squeeze %dma_start3A_181 : memref<1x64x128xf32, #tpu.memory_space<vmem>> -> memref<64x128xf32, #tpu.memory_space<vmem>>
      tpu.enqueue_dma source(%dma_start3A_182 : memref<64x128xf32, #tpu.memory_space<vmem>>) target(%dma_start3A_178 : memref<64x128xf32, #tpu.memory_space<vmem_shared>>) target_semaphore(%run_scoped3A_170 : memref<!tpu.dma_semaphore, #tpu.memory_space<semaphore_mem>>)
      %dma_wait3A_183 = arith.constant 0 : i32
      %dma_wait3A_184 = arith.constant 0 : i32
      %dma_wait3A_185 = tpu.memref_slice %arg10[%run_scoped3A_96, %dma_wait3A_183, %dma_wait3A_184] : memref<4x64x128xf32, #tpu.memory_space<vmem>> -> memref<1x64x128xf32, #tpu.memory_space<vmem>>
      %dma_wait3A_186 = tpu.memref_squeeze %dma_wait3A_185 : memref<1x64x128xf32, #tpu.memory_space<vmem>> -> memref<64x128xf32, #tpu.memory_space<vmem>>
      %dma_wait3A_187 = arith.constant 0 : i32
      %dma_wait3A_188 = tpu.memref_slice %arg11[%add3A_95, %dma_wait3A_187] : memref<10000x128xf32, #tpu.memory_space<vmem_shared>> -> memref<64x128xf32, #tpu.memory_space<vmem_shared>>
      %dma_wait3A_189 = arith.constant 0 : i32
      %dma_wait3A_190 = tpu.memref_slice %arg11[%add3A_95, %dma_wait3A_189] : memref<10000x128xf32, #tpu.memory_space<vmem_shared>> -> memref<64x128xf32, #tpu.memory_space<vmem_shared>>
      %dma_wait3A_191 = arith.constant 0 : i32
      %dma_wait3A_192 = arith.constant 0 : i32
      %dma_wait3A_193 = tpu.memref_slice %arg10[%run_scoped3A_96, %dma_wait3A_191, %dma_wait3A_192] : memref<4x64x128xf32, #tpu.memory_space<vmem>> -> memref<1x64x128xf32, #tpu.memory_space<vmem>>
      %dma_wait3A_194 = tpu.memref_squeeze %dma_wait3A_193 : memref<1x64x128xf32, #tpu.memory_space<vmem>> -> memref<64x128xf32, #tpu.memory_space<vmem>>
      tpu.wait_dma2 semaphore(%run_scoped3A_170 : memref<!tpu.dma_semaphore, #tpu.memory_space<semaphore_mem>>) src(%dma_wait3A_194 : memref<64x128xf32, #tpu.memory_space<vmem>>) dst(%dma_wait3A_190 : memref<64x128xf32, #tpu.memory_space<vmem_shared>>)
      tpu.yield
    }) : () -> ()
    %add3A_97 = arith.constant 384 : i32
    %add3A_98 = arith.addi %mul3A_78, %add3A_97 : i32
    %run_scoped3A_99 = arith.constant 3 : i32
    "tpu.region"() ({
      %run_scoped3A_170 = tpu.sem_alloc : memref<!tpu.dma_semaphore, #tpu.memory_space<semaphore_mem>>
      %dma_start3A_171 = arith.constant 0 : i32
      %dma_start3A_172 = arith.constant 0 : i32
      %dma_start3A_173 = tpu.memref_slice %arg10[%run_scoped3A_99, %dma_start3A_171, %dma_start3A_172] : memref<4x64x128xf32, #tpu.memory_space<vmem>> -> memref<1x64x128xf32, #tpu.memory_space<vmem>>
      %dma_start3A_174 = tpu.memref_squeeze %dma_start3A_173 : memref<1x64x128xf32, #tpu.memory_space<vmem>> -> memref<64x128xf32, #tpu.memory_space<vmem>>
      %dma_start3A_175 = arith.constant 0 : i32
      %dma_start3A_176 = tpu.memref_slice %arg11[%add3A_98, %dma_start3A_175] : memref<10000x128xf32, #tpu.memory_space<vmem_shared>> -> memref<64x128xf32, #tpu.memory_space<vmem_shared>>
      %dma_start3A_177 = arith.constant 0 : i32
      %dma_start3A_178 = tpu.memref_slice %arg11[%add3A_98, %dma_start3A_177] : memref<10000x128xf32, #tpu.memory_space<vmem_shared>> -> memref<64x128xf32, #tpu.memory_space<vmem_shared>>
      %dma_start3A_179 = arith.constant 0 : i32
      %dma_start3A_180 = arith.constant 0 : i32
      %dma_start3A_181 = tpu.memref_slice %arg10[%run_scoped3A_99, %dma_start3A_179, %dma_start3A_180] : memref<4x64x128xf32, #tpu.memory_space<vmem>> -> memref<1x64x128xf32, #tpu.memory_space<vmem>>
      %dma_start3A_182 = tpu.memref_squeeze %dma_start3A_181 : memref<1x64x128xf32, #tpu.memory_space<vmem>> -> memref<64x128xf32, #tpu.memory_space<vmem>>
      tpu.enqueue_dma source(%dma_start3A_182 : memref<64x128xf32, #tpu.memory_space<vmem>>) target(%dma_start3A_178 : memref<64x128xf32, #tpu.memory_space<vmem_shared>>) target_semaphore(%run_scoped3A_170 : memref<!tpu.dma_semaphore, #tpu.memory_space<semaphore_mem>>)
      %dma_wait3A_183 = arith.constant 0 : i32
      %dma_wait3A_184 = arith.constant 0 : i32
      %dma_wait3A_185 = tpu.memref_slice %arg10[%run_scoped3A_99, %dma_wait3A_183, %dma_wait3A_184] : memref<4x64x128xf32, #tpu.memory_space<vmem>> -> memref<1x64x128xf32, #tpu.memory_space<vmem>>
      %dma_wait3A_186 = tpu.memref_squeeze %dma_wait3A_185 : memref<1x64x128xf32, #tpu.memory_space<vmem>> -> memref<64x128xf32, #tpu.memory_space<vmem>>
      %dma_wait3A_187 = arith.constant 0 : i32
      %dma_wait3A_188 = tpu.memref_slice %arg11[%add3A_98, %dma_wait3A_187] : memref<10000x128xf32, #tpu.memory_space<vmem_shared>> -> memref<64x128xf32, #tpu.memory_space<vmem_shared>>
      %dma_wait3A_189 = arith.constant 0 : i32
      %dma_wait3A_190 = tpu.memref_slice %arg11[%add3A_98, %dma_wait3A_189] : memref<10000x128xf32, #tpu.memory_space<vmem_shared>> -> memref<64x128xf32, #tpu.memory_space<vmem_shared>>
      %dma_wait3A_191 = arith.constant 0 : i32
      %dma_wait3A_192 = arith.constant 0 : i32
      %dma_wait3A_193 = tpu.memref_slice %arg10[%run_scoped3A_99, %dma_wait3A_191, %dma_wait3A_192] : memref<4x64x128xf32, #tpu.memory_space<vmem>> -> memref<1x64x128xf32, #tpu.memory_space<vmem>>
      %dma_wait3A_194 = tpu.memref_squeeze %dma_wait3A_193 : memref<1x64x128xf32, #tpu.memory_space<vmem>> -> memref<64x128xf32, #tpu.memory_space<vmem>>
      tpu.wait_dma2 semaphore(%run_scoped3A_170 : memref<!tpu.dma_semaphore, #tpu.memory_space<semaphore_mem>>) src(%dma_wait3A_194 : memref<64x128xf32, #tpu.memory_space<vmem>>) dst(%dma_wait3A_190 : memref<64x128xf32, #tpu.memory_space<vmem_shared>>)
      tpu.yield
    }) : () -> ()
    %add3A_100 = arith.constant 448 : i32
    %add3A_101 = arith.addi %mul3A_78, %add3A_100 : i32
    %run_scoped3A_102 = arith.constant 3 : i32
    "tpu.region"() ({
      %run_scoped3A_170 = tpu.sem_alloc : memref<!tpu.dma_semaphore, #tpu.memory_space<semaphore_mem>>
      %dma_start3A_171 = arith.constant 0 : i32
      %dma_start3A_172 = arith.constant 0 : i32
      %dma_start3A_173 = tpu.memref_slice %arg10[%run_scoped3A_102, %dma_start3A_171, %dma_start3A_172] : memref<4x64x128xf32, #tpu.memory_space<vmem>> -> memref<1x64x128xf32, #tpu.memory_space<vmem>>
      %dma_start3A_174 = tpu.memref_squeeze %dma_start3A_173 : memref<1x64x128xf32, #tpu.memory_space<vmem>> -> memref<64x128xf32, #tpu.memory_space<vmem>>
      %dma_start3A_175 = arith.constant 0 : i32
      %dma_start3A_176 = tpu.memref_slice %arg11[%add3A_101, %dma_start3A_175] : memref<10000x128xf32, #tpu.memory_space<vmem_shared>> -> memref<64x128xf32, #tpu.memory_space<vmem_shared>>
      %dma_start3A_177 = arith.constant 0 : i32
      %dma_start3A_178 = tpu.memref_slice %arg11[%add3A_101, %dma_start3A_177] : memref<10000x128xf32, #tpu.memory_space<vmem_shared>> -> memref<64x128xf32, #tpu.memory_space<vmem_shared>>
      %dma_start3A_179 = arith.constant 0 : i32
      %dma_start3A_180 = arith.constant 0 : i32
      %dma_start3A_181 = tpu.memref_slice %arg10[%run_scoped3A_102, %dma_start3A_179, %dma_start3A_180] : memref<4x64x128xf32, #tpu.memory_space<vmem>> -> memref<1x64x128xf32, #tpu.memory_space<vmem>>
      %dma_start3A_182 = tpu.memref_squeeze %dma_start3A_181 : memref<1x64x128xf32, #tpu.memory_space<vmem>> -> memref<64x128xf32, #tpu.memory_space<vmem>>
      tpu.enqueue_dma source(%dma_start3A_182 : memref<64x128xf32, #tpu.memory_space<vmem>>) target(%dma_start3A_178 : memref<64x128xf32, #tpu.memory_space<vmem_shared>>) target_semaphore(%run_scoped3A_170 : memref<!tpu.dma_semaphore, #tpu.memory_space<semaphore_mem>>)
      %dma_wait3A_183 = arith.constant 0 : i32
      %dma_wait3A_184 = arith.constant 0 : i32
      %dma_wait3A_185 = tpu.memref_slice %arg10[%run_scoped3A_102, %dma_wait3A_183, %dma_wait3A_184] : memref<4x64x128xf32, #tpu.memory_space<vmem>> -> memref<1x64x128xf32, #tpu.memory_space<vmem>>
      %dma_wait3A_186 = tpu.memref_squeeze %dma_wait3A_185 : memref<1x64x128xf32, #tpu.memory_space<vmem>> -> memref<64x128xf32, #tpu.memory_space<vmem>>
      %dma_wait3A_187 = arith.constant 0 : i32
      %dma_wait3A_188 = tpu.memref_slice %arg11[%add3A_101, %dma_wait3A_187] : memref<10000x128xf32, #tpu.memory_space<vmem_shared>> -> memref<64x128xf32, #tpu.memory_space<vmem_shared>>
      %dma_wait3A_189 = arith.constant 0 : i32
      %dma_wait3A_190 = tpu.memref_slice %arg11[%add3A_101, %dma_wait3A_189] : memref<10000x128xf32, #tpu.memory_space<vmem_shared>> -> memref<64x128xf32, #tpu.memory_space<vmem_shared>>
      %dma_wait3A_191 = arith.constant 0 : i32
      %dma_wait3A_192 = arith.constant 0 : i32
      %dma_wait3A_193 = tpu.memref_slice %arg10[%run_scoped3A_102, %dma_wait3A_191, %dma_wait3A_192] : memref<4x64x128xf32, #tpu.memory_space<vmem>> -> memref<1x64x128xf32, #tpu.memory_space<vmem>>
      %dma_wait3A_194 = tpu.memref_squeeze %dma_wait3A_193 : memref<1x64x128xf32, #tpu.memory_space<vmem>> -> memref<64x128xf32, #tpu.memory_space<vmem>>
      tpu.wait_dma2 semaphore(%run_scoped3A_170 : memref<!tpu.dma_semaphore, #tpu.memory_space<semaphore_mem>>) src(%dma_wait3A_194 : memref<64x128xf32, #tpu.memory_space<vmem>>) dst(%dma_wait3A_190 : memref<64x128xf32, #tpu.memory_space<vmem_shared>>)
      tpu.yield
    }) : () -> ()
    %add3A_103 = arith.constant 512 : i32
    %add3A_104 = arith.addi %mul3A_78, %add3A_103 : i32
    %run_scoped3A_105 = arith.constant 3 : i32
    "tpu.region"() ({
      %run_scoped3A_170 = tpu.sem_alloc : memref<!tpu.dma_semaphore, #tpu.memory_space<semaphore_mem>>
      %dma_start3A_171 = arith.constant 0 : i32
      %dma_start3A_172 = arith.constant 0 : i32
      %dma_start3A_173 = tpu.memref_slice %arg10[%run_scoped3A_105, %dma_start3A_171, %dma_start3A_172] : memref<4x64x128xf32, #tpu.memory_space<vmem>> -> memref<1x64x128xf32, #tpu.memory_space<vmem>>
      %dma_start3A_174 = tpu.memref_squeeze %dma_start3A_173 : memref<1x64x128xf32, #tpu.memory_space<vmem>> -> memref<64x128xf32, #tpu.memory_space<vmem>>
      %dma_start3A_175 = arith.constant 0 : i32
      %dma_start3A_176 = tpu.memref_slice %arg11[%add3A_104, %dma_start3A_175] : memref<10000x128xf32, #tpu.memory_space<vmem_shared>> -> memref<64x128xf32, #tpu.memory_space<vmem_shared>>
      %dma_start3A_177 = arith.constant 0 : i32
      %dma_start3A_178 = tpu.memref_slice %arg11[%add3A_104, %dma_start3A_177] : memref<10000x128xf32, #tpu.memory_space<vmem_shared>> -> memref<64x128xf32, #tpu.memory_space<vmem_shared>>
      %dma_start3A_179 = arith.constant 0 : i32
      %dma_start3A_180 = arith.constant 0 : i32
      %dma_start3A_181 = tpu.memref_slice %arg10[%run_scoped3A_105, %dma_start3A_179, %dma_start3A_180] : memref<4x64x128xf32, #tpu.memory_space<vmem>> -> memref<1x64x128xf32, #tpu.memory_space<vmem>>
      %dma_start3A_182 = tpu.memref_squeeze %dma_start3A_181 : memref<1x64x128xf32, #tpu.memory_space<vmem>> -> memref<64x128xf32, #tpu.memory_space<vmem>>
      tpu.enqueue_dma source(%dma_start3A_182 : memref<64x128xf32, #tpu.memory_space<vmem>>) target(%dma_start3A_178 : memref<64x128xf32, #tpu.memory_space<vmem_shared>>) target_semaphore(%run_scoped3A_170 : memref<!tpu.dma_semaphore, #tpu.memory_space<semaphore_mem>>)
      %dma_wait3A_183 = arith.constant 0 : i32
      %dma_wait3A_184 = arith.constant 0 : i32
      %dma_wait3A_185 = tpu.memref_slice %arg10[%run_scoped3A_105, %dma_wait3A_183, %dma_wait3A_184] : memref<4x64x128xf32, #tpu.memory_space<vmem>> -> memref<1x64x128xf32, #tpu.memory_space<vmem>>
      %dma_wait3A_186 = tpu.memref_squeeze %dma_wait3A_185 : memref<1x64x128xf32, #tpu.memory_space<vmem>> -> memref<64x128xf32, #tpu.memory_space<vmem>>
      %dma_wait3A_187 = arith.constant 0 : i32
      %dma_wait3A_188 = tpu.memref_slice %arg11[%add3A_104, %dma_wait3A_187] : memref<10000x128xf32, #tpu.memory_space<vmem_shared>> -> memref<64x128xf32, #tpu.memory_space<vmem_shared>>
      %dma_wait3A_189 = arith.constant 0 : i32
      %dma_wait3A_190 = tpu.memref_slice %arg11[%add3A_104, %dma_wait3A_189] : memref<10000x128xf32, #tpu.memory_space<vmem_shared>> -> memref<64x128xf32, #tpu.memory_space<vmem_shared>>
      %dma_wait3A_191 = arith.constant 0 : i32
      %dma_wait3A_192 = arith.constant 0 : i32
      %dma_wait3A_193 = tpu.memref_slice %arg10[%run_scoped3A_105, %dma_wait3A_191, %dma_wait3A_192] : memref<4x64x128xf32, #tpu.memory_space<vmem>> -> memref<1x64x128xf32, #tpu.memory_space<vmem>>
      %dma_wait3A_194 = tpu.memref_squeeze %dma_wait3A_193 : memref<1x64x128xf32, #tpu.memory_space<vmem>> -> memref<64x128xf32, #tpu.memory_space<vmem>>
      tpu.wait_dma2 semaphore(%run_scoped3A_170 : memref<!tpu.dma_semaphore, #tpu.memory_space<semaphore_mem>>) src(%dma_wait3A_194 : memref<64x128xf32, #tpu.memory_space<vmem>>) dst(%dma_wait3A_190 : memref<64x128xf32, #tpu.memory_space<vmem_shared>>)
      tpu.yield
    }) : () -> ()
    %add3A_106 = arith.constant 576 : i32
    %add3A_107 = arith.addi %mul3A_78, %add3A_106 : i32
    %run_scoped3A_108 = arith.constant 3 : i32
    "tpu.region"() ({
      %run_scoped3A_170 = tpu.sem_alloc : memref<!tpu.dma_semaphore, #tpu.memory_space<semaphore_mem>>
      %dma_start3A_171 = arith.constant 0 : i32
      %dma_start3A_172 = arith.constant 0 : i32
      %dma_start3A_173 = tpu.memref_slice %arg10[%run_scoped3A_108, %dma_start3A_171, %dma_start3A_172] : memref<4x64x128xf32, #tpu.memory_space<vmem>> -> memref<1x49x128xf32, #tpu.memory_space<vmem>>
      %dma_start3A_174 = tpu.memref_squeeze %dma_start3A_173 : memref<1x49x128xf32, #tpu.memory_space<vmem>> -> memref<49x128xf32, #tpu.memory_space<vmem>>
      %dma_start3A_175 = arith.constant 0 : i32
      %dma_start3A_176 = tpu.memref_slice %arg11[%add3A_107, %dma_start3A_175] : memref<10000x128xf32, #tpu.memory_space<vmem_shared>> -> memref<49x128xf32, #tpu.memory_space<vmem_shared>>
      %dma_start3A_177 = arith.constant 0 : i32
      %dma_start3A_178 = tpu.memref_slice %arg11[%add3A_107, %dma_start3A_177] : memref<10000x128xf32, #tpu.memory_space<vmem_shared>> -> memref<49x128xf32, #tpu.memory_space<vmem_shared>>
      %dma_start3A_179 = arith.constant 0 : i32
      %dma_start3A_180 = arith.constant 0 : i32
      %dma_start3A_181 = tpu.memref_slice %arg10[%run_scoped3A_108, %dma_start3A_179, %dma_start3A_180] : memref<4x64x128xf32, #tpu.memory_space<vmem>> -> memref<1x49x128xf32, #tpu.memory_space<vmem>>
      %dma_start3A_182 = tpu.memref_squeeze %dma_start3A_181 : memref<1x49x128xf32, #tpu.memory_space<vmem>> -> memref<49x128xf32, #tpu.memory_space<vmem>>
      tpu.enqueue_dma source(%dma_start3A_182 : memref<49x128xf32, #tpu.memory_space<vmem>>) target(%dma_start3A_178 : memref<49x128xf32, #tpu.memory_space<vmem_shared>>) target_semaphore(%run_scoped3A_170 : memref<!tpu.dma_semaphore, #tpu.memory_space<semaphore_mem>>)
      %dma_wait3A_183 = arith.constant 0 : i32
      %dma_wait3A_184 = arith.constant 0 : i32
      %dma_wait3A_185 = tpu.memref_slice %arg10[%run_scoped3A_108, %dma_wait3A_183, %dma_wait3A_184] : memref<4x64x128xf32, #tpu.memory_space<vmem>> -> memref<1x49x128xf32, #tpu.memory_space<vmem>>
      %dma_wait3A_186 = tpu.memref_squeeze %dma_wait3A_185 : memref<1x49x128xf32, #tpu.memory_space<vmem>> -> memref<49x128xf32, #tpu.memory_space<vmem>>
      %dma_wait3A_187 = arith.constant 0 : i32
      %dma_wait3A_188 = tpu.memref_slice %arg11[%add3A_107, %dma_wait3A_187] : memref<10000x128xf32, #tpu.memory_space<vmem_shared>> -> memref<49x128xf32, #tpu.memory_space<vmem_shared>>
      %dma_wait3A_189 = arith.constant 0 : i32
      %dma_wait3A_190 = tpu.memref_slice %arg11[%add3A_107, %dma_wait3A_189] : memref<10000x128xf32, #tpu.memory_space<vmem_shared>> -> memref<49x128xf32, #tpu.memory_space<vmem_shared>>
      %dma_wait3A_191 = arith.constant 0 : i32
      %dma_wait3A_192 = arith.constant 0 : i32
      %dma_wait3A_193 = tpu.memref_slice %arg10[%run_scoped3A_108, %dma_wait3A_191, %dma_wait3A_192] : memref<4x64x128xf32, #tpu.memory_space<vmem>> -> memref<1x49x128xf32, #tpu.memory_space<vmem>>
      %dma_wait3A_194 = tpu.memref_squeeze %dma_wait3A_193 : memref<1x49x128xf32, #tpu.memory_space<vmem>> -> memref<49x128xf32, #tpu.memory_space<vmem>>
      tpu.wait_dma2 semaphore(%run_scoped3A_170 : memref<!tpu.dma_semaphore, #tpu.memory_space<semaphore_mem>>) src(%dma_wait3A_194 : memref<49x128xf32, #tpu.memory_space<vmem>>) dst(%dma_wait3A_190 : memref<49x128xf32, #tpu.memory_space<vmem_shared>>)
      tpu.yield
    }) : () -> ()
    %barrier3A = arith.constant 0 : index
    tpu.barrier barrier_id(%barrier3A)
    %dma_start3A_109 = arith.constant 3 : i32
    %dma_start3A_110 = arith.constant 0 : i32
    %dma_start3A_111 = arith.constant 0 : i32
    %dma_start3A_112 = arith.constant 0 : i32
    %dma_start3A_113 = tpu.memref_slice %arg10[%dma_start3A_109, %dma_start3A_111, %dma_start3A_112] : memref<4x64x128xf32, #tpu.memory_space<vmem>> -> memref<1x64x128xf32, #tpu.memory_space<vmem>>
    %dma_start3A_114 = tpu.memref_squeeze %dma_start3A_113 : memref<1x64x128xf32, #tpu.memory_space<vmem>> -> memref<64x128xf32, #tpu.memory_space<vmem>>
    %dma_start3A_115 = arith.constant 0 : i32
    %dma_start3A_116 = tpu.memref_slice %arg8[%dma_start3A_110, %dma_start3A_115] : memref<24x64xi32, #tpu.memory_space<vmem>> -> memref<1x64xi32, #tpu.memory_space<vmem>>
    %dma_start3A_117 = tpu.memref_squeeze %dma_start3A_116 : memref<1x64xi32, #tpu.memory_space<vmem>> -> memref<64xi32, #tpu.memory_space<vmem>>
    %dma_start3A_118 = arith.constant 0 : i32
    %dma_start3A_119 = arith.constant 0 : i32
    %dma_start3A_120 = tpu.memref_slice %arg11[%dma_start3A_118, %dma_start3A_119] : memref<10000x128xf32, #tpu.memory_space<vmem_shared>> -> memref<10000x128xf32, #tpu.memory_space<vmem_shared>>
    tpu.enqueue_indirect_dma source(%dma_start3A_114 : memref<64x128xf32, #tpu.memory_space<vmem>>) target(%dma_start3A_120 : memref<10000x128xf32, #tpu.memory_space<vmem_shared>>) offsets(%dma_start3A_117 : memref<64xi32, #tpu.memory_space<vmem>>) semaphore(%arg18 : memref<!tpu.dma_semaphore, #tpu.memory_space<semaphore_mem>>) {add = true}
    %dma_start3A_121 = arith.constant 3 : i32
    %dma_start3A_122 = arith.constant 0 : i32
    %dma_start3A_123 = arith.constant 0 : i32
    %dma_start3A_124 = arith.constant 0 : i32
    %dma_start3A_125 = tpu.memref_slice %arg10[%dma_start3A_121, %dma_start3A_123, %dma_start3A_124] : memref<4x64x128xf32, #tpu.memory_space<vmem>> -> memref<1x64x128xf32, #tpu.memory_space<vmem>>
    %dma_start3A_126 = tpu.memref_squeeze %dma_start3A_125 : memref<1x64x128xf32, #tpu.memory_space<vmem>> -> memref<64x128xf32, #tpu.memory_space<vmem>>
    %dma_start3A_127 = arith.constant 0 : i32
    %dma_start3A_128 = tpu.memref_slice %arg8[%dma_start3A_122, %dma_start3A_127] : memref<24x64xi32, #tpu.memory_space<vmem>> -> memref<1x64xi32, #tpu.memory_space<vmem>>
    %dma_start3A_129 = tpu.memref_squeeze %dma_start3A_128 : memref<1x64xi32, #tpu.memory_space<vmem>> -> memref<64xi32, #tpu.memory_space<vmem>>
    %dma_start3A_130 = arith.constant 0 : i32
    %dma_start3A_131 = arith.constant 0 : i32
    %dma_start3A_132 = tpu.memref_slice %arg11[%dma_start3A_130, %dma_start3A_131] : memref<10000x128xf32, #tpu.memory_space<vmem_shared>> -> memref<10000x128xf32, #tpu.memory_space<vmem_shared>>
    tpu.enqueue_indirect_dma source(%dma_start3A_126 : memref<64x128xf32, #tpu.memory_space<vmem>>) target(%dma_start3A_132 : memref<10000x128xf32, #tpu.memory_space<vmem_shared>>) offsets(%dma_start3A_129 : memref<64xi32, #tpu.memory_space<vmem>>) semaphore(%arg19 : memref<!tpu.dma_semaphore, #tpu.memory_space<semaphore_mem>>) {add = true}
    %scan3A_133 = arith.constant 0 : i32
    %scan3A_134 = arith.constant 0 : i32
    %scan3A_135 = arith.constant 20 : i32
    %scan3A_136 = arith.addi %scan3A_134, %scan3A_135 : i32
    %scan3A_137 = arith.constant 1 : i32
    %scan3A_138 = scf.for %scan3A_170 = %scan3A_134 to %scan3A_136 step %scan3A_137 iter_args(%scan3A_171 = %scan3A_133) -> (i32)  : i32 {
      %jit3A = arith.constant 3 : i32
      %eq3A_172 = arith.constant 0 : i32
      %eq3A_173 = arith.cmpi eq, %jit3A, %eq3A_172 : i32
      %jit3A_174 = arith.constant 1 : i32
      %select_n3A = arith.select %eq3A_173, %jit3A_174, %jit3A : i32
      %rem3A = arith.remsi %scan3A_170, %select_n3A : i32
      %ne3A = arith.constant 0 : i32
      %ne3A_175 = arith.cmpi ne, %rem3A, %ne3A : i32
      %lt3A_176 = arith.constant 0 : i32
      %lt3A_177 = arith.cmpi slt, %rem3A, %lt3A_176 : i32
      %lt3A_178 = arith.constant 0 : i32
      %lt3A_179 = arith.cmpi slt, %select_n3A, %lt3A_178 : i32
      %ne3A_180 = arith.xori %lt3A_177, %lt3A_179 : i1
      %and3A = arith.andi %ne3A_180, %ne3A_175 : i1
      %add3A_181 = arith.addi %rem3A, %select_n3A : i32
      %select_n3A_182 = arith.select %and3A, %add3A_181, %rem3A : i32
      %add3A_183 = arith.constant 1 : i32
      %add3A_184 = arith.addi %scan3A_170, %add3A_183 : i32
      %jit3A_185 = arith.constant 3 : i32
      %eq3A_186 = arith.constant 0 : i32
      %eq3A_187 = arith.cmpi eq, %jit3A_185, %eq3A_186 : i32
      %jit3A_188 = arith.constant 1 : i32
      %select_n3A_189 = arith.select %eq3A_187, %jit3A_188, %jit3A_185 : i32
      %rem3A_190 = arith.remsi %add3A_184, %select_n3A_189 : i32
      %ne3A_191 = arith.constant 0 : i32
      %ne3A_192 = arith.cmpi ne, %rem3A_190, %ne3A_191 : i32
      %lt3A_193 = arith.constant 0 : i32
      %lt3A_194 = arith.cmpi slt, %rem3A_190, %lt3A_193 : i32
      %lt3A_195 = arith.constant 0 : i32
      %lt3A_196 = arith.cmpi slt, %select_n3A_189, %lt3A_195 : i32
      %ne3A_197 = arith.xori %lt3A_194, %lt3A_196 : i1
      %and3A_198 = arith.andi %ne3A_197, %ne3A_192 : i1
      %add3A_199 = arith.addi %rem3A_190, %select_n3A_189 : i32
      %select_n3A_200 = arith.select %and3A_198, %add3A_199, %rem3A_190 : i32
      %scan3A_201 = arith.constant 0 : i32
      %scan3A_202 = arith.constant 0 : i32
      %mul3A_203 = arith.constant 4 : i32
      %mul3A_204 = arith.muli %mul3A_203, %scan3A_202 : i32
      %add3A_205 = arith.constant 0 : i32
      %add3A_206 = arith.addi %mul3A_204, %add3A_205 : i32
      %dma_wait3A_207 = arith.constant 0 : i32
      %dma_wait3A_208 = arith.constant 0 : i32
      %dma_wait3A_209 = arith.constant 0 : i32
      %dma_wait3A_210 = arith.constant 0 : i32
      %dma_wait3A_211 = tpu.memref_slice %arg10[%dma_wait3A_208, %dma_wait3A_209, %dma_wait3A_210] : memref<4x64x128xf32, #tpu.memory_space<vmem>> -> memref<1x64x128xf32, #tpu.memory_space<vmem>>
      %dma_wait3A_212 = tpu.memref_squeeze %dma_wait3A_211 : memref<1x64x128xf32, #tpu.memory_space<vmem>> -> memref<64x128xf32, #tpu.memory_space<vmem>>
      %dma_wait3A_213 = arith.constant 0 : i32
      %dma_wait3A_214 = tpu.memref_slice %arg7[%dma_wait3A_207, %dma_wait3A_213] : memref<24x64xi32, #tpu.memory_space<vmem>> -> memref<1x64xi32, #tpu.memory_space<vmem>>
      %dma_wait3A_215 = tpu.memref_squeeze %dma_wait3A_214 : memref<1x64xi32, #tpu.memory_space<vmem>> -> memref<64xi32, #tpu.memory_space<vmem>>
      %dma_wait3A_216 = arith.constant 0 : i32
      %dma_wait3A_217 = arith.constant 0 : i32
      %dma_wait3A_218 = tpu.memref_slice %arg2[%dma_wait3A_216, %dma_wait3A_217] : memref<10000x128xf32, #tpu.memory_space<hbm>> -> memref<10000x128xf32, #tpu.memory_space<hbm>>
      tpu.wait_indirect_dma semaphore(%arg12 : memref<!tpu.dma_semaphore, #tpu.memory_space<semaphore_mem>>) src(%dma_wait3A_218 : memref<10000x128xf32, #tpu.memory_space<hbm>>) dst(%dma_wait3A_212 : memref<64x128xf32, #tpu.memory_space<vmem>>)
      %dma_wait3A_219 = arith.constant 2 : i32
      %dma_wait3A_220 = arith.constant 0 : i32
      %dma_wait3A_221 = arith.constant 0 : i32
      %dma_wait3A_222 = arith.constant 0 : i32
      %dma_wait3A_223 = tpu.memref_slice %arg10[%dma_wait3A_219, %dma_wait3A_221, %dma_wait3A_222] : memref<4x64x128xf32, #tpu.memory_space<vmem>> -> memref<1x64x128xf32, #tpu.memory_space<vmem>>
      %dma_wait3A_224 = tpu.memref_squeeze %dma_wait3A_223 : memref<1x64x128xf32, #tpu.memory_space<vmem>> -> memref<64x128xf32, #tpu.memory_space<vmem>>
      %dma_wait3A_225 = arith.constant 0 : i32
      %dma_wait3A_226 = tpu.memref_slice %arg8[%dma_wait3A_220, %dma_wait3A_225] : memref<24x64xi32, #tpu.memory_space<vmem>> -> memref<1x64xi32, #tpu.memory_space<vmem>>
      %dma_wait3A_227 = tpu.memref_squeeze %dma_wait3A_226 : memref<1x64xi32, #tpu.memory_space<vmem>> -> memref<64xi32, #tpu.memory_space<vmem>>
      %dma_wait3A_228 = arith.constant 0 : i32
      %dma_wait3A_229 = arith.constant 0 : i32
      %dma_wait3A_230 = tpu.memref_slice %arg11[%dma_wait3A_228, %dma_wait3A_229] : memref<10000x128xf32, #tpu.memory_space<vmem_shared>> -> memref<10000x128xf32, #tpu.memory_space<vmem_shared>>
      tpu.wait_indirect_dma semaphore(%arg18 : memref<!tpu.dma_semaphore, #tpu.memory_space<semaphore_mem>>) src(%dma_wait3A_224 : memref<64x128xf32, #tpu.memory_space<vmem>>) dst(%dma_wait3A_230 : memref<10000x128xf32, #tpu.memory_space<vmem_shared>>)
      %add3A_231 = arith.constant 2 : i32
      %add3A_232 = arith.addi %add3A_206, %add3A_231 : i32
      %mul3A_233 = arith.constant 8 : i32
      %mul3A_234 = arith.muli %select_n3A_182, %mul3A_233 : i32
      %add3A_235 = arith.addi %mul3A_234, %add3A_232 : i32
      %dma_start3A_236 = arith.constant 2 : i32
      %dma_start3A_237 = arith.constant 0 : i32
      %dma_start3A_238 = arith.constant 0 : i32
      %dma_start3A_239 = tpu.memref_slice %arg10[%dma_start3A_236, %dma_start3A_237, %dma_start3A_238] : memref<4x64x128xf32, #tpu.memory_space<vmem>> -> memref<1x64x128xf32, #tpu.memory_space<vmem>>
      %dma_start3A_240 = tpu.memref_squeeze %dma_start3A_239 : memref<1x64x128xf32, #tpu.memory_space<vmem>> -> memref<64x128xf32, #tpu.memory_space<vmem>>
      %dma_start3A_241 = arith.constant 0 : i32
      %dma_start3A_242 = tpu.memref_slice %arg7[%add3A_235, %dma_start3A_241] : memref<24x64xi32, #tpu.memory_space<vmem>> -> memref<1x64xi32, #tpu.memory_space<vmem>>
      %dma_start3A_243 = tpu.memref_squeeze %dma_start3A_242 : memref<1x64xi32, #tpu.memory_space<vmem>> -> memref<64xi32, #tpu.memory_space<vmem>>
      %dma_start3A_244 = arith.constant 0 : i32
      %dma_start3A_245 = arith.constant 0 : i32
      %dma_start3A_246 = tpu.memref_slice %arg2[%dma_start3A_244, %dma_start3A_245] : memref<10000x128xf32, #tpu.memory_space<hbm>> -> memref<10000x128xf32, #tpu.memory_space<hbm>>
      tpu.enqueue_indirect_dma source(%dma_start3A_246 : memref<10000x128xf32, #tpu.memory_space<hbm>>) target(%dma_start3A_240 : memref<64x128xf32, #tpu.memory_space<vmem>>) offsets(%dma_start3A_243 : memref<64xi32, #tpu.memory_space<vmem>>) semaphore(%arg14 : memref<!tpu.dma_semaphore, #tpu.memory_space<semaphore_mem>>)
      %scan3A_247 = arith.constant 0 : i32
      %scan3A_248 = arith.constant 0 : i32
      %scan3A_249 = arith.constant 4 : i32
      %scan3A_250 = arith.addi %scan3A_248, %scan3A_249 : i32
      %scan3A_251 = arith.constant 1 : i32
      %scan3A_252 = scf.for %scan3A_702 = %scan3A_248 to %scan3A_250 step %scan3A_251 iter_args(%scan3A_703 = %scan3A_247) -> (i32)  : i32 {
        %mul3A_704 = arith.constant 8 : i32
        %mul3A_705 = arith.muli %select_n3A_182, %mul3A_704 : i32
        %add3A_706 = arith.addi %mul3A_705, %add3A_206 : i32
        %mul3A_707 = arith.constant 16 : i32
        %mul3A_708 = arith.muli %scan3A_702, %mul3A_707 : i32
        %get3A = arith.index_cast %add3A_706 : i32 to index
        %get3A_709 = arith.index_cast %mul3A_708 : i32 to index
        %get3A_710 = tpu.vector_load %arg9[%get3A, %get3A_709] {strides = array<i32>} : memref<24x64xf32, #tpu.memory_space<vmem>>, vector<1x16xf32>,
        %get3A_711 = vector.shape_cast %get3A_710 : vector<1x16xf32> to vector<16xf32>
        %parallel_loop3A = arith.constant 0 : i32
        %parallel_loop3A_712 = arith.constant 16 : i32
        %parallel_loop3A_713 = arith.constant 1 : i32
        scf.for %parallel_loop3A_715 = %parallel_loop3A to %parallel_loop3A_712 step %parallel_loop3A_713  : i32 {
          %parallel_loop3A_716 = vector.broadcast %parallel_loop3A_715 : i32 to vector<16x1xi32>
          %parallel_loop3A_717 = vector.shape_cast %parallel_loop3A_716 : vector<16x1xi32> to vector<16xi32>
          %parallel_loop3A_718 = tpu.dynamic_gather %get3A_711[%parallel_loop3A_717] in [0] : vector<16xf32>, vector<16xi32> -> vector<16xf32>
          %parallel_loop3A_719 = arith.constant 16 : i32
          %parallel_loop3A_720 = arith.muli %scan3A_702, %parallel_loop3A_719 : i32
          %parallel_loop3A_721 = arith.addi %parallel_loop3A_720, %parallel_loop3A_715 : i32
          %parallel_loop3A_722 = arith.constant 0 : i32
          %parallel_loop3A_723 = arith.index_cast %parallel_loop3A_722 : i32 to index
          %parallel_loop3A_724 = arith.index_cast %parallel_loop3A_721 : i32 to index
          %parallel_loop3A_725 = arith.constant 0 : index
          %parallel_loop3A_726 = tpu.vector_load %arg10[%parallel_loop3A_723, %parallel_loop3A_724, %parallel_loop3A_725] {strides = array<i32>} : memref<4x64x128xf32, #tpu.memory_space<vmem>>, vector<1x1x16xf32>,
          %parallel_loop3A_727 = vector.shape_cast %parallel_loop3A_726 : vector<1x1x16xf32> to vector<16xf32>
          %parallel_loop3A_728 = arith.mulf %parallel_loop3A_727, %parallel_loop3A_718 : vector<16xf32>
          %parallel_loop3A_729 = arith.constant 0 : i32
          %parallel_loop3A_730 = arith.index_cast %parallel_loop3A_729 : i32 to index
          %parallel_loop3A_731 = arith.index_cast %parallel_loop3A_721 : i32 to index
          %parallel_loop3A_732 = arith.constant 0 : index
          %parallel_loop3A_733 = tpu.vector_load %arg10[%parallel_loop3A_730, %parallel_loop3A_731, %parallel_loop3A_732] {strides = array<i32>} : memref<4x64x128xf32, #tpu.memory_space<vmem>>, vector<1x1x16xf32>,
          %parallel_loop3A_734 = vector.shape_cast %parallel_loop3A_733 : vector<1x1x16xf32> to vector<16xf32>
          %parallel_loop3A_735 = vector.shape_cast %parallel_loop3A_728 : vector<16xf32> to vector<1x1x16xf32>
          tpu.vector_store %arg10[%parallel_loop3A_730, %parallel_loop3A_731, %parallel_loop3A_732], %parallel_loop3A_735 {strides = array<i32>} : memref<4x64x128xf32, #tpu.memory_space<vmem>>, vector<1x1x16xf32>,
          %parallel_loop3A_736 = arith.constant 0 : i32
          %parallel_loop3A_737 = arith.index_cast %parallel_loop3A_736 : i32 to index
          %parallel_loop3A_738 = arith.index_cast %parallel_loop3A_721 : i32 to index
          %parallel_loop3A_739 = arith.constant 16 : index
          %parallel_loop3A_740 = tpu.vector_load %arg10[%parallel_loop3A_737, %parallel_loop3A_738, %parallel_loop3A_739] {strides = array<i32>} : memref<4x64x128xf32, #tpu.memory_space<vmem>>, vector<1x1x16xf32>,
          %parallel_loop3A_741 = vector.shape_cast %parallel_loop3A_740 : vector<1x1x16xf32> to vector<16xf32>
          %parallel_loop3A_742 = arith.mulf %parallel_loop3A_741, %parallel_loop3A_718 : vector<16xf32>
          %parallel_loop3A_743 = arith.constant 0 : i32
          %parallel_loop3A_744 = arith.index_cast %parallel_loop3A_743 : i32 to index
          %parallel_loop3A_745 = arith.index_cast %parallel_loop3A_721 : i32 to index
          %parallel_loop3A_746 = arith.constant 16 : index
          %parallel_loop3A_747 = tpu.vector_load %arg10[%parallel_loop3A_744, %parallel_loop3A_745, %parallel_loop3A_746] {strides = array<i32>} : memref<4x64x128xf32, #tpu.memory_space<vmem>>, vector<1x1x16xf32>,
          %parallel_loop3A_748 = vector.shape_cast %parallel_loop3A_747 : vector<1x1x16xf32> to vector<16xf32>
          %parallel_loop3A_749 = vector.shape_cast %parallel_loop3A_742 : vector<16xf32> to vector<1x1x16xf32>
          tpu.vector_store %arg10[%parallel_loop3A_744, %parallel_loop3A_745, %parallel_loop3A_746], %parallel_loop3A_749 {strides = array<i32>} : memref<4x64x128xf32, #tpu.memory_space<vmem>>, vector<1x1x16xf32>,
          %parallel_loop3A_750 = arith.constant 0 : i32
          %parallel_loop3A_751 = arith.index_cast %parallel_loop3A_750 : i32 to index
          %parallel_loop3A_752 = arith.index_cast %parallel_loop3A_721 : i32 to index
          %parallel_loop3A_753 = arith.constant 32 : index
          %parallel_loop3A_754 = tpu.vector_load %arg10[%parallel_loop3A_751, %parallel_loop3A_752, %parallel_loop3A_753] {strides = array<i32>} : memref<4x64x128xf32, #tpu.memory_space<vmem>>, vector<1x1x16xf32>,
          %parallel_loop3A_755 = vector.shape_cast %parallel_loop3A_754 : vector<1x1x16xf32> to vector<16xf32>
          %parallel_loop3A_756 = arith.mulf %parallel_loop3A_755, %parallel_loop3A_718 : vector<16xf32>
          %parallel_loop3A_757 = arith.constant 0 : i32
          %parallel_loop3A_758 = arith.index_cast %parallel_loop3A_757 : i32 to index
          %parallel_loop3A_759 = arith.index_cast %parallel_loop3A_721 : i32 to index
          %parallel_loop3A_760 = arith.constant 32 : index
          %parallel_loop3A_761 = tpu.vector_load %arg10[%parallel_loop3A_758, %parallel_loop3A_759, %parallel_loop3A_760] {strides = array<i32>} : memref<4x64x128xf32, #tpu.memory_space<vmem>>, vector<1x1x16xf32>,
          %parallel_loop3A_762 = vector.shape_cast %parallel_loop3A_761 : vector<1x1x16xf32> to vector<16xf32>
          %parallel_loop3A_763 = vector.shape_cast %parallel_loop3A_756 : vector<16xf32> to vector<1x1x16xf32>
          tpu.vector_store %arg10[%parallel_loop3A_758, %parallel_loop3A_759, %parallel_loop3A_760], %parallel_loop3A_763 {strides = array<i32>} : memref<4x64x128xf32, #tpu.memory_space<vmem>>, vector<1x1x16xf32>,
          %parallel_loop3A_764 = arith.constant 0 : i32
          %parallel_loop3A_765 = arith.index_cast %parallel_loop3A_764 : i32 to index
          %parallel_loop3A_766 = arith.index_cast %parallel_loop3A_721 : i32 to index
          %parallel_loop3A_767 = arith.constant 48 : index
          %parallel_loop3A_768 = tpu.vector_load %arg10[%parallel_loop3A_765, %parallel_loop3A_766, %parallel_loop3A_767] {strides = array<i32>} : memref<4x64x128xf32, #tpu.memory_space<vmem>>, vector<1x1x16xf32>,
          %parallel_loop3A_769 = vector.shape_cast %parallel_loop3A_768 : vector<1x1x16xf32> to vector<16xf32>
          %parallel_loop3A_770 = arith.mulf %parallel_loop3A_769, %parallel_loop3A_718 : vector<16xf32>
          %parallel_loop3A_771 = arith.constant 0 : i32
          %parallel_loop3A_772 = arith.index_cast %parallel_loop3A_771 : i32 to index
          %parallel_loop3A_773 = arith.index_cast %parallel_loop3A_721 : i32 to index
          %parallel_loop3A_774 = arith.constant 48 : index
          %parallel_loop3A_775 = tpu.vector_load %arg10[%parallel_loop3A_772, %parallel_loop3A_773, %parallel_loop3A_774] {strides = array<i32>} : memref<4x64x128xf32, #tpu.memory_space<vmem>>, vector<1x1x16xf32>,
          %parallel_loop3A_776 = vector.shape_cast %parallel_loop3A_775 : vector<1x1x16xf32> to vector<16xf32>
          %parallel_loop3A_777 = vector.shape_cast %parallel_loop3A_770 : vector<16xf32> to vector<1x1x16xf32>
          tpu.vector_store %arg10[%parallel_loop3A_772, %parallel_loop3A_773, %parallel_loop3A_774], %parallel_loop3A_777 {strides = array<i32>} : memref<4x64x128xf32, #tpu.memory_space<vmem>>, vector<1x1x16xf32>,
          %parallel_loop3A_778 = arith.constant 0 : i32
          %parallel_loop3A_779 = arith.index_cast %parallel_loop3A_778 : i32 to index
          %parallel_loop3A_780 = arith.index_cast %parallel_loop3A_721 : i32 to index
          %parallel_loop3A_781 = arith.constant 64 : index
          %parallel_loop3A_782 = tpu.vector_load %arg10[%parallel_loop3A_779, %parallel_loop3A_780, %parallel_loop3A_781] {strides = array<i32>} : memref<4x64x128xf32, #tpu.memory_space<vmem>>, vector<1x1x16xf32>,
          %parallel_loop3A_783 = vector.shape_cast %parallel_loop3A_782 : vector<1x1x16xf32> to vector<16xf32>
          %parallel_loop3A_784 = arith.mulf %parallel_loop3A_783, %parallel_loop3A_718 : vector<16xf32>
          %parallel_loop3A_785 = arith.constant 0 : i32
          %parallel_loop3A_786 = arith.index_cast %parallel_loop3A_785 : i32 to index
          %parallel_loop3A_787 = arith.index_cast %parallel_loop3A_721 : i32 to index
          %parallel_loop3A_788 = arith.constant 64 : index
          %parallel_loop3A_789 = tpu.vector_load %arg10[%parallel_loop3A_786, %parallel_loop3A_787, %parallel_loop3A_788] {strides = array<i32>} : memref<4x64x128xf32, #tpu.memory_space<vmem>>, vector<1x1x16xf32>,
          %parallel_loop3A_790 = vector.shape_cast %parallel_loop3A_789 : vector<1x1x16xf32> to vector<16xf32>
          %parallel_loop3A_791 = vector.shape_cast %parallel_loop3A_784 : vector<16xf32> to vector<1x1x16xf32>
          tpu.vector_store %arg10[%parallel_loop3A_786, %parallel_loop3A_787, %parallel_loop3A_788], %parallel_loop3A_791 {strides = array<i32>} : memref<4x64x128xf32, #tpu.memory_space<vmem>>, vector<1x1x16xf32>,
          %parallel_loop3A_792 = arith.constant 0 : i32
          %parallel_loop3A_793 = arith.index_cast %parallel_loop3A_792 : i32 to index
          %parallel_loop3A_794 = arith.index_cast %parallel_loop3A_721 : i32 to index
          %parallel_loop3A_795 = arith.constant 80 : index
          %parallel_loop3A_796 = tpu.vector_load %arg10[%parallel_loop3A_793, %parallel_loop3A_794, %parallel_loop3A_795] {strides = array<i32>} : memref<4x64x128xf32, #tpu.memory_space<vmem>>, vector<1x1x16xf32>,
          %parallel_loop3A_797 = vector.shape_cast %parallel_loop3A_796 : vector<1x1x16xf32> to vector<16xf32>
          %parallel_loop3A_798 = arith.mulf %parallel_loop3A_797, %parallel_loop3A_718 : vector<16xf32>
          %parallel_loop3A_799 = arith.constant 0 : i32
          %parallel_loop3A_800 = arith.index_cast %parallel_loop3A_799 : i32 to index
          %parallel_loop3A_801 = arith.index_cast %parallel_loop3A_721 : i32 to index
          %parallel_loop3A_802 = arith.constant 80 : index
          %parallel_loop3A_803 = tpu.vector_load %arg10[%parallel_loop3A_800, %parallel_loop3A_801, %parallel_loop3A_802] {strides = array<i32>} : memref<4x64x128xf32, #tpu.memory_space<vmem>>, vector<1x1x16xf32>,
          %parallel_loop3A_804 = vector.shape_cast %parallel_loop3A_803 : vector<1x1x16xf32> to vector<16xf32>
          %parallel_loop3A_805 = vector.shape_cast %parallel_loop3A_798 : vector<16xf32> to vector<1x1x16xf32>
          tpu.vector_store %arg10[%parallel_loop3A_800, %parallel_loop3A_801, %parallel_loop3A_802], %parallel_loop3A_805 {strides = array<i32>} : memref<4x64x128xf32, #tpu.memory_space<vmem>>, vector<1x1x16xf32>,
          %parallel_loop3A_806 = arith.constant 0 : i32
          %parallel_loop3A_807 = arith.index_cast %parallel_loop3A_806 : i32 to index
          %parallel_loop3A_808 = arith.index_cast %parallel_loop3A_721 : i32 to index
          %parallel_loop3A_809 = arith.constant 96 : index
          %parallel_loop3A_810 = tpu.vector_load %arg10[%parallel_loop3A_807, %parallel_loop3A_808, %parallel_loop3A_809] {strides = array<i32>} : memref<4x64x128xf32, #tpu.memory_space<vmem>>, vector<1x1x16xf32>,
          %parallel_loop3A_811 = vector.shape_cast %parallel_loop3A_810 : vector<1x1x16xf32> to vector<16xf32>
          %parallel_loop3A_812 = arith.mulf %parallel_loop3A_811, %parallel_loop3A_718 : vector<16xf32>
          %parallel_loop3A_813 = arith.constant 0 : i32
          %parallel_loop3A_814 = arith.index_cast %parallel_loop3A_813 : i32 to index
          %parallel_loop3A_815 = arith.index_cast %parallel_loop3A_721 : i32 to index
          %parallel_loop3A_816 = arith.constant 96 : index
          %parallel_loop3A_817 = tpu.vector_load %arg10[%parallel_loop3A_814, %parallel_loop3A_815, %parallel_loop3A_816] {strides = array<i32>} : memref<4x64x128xf32, #tpu.memory_space<vmem>>, vector<1x1x16xf32>,
          %parallel_loop3A_818 = vector.shape_cast %parallel_loop3A_817 : vector<1x1x16xf32> to vector<16xf32>
          %parallel_loop3A_819 = vector.shape_cast %parallel_loop3A_812 : vector<16xf32> to vector<1x1x16xf32>
          tpu.vector_store %arg10[%parallel_loop3A_814, %parallel_loop3A_815, %parallel_loop3A_816], %parallel_loop3A_819 {strides = array<i32>} : memref<4x64x128xf32, #tpu.memory_space<vmem>>, vector<1x1x16xf32>,
          %parallel_loop3A_820 = arith.constant 0 : i32
          %parallel_loop3A_821 = arith.index_cast %parallel_loop3A_820 : i32 to index
          %parallel_loop3A_822 = arith.index_cast %parallel_loop3A_721 : i32 to index
          %parallel_loop3A_823 = arith.constant 112 : index
          %parallel_loop3A_824 = tpu.vector_load %arg10[%parallel_loop3A_821, %parallel_loop3A_822, %parallel_loop3A_823] {strides = array<i32>} : memref<4x64x128xf32, #tpu.memory_space<vmem>>, vector<1x1x16xf32>,
          %parallel_loop3A_825 = vector.shape_cast %parallel_loop3A_824 : vector<1x1x16xf32> to vector<16xf32>
          %parallel_loop3A_826 = arith.mulf %parallel_loop3A_825, %parallel_loop3A_718 : vector<16xf32>
          %parallel_loop3A_827 = arith.constant 0 : i32
          %parallel_loop3A_828 = arith.index_cast %parallel_loop3A_827 : i32 to index
          %parallel_loop3A_829 = arith.index_cast %parallel_loop3A_721 : i32 to index
          %parallel_loop3A_830 = arith.constant 112 : index
          %parallel_loop3A_831 = tpu.vector_load %arg10[%parallel_loop3A_828, %parallel_loop3A_829, %parallel_loop3A_830] {strides = array<i32>} : memref<4x64x128xf32, #tpu.memory_space<vmem>>, vector<1x1x16xf32>,
          %parallel_loop3A_832 = vector.shape_cast %parallel_loop3A_831 : vector<1x1x16xf32> to vector<16xf32>
          %parallel_loop3A_833 = vector.shape_cast %parallel_loop3A_826 : vector<16xf32> to vector<1x1x16xf32>
          tpu.vector_store %arg10[%parallel_loop3A_828, %parallel_loop3A_829, %parallel_loop3A_830], %parallel_loop3A_833 {strides = array<i32>} : memref<4x64x128xf32, #tpu.memory_space<vmem>>, vector<1x1x16xf32>,
        } {sc.loop_unroll_factor = 4 : i64, sc.parallel_access}
        %scan3A_714 = arith.constant 0 : i32
        scf.yield %scan3A_714 : i32
      }
      %scan3A_253 = arith.constant 4 : i32
      %mul3A_254 = arith.constant 8 : i32
      %mul3A_255 = arith.muli %select_n3A_182, %mul3A_254 : i32
      %add3A_256 = arith.addi %mul3A_255, %add3A_206 : i32
      %dma_start3A_257 = arith.constant 0 : i32
      %dma_start3A_258 = arith.constant 0 : i32
      %dma_start3A_259 = arith.constant 0 : i32
      %dma_start3A_260 = tpu.memref_slice %arg10[%dma_start3A_257, %dma_start3A_258, %dma_start3A_259] : memref<4x64x128xf32, #tpu.memory_space<vmem>> -> memref<1x64x128xf32, #tpu.memory_space<vmem>>
      %dma_start3A_261 = tpu.memref_squeeze %dma_start3A_260 : memref<1x64x128xf32, #tpu.memory_space<vmem>> -> memref<64x128xf32, #tpu.memory_space<vmem>>
      %dma_start3A_262 = arith.constant 0 : i32
      %dma_start3A_263 = tpu.memref_slice %arg8[%add3A_256, %dma_start3A_262] : memref<24x64xi32, #tpu.memory_space<vmem>> -> memref<1x64xi32, #tpu.memory_space<vmem>>
      %dma_start3A_264 = tpu.memref_squeeze %dma_start3A_263 : memref<1x64xi32, #tpu.memory_space<vmem>> -> memref<64xi32, #tpu.memory_space<vmem>>
      %dma_start3A_265 = arith.constant 0 : i32
      %dma_start3A_266 = arith.constant 0 : i32
      %dma_start3A_267 = tpu.memref_slice %arg11[%dma_start3A_265, %dma_start3A_266] : memref<10000x128xf32, #tpu.memory_space<vmem_shared>> -> memref<10000x128xf32, #tpu.memory_space<vmem_shared>>
      tpu.enqueue_indirect_dma source(%dma_start3A_261 : memref<64x128xf32, #tpu.memory_space<vmem>>) target(%dma_start3A_267 : memref<10000x128xf32, #tpu.memory_space<vmem_shared>>) offsets(%dma_start3A_264 : memref<64xi32, #tpu.memory_space<vmem>>) semaphore(%arg16 : memref<!tpu.dma_semaphore, #tpu.memory_space<semaphore_mem>>) {add = true}
      %add3A_268 = arith.constant 1 : i32
      %add3A_269 = arith.addi %mul3A_204, %add3A_268 : i32
      %dma_wait3A_270 = arith.constant 0 : i32
      %dma_wait3A_271 = arith.constant 1 : i32
      %dma_wait3A_272 = arith.constant 0 : i32
      %dma_wait3A_273 = arith.constant 0 : i32
      %dma_wait3A_274 = tpu.memref_slice %arg10[%dma_wait3A_271, %dma_wait3A_272, %dma_wait3A_273] : memref<4x64x128xf32, #tpu.memory_space<vmem>> -> memref<1x64x128xf32, #tpu.memory_space<vmem>>
      %dma_wait3A_275 = tpu.memref_squeeze %dma_wait3A_274 : memref<1x64x128xf32, #tpu.memory_space<vmem>> -> memref<64x128xf32, #tpu.memory_space<vmem>>
      %dma_wait3A_276 = arith.constant 0 : i32
      %dma_wait3A_277 = tpu.memref_slice %arg7[%dma_wait3A_270, %dma_wait3A_276] : memref<24x64xi32, #tpu.memory_space<vmem>> -> memref<1x64xi32, #tpu.memory_space<vmem>>
      %dma_wait3A_278 = tpu.memref_squeeze %dma_wait3A_277 : memref<1x64xi32, #tpu.memory_space<vmem>> -> memref<64xi32, #tpu.memory_space<vmem>>
      %dma_wait3A_279 = arith.constant 0 : i32
      %dma_wait3A_280 = arith.constant 0 : i32
      %dma_wait3A_281 = tpu.memref_slice %arg2[%dma_wait3A_279, %dma_wait3A_280] : memref<10000x128xf32, #tpu.memory_space<hbm>> -> memref<10000x128xf32, #tpu.memory_space<hbm>>
      tpu.wait_indirect_dma semaphore(%arg13 : memref<!tpu.dma_semaphore, #tpu.memory_space<semaphore_mem>>) src(%dma_wait3A_281 : memref<10000x128xf32, #tpu.memory_space<hbm>>) dst(%dma_wait3A_275 : memref<64x128xf32, #tpu.memory_space<vmem>>)
      %dma_wait3A_282 = arith.constant 3 : i32
      %dma_wait3A_283 = arith.constant 0 : i32
      %dma_wait3A_284 = arith.constant 0 : i32
      %dma_wait3A_285 = arith.constant 0 : i32
      %dma_wait3A_286 = tpu.memref_slice %arg10[%dma_wait3A_282, %dma_wait3A_284, %dma_wait3A_285] : memref<4x64x128xf32, #tpu.memory_space<vmem>> -> memref<1x64x128xf32, #tpu.memory_space<vmem>>
      %dma_wait3A_287 = tpu.memref_squeeze %dma_wait3A_286 : memref<1x64x128xf32, #tpu.memory_space<vmem>> -> memref<64x128xf32, #tpu.memory_space<vmem>>
      %dma_wait3A_288 = arith.constant 0 : i32
      %dma_wait3A_289 = tpu.memref_slice %arg8[%dma_wait3A_283, %dma_wait3A_288] : memref<24x64xi32, #tpu.memory_space<vmem>> -> memref<1x64xi32, #tpu.memory_space<vmem>>
      %dma_wait3A_290 = tpu.memref_squeeze %dma_wait3A_289 : memref<1x64xi32, #tpu.memory_space<vmem>> -> memref<64xi32, #tpu.memory_space<vmem>>
      %dma_wait3A_291 = arith.constant 0 : i32
      %dma_wait3A_292 = arith.constant 0 : i32
      %dma_wait3A_293 = tpu.memref_slice %arg11[%dma_wait3A_291, %dma_wait3A_292] : memref<10000x128xf32, #tpu.memory_space<vmem_shared>> -> memref<10000x128xf32, #tpu.memory_space<vmem_shared>>
      tpu.wait_indirect_dma semaphore(%arg19 : memref<!tpu.dma_semaphore, #tpu.memory_space<semaphore_mem>>) src(%dma_wait3A_287 : memref<64x128xf32, #tpu.memory_space<vmem>>) dst(%dma_wait3A_293 : memref<10000x128xf32, #tpu.memory_space<vmem_shared>>)
      %add3A_294 = arith.constant 2 : i32
      %add3A_295 = arith.addi %add3A_269, %add3A_294 : i32
      %mul3A_296 = arith.constant 8 : i32
      %mul3A_297 = arith.muli %select_n3A_182, %mul3A_296 : i32
      %add3A_298 = arith.addi %mul3A_297, %add3A_295 : i32
      %dma_start3A_299 = arith.constant 3 : i32
      %dma_start3A_300 = arith.constant 0 : i32
      %dma_start3A_301 = arith.constant 0 : i32
      %dma_start3A_302 = tpu.memref_slice %arg10[%dma_start3A_299, %dma_start3A_300, %dma_start3A_301] : memref<4x64x128xf32, #tpu.memory_space<vmem>> -> memref<1x64x128xf32, #tpu.memory_space<vmem>>
      %dma_start3A_303 = tpu.memref_squeeze %dma_start3A_302 : memref<1x64x128xf32, #tpu.memory_space<vmem>> -> memref<64x128xf32, #tpu.memory_space<vmem>>
      %dma_start3A_304 = arith.constant 0 : i32
      %dma_start3A_305 = tpu.memref_slice %arg7[%add3A_298, %dma_start3A_304] : memref<24x64xi32, #tpu.memory_space<vmem>> -> memref<1x64xi32, #tpu.memory_space<vmem>>
      %dma_start3A_306 = tpu.memref_squeeze %dma_start3A_305 : memref<1x64xi32, #tpu.memory_space<vmem>> -> memref<64xi32, #tpu.memory_space<vmem>>
      %dma_start3A_307 = arith.constant 0 : i32
      %dma_start3A_308 = arith.constant 0 : i32
      %dma_start3A_309 = tpu.memref_slice %arg2[%dma_start3A_307, %dma_start3A_308] : memref<10000x128xf32, #tpu.memory_space<hbm>> -> memref<10000x128xf32, #tpu.memory_space<hbm>>
      tpu.enqueue_indirect_dma source(%dma_start3A_309 : memref<10000x128xf32, #tpu.memory_space<hbm>>) target(%dma_start3A_303 : memref<64x128xf32, #tpu.memory_space<vmem>>) offsets(%dma_start3A_306 : memref<64xi32, #tpu.memory_space<vmem>>) semaphore(%arg15 : memref<!tpu.dma_semaphore, #tpu.memory_space<semaphore_mem>>)
      %scan3A_310 = arith.constant 0 : i32
      %scan3A_311 = arith.constant 0 : i32
      %scan3A_312 = arith.constant 4 : i32
      %scan3A_313 = arith.addi %scan3A_311, %scan3A_312 : i32
      %scan3A_314 = arith.constant 1 : i32
      %scan3A_315 = scf.for %scan3A_702 = %scan3A_311 to %scan3A_313 step %scan3A_314 iter_args(%scan3A_703 = %scan3A_310) -> (i32)  : i32 {
        %mul3A_704 = arith.constant 8 : i32
        %mul3A_705 = arith.muli %select_n3A_182, %mul3A_704 : i32
        %add3A_706 = arith.addi %mul3A_705, %add3A_269 : i32
        %mul3A_707 = arith.constant 16 : i32
        %mul3A_708 = arith.muli %scan3A_702, %mul3A_707 : i32
        %get3A = arith.index_cast %add3A_706 : i32 to index
        %get3A_709 = arith.index_cast %mul3A_708 : i32 to index
        %get3A_710 = tpu.vector_load %arg9[%get3A, %get3A_709] {strides = array<i32>} : memref<24x64xf32, #tpu.memory_space<vmem>>, vector<1x16xf32>,
        %get3A_711 = vector.shape_cast %get3A_710 : vector<1x16xf32> to vector<16xf32>
        %parallel_loop3A = arith.constant 0 : i32
        %parallel_loop3A_712 = arith.constant 16 : i32
        %parallel_loop3A_713 = arith.constant 1 : i32
        scf.for %parallel_loop3A_715 = %parallel_loop3A to %parallel_loop3A_712 step %parallel_loop3A_713  : i32 {
          %parallel_loop3A_716 = vector.broadcast %parallel_loop3A_715 : i32 to vector<16x1xi32>
          %parallel_loop3A_717 = vector.shape_cast %parallel_loop3A_716 : vector<16x1xi32> to vector<16xi32>
          %parallel_loop3A_718 = tpu.dynamic_gather %get3A_711[%parallel_loop3A_717] in [0] : vector<16xf32>, vector<16xi32> -> vector<16xf32>
          %parallel_loop3A_719 = arith.constant 16 : i32
          %parallel_loop3A_720 = arith.muli %scan3A_702, %parallel_loop3A_719 : i32
          %parallel_loop3A_721 = arith.addi %parallel_loop3A_720, %parallel_loop3A_715 : i32
          %parallel_loop3A_722 = arith.constant 1 : i32
          %parallel_loop3A_723 = arith.index_cast %parallel_loop3A_722 : i32 to index
          %parallel_loop3A_724 = arith.index_cast %parallel_loop3A_721 : i32 to index
          %parallel_loop3A_725 = arith.constant 0 : index
          %parallel_loop3A_726 = tpu.vector_load %arg10[%parallel_loop3A_723, %parallel_loop3A_724, %parallel_loop3A_725] {strides = array<i32>} : memref<4x64x128xf32, #tpu.memory_space<vmem>>, vector<1x1x16xf32>,
          %parallel_loop3A_727 = vector.shape_cast %parallel_loop3A_726 : vector<1x1x16xf32> to vector<16xf32>
          %parallel_loop3A_728 = arith.mulf %parallel_loop3A_727, %parallel_loop3A_718 : vector<16xf32>
          %parallel_loop3A_729 = arith.constant 1 : i32
          %parallel_loop3A_730 = arith.index_cast %parallel_loop3A_729 : i32 to index
          %parallel_loop3A_731 = arith.index_cast %parallel_loop3A_721 : i32 to index
          %parallel_loop3A_732 = arith.constant 0 : index
          %parallel_loop3A_733 = tpu.vector_load %arg10[%parallel_loop3A_730, %parallel_loop3A_731, %parallel_loop3A_732] {strides = array<i32>} : memref<4x64x128xf32, #tpu.memory_space<vmem>>, vector<1x1x16xf32>,
          %parallel_loop3A_734 = vector.shape_cast %parallel_loop3A_733 : vector<1x1x16xf32> to vector<16xf32>
          %parallel_loop3A_735 = vector.shape_cast %parallel_loop3A_728 : vector<16xf32> to vector<1x1x16xf32>
          tpu.vector_store %arg10[%parallel_loop3A_730, %parallel_loop3A_731, %parallel_loop3A_732], %parallel_loop3A_735 {strides = array<i32>} : memref<4x64x128xf32, #tpu.memory_space<vmem>>, vector<1x1x16xf32>,
          %parallel_loop3A_736 = arith.constant 1 : i32
          %parallel_loop3A_737 = arith.index_cast %parallel_loop3A_736 : i32 to index
          %parallel_loop3A_738 = arith.index_cast %parallel_loop3A_721 : i32 to index
          %parallel_loop3A_739 = arith.constant 16 : index
          %parallel_loop3A_740 = tpu.vector_load %arg10[%parallel_loop3A_737, %parallel_loop3A_738, %parallel_loop3A_739] {strides = array<i32>} : memref<4x64x128xf32, #tpu.memory_space<vmem>>, vector<1x1x16xf32>,
          %parallel_loop3A_741 = vector.shape_cast %parallel_loop3A_740 : vector<1x1x16xf32> to vector<16xf32>
          %parallel_loop3A_742 = arith.mulf %parallel_loop3A_741, %parallel_loop3A_718 : vector<16xf32>
          %parallel_loop3A_743 = arith.constant 1 : i32
          %parallel_loop3A_744 = arith.index_cast %parallel_loop3A_743 : i32 to index
          %parallel_loop3A_745 = arith.index_cast %parallel_loop3A_721 : i32 to index
          %parallel_loop3A_746 = arith.constant 16 : index
          %parallel_loop3A_747 = tpu.vector_load %arg10[%parallel_loop3A_744, %parallel_loop3A_745, %parallel_loop3A_746] {strides = array<i32>} : memref<4x64x128xf32, #tpu.memory_space<vmem>>, vector<1x1x16xf32>,
          %parallel_loop3A_748 = vector.shape_cast %parallel_loop3A_747 : vector<1x1x16xf32> to vector<16xf32>
          %parallel_loop3A_749 = vector.shape_cast %parallel_loop3A_742 : vector<16xf32> to vector<1x1x16xf32>
          tpu.vector_store %arg10[%parallel_loop3A_744, %parallel_loop3A_745, %parallel_loop3A_746], %parallel_loop3A_749 {strides = array<i32>} : memref<4x64x128xf32, #tpu.memory_space<vmem>>, vector<1x1x16xf32>,
          %parallel_loop3A_750 = arith.constant 1 : i32
          %parallel_loop3A_751 = arith.index_cast %parallel_loop3A_750 : i32 to index
          %parallel_loop3A_752 = arith.index_cast %parallel_loop3A_721 : i32 to index
          %parallel_loop3A_753 = arith.constant 32 : index
          %parallel_loop3A_754 = tpu.vector_load %arg10[%parallel_loop3A_751, %parallel_loop3A_752, %parallel_loop3A_753] {strides = array<i32>} : memref<4x64x128xf32, #tpu.memory_space<vmem>>, vector<1x1x16xf32>,
          %parallel_loop3A_755 = vector.shape_cast %parallel_loop3A_754 : vector<1x1x16xf32> to vector<16xf32>
          %parallel_loop3A_756 = arith.mulf %parallel_loop3A_755, %parallel_loop3A_718 : vector<16xf32>
          %parallel_loop3A_757 = arith.constant 1 : i32
          %parallel_loop3A_758 = arith.index_cast %parallel_loop3A_757 : i32 to index
          %parallel_loop3A_759 = arith.index_cast %parallel_loop3A_721 : i32 to index
          %parallel_loop3A_760 = arith.constant 32 : index
          %parallel_loop3A_761 = tpu.vector_load %arg10[%parallel_loop3A_758, %parallel_loop3A_759, %parallel_loop3A_760] {strides = array<i32>} : memref<4x64x128xf32, #tpu.memory_space<vmem>>, vector<1x1x16xf32>,
          %parallel_loop3A_762 = vector.shape_cast %parallel_loop3A_761 : vector<1x1x16xf32> to vector<16xf32>
          %parallel_loop3A_763 = vector.shape_cast %parallel_loop3A_756 : vector<16xf32> to vector<1x1x16xf32>
          tpu.vector_store %arg10[%parallel_loop3A_758, %parallel_loop3A_759, %parallel_loop3A_760], %parallel_loop3A_763 {strides = array<i32>} : memref<4x64x128xf32, #tpu.memory_space<vmem>>, vector<1x1x16xf32>,
          %parallel_loop3A_764 = arith.constant 1 : i32
          %parallel_loop3A_765 = arith.index_cast %parallel_loop3A_764 : i32 to index
          %parallel_loop3A_766 = arith.index_cast %parallel_loop3A_721 : i32 to index
          %parallel_loop3A_767 = arith.constant 48 : index
          %parallel_loop3A_768 = tpu.vector_load %arg10[%parallel_loop3A_765, %parallel_loop3A_766, %parallel_loop3A_767] {strides = array<i32>} : memref<4x64x128xf32, #tpu.memory_space<vmem>>, vector<1x1x16xf32>,
          %parallel_loop3A_769 = vector.shape_cast %parallel_loop3A_768 : vector<1x1x16xf32> to vector<16xf32>
          %parallel_loop3A_770 = arith.mulf %parallel_loop3A_769, %parallel_loop3A_718 : vector<16xf32>
          %parallel_loop3A_771 = arith.constant 1 : i32
          %parallel_loop3A_772 = arith.index_cast %parallel_loop3A_771 : i32 to index
          %parallel_loop3A_773 = arith.index_cast %parallel_loop3A_721 : i32 to index
          %parallel_loop3A_774 = arith.constant 48 : index
          %parallel_loop3A_775 = tpu.vector_load %arg10[%parallel_loop3A_772, %parallel_loop3A_773, %parallel_loop3A_774] {strides = array<i32>} : memref<4x64x128xf32, #tpu.memory_space<vmem>>, vector<1x1x16xf32>,
          %parallel_loop3A_776 = vector.shape_cast %parallel_loop3A_775 : vector<1x1x16xf32> to vector<16xf32>
          %parallel_loop3A_777 = vector.shape_cast %parallel_loop3A_770 : vector<16xf32> to vector<1x1x16xf32>
          tpu.vector_store %arg10[%parallel_loop3A_772, %parallel_loop3A_773, %parallel_loop3A_774], %parallel_loop3A_777 {strides = array<i32>} : memref<4x64x128xf32, #tpu.memory_space<vmem>>, vector<1x1x16xf32>,
          %parallel_loop3A_778 = arith.constant 1 : i32
          %parallel_loop3A_779 = arith.index_cast %parallel_loop3A_778 : i32 to index
          %parallel_loop3A_780 = arith.index_cast %parallel_loop3A_721 : i32 to index
          %parallel_loop3A_781 = arith.constant 64 : index
          %parallel_loop3A_782 = tpu.vector_load %arg10[%parallel_loop3A_779, %parallel_loop3A_780, %parallel_loop3A_781] {strides = array<i32>} : memref<4x64x128xf32, #tpu.memory_space<vmem>>, vector<1x1x16xf32>,
          %parallel_loop3A_783 = vector.shape_cast %parallel_loop3A_782 : vector<1x1x16xf32> to vector<16xf32>
          %parallel_loop3A_784 = arith.mulf %parallel_loop3A_783, %parallel_loop3A_718 : vector<16xf32>
          %parallel_loop3A_785 = arith.constant 1 : i32
          %parallel_loop3A_786 = arith.index_cast %parallel_loop3A_785 : i32 to index
          %parallel_loop3A_787 = arith.index_cast %parallel_loop3A_721 : i32 to index
          %parallel_loop3A_788 = arith.constant 64 : index
          %parallel_loop3A_789 = tpu.vector_load %arg10[%parallel_loop3A_786, %parallel_loop3A_787, %parallel_loop3A_788] {strides = array<i32>} : memref<4x64x128xf32, #tpu.memory_space<vmem>>, vector<1x1x16xf32>,
          %parallel_loop3A_790 = vector.shape_cast %parallel_loop3A_789 : vector<1x1x16xf32> to vector<16xf32>
          %parallel_loop3A_791 = vector.shape_cast %parallel_loop3A_784 : vector<16xf32> to vector<1x1x16xf32>
          tpu.vector_store %arg10[%parallel_loop3A_786, %parallel_loop3A_787, %parallel_loop3A_788], %parallel_loop3A_791 {strides = array<i32>} : memref<4x64x128xf32, #tpu.memory_space<vmem>>, vector<1x1x16xf32>,
          %parallel_loop3A_792 = arith.constant 1 : i32
          %parallel_loop3A_793 = arith.index_cast %parallel_loop3A_792 : i32 to index
          %parallel_loop3A_794 = arith.index_cast %parallel_loop3A_721 : i32 to index
          %parallel_loop3A_795 = arith.constant 80 : index
          %parallel_loop3A_796 = tpu.vector_load %arg10[%parallel_loop3A_793, %parallel_loop3A_794, %parallel_loop3A_795] {strides = array<i32>} : memref<4x64x128xf32, #tpu.memory_space<vmem>>, vector<1x1x16xf32>,
          %parallel_loop3A_797 = vector.shape_cast %parallel_loop3A_796 : vector<1x1x16xf32> to vector<16xf32>
          %parallel_loop3A_798 = arith.mulf %parallel_loop3A_797, %parallel_loop3A_718 : vector<16xf32>
          %parallel_loop3A_799 = arith.constant 1 : i32
          %parallel_loop3A_800 = arith.index_cast %parallel_loop3A_799 : i32 to index
          %parallel_loop3A_801 = arith.index_cast %parallel_loop3A_721 : i32 to index
          %parallel_loop3A_802 = arith.constant 80 : index
          %parallel_loop3A_803 = tpu.vector_load %arg10[%parallel_loop3A_800, %parallel_loop3A_801, %parallel_loop3A_802] {strides = array<i32>} : memref<4x64x128xf32, #tpu.memory_space<vmem>>, vector<1x1x16xf32>,
          %parallel_loop3A_804 = vector.shape_cast %parallel_loop3A_803 : vector<1x1x16xf32> to vector<16xf32>
          %parallel_loop3A_805 = vector.shape_cast %parallel_loop3A_798 : vector<16xf32> to vector<1x1x16xf32>
          tpu.vector_store %arg10[%parallel_loop3A_800, %parallel_loop3A_801, %parallel_loop3A_802], %parallel_loop3A_805 {strides = array<i32>} : memref<4x64x128xf32, #tpu.memory_space<vmem>>, vector<1x1x16xf32>,
          %parallel_loop3A_806 = arith.constant 1 : i32
          %parallel_loop3A_807 = arith.index_cast %parallel_loop3A_806 : i32 to index
          %parallel_loop3A_808 = arith.index_cast %parallel_loop3A_721 : i32 to index
          %parallel_loop3A_809 = arith.constant 96 : index
          %parallel_loop3A_810 = tpu.vector_load %arg10[%parallel_loop3A_807, %parallel_loop3A_808, %parallel_loop3A_809] {strides = array<i32>} : memref<4x64x128xf32, #tpu.memory_space<vmem>>, vector<1x1x16xf32>,
          %parallel_loop3A_811 = vector.shape_cast %parallel_loop3A_810 : vector<1x1x16xf32> to vector<16xf32>
          %parallel_loop3A_812 = arith.mulf %parallel_loop3A_811, %parallel_loop3A_718 : vector<16xf32>
          %parallel_loop3A_813 = arith.constant 1 : i32
          %parallel_loop3A_814 = arith.index_cast %parallel_loop3A_813 : i32 to index
          %parallel_loop3A_815 = arith.index_cast %parallel_loop3A_721 : i32 to index
          %parallel_loop3A_816 = arith.constant 96 : index
          %parallel_loop3A_817 = tpu.vector_load %arg10[%parallel_loop3A_814, %parallel_loop3A_815, %parallel_loop3A_816] {strides = array<i32>} : memref<4x64x128xf32, #tpu.memory_space<vmem>>, vector<1x1x16xf32>,
          %parallel_loop3A_818 = vector.shape_cast %parallel_loop3A_817 : vector<1x1x16xf32> to vector<16xf32>
          %parallel_loop3A_819 = vector.shape_cast %parallel_loop3A_812 : vector<16xf32> to vector<1x1x16xf32>
          tpu.vector_store %arg10[%parallel_loop3A_814, %parallel_loop3A_815, %parallel_loop3A_816], %parallel_loop3A_819 {strides = array<i32>} : memref<4x64x128xf32, #tpu.memory_space<vmem>>, vector<1x1x16xf32>,
          %parallel_loop3A_820 = arith.constant 1 : i32
          %parallel_loop3A_821 = arith.index_cast %parallel_loop3A_820 : i32 to index
          %parallel_loop3A_822 = arith.index_cast %parallel_loop3A_721 : i32 to index
          %parallel_loop3A_823 = arith.constant 112 : index
          %parallel_loop3A_824 = tpu.vector_load %arg10[%parallel_loop3A_821, %parallel_loop3A_822, %parallel_loop3A_823] {strides = array<i32>} : memref<4x64x128xf32, #tpu.memory_space<vmem>>, vector<1x1x16xf32>,
          %parallel_loop3A_825 = vector.shape_cast %parallel_loop3A_824 : vector<1x1x16xf32> to vector<16xf32>
          %parallel_loop3A_826 = arith.mulf %parallel_loop3A_825, %parallel_loop3A_718 : vector<16xf32>
          %parallel_loop3A_827 = arith.constant 1 : i32
          %parallel_loop3A_828 = arith.index_cast %parallel_loop3A_827 : i32 to index
          %parallel_loop3A_829 = arith.index_cast %parallel_loop3A_721 : i32 to index
          %parallel_loop3A_830 = arith.constant 112 : index
          %parallel_loop3A_831 = tpu.vector_load %arg10[%parallel_loop3A_828, %parallel_loop3A_829, %parallel_loop3A_830] {strides = array<i32>} : memref<4x64x128xf32, #tpu.memory_space<vmem>>, vector<1x1x16xf32>,
          %parallel_loop3A_832 = vector.shape_cast %parallel_loop3A_831 : vector<1x1x16xf32> to vector<16xf32>
          %parallel_loop3A_833 = vector.shape_cast %parallel_loop3A_826 : vector<16xf32> to vector<1x1x16xf32>
          tpu.vector_store %arg10[%parallel_loop3A_828, %parallel_loop3A_829, %parallel_loop3A_830], %parallel_loop3A_833 {strides = array<i32>} : memref<4x64x128xf32, #tpu.memory_space<vmem>>, vector<1x1x16xf32>,
        } {sc.loop_unroll_factor = 4 : i64, sc.parallel_access}
        %scan3A_714 = arith.constant 0 : i32
        scf.yield %scan3A_714 : i32
      }
      %scan3A_316 = arith.constant 4 : i32
      %mul3A_317 = arith.constant 8 : i32
      %mul3A_318 = arith.muli %select_n3A_182, %mul3A_317 : i32
      %add3A_319 = arith.addi %mul3A_318, %add3A_269 : i32
      %dma_start3A_320 = arith.constant 1 : i32
      %dma_start3A_321 = arith.constant 0 : i32
      %dma_start3A_322 = arith.constant 0 : i32
      %dma_start3A_323 = tpu.memref_slice %arg10[%dma_start3A_320, %dma_start3A_321, %dma_start3A_322] : memref<4x64x128xf32, #tpu.memory_space<vmem>> -> memref<1x64x128xf32, #tpu.memory_space<vmem>>
      %dma_start3A_324 = tpu.memref_squeeze %dma_start3A_323 : memref<1x64x128xf32, #tpu.memory_space<vmem>> -> memref<64x128xf32, #tpu.memory_space<vmem>>
      %dma_start3A_325 = arith.constant 0 : i32
      %dma_start3A_326 = tpu.memref_slice %arg8[%add3A_319, %dma_start3A_325] : memref<24x64xi32, #tpu.memory_space<vmem>> -> memref<1x64xi32, #tpu.memory_space<vmem>>
      %dma_start3A_327 = tpu.memref_squeeze %dma_start3A_326 : memref<1x64xi32, #tpu.memory_space<vmem>> -> memref<64xi32, #tpu.memory_space<vmem>>
      %dma_start3A_328 = arith.constant 0 : i32
      %dma_start3A_329 = arith.constant 0 : i32
      %dma_start3A_330 = tpu.memref_slice %arg11[%dma_start3A_328, %dma_start3A_329] : memref<10000x128xf32, #tpu.memory_space<vmem_shared>> -> memref<10000x128xf32, #tpu.memory_space<vmem_shared>>
      tpu.enqueue_indirect_dma source(%dma_start3A_324 : memref<64x128xf32, #tpu.memory_space<vmem>>) target(%dma_start3A_330 : memref<10000x128xf32, #tpu.memory_space<vmem_shared>>) offsets(%dma_start3A_327 : memref<64xi32, #tpu.memory_space<vmem>>) semaphore(%arg17 : memref<!tpu.dma_semaphore, #tpu.memory_space<semaphore_mem>>) {add = true}
      %add3A_331 = arith.constant 2 : i32
      %add3A_332 = arith.addi %mul3A_204, %add3A_331 : i32
      %dma_wait3A_333 = arith.constant 0 : i32
      %dma_wait3A_334 = arith.constant 2 : i32
      %dma_wait3A_335 = arith.constant 0 : i32
      %dma_wait3A_336 = arith.constant 0 : i32
      %dma_wait3A_337 = tpu.memref_slice %arg10[%dma_wait3A_334, %dma_wait3A_335, %dma_wait3A_336] : memref<4x64x128xf32, #tpu.memory_space<vmem>> -> memref<1x64x128xf32, #tpu.memory_space<vmem>>
      %dma_wait3A_338 = tpu.memref_squeeze %dma_wait3A_337 : memref<1x64x128xf32, #tpu.memory_space<vmem>> -> memref<64x128xf32, #tpu.memory_space<vmem>>
      %dma_wait3A_339 = arith.constant 0 : i32
      %dma_wait3A_340 = tpu.memref_slice %arg7[%dma_wait3A_333, %dma_wait3A_339] : memref<24x64xi32, #tpu.memory_space<vmem>> -> memref<1x64xi32, #tpu.memory_space<vmem>>
      %dma_wait3A_341 = tpu.memref_squeeze %dma_wait3A_340 : memref<1x64xi32, #tpu.memory_space<vmem>> -> memref<64xi32, #tpu.memory_space<vmem>>
      %dma_wait3A_342 = arith.constant 0 : i32
      %dma_wait3A_343 = arith.constant 0 : i32
      %dma_wait3A_344 = tpu.memref_slice %arg2[%dma_wait3A_342, %dma_wait3A_343] : memref<10000x128xf32, #tpu.memory_space<hbm>> -> memref<10000x128xf32, #tpu.memory_space<hbm>>
      tpu.wait_indirect_dma semaphore(%arg14 : memref<!tpu.dma_semaphore, #tpu.memory_space<semaphore_mem>>) src(%dma_wait3A_344 : memref<10000x128xf32, #tpu.memory_space<hbm>>) dst(%dma_wait3A_338 : memref<64x128xf32, #tpu.memory_space<vmem>>)
      %dma_wait3A_345 = arith.constant 0 : i32
      %dma_wait3A_346 = arith.constant 0 : i32
      %dma_wait3A_347 = arith.constant 0 : i32
      %dma_wait3A_348 = arith.constant 0 : i32
      %dma_wait3A_349 = tpu.memref_slice %arg10[%dma_wait3A_345, %dma_wait3A_347, %dma_wait3A_348] : memref<4x64x128xf32, #tpu.memory_space<vmem>> -> memref<1x64x128xf32, #tpu.memory_space<vmem>>
      %dma_wait3A_350 = tpu.memref_squeeze %dma_wait3A_349 : memref<1x64x128xf32, #tpu.memory_space<vmem>> -> memref<64x128xf32, #tpu.memory_space<vmem>>
      %dma_wait3A_351 = arith.constant 0 : i32
      %dma_wait3A_352 = tpu.memref_slice %arg8[%dma_wait3A_346, %dma_wait3A_351] : memref<24x64xi32, #tpu.memory_space<vmem>> -> memref<1x64xi32, #tpu.memory_space<vmem>>
      %dma_wait3A_353 = tpu.memref_squeeze %dma_wait3A_352 : memref<1x64xi32, #tpu.memory_space<vmem>> -> memref<64xi32, #tpu.memory_space<vmem>>
      %dma_wait3A_354 = arith.constant 0 : i32
      %dma_wait3A_355 = arith.constant 0 : i32
      %dma_wait3A_356 = tpu.memref_slice %arg11[%dma_wait3A_354, %dma_wait3A_355] : memref<10000x128xf32, #tpu.memory_space<vmem_shared>> -> memref<10000x128xf32, #tpu.memory_space<vmem_shared>>
      tpu.wait_indirect_dma semaphore(%arg16 : memref<!tpu.dma_semaphore, #tpu.memory_space<semaphore_mem>>) src(%dma_wait3A_350 : memref<64x128xf32, #tpu.memory_space<vmem>>) dst(%dma_wait3A_356 : memref<10000x128xf32, #tpu.memory_space<vmem_shared>>)
      %add3A_357 = arith.constant 2 : i32
      %add3A_358 = arith.addi %add3A_332, %add3A_357 : i32
      %mul3A_359 = arith.constant 8 : i32
      %mul3A_360 = arith.muli %select_n3A_182, %mul3A_359 : i32
      %add3A_361 = arith.addi %mul3A_360, %add3A_358 : i32
      %dma_start3A_362 = arith.constant 0 : i32
      %dma_start3A_363 = arith.constant 0 : i32
      %dma_start3A_364 = arith.constant 0 : i32
      %dma_start3A_365 = tpu.memref_slice %arg10[%dma_start3A_362, %dma_start3A_363, %dma_start3A_364] : memref<4x64x128xf32, #tpu.memory_space<vmem>> -> memref<1x64x128xf32, #tpu.memory_space<vmem>>
      %dma_start3A_366 = tpu.memref_squeeze %dma_start3A_365 : memref<1x64x128xf32, #tpu.memory_space<vmem>> -> memref<64x128xf32, #tpu.memory_space<vmem>>
      %dma_start3A_367 = arith.constant 0 : i32
      %dma_start3A_368 = tpu.memref_slice %arg7[%add3A_361, %dma_start3A_367] : memref<24x64xi32, #tpu.memory_space<vmem>> -> memref<1x64xi32, #tpu.memory_space<vmem>>
      %dma_start3A_369 = tpu.memref_squeeze %dma_start3A_368 : memref<1x64xi32, #tpu.memory_space<vmem>> -> memref<64xi32, #tpu.memory_space<vmem>>
      %dma_start3A_370 = arith.constant 0 : i32
      %dma_start3A_371 = arith.constant 0 : i32
      %dma_start3A_372 = tpu.memref_slice %arg2[%dma_start3A_370, %dma_start3A_371] : memref<10000x128xf32, #tpu.memory_space<hbm>> -> memref<10000x128xf32, #tpu.memory_space<hbm>>
      tpu.enqueue_indirect_dma source(%dma_start3A_372 : memref<10000x128xf32, #tpu.memory_space<hbm>>) target(%dma_start3A_366 : memref<64x128xf32, #tpu.memory_space<vmem>>) offsets(%dma_start3A_369 : memref<64xi32, #tpu.memory_space<vmem>>) semaphore(%arg12 : memref<!tpu.dma_semaphore, #tpu.memory_space<semaphore_mem>>)
      %scan3A_373 = arith.constant 0 : i32
      %scan3A_374 = arith.constant 0 : i32
      %scan3A_375 = arith.constant 4 : i32
      %scan3A_376 = arith.addi %scan3A_374, %scan3A_375 : i32
      %scan3A_377 = arith.constant 1 : i32
      %scan3A_378 = scf.for %scan3A_702 = %scan3A_374 to %scan3A_376 step %scan3A_377 iter_args(%scan3A_703 = %scan3A_373) -> (i32)  : i32 {
        %mul3A_704 = arith.constant 8 : i32
        %mul3A_705 = arith.muli %select_n3A_182, %mul3A_704 : i32
        %add3A_706 = arith.addi %mul3A_705, %add3A_332 : i32
        %mul3A_707 = arith.constant 16 : i32
        %mul3A_708 = arith.muli %scan3A_702, %mul3A_707 : i32
        %get3A = arith.index_cast %add3A_706 : i32 to index
        %get3A_709 = arith.index_cast %mul3A_708 : i32 to index
        %get3A_710 = tpu.vector_load %arg9[%get3A, %get3A_709] {strides = array<i32>} : memref<24x64xf32, #tpu.memory_space<vmem>>, vector<1x16xf32>,
        %get3A_711 = vector.shape_cast %get3A_710 : vector<1x16xf32> to vector<16xf32>
        %parallel_loop3A = arith.constant 0 : i32
        %parallel_loop3A_712 = arith.constant 16 : i32
        %parallel_loop3A_713 = arith.constant 1 : i32
        scf.for %parallel_loop3A_715 = %parallel_loop3A to %parallel_loop3A_712 step %parallel_loop3A_713  : i32 {
          %parallel_loop3A_716 = vector.broadcast %parallel_loop3A_715 : i32 to vector<16x1xi32>
          %parallel_loop3A_717 = vector.shape_cast %parallel_loop3A_716 : vector<16x1xi32> to vector<16xi32>
          %parallel_loop3A_718 = tpu.dynamic_gather %get3A_711[%parallel_loop3A_717] in [0] : vector<16xf32>, vector<16xi32> -> vector<16xf32>
          %parallel_loop3A_719 = arith.constant 16 : i32
          %parallel_loop3A_720 = arith.muli %scan3A_702, %parallel_loop3A_719 : i32
          %parallel_loop3A_721 = arith.addi %parallel_loop3A_720, %parallel_loop3A_715 : i32
          %parallel_loop3A_722 = arith.constant 2 : i32
          %parallel_loop3A_723 = arith.index_cast %parallel_loop3A_722 : i32 to index
          %parallel_loop3A_724 = arith.index_cast %parallel_loop3A_721 : i32 to index
          %parallel_loop3A_725 = arith.constant 0 : index
          %parallel_loop3A_726 = tpu.vector_load %arg10[%parallel_loop3A_723, %parallel_loop3A_724, %parallel_loop3A_725] {strides = array<i32>} : memref<4x64x128xf32, #tpu.memory_space<vmem>>, vector<1x1x16xf32>,
          %parallel_loop3A_727 = vector.shape_cast %parallel_loop3A_726 : vector<1x1x16xf32> to vector<16xf32>
          %parallel_loop3A_728 = arith.mulf %parallel_loop3A_727, %parallel_loop3A_718 : vector<16xf32>
          %parallel_loop3A_729 = arith.constant 2 : i32
          %parallel_loop3A_730 = arith.index_cast %parallel_loop3A_729 : i32 to index
          %parallel_loop3A_731 = arith.index_cast %parallel_loop3A_721 : i32 to index
          %parallel_loop3A_732 = arith.constant 0 : index
          %parallel_loop3A_733 = tpu.vector_load %arg10[%parallel_loop3A_730, %parallel_loop3A_731, %parallel_loop3A_732] {strides = array<i32>} : memref<4x64x128xf32, #tpu.memory_space<vmem>>, vector<1x1x16xf32>,
          %parallel_loop3A_734 = vector.shape_cast %parallel_loop3A_733 : vector<1x1x16xf32> to vector<16xf32>
          %parallel_loop3A_735 = vector.shape_cast %parallel_loop3A_728 : vector<16xf32> to vector<1x1x16xf32>
          tpu.vector_store %arg10[%parallel_loop3A_730, %parallel_loop3A_731, %parallel_loop3A_732], %parallel_loop3A_735 {strides = array<i32>} : memref<4x64x128xf32, #tpu.memory_space<vmem>>, vector<1x1x16xf32>,
          %parallel_loop3A_736 = arith.constant 2 : i32
          %parallel_loop3A_737 = arith.index_cast %parallel_loop3A_736 : i32 to index
          %parallel_loop3A_738 = arith.index_cast %parallel_loop3A_721 : i32 to index
          %parallel_loop3A_739 = arith.constant 16 : index
          %parallel_loop3A_740 = tpu.vector_load %arg10[%parallel_loop3A_737, %parallel_loop3A_738, %parallel_loop3A_739] {strides = array<i32>} : memref<4x64x128xf32, #tpu.memory_space<vmem>>, vector<1x1x16xf32>,
          %parallel_loop3A_741 = vector.shape_cast %parallel_loop3A_740 : vector<1x1x16xf32> to vector<16xf32>
          %parallel_loop3A_742 = arith.mulf %parallel_loop3A_741, %parallel_loop3A_718 : vector<16xf32>
          %parallel_loop3A_743 = arith.constant 2 : i32
          %parallel_loop3A_744 = arith.index_cast %parallel_loop3A_743 : i32 to index
          %parallel_loop3A_745 = arith.index_cast %parallel_loop3A_721 : i32 to index
          %parallel_loop3A_746 = arith.constant 16 : index
          %parallel_loop3A_747 = tpu.vector_load %arg10[%parallel_loop3A_744, %parallel_loop3A_745, %parallel_loop3A_746] {strides = array<i32>} : memref<4x64x128xf32, #tpu.memory_space<vmem>>, vector<1x1x16xf32>,
          %parallel_loop3A_748 = vector.shape_cast %parallel_loop3A_747 : vector<1x1x16xf32> to vector<16xf32>
          %parallel_loop3A_749 = vector.shape_cast %parallel_loop3A_742 : vector<16xf32> to vector<1x1x16xf32>
          tpu.vector_store %arg10[%parallel_loop3A_744, %parallel_loop3A_745, %parallel_loop3A_746], %parallel_loop3A_749 {strides = array<i32>} : memref<4x64x128xf32, #tpu.memory_space<vmem>>, vector<1x1x16xf32>,
          %parallel_loop3A_750 = arith.constant 2 : i32
          %parallel_loop3A_751 = arith.index_cast %parallel_loop3A_750 : i32 to index
          %parallel_loop3A_752 = arith.index_cast %parallel_loop3A_721 : i32 to index
          %parallel_loop3A_753 = arith.constant 32 : index
          %parallel_loop3A_754 = tpu.vector_load %arg10[%parallel_loop3A_751, %parallel_loop3A_752, %parallel_loop3A_753] {strides = array<i32>} : memref<4x64x128xf32, #tpu.memory_space<vmem>>, vector<1x1x16xf32>,
          %parallel_loop3A_755 = vector.shape_cast %parallel_loop3A_754 : vector<1x1x16xf32> to vector<16xf32>
          %parallel_loop3A_756 = arith.mulf %parallel_loop3A_755, %parallel_loop3A_718 : vector<16xf32>
          %parallel_loop3A_757 = arith.constant 2 : i32
          %parallel_loop3A_758 = arith.index_cast %parallel_loop3A_757 : i32 to index
          %parallel_loop3A_759 = arith.index_cast %parallel_loop3A_721 : i32 to index
          %parallel_loop3A_760 = arith.constant 32 : index
          %parallel_loop3A_761 = tpu.vector_load %arg10[%parallel_loop3A_758, %parallel_loop3A_759, %parallel_loop3A_760] {strides = array<i32>} : memref<4x64x128xf32, #tpu.memory_space<vmem>>, vector<1x1x16xf32>,
          %parallel_loop3A_762 = vector.shape_cast %parallel_loop3A_761 : vector<1x1x16xf32> to vector<16xf32>
          %parallel_loop3A_763 = vector.shape_cast %parallel_loop3A_756 : vector<16xf32> to vector<1x1x16xf32>
          tpu.vector_store %arg10[%parallel_loop3A_758, %parallel_loop3A_759, %parallel_loop3A_760], %parallel_loop3A_763 {strides = array<i32>} : memref<4x64x128xf32, #tpu.memory_space<vmem>>, vector<1x1x16xf32>,
          %parallel_loop3A_764 = arith.constant 2 : i32
          %parallel_loop3A_765 = arith.index_cast %parallel_loop3A_764 : i32 to index
          %parallel_loop3A_766 = arith.index_cast %parallel_loop3A_721 : i32 to index
          %parallel_loop3A_767 = arith.constant 48 : index
          %parallel_loop3A_768 = tpu.vector_load %arg10[%parallel_loop3A_765, %parallel_loop3A_766, %parallel_loop3A_767] {strides = array<i32>} : memref<4x64x128xf32, #tpu.memory_space<vmem>>, vector<1x1x16xf32>,
          %parallel_loop3A_769 = vector.shape_cast %parallel_loop3A_768 : vector<1x1x16xf32> to vector<16xf32>
          %parallel_loop3A_770 = arith.mulf %parallel_loop3A_769, %parallel_loop3A_718 : vector<16xf32>
          %parallel_loop3A_771 = arith.constant 2 : i32
          %parallel_loop3A_772 = arith.index_cast %parallel_loop3A_771 : i32 to index
          %parallel_loop3A_773 = arith.index_cast %parallel_loop3A_721 : i32 to index
          %parallel_loop3A_774 = arith.constant 48 : index
          %parallel_loop3A_775 = tpu.vector_load %arg10[%parallel_loop3A_772, %parallel_loop3A_773, %parallel_loop3A_774] {strides = array<i32>} : memref<4x64x128xf32, #tpu.memory_space<vmem>>, vector<1x1x16xf32>,
          %parallel_loop3A_776 = vector.shape_cast %parallel_loop3A_775 : vector<1x1x16xf32> to vector<16xf32>
          %parallel_loop3A_777 = vector.shape_cast %parallel_loop3A_770 : vector<16xf32> to vector<1x1x16xf32>
          tpu.vector_store %arg10[%parallel_loop3A_772, %parallel_loop3A_773, %parallel_loop3A_774], %parallel_loop3A_777 {strides = array<i32>} : memref<4x64x128xf32, #tpu.memory_space<vmem>>, vector<1x1x16xf32>,
          %parallel_loop3A_778 = arith.constant 2 : i32
          %parallel_loop3A_779 = arith.index_cast %parallel_loop3A_778 : i32 to index
          %parallel_loop3A_780 = arith.index_cast %parallel_loop3A_721 : i32 to index
          %parallel_loop3A_781 = arith.constant 64 : index
          %parallel_loop3A_782 = tpu.vector_load %arg10[%parallel_loop3A_779, %parallel_loop3A_780, %parallel_loop3A_781] {strides = array<i32>} : memref<4x64x128xf32, #tpu.memory_space<vmem>>, vector<1x1x16xf32>,
          %parallel_loop3A_783 = vector.shape_cast %parallel_loop3A_782 : vector<1x1x16xf32> to vector<16xf32>
          %parallel_loop3A_784 = arith.mulf %parallel_loop3A_783, %parallel_loop3A_718 : vector<16xf32>
          %parallel_loop3A_785 = arith.constant 2 : i32
          %parallel_loop3A_786 = arith.index_cast %parallel_loop3A_785 : i32 to index
          %parallel_loop3A_787 = arith.index_cast %parallel_loop3A_721 : i32 to index
          %parallel_loop3A_788 = arith.constant 64 : index
          %parallel_loop3A_789 = tpu.vector_load %arg10[%parallel_loop3A_786, %parallel_loop3A_787, %parallel_loop3A_788] {strides = array<i32>} : memref<4x64x128xf32, #tpu.memory_space<vmem>>, vector<1x1x16xf32>,
          %parallel_loop3A_790 = vector.shape_cast %parallel_loop3A_789 : vector<1x1x16xf32> to vector<16xf32>
          %parallel_loop3A_791 = vector.shape_cast %parallel_loop3A_784 : vector<16xf32> to vector<1x1x16xf32>
          tpu.vector_store %arg10[%parallel_loop3A_786, %parallel_loop3A_787, %parallel_loop3A_788], %parallel_loop3A_791 {strides = array<i32>} : memref<4x64x128xf32, #tpu.memory_space<vmem>>, vector<1x1x16xf32>,
          %parallel_loop3A_792 = arith.constant 2 : i32
          %parallel_loop3A_793 = arith.index_cast %parallel_loop3A_792 : i32 to index
          %parallel_loop3A_794 = arith.index_cast %parallel_loop3A_721 : i32 to index
          %parallel_loop3A_795 = arith.constant 80 : index
          %parallel_loop3A_796 = tpu.vector_load %arg10[%parallel_loop3A_793, %parallel_loop3A_794, %parallel_loop3A_795] {strides = array<i32>} : memref<4x64x128xf32, #tpu.memory_space<vmem>>, vector<1x1x16xf32>,
          %parallel_loop3A_797 = vector.shape_cast %parallel_loop3A_796 : vector<1x1x16xf32> to vector<16xf32>
          %parallel_loop3A_798 = arith.mulf %parallel_loop3A_797, %parallel_loop3A_718 : vector<16xf32>
          %parallel_loop3A_799 = arith.constant 2 : i32
          %parallel_loop3A_800 = arith.index_cast %parallel_loop3A_799 : i32 to index
          %parallel_loop3A_801 = arith.index_cast %parallel_loop3A_721 : i32 to index
          %parallel_loop3A_802 = arith.constant 80 : index
          %parallel_loop3A_803 = tpu.vector_load %arg10[%parallel_loop3A_800, %parallel_loop3A_801, %parallel_loop3A_802] {strides = array<i32>} : memref<4x64x128xf32, #tpu.memory_space<vmem>>, vector<1x1x16xf32>,
          %parallel_loop3A_804 = vector.shape_cast %parallel_loop3A_803 : vector<1x1x16xf32> to vector<16xf32>
          %parallel_loop3A_805 = vector.shape_cast %parallel_loop3A_798 : vector<16xf32> to vector<1x1x16xf32>
          tpu.vector_store %arg10[%parallel_loop3A_800, %parallel_loop3A_801, %parallel_loop3A_802], %parallel_loop3A_805 {strides = array<i32>} : memref<4x64x128xf32, #tpu.memory_space<vmem>>, vector<1x1x16xf32>,
          %parallel_loop3A_806 = arith.constant 2 : i32
          %parallel_loop3A_807 = arith.index_cast %parallel_loop3A_806 : i32 to index
          %parallel_loop3A_808 = arith.index_cast %parallel_loop3A_721 : i32 to index
          %parallel_loop3A_809 = arith.constant 96 : index
          %parallel_loop3A_810 = tpu.vector_load %arg10[%parallel_loop3A_807, %parallel_loop3A_808, %parallel_loop3A_809] {strides = array<i32>} : memref<4x64x128xf32, #tpu.memory_space<vmem>>, vector<1x1x16xf32>,
          %parallel_loop3A_811 = vector.shape_cast %parallel_loop3A_810 : vector<1x1x16xf32> to vector<16xf32>
          %parallel_loop3A_812 = arith.mulf %parallel_loop3A_811, %parallel_loop3A_718 : vector<16xf32>
          %parallel_loop3A_813 = arith.constant 2 : i32
          %parallel_loop3A_814 = arith.index_cast %parallel_loop3A_813 : i32 to index
          %parallel_loop3A_815 = arith.index_cast %parallel_loop3A_721 : i32 to index
          %parallel_loop3A_816 = arith.constant 96 : index
          %parallel_loop3A_817 = tpu.vector_load %arg10[%parallel_loop3A_814, %parallel_loop3A_815, %parallel_loop3A_816] {strides = array<i32>} : memref<4x64x128xf32, #tpu.memory_space<vmem>>, vector<1x1x16xf32>,
          %parallel_loop3A_818 = vector.shape_cast %parallel_loop3A_817 : vector<1x1x16xf32> to vector<16xf32>
          %parallel_loop3A_819 = vector.shape_cast %parallel_loop3A_812 : vector<16xf32> to vector<1x1x16xf32>
          tpu.vector_store %arg10[%parallel_loop3A_814, %parallel_loop3A_815, %parallel_loop3A_816], %parallel_loop3A_819 {strides = array<i32>} : memref<4x64x128xf32, #tpu.memory_space<vmem>>, vector<1x1x16xf32>,
          %parallel_loop3A_820 = arith.constant 2 : i32
          %parallel_loop3A_821 = arith.index_cast %parallel_loop3A_820 : i32 to index
          %parallel_loop3A_822 = arith.index_cast %parallel_loop3A_721 : i32 to index
          %parallel_loop3A_823 = arith.constant 112 : index
          %parallel_loop3A_824 = tpu.vector_load %arg10[%parallel_loop3A_821, %parallel_loop3A_822, %parallel_loop3A_823] {strides = array<i32>} : memref<4x64x128xf32, #tpu.memory_space<vmem>>, vector<1x1x16xf32>,
          %parallel_loop3A_825 = vector.shape_cast %parallel_loop3A_824 : vector<1x1x16xf32> to vector<16xf32>
          %parallel_loop3A_826 = arith.mulf %parallel_loop3A_825, %parallel_loop3A_718 : vector<16xf32>
          %parallel_loop3A_827 = arith.constant 2 : i32
          %parallel_loop3A_828 = arith.index_cast %parallel_loop3A_827 : i32 to index
          %parallel_loop3A_829 = arith.index_cast %parallel_loop3A_721 : i32 to index
          %parallel_loop3A_830 = arith.constant 112 : index
          %parallel_loop3A_831 = tpu.vector_load %arg10[%parallel_loop3A_828, %parallel_loop3A_829, %parallel_loop3A_830] {strides = array<i32>} : memref<4x64x128xf32, #tpu.memory_space<vmem>>, vector<1x1x16xf32>,
          %parallel_loop3A_832 = vector.shape_cast %parallel_loop3A_831 : vector<1x1x16xf32> to vector<16xf32>
          %parallel_loop3A_833 = vector.shape_cast %parallel_loop3A_826 : vector<16xf32> to vector<1x1x16xf32>
          tpu.vector_store %arg10[%parallel_loop3A_828, %parallel_loop3A_829, %parallel_loop3A_830], %parallel_loop3A_833 {strides = array<i32>} : memref<4x64x128xf32, #tpu.memory_space<vmem>>, vector<1x1x16xf32>,
        } {sc.loop_unroll_factor = 4 : i64, sc.parallel_access}
        %scan3A_714 = arith.constant 0 : i32
        scf.yield %scan3A_714 : i32
      }
      %scan3A_379 = arith.constant 4 : i32
      %mul3A_380 = arith.constant 8 : i32
      %mul3A_381 = arith.muli %select_n3A_182, %mul3A_380 : i32
      %add3A_382 = arith.addi %mul3A_381, %add3A_332 : i32
      %dma_start3A_383 = arith.constant 2 : i32
      %dma_start3A_384 = arith.constant 0 : i32
      %dma_start3A_385 = arith.constant 0 : i32
      %dma_start3A_386 = tpu.memref_slice %arg10[%dma_start3A_383, %dma_start3A_384, %dma_start3A_385] : memref<4x64x128xf32, #tpu.memory_space<vmem>> -> memref<1x64x128xf32, #tpu.memory_space<vmem>>
      %dma_start3A_387 = tpu.memref_squeeze %dma_start3A_386 : memref<1x64x128xf32, #tpu.memory_space<vmem>> -> memref<64x128xf32, #tpu.memory_space<vmem>>
      %dma_start3A_388 = arith.constant 0 : i32
      %dma_start3A_389 = tpu.memref_slice %arg8[%add3A_382, %dma_start3A_388] : memref<24x64xi32, #tpu.memory_space<vmem>> -> memref<1x64xi32, #tpu.memory_space<vmem>>
      %dma_start3A_390 = tpu.memref_squeeze %dma_start3A_389 : memref<1x64xi32, #tpu.memory_space<vmem>> -> memref<64xi32, #tpu.memory_space<vmem>>
      %dma_start3A_391 = arith.constant 0 : i32
      %dma_start3A_392 = arith.constant 0 : i32
      %dma_start3A_393 = tpu.memref_slice %arg11[%dma_start3A_391, %dma_start3A_392] : memref<10000x128xf32, #tpu.memory_space<vmem_shared>> -> memref<10000x128xf32, #tpu.memory_space<vmem_shared>>
      tpu.enqueue_indirect_dma source(%dma_start3A_387 : memref<64x128xf32, #tpu.memory_space<vmem>>) target(%dma_start3A_393 : memref<10000x128xf32, #tpu.memory_space<vmem_shared>>) offsets(%dma_start3A_390 : memref<64xi32, #tpu.memory_space<vmem>>) semaphore(%arg18 : memref<!tpu.dma_semaphore, #tpu.memory_space<semaphore_mem>>) {add = true}
      %add3A_394 = arith.constant 3 : i32
      %add3A_395 = arith.addi %mul3A_204, %add3A_394 : i32
      %dma_wait3A_396 = arith.constant 0 : i32
      %dma_wait3A_397 = arith.constant 3 : i32
      %dma_wait3A_398 = arith.constant 0 : i32
      %dma_wait3A_399 = arith.constant 0 : i32
      %dma_wait3A_400 = tpu.memref_slice %arg10[%dma_wait3A_397, %dma_wait3A_398, %dma_wait3A_399] : memref<4x64x128xf32, #tpu.memory_space<vmem>> -> memref<1x64x128xf32, #tpu.memory_space<vmem>>
      %dma_wait3A_401 = tpu.memref_squeeze %dma_wait3A_400 : memref<1x64x128xf32, #tpu.memory_space<vmem>> -> memref<64x128xf32, #tpu.memory_space<vmem>>
      %dma_wait3A_402 = arith.constant 0 : i32
      %dma_wait3A_403 = tpu.memref_slice %arg7[%dma_wait3A_396, %dma_wait3A_402] : memref<24x64xi32, #tpu.memory_space<vmem>> -> memref<1x64xi32, #tpu.memory_space<vmem>>
      %dma_wait3A_404 = tpu.memref_squeeze %dma_wait3A_403 : memref<1x64xi32, #tpu.memory_space<vmem>> -> memref<64xi32, #tpu.memory_space<vmem>>
      %dma_wait3A_405 = arith.constant 0 : i32
      %dma_wait3A_406 = arith.constant 0 : i32
      %dma_wait3A_407 = tpu.memref_slice %arg2[%dma_wait3A_405, %dma_wait3A_406] : memref<10000x128xf32, #tpu.memory_space<hbm>> -> memref<10000x128xf32, #tpu.memory_space<hbm>>
      tpu.wait_indirect_dma semaphore(%arg15 : memref<!tpu.dma_semaphore, #tpu.memory_space<semaphore_mem>>) src(%dma_wait3A_407 : memref<10000x128xf32, #tpu.memory_space<hbm>>) dst(%dma_wait3A_401 : memref<64x128xf32, #tpu.memory_space<vmem>>)
      %dma_wait3A_408 = arith.constant 1 : i32
      %dma_wait3A_409 = arith.constant 0 : i32
      %dma_wait3A_410 = arith.constant 0 : i32
      %dma_wait3A_411 = arith.constant 0 : i32
      %dma_wait3A_412 = tpu.memref_slice %arg10[%dma_wait3A_408, %dma_wait3A_410, %dma_wait3A_411] : memref<4x64x128xf32, #tpu.memory_space<vmem>> -> memref<1x64x128xf32, #tpu.memory_space<vmem>>
      %dma_wait3A_413 = tpu.memref_squeeze %dma_wait3A_412 : memref<1x64x128xf32, #tpu.memory_space<vmem>> -> memref<64x128xf32, #tpu.memory_space<vmem>>
      %dma_wait3A_414 = arith.constant 0 : i32
      %dma_wait3A_415 = tpu.memref_slice %arg8[%dma_wait3A_409, %dma_wait3A_414] : memref<24x64xi32, #tpu.memory_space<vmem>> -> memref<1x64xi32, #tpu.memory_space<vmem>>
      %dma_wait3A_416 = tpu.memref_squeeze %dma_wait3A_415 : memref<1x64xi32, #tpu.memory_space<vmem>> -> memref<64xi32, #tpu.memory_space<vmem>>
      %dma_wait3A_417 = arith.constant 0 : i32
      %dma_wait3A_418 = arith.constant 0 : i32
      %dma_wait3A_419 = tpu.memref_slice %arg11[%dma_wait3A_417, %dma_wait3A_418] : memref<10000x128xf32, #tpu.memory_space<vmem_shared>> -> memref<10000x128xf32, #tpu.memory_space<vmem_shared>>
      tpu.wait_indirect_dma semaphore(%arg17 : memref<!tpu.dma_semaphore, #tpu.memory_space<semaphore_mem>>) src(%dma_wait3A_413 : memref<64x128xf32, #tpu.memory_space<vmem>>) dst(%dma_wait3A_419 : memref<10000x128xf32, #tpu.memory_space<vmem_shared>>)
      %add3A_420 = arith.constant 2 : i32
      %add3A_421 = arith.addi %add3A_395, %add3A_420 : i32
      %mul3A_422 = arith.constant 8 : i32
      %mul3A_423 = arith.muli %select_n3A_182, %mul3A_422 : i32
      %add3A_424 = arith.addi %mul3A_423, %add3A_421 : i32
      %dma_start3A_425 = arith.constant 1 : i32
      %dma_start3A_426 = arith.constant 0 : i32
      %dma_start3A_427 = arith.constant 0 : i32
      %dma_start3A_428 = tpu.memref_slice %arg10[%dma_start3A_425, %dma_start3A_426, %dma_start3A_427] : memref<4x64x128xf32, #tpu.memory_space<vmem>> -> memref<1x64x128xf32, #tpu.memory_space<vmem>>
      %dma_start3A_429 = tpu.memref_squeeze %dma_start3A_428 : memref<1x64x128xf32, #tpu.memory_space<vmem>> -> memref<64x128xf32, #tpu.memory_space<vmem>>
      %dma_start3A_430 = arith.constant 0 : i32
      %dma_start3A_431 = tpu.memref_slice %arg7[%add3A_424, %dma_start3A_430] : memref<24x64xi32, #tpu.memory_space<vmem>> -> memref<1x64xi32, #tpu.memory_space<vmem>>
      %dma_start3A_432 = tpu.memref_squeeze %dma_start3A_431 : memref<1x64xi32, #tpu.memory_space<vmem>> -> memref<64xi32, #tpu.memory_space<vmem>>
      %dma_start3A_433 = arith.constant 0 : i32
      %dma_start3A_434 = arith.constant 0 : i32
      %dma_start3A_435 = tpu.memref_slice %arg2[%dma_start3A_433, %dma_start3A_434] : memref<10000x128xf32, #tpu.memory_space<hbm>> -> memref<10000x128xf32, #tpu.memory_space<hbm>>
      tpu.enqueue_indirect_dma source(%dma_start3A_435 : memref<10000x128xf32, #tpu.memory_space<hbm>>) target(%dma_start3A_429 : memref<64x128xf32, #tpu.memory_space<vmem>>) offsets(%dma_start3A_432 : memref<64xi32, #tpu.memory_space<vmem>>) semaphore(%arg13 : memref<!tpu.dma_semaphore, #tpu.memory_space<semaphore_mem>>)
      %scan3A_436 = arith.constant 0 : i32
      %scan3A_437 = arith.constant 0 : i32
      %scan3A_438 = arith.constant 4 : i32
      %scan3A_439 = arith.addi %scan3A_437, %scan3A_438 : i32
      %scan3A_440 = arith.constant 1 : i32
      %scan3A_441 = scf.for %scan3A_702 = %scan3A_437 to %scan3A_439 step %scan3A_440 iter_args(%scan3A_703 = %scan3A_436) -> (i32)  : i32 {
        %mul3A_704 = arith.constant 8 : i32
        %mul3A_705 = arith.muli %select_n3A_182, %mul3A_704 : i32
        %add3A_706 = arith.addi %mul3A_705, %add3A_395 : i32
        %mul3A_707 = arith.constant 16 : i32
        %mul3A_708 = arith.muli %scan3A_702, %mul3A_707 : i32
        %get3A = arith.index_cast %add3A_706 : i32 to index
        %get3A_709 = arith.index_cast %mul3A_708 : i32 to index
        %get3A_710 = tpu.vector_load %arg9[%get3A, %get3A_709] {strides = array<i32>} : memref<24x64xf32, #tpu.memory_space<vmem>>, vector<1x16xf32>,
        %get3A_711 = vector.shape_cast %get3A_710 : vector<1x16xf32> to vector<16xf32>
        %parallel_loop3A = arith.constant 0 : i32
        %parallel_loop3A_712 = arith.constant 16 : i32
        %parallel_loop3A_713 = arith.constant 1 : i32
        scf.for %parallel_loop3A_715 = %parallel_loop3A to %parallel_loop3A_712 step %parallel_loop3A_713  : i32 {
          %parallel_loop3A_716 = vector.broadcast %parallel_loop3A_715 : i32 to vector<16x1xi32>
          %parallel_loop3A_717 = vector.shape_cast %parallel_loop3A_716 : vector<16x1xi32> to vector<16xi32>
          %parallel_loop3A_718 = tpu.dynamic_gather %get3A_711[%parallel_loop3A_717] in [0] : vector<16xf32>, vector<16xi32> -> vector<16xf32>
          %parallel_loop3A_719 = arith.constant 16 : i32
          %parallel_loop3A_720 = arith.muli %scan3A_702, %parallel_loop3A_719 : i32
          %parallel_loop3A_721 = arith.addi %parallel_loop3A_720, %parallel_loop3A_715 : i32
          %parallel_loop3A_722 = arith.constant 3 : i32
          %parallel_loop3A_723 = arith.index_cast %parallel_loop3A_722 : i32 to index
          %parallel_loop3A_724 = arith.index_cast %parallel_loop3A_721 : i32 to index
          %parallel_loop3A_725 = arith.constant 0 : index
          %parallel_loop3A_726 = tpu.vector_load %arg10[%parallel_loop3A_723, %parallel_loop3A_724, %parallel_loop3A_725] {strides = array<i32>} : memref<4x64x128xf32, #tpu.memory_space<vmem>>, vector<1x1x16xf32>,
          %parallel_loop3A_727 = vector.shape_cast %parallel_loop3A_726 : vector<1x1x16xf32> to vector<16xf32>
          %parallel_loop3A_728 = arith.mulf %parallel_loop3A_727, %parallel_loop3A_718 : vector<16xf32>
          %parallel_loop3A_729 = arith.constant 3 : i32
          %parallel_loop3A_730 = arith.index_cast %parallel_loop3A_729 : i32 to index
          %parallel_loop3A_731 = arith.index_cast %parallel_loop3A_721 : i32 to index
          %parallel_loop3A_732 = arith.constant 0 : index
          %parallel_loop3A_733 = tpu.vector_load %arg10[%parallel_loop3A_730, %parallel_loop3A_731, %parallel_loop3A_732] {strides = array<i32>} : memref<4x64x128xf32, #tpu.memory_space<vmem>>, vector<1x1x16xf32>,
          %parallel_loop3A_734 = vector.shape_cast %parallel_loop3A_733 : vector<1x1x16xf32> to vector<16xf32>
          %parallel_loop3A_735 = vector.shape_cast %parallel_loop3A_728 : vector<16xf32> to vector<1x1x16xf32>
          tpu.vector_store %arg10[%parallel_loop3A_730, %parallel_loop3A_731, %parallel_loop3A_732], %parallel_loop3A_735 {strides = array<i32>} : memref<4x64x128xf32, #tpu.memory_space<vmem>>, vector<1x1x16xf32>,
          %parallel_loop3A_736 = arith.constant 3 : i32
          %parallel_loop3A_737 = arith.index_cast %parallel_loop3A_736 : i32 to index
          %parallel_loop3A_738 = arith.index_cast %parallel_loop3A_721 : i32 to index
          %parallel_loop3A_739 = arith.constant 16 : index
          %parallel_loop3A_740 = tpu.vector_load %arg10[%parallel_loop3A_737, %parallel_loop3A_738, %parallel_loop3A_739] {strides = array<i32>} : memref<4x64x128xf32, #tpu.memory_space<vmem>>, vector<1x1x16xf32>,
          %parallel_loop3A_741 = vector.shape_cast %parallel_loop3A_740 : vector<1x1x16xf32> to vector<16xf32>
          %parallel_loop3A_742 = arith.mulf %parallel_loop3A_741, %parallel_loop3A_718 : vector<16xf32>
          %parallel_loop3A_743 = arith.constant 3 : i32
          %parallel_loop3A_744 = arith.index_cast %parallel_loop3A_743 : i32 to index
          %parallel_loop3A_745 = arith.index_cast %parallel_loop3A_721 : i32 to index
          %parallel_loop3A_746 = arith.constant 16 : index
          %parallel_loop3A_747 = tpu.vector_load %arg10[%parallel_loop3A_744, %parallel_loop3A_745, %parallel_loop3A_746] {strides = array<i32>} : memref<4x64x128xf32, #tpu.memory_space<vmem>>, vector<1x1x16xf32>,
          %parallel_loop3A_748 = vector.shape_cast %parallel_loop3A_747 : vector<1x1x16xf32> to vector<16xf32>
          %parallel_loop3A_749 = vector.shape_cast %parallel_loop3A_742 : vector<16xf32> to vector<1x1x16xf32>
          tpu.vector_store %arg10[%parallel_loop3A_744, %parallel_loop3A_745, %parallel_loop3A_746], %parallel_loop3A_749 {strides = array<i32>} : memref<4x64x128xf32, #tpu.memory_space<vmem>>, vector<1x1x16xf32>,
          %parallel_loop3A_750 = arith.constant 3 : i32
          %parallel_loop3A_751 = arith.index_cast %parallel_loop3A_750 : i32 to index
          %parallel_loop3A_752 = arith.index_cast %parallel_loop3A_721 : i32 to index
          %parallel_loop3A_753 = arith.constant 32 : index
          %parallel_loop3A_754 = tpu.vector_load %arg10[%parallel_loop3A_751, %parallel_loop3A_752, %parallel_loop3A_753] {strides = array<i32>} : memref<4x64x128xf32, #tpu.memory_space<vmem>>, vector<1x1x16xf32>,
          %parallel_loop3A_755 = vector.shape_cast %parallel_loop3A_754 : vector<1x1x16xf32> to vector<16xf32>
          %parallel_loop3A_756 = arith.mulf %parallel_loop3A_755, %parallel_loop3A_718 : vector<16xf32>
          %parallel_loop3A_757 = arith.constant 3 : i32
          %parallel_loop3A_758 = arith.index_cast %parallel_loop3A_757 : i32 to index
          %parallel_loop3A_759 = arith.index_cast %parallel_loop3A_721 : i32 to index
          %parallel_loop3A_760 = arith.constant 32 : index
          %parallel_loop3A_761 = tpu.vector_load %arg10[%parallel_loop3A_758, %parallel_loop3A_759, %parallel_loop3A_760] {strides = array<i32>} : memref<4x64x128xf32, #tpu.memory_space<vmem>>, vector<1x1x16xf32>,
          %parallel_loop3A_762 = vector.shape_cast %parallel_loop3A_761 : vector<1x1x16xf32> to vector<16xf32>
          %parallel_loop3A_763 = vector.shape_cast %parallel_loop3A_756 : vector<16xf32> to vector<1x1x16xf32>
          tpu.vector_store %arg10[%parallel_loop3A_758, %parallel_loop3A_759, %parallel_loop3A_760], %parallel_loop3A_763 {strides = array<i32>} : memref<4x64x128xf32, #tpu.memory_space<vmem>>, vector<1x1x16xf32>,
          %parallel_loop3A_764 = arith.constant 3 : i32
          %parallel_loop3A_765 = arith.index_cast %parallel_loop3A_764 : i32 to index
          %parallel_loop3A_766 = arith.index_cast %parallel_loop3A_721 : i32 to index
          %parallel_loop3A_767 = arith.constant 48 : index
          %parallel_loop3A_768 = tpu.vector_load %arg10[%parallel_loop3A_765, %parallel_loop3A_766, %parallel_loop3A_767] {strides = array<i32>} : memref<4x64x128xf32, #tpu.memory_space<vmem>>, vector<1x1x16xf32>,
          %parallel_loop3A_769 = vector.shape_cast %parallel_loop3A_768 : vector<1x1x16xf32> to vector<16xf32>
          %parallel_loop3A_770 = arith.mulf %parallel_loop3A_769, %parallel_loop3A_718 : vector<16xf32>
          %parallel_loop3A_771 = arith.constant 3 : i32
          %parallel_loop3A_772 = arith.index_cast %parallel_loop3A_771 : i32 to index
          %parallel_loop3A_773 = arith.index_cast %parallel_loop3A_721 : i32 to index
          %parallel_loop3A_774 = arith.constant 48 : index
          %parallel_loop3A_775 = tpu.vector_load %arg10[%parallel_loop3A_772, %parallel_loop3A_773, %parallel_loop3A_774] {strides = array<i32>} : memref<4x64x128xf32, #tpu.memory_space<vmem>>, vector<1x1x16xf32>,
          %parallel_loop3A_776 = vector.shape_cast %parallel_loop3A_775 : vector<1x1x16xf32> to vector<16xf32>
          %parallel_loop3A_777 = vector.shape_cast %parallel_loop3A_770 : vector<16xf32> to vector<1x1x16xf32>
          tpu.vector_store %arg10[%parallel_loop3A_772, %parallel_loop3A_773, %parallel_loop3A_774], %parallel_loop3A_777 {strides = array<i32>} : memref<4x64x128xf32, #tpu.memory_space<vmem>>, vector<1x1x16xf32>,
          %parallel_loop3A_778 = arith.constant 3 : i32
          %parallel_loop3A_779 = arith.index_cast %parallel_loop3A_778 : i32 to index
          %parallel_loop3A_780 = arith.index_cast %parallel_loop3A_721 : i32 to index
          %parallel_loop3A_781 = arith.constant 64 : index
          %parallel_loop3A_782 = tpu.vector_load %arg10[%parallel_loop3A_779, %parallel_loop3A_780, %parallel_loop3A_781] {strides = array<i32>} : memref<4x64x128xf32, #tpu.memory_space<vmem>>, vector<1x1x16xf32>,
          %parallel_loop3A_783 = vector.shape_cast %parallel_loop3A_782 : vector<1x1x16xf32> to vector<16xf32>
          %parallel_loop3A_784 = arith.mulf %parallel_loop3A_783, %parallel_loop3A_718 : vector<16xf32>
          %parallel_loop3A_785 = arith.constant 3 : i32
          %parallel_loop3A_786 = arith.index_cast %parallel_loop3A_785 : i32 to index
          %parallel_loop3A_787 = arith.index_cast %parallel_loop3A_721 : i32 to index
          %parallel_loop3A_788 = arith.constant 64 : index
          %parallel_loop3A_789 = tpu.vector_load %arg10[%parallel_loop3A_786, %parallel_loop3A_787, %parallel_loop3A_788] {strides = array<i32>} : memref<4x64x128xf32, #tpu.memory_space<vmem>>, vector<1x1x16xf32>,
          %parallel_loop3A_790 = vector.shape_cast %parallel_loop3A_789 : vector<1x1x16xf32> to vector<16xf32>
          %parallel_loop3A_791 = vector.shape_cast %parallel_loop3A_784 : vector<16xf32> to vector<1x1x16xf32>
          tpu.vector_store %arg10[%parallel_loop3A_786, %parallel_loop3A_787, %parallel_loop3A_788], %parallel_loop3A_791 {strides = array<i32>} : memref<4x64x128xf32, #tpu.memory_space<vmem>>, vector<1x1x16xf32>,
          %parallel_loop3A_792 = arith.constant 3 : i32
          %parallel_loop3A_793 = arith.index_cast %parallel_loop3A_792 : i32 to index
          %parallel_loop3A_794 = arith.index_cast %parallel_loop3A_721 : i32 to index
          %parallel_loop3A_795 = arith.constant 80 : index
          %parallel_loop3A_796 = tpu.vector_load %arg10[%parallel_loop3A_793, %parallel_loop3A_794, %parallel_loop3A_795] {strides = array<i32>} : memref<4x64x128xf32, #tpu.memory_space<vmem>>, vector<1x1x16xf32>,
          %parallel_loop3A_797 = vector.shape_cast %parallel_loop3A_796 : vector<1x1x16xf32> to vector<16xf32>
          %parallel_loop3A_798 = arith.mulf %parallel_loop3A_797, %parallel_loop3A_718 : vector<16xf32>
          %parallel_loop3A_799 = arith.constant 3 : i32
          %parallel_loop3A_800 = arith.index_cast %parallel_loop3A_799 : i32 to index
          %parallel_loop3A_801 = arith.index_cast %parallel_loop3A_721 : i32 to index
          %parallel_loop3A_802 = arith.constant 80 : index
          %parallel_loop3A_803 = tpu.vector_load %arg10[%parallel_loop3A_800, %parallel_loop3A_801, %parallel_loop3A_802] {strides = array<i32>} : memref<4x64x128xf32, #tpu.memory_space<vmem>>, vector<1x1x16xf32>,
          %parallel_loop3A_804 = vector.shape_cast %parallel_loop3A_803 : vector<1x1x16xf32> to vector<16xf32>
          %parallel_loop3A_805 = vector.shape_cast %parallel_loop3A_798 : vector<16xf32> to vector<1x1x16xf32>
          tpu.vector_store %arg10[%parallel_loop3A_800, %parallel_loop3A_801, %parallel_loop3A_802], %parallel_loop3A_805 {strides = array<i32>} : memref<4x64x128xf32, #tpu.memory_space<vmem>>, vector<1x1x16xf32>,
          %parallel_loop3A_806 = arith.constant 3 : i32
          %parallel_loop3A_807 = arith.index_cast %parallel_loop3A_806 : i32 to index
          %parallel_loop3A_808 = arith.index_cast %parallel_loop3A_721 : i32 to index
          %parallel_loop3A_809 = arith.constant 96 : index
          %parallel_loop3A_810 = tpu.vector_load %arg10[%parallel_loop3A_807, %parallel_loop3A_808, %parallel_loop3A_809] {strides = array<i32>} : memref<4x64x128xf32, #tpu.memory_space<vmem>>, vector<1x1x16xf32>,
          %parallel_loop3A_811 = vector.shape_cast %parallel_loop3A_810 : vector<1x1x16xf32> to vector<16xf32>
          %parallel_loop3A_812 = arith.mulf %parallel_loop3A_811, %parallel_loop3A_718 : vector<16xf32>
          %parallel_loop3A_813 = arith.constant 3 : i32
          %parallel_loop3A_814 = arith.index_cast %parallel_loop3A_813 : i32 to index
          %parallel_loop3A_815 = arith.index_cast %parallel_loop3A_721 : i32 to index
          %parallel_loop3A_816 = arith.constant 96 : index
          %parallel_loop3A_817 = tpu.vector_load %arg10[%parallel_loop3A_814, %parallel_loop3A_815, %parallel_loop3A_816] {strides = array<i32>} : memref<4x64x128xf32, #tpu.memory_space<vmem>>, vector<1x1x16xf32>,
          %parallel_loop3A_818 = vector.shape_cast %parallel_loop3A_817 : vector<1x1x16xf32> to vector<16xf32>
          %parallel_loop3A_819 = vector.shape_cast %parallel_loop3A_812 : vector<16xf32> to vector<1x1x16xf32>
          tpu.vector_store %arg10[%parallel_loop3A_814, %parallel_loop3A_815, %parallel_loop3A_816], %parallel_loop3A_819 {strides = array<i32>} : memref<4x64x128xf32, #tpu.memory_space<vmem>>, vector<1x1x16xf32>,
          %parallel_loop3A_820 = arith.constant 3 : i32
          %parallel_loop3A_821 = arith.index_cast %parallel_loop3A_820 : i32 to index
          %parallel_loop3A_822 = arith.index_cast %parallel_loop3A_721 : i32 to index
          %parallel_loop3A_823 = arith.constant 112 : index
          %parallel_loop3A_824 = tpu.vector_load %arg10[%parallel_loop3A_821, %parallel_loop3A_822, %parallel_loop3A_823] {strides = array<i32>} : memref<4x64x128xf32, #tpu.memory_space<vmem>>, vector<1x1x16xf32>,
          %parallel_loop3A_825 = vector.shape_cast %parallel_loop3A_824 : vector<1x1x16xf32> to vector<16xf32>
          %parallel_loop3A_826 = arith.mulf %parallel_loop3A_825, %parallel_loop3A_718 : vector<16xf32>
          %parallel_loop3A_827 = arith.constant 3 : i32
          %parallel_loop3A_828 = arith.index_cast %parallel_loop3A_827 : i32 to index
          %parallel_loop3A_829 = arith.index_cast %parallel_loop3A_721 : i32 to index
          %parallel_loop3A_830 = arith.constant 112 : index
          %parallel_loop3A_831 = tpu.vector_load %arg10[%parallel_loop3A_828, %parallel_loop3A_829, %parallel_loop3A_830] {strides = array<i32>} : memref<4x64x128xf32, #tpu.memory_space<vmem>>, vector<1x1x16xf32>,
          %parallel_loop3A_832 = vector.shape_cast %parallel_loop3A_831 : vector<1x1x16xf32> to vector<16xf32>
          %parallel_loop3A_833 = vector.shape_cast %parallel_loop3A_826 : vector<16xf32> to vector<1x1x16xf32>
          tpu.vector_store %arg10[%parallel_loop3A_828, %parallel_loop3A_829, %parallel_loop3A_830], %parallel_loop3A_833 {strides = array<i32>} : memref<4x64x128xf32, #tpu.memory_space<vmem>>, vector<1x1x16xf32>,
        } {sc.loop_unroll_factor = 4 : i64, sc.parallel_access}
        %scan3A_714 = arith.constant 0 : i32
        scf.yield %scan3A_714 : i32
      }
      %scan3A_442 = arith.constant 4 : i32
      %mul3A_443 = arith.constant 8 : i32
      %mul3A_444 = arith.muli %select_n3A_182, %mul3A_443 : i32
      %add3A_445 = arith.addi %mul3A_444, %add3A_395 : i32
      %dma_start3A_446 = arith.constant 3 : i32
      %dma_start3A_447 = arith.constant 0 : i32
      %dma_start3A_448 = arith.constant 0 : i32
      %dma_start3A_449 = tpu.memref_slice %arg10[%dma_start3A_446, %dma_start3A_447, %dma_start3A_448] : memref<4x64x128xf32, #tpu.memory_space<vmem>> -> memref<1x64x128xf32, #tpu.memory_space<vmem>>
      %dma_start3A_450 = tpu.memref_squeeze %dma_start3A_449 : memref<1x64x128xf32, #tpu.memory_space<vmem>> -> memref<64x128xf32, #tpu.memory_space<vmem>>
      %dma_start3A_451 = arith.constant 0 : i32
      %dma_start3A_452 = tpu.memref_slice %arg8[%add3A_445, %dma_start3A_451] : memref<24x64xi32, #tpu.memory_space<vmem>> -> memref<1x64xi32, #tpu.memory_space<vmem>>
      %dma_start3A_453 = tpu.memref_squeeze %dma_start3A_452 : memref<1x64xi32, #tpu.memory_space<vmem>> -> memref<64xi32, #tpu.memory_space<vmem>>
      %dma_start3A_454 = arith.constant 0 : i32
      %dma_start3A_455 = arith.constant 0 : i32
      %dma_start3A_456 = tpu.memref_slice %arg11[%dma_start3A_454, %dma_start3A_455] : memref<10000x128xf32, #tpu.memory_space<vmem_shared>> -> memref<10000x128xf32, #tpu.memory_space<vmem_shared>>
      tpu.enqueue_indirect_dma source(%dma_start3A_450 : memref<64x128xf32, #tpu.memory_space<vmem>>) target(%dma_start3A_456 : memref<10000x128xf32, #tpu.memory_space<vmem_shared>>) offsets(%dma_start3A_453 : memref<64xi32, #tpu.memory_space<vmem>>) semaphore(%arg19 : memref<!tpu.dma_semaphore, #tpu.memory_space<semaphore_mem>>) {add = true}
      %scan3A_457 = arith.constant 0 : i32
      %scan3A_458 = arith.constant 1 : i32
      %lt3A_459 = arith.constant 18 : i32
      %lt3A_460 = arith.cmpi slt, %scan3A_170, %lt3A_459 : i32
      %convert_element_type3A_461 = arith.extui %lt3A_460 : i1 to i32
      %cond3A_462 = arith.constant 0 : i32
      %cond3A_463 = arith.cmpi ne, %convert_element_type3A_461, %cond3A_462 : i32
      scf.if %cond3A_463 {
        %add3A_702 = arith.constant 2 : i32
        %add3A_703 = arith.addi %scan3A_170, %add3A_702 : i32
        %jit3A_704 = arith.constant 3 : i32
        %eq3A_705 = arith.constant 0 : i32
        %eq3A_706 = arith.cmpi eq, %jit3A_704, %eq3A_705 : i32
        %jit3A_707 = arith.constant 1 : i32
        %select_n3A_708 = arith.select %eq3A_706, %jit3A_707, %jit3A_704 : i32
        %rem3A_709 = arith.remsi %add3A_703, %select_n3A_708 : i32
        %ne3A_710 = arith.constant 0 : i32
        %ne3A_711 = arith.cmpi ne, %rem3A_709, %ne3A_710 : i32
        %lt3A_712 = arith.constant 0 : i32
        %lt3A_713 = arith.cmpi slt, %rem3A_709, %lt3A_712 : i32
        %lt3A_714 = arith.constant 0 : i32
        %lt3A_715 = arith.cmpi slt, %select_n3A_708, %lt3A_714 : i32
        %ne3A_716 = arith.xori %lt3A_713, %lt3A_715 : i1
        %and3A_717 = arith.andi %ne3A_716, %ne3A_711 : i1
        %add3A_718 = arith.addi %rem3A_709, %select_n3A_708 : i32
        %select_n3A_719 = arith.select %and3A_717, %add3A_718, %rem3A_709 : i32
        %eq3A_720 = arith.constant 0 : i32
        %eq3A_721 = arith.cmpi eq, %select_n3A_719, %eq3A_720 : i32
        %convert_element_type3A_722 = arith.extui %eq3A_721 : i1 to i32
        %cond3A_723 = arith.constant 0 : i32
        %cond3A_724 = arith.cmpi ne, %convert_element_type3A_722, %cond3A_723 : i32
        scf.if %cond3A_724 {
          %add3A_771 = arith.constant 2 : i32
          %add3A_772 = arith.addi %scan3A_170, %add3A_771 : i32
          %dma_start3A_773 = arith.constant 0 : i32
          %dma_start3A_774 = arith.constant 0 : i32
          %dma_start3A_775 = tpu.memref_slice %arg7[%dma_start3A_773, %dma_start3A_774] : memref<24x64xi32, #tpu.memory_space<vmem>> -> memref<8x64xi32, #tpu.memory_space<vmem>>
          %dma_start3A_776 = arith.constant 0 : i32
          %dma_start3A_777 = arith.constant 0 : i32
          %dma_start3A_778 = tpu.memref_slice %arg3[%add3A, %add3A_772, %dma_start3A_776, %dma_start3A_777] : memref<32x20x8x64xi32, #tpu.memory_space<hbm>> -> memref<1x1x8x64xi32, #tpu.memory_space<hbm>>
          %dma_start3A_779 = tpu.memref_squeeze %dma_start3A_778 : memref<1x1x8x64xi32, #tpu.memory_space<hbm>> -> memref<8x64xi32, #tpu.memory_space<hbm>>
          %dma_start3A_780 = arith.constant 0 : i32
          %dma_start3A_781 = arith.constant 0 : i32
          %dma_start3A_782 = tpu.memref_slice %arg7[%dma_start3A_780, %dma_start3A_781] : memref<24x64xi32, #tpu.memory_space<vmem>> -> memref<8x64xi32, #tpu.memory_space<vmem>>
          %dma_start3A_783 = arith.constant 0 : i32
          %dma_start3A_784 = arith.constant 0 : i32
          %dma_start3A_785 = tpu.memref_slice %arg3[%add3A, %add3A_772, %dma_start3A_783, %dma_start3A_784] : memref<32x20x8x64xi32, #tpu.memory_space<hbm>> -> memref<1x1x8x64xi32, #tpu.memory_space<hbm>>
          %dma_start3A_786 = tpu.memref_squeeze %dma_start3A_785 : memref<1x1x8x64xi32, #tpu.memory_space<hbm>> -> memref<8x64xi32, #tpu.memory_space<hbm>>
          tpu.enqueue_dma source(%dma_start3A_786 : memref<8x64xi32, #tpu.memory_space<hbm>>) target(%dma_start3A_782 : memref<8x64xi32, #tpu.memory_space<vmem>>) target_semaphore(%arg20 : memref<!tpu.dma_semaphore, #tpu.memory_space<semaphore_mem>>)
          %dma_start3A_787 = arith.constant 0 : i32
          %dma_start3A_788 = arith.constant 0 : i32
          %dma_start3A_789 = tpu.memref_slice %arg8[%dma_start3A_787, %dma_start3A_788] : memref<24x64xi32, #tpu.memory_space<vmem>> -> memref<8x64xi32, #tpu.memory_space<vmem>>
          %dma_start3A_790 = arith.constant 0 : i32
          %dma_start3A_791 = arith.constant 0 : i32
          %dma_start3A_792 = tpu.memref_slice %arg4[%add3A, %add3A_772, %dma_start3A_790, %dma_start3A_791] : memref<32x20x8x64xi32, #tpu.memory_space<hbm>> -> memref<1x1x8x64xi32, #tpu.memory_space<hbm>>
          %dma_start3A_793 = tpu.memref_squeeze %dma_start3A_792 : memref<1x1x8x64xi32, #tpu.memory_space<hbm>> -> memref<8x64xi32, #tpu.memory_space<hbm>>
          %dma_start3A_794 = arith.constant 0 : i32
          %dma_start3A_795 = arith.constant 0 : i32
          %dma_start3A_796 = tpu.memref_slice %arg8[%dma_start3A_794, %dma_start3A_795] : memref<24x64xi32, #tpu.memory_space<vmem>> -> memref<8x64xi32, #tpu.memory_space<vmem>>
          %dma_start3A_797 = arith.constant 0 : i32
          %dma_start3A_798 = arith.constant 0 : i32
          %dma_start3A_799 = tpu.memref_slice %arg4[%add3A, %add3A_772, %dma_start3A_797, %dma_start3A_798] : memref<32x20x8x64xi32, #tpu.memory_space<hbm>> -> memref<1x1x8x64xi32, #tpu.memory_space<hbm>>
          %dma_start3A_800 = tpu.memref_squeeze %dma_start3A_799 : memref<1x1x8x64xi32, #tpu.memory_space<hbm>> -> memref<8x64xi32, #tpu.memory_space<hbm>>
          tpu.enqueue_dma source(%dma_start3A_800 : memref<8x64xi32, #tpu.memory_space<hbm>>) target(%dma_start3A_796 : memref<8x64xi32, #tpu.memory_space<vmem>>) target_semaphore(%arg20 : memref<!tpu.dma_semaphore, #tpu.memory_space<semaphore_mem>>)
          %dma_start3A_801 = arith.constant 0 : i32
          %dma_start3A_802 = arith.constant 0 : i32
          %dma_start3A_803 = tpu.memref_slice %arg9[%dma_start3A_801, %dma_start3A_802] : memref<24x64xf32, #tpu.memory_space<vmem>> -> memref<8x64xf32, #tpu.memory_space<vmem>>
          %dma_start3A_804 = arith.constant 0 : i32
          %dma_start3A_805 = arith.constant 0 : i32
          %dma_start3A_806 = tpu.memref_slice %arg5[%add3A, %add3A_772, %dma_start3A_804, %dma_start3A_805] : memref<32x20x8x64xf32, #tpu.memory_space<hbm>> -> memref<1x1x8x64xf32, #tpu.memory_space<hbm>>
          %dma_start3A_807 = tpu.memref_squeeze %dma_start3A_806 : memref<1x1x8x64xf32, #tpu.memory_space<hbm>> -> memref<8x64xf32, #tpu.memory_space<hbm>>
          %dma_start3A_808 = arith.constant 0 : i32
          %dma_start3A_809 = arith.constant 0 : i32
          %dma_start3A_810 = tpu.memref_slice %arg9[%dma_start3A_808, %dma_start3A_809] : memref<24x64xf32, #tpu.memory_space<vmem>> -> memref<8x64xf32, #tpu.memory_space<vmem>>
          %dma_start3A_811 = arith.constant 0 : i32
          %dma_start3A_812 = arith.constant 0 : i32
          %dma_start3A_813 = tpu.memref_slice %arg5[%add3A, %add3A_772, %dma_start3A_811, %dma_start3A_812] : memref<32x20x8x64xf32, #tpu.memory_space<hbm>> -> memref<1x1x8x64xf32, #tpu.memory_space<hbm>>
          %dma_start3A_814 = tpu.memref_squeeze %dma_start3A_813 : memref<1x1x8x64xf32, #tpu.memory_space<hbm>> -> memref<8x64xf32, #tpu.memory_space<hbm>>
          tpu.enqueue_dma source(%dma_start3A_814 : memref<8x64xf32, #tpu.memory_space<hbm>>) target(%dma_start3A_810 : memref<8x64xf32, #tpu.memory_space<vmem>>) target_semaphore(%arg20 : memref<!tpu.dma_semaphore, #tpu.memory_space<semaphore_mem>>)
        } else {
        }
        %add3A_725 = arith.constant 2 : i32
        %add3A_726 = arith.addi %scan3A_170, %add3A_725 : i32
        %jit3A_727 = arith.constant 3 : i32
        %eq3A_728 = arith.constant 0 : i32
        %eq3A_729 = arith.cmpi eq, %jit3A_727, %eq3A_728 : i32
        %jit3A_730 = arith.constant 1 : i32
        %select_n3A_731 = arith.select %eq3A_729, %jit3A_730, %jit3A_727 : i32
        %rem3A_732 = arith.remsi %add3A_726, %select_n3A_731 : i32
        %ne3A_733 = arith.constant 0 : i32
        %ne3A_734 = arith.cmpi ne, %rem3A_732, %ne3A_733 : i32
        %lt3A_735 = arith.constant 0 : i32
        %lt3A_736 = arith.cmpi slt, %rem3A_732, %lt3A_735 : i32
        %lt3A_737 = arith.constant 0 : i32
        %lt3A_738 = arith.cmpi slt, %select_n3A_731, %lt3A_737 : i32
        %ne3A_739 = arith.xori %lt3A_736, %lt3A_738 : i1
        %and3A_740 = arith.andi %ne3A_739, %ne3A_734 : i1
        %add3A_741 = arith.addi %rem3A_732, %select_n3A_731 : i32
        %select_n3A_742 = arith.select %and3A_740, %add3A_741, %rem3A_732 : i32
        %eq3A_743 = arith.constant 1 : i32
        %eq3A_744 = arith.cmpi eq, %select_n3A_742, %eq3A_743 : i32
        %convert_element_type3A_745 = arith.extui %eq3A_744 : i1 to i32
        %cond3A_746 = arith.constant 0 : i32
        %cond3A_747 = arith.cmpi ne, %convert_element_type3A_745, %cond3A_746 : i32
        scf.if %cond3A_747 {
          %add3A_771 = arith.constant 2 : i32
          %add3A_772 = arith.addi %scan3A_170, %add3A_771 : i32
          %dma_start3A_773 = arith.constant 8 : i32
          %dma_start3A_774 = arith.constant 0 : i32
          %dma_start3A_775 = tpu.memref_slice %arg7[%dma_start3A_773, %dma_start3A_774] : memref<24x64xi32, #tpu.memory_space<vmem>> -> memref<8x64xi32, #tpu.memory_space<vmem>>
          %dma_start3A_776 = arith.constant 0 : i32
          %dma_start3A_777 = arith.constant 0 : i32
          %dma_start3A_778 = tpu.memref_slice %arg3[%add3A, %add3A_772, %dma_start3A_776, %dma_start3A_777] : memref<32x20x8x64xi32, #tpu.memory_space<hbm>> -> memref<1x1x8x64xi32, #tpu.memory_space<hbm>>
          %dma_start3A_779 = tpu.memref_squeeze %dma_start3A_778 : memref<1x1x8x64xi32, #tpu.memory_space<hbm>> -> memref<8x64xi32, #tpu.memory_space<hbm>>
          %dma_start3A_780 = arith.constant 8 : i32
          %dma_start3A_781 = arith.constant 0 : i32
          %dma_start3A_782 = tpu.memref_slice %arg7[%dma_start3A_780, %dma_start3A_781] : memref<24x64xi32, #tpu.memory_space<vmem>> -> memref<8x64xi32, #tpu.memory_space<vmem>>
          %dma_start3A_783 = arith.constant 0 : i32
          %dma_start3A_784 = arith.constant 0 : i32
          %dma_start3A_785 = tpu.memref_slice %arg3[%add3A, %add3A_772, %dma_start3A_783, %dma_start3A_784] : memref<32x20x8x64xi32, #tpu.memory_space<hbm>> -> memref<1x1x8x64xi32, #tpu.memory_space<hbm>>
          %dma_start3A_786 = tpu.memref_squeeze %dma_start3A_785 : memref<1x1x8x64xi32, #tpu.memory_space<hbm>> -> memref<8x64xi32, #tpu.memory_space<hbm>>
          tpu.enqueue_dma source(%dma_start3A_786 : memref<8x64xi32, #tpu.memory_space<hbm>>) target(%dma_start3A_782 : memref<8x64xi32, #tpu.memory_space<vmem>>) target_semaphore(%arg21 : memref<!tpu.dma_semaphore, #tpu.memory_space<semaphore_mem>>)
          %dma_start3A_787 = arith.constant 8 : i32
          %dma_start3A_788 = arith.constant 0 : i32
          %dma_start3A_789 = tpu.memref_slice %arg8[%dma_start3A_787, %dma_start3A_788] : memref<24x64xi32, #tpu.memory_space<vmem>> -> memref<8x64xi32, #tpu.memory_space<vmem>>
          %dma_start3A_790 = arith.constant 0 : i32
          %dma_start3A_791 = arith.constant 0 : i32
          %dma_start3A_792 = tpu.memref_slice %arg4[%add3A, %add3A_772, %dma_start3A_790, %dma_start3A_791] : memref<32x20x8x64xi32, #tpu.memory_space<hbm>> -> memref<1x1x8x64xi32, #tpu.memory_space<hbm>>
          %dma_start3A_793 = tpu.memref_squeeze %dma_start3A_792 : memref<1x1x8x64xi32, #tpu.memory_space<hbm>> -> memref<8x64xi32, #tpu.memory_space<hbm>>
          %dma_start3A_794 = arith.constant 8 : i32
          %dma_start3A_795 = arith.constant 0 : i32
          %dma_start3A_796 = tpu.memref_slice %arg8[%dma_start3A_794, %dma_start3A_795] : memref<24x64xi32, #tpu.memory_space<vmem>> -> memref<8x64xi32, #tpu.memory_space<vmem>>
          %dma_start3A_797 = arith.constant 0 : i32
          %dma_start3A_798 = arith.constant 0 : i32
          %dma_start3A_799 = tpu.memref_slice %arg4[%add3A, %add3A_772, %dma_start3A_797, %dma_start3A_798] : memref<32x20x8x64xi32, #tpu.memory_space<hbm>> -> memref<1x1x8x64xi32, #tpu.memory_space<hbm>>
          %dma_start3A_800 = tpu.memref_squeeze %dma_start3A_799 : memref<1x1x8x64xi32, #tpu.memory_space<hbm>> -> memref<8x64xi32, #tpu.memory_space<hbm>>
          tpu.enqueue_dma source(%dma_start3A_800 : memref<8x64xi32, #tpu.memory_space<hbm>>) target(%dma_start3A_796 : memref<8x64xi32, #tpu.memory_space<vmem>>) target_semaphore(%arg21 : memref<!tpu.dma_semaphore, #tpu.memory_space<semaphore_mem>>)
          %dma_start3A_801 = arith.constant 8 : i32
          %dma_start3A_802 = arith.constant 0 : i32
          %dma_start3A_803 = tpu.memref_slice %arg9[%dma_start3A_801, %dma_start3A_802] : memref<24x64xf32, #tpu.memory_space<vmem>> -> memref<8x64xf32, #tpu.memory_space<vmem>>
          %dma_start3A_804 = arith.constant 0 : i32
          %dma_start3A_805 = arith.constant 0 : i32
          %dma_start3A_806 = tpu.memref_slice %arg5[%add3A, %add3A_772, %dma_start3A_804, %dma_start3A_805] : memref<32x20x8x64xf32, #tpu.memory_space<hbm>> -> memref<1x1x8x64xf32, #tpu.memory_space<hbm>>
          %dma_start3A_807 = tpu.memref_squeeze %dma_start3A_806 : memref<1x1x8x64xf32, #tpu.memory_space<hbm>> -> memref<8x64xf32, #tpu.memory_space<hbm>>
          %dma_start3A_808 = arith.constant 8 : i32
          %dma_start3A_809 = arith.constant 0 : i32
          %dma_start3A_810 = tpu.memref_slice %arg9[%dma_start3A_808, %dma_start3A_809] : memref<24x64xf32, #tpu.memory_space<vmem>> -> memref<8x64xf32, #tpu.memory_space<vmem>>
          %dma_start3A_811 = arith.constant 0 : i32
          %dma_start3A_812 = arith.constant 0 : i32
          %dma_start3A_813 = tpu.memref_slice %arg5[%add3A, %add3A_772, %dma_start3A_811, %dma_start3A_812] : memref<32x20x8x64xf32, #tpu.memory_space<hbm>> -> memref<1x1x8x64xf32, #tpu.memory_space<hbm>>
          %dma_start3A_814 = tpu.memref_squeeze %dma_start3A_813 : memref<1x1x8x64xf32, #tpu.memory_space<hbm>> -> memref<8x64xf32, #tpu.memory_space<hbm>>
          tpu.enqueue_dma source(%dma_start3A_814 : memref<8x64xf32, #tpu.memory_space<hbm>>) target(%dma_start3A_810 : memref<8x64xf32, #tpu.memory_space<vmem>>) target_semaphore(%arg21 : memref<!tpu.dma_semaphore, #tpu.memory_space<semaphore_mem>>)
        } else {
        }
        %add3A_748 = arith.constant 2 : i32
        %add3A_749 = arith.addi %scan3A_170, %add3A_748 : i32
        %jit3A_750 = arith.constant 3 : i32
        %eq3A_751 = arith.constant 0 : i32
        %eq3A_752 = arith.cmpi eq, %jit3A_750, %eq3A_751 : i32
        %jit3A_753 = arith.constant 1 : i32
        %select_n3A_754 = arith.select %eq3A_752, %jit3A_753, %jit3A_750 : i32
        %rem3A_755 = arith.remsi %add3A_749, %select_n3A_754 : i32
        %ne3A_756 = arith.constant 0 : i32
        %ne3A_757 = arith.cmpi ne, %rem3A_755, %ne3A_756 : i32
        %lt3A_758 = arith.constant 0 : i32
        %lt3A_759 = arith.cmpi slt, %rem3A_755, %lt3A_758 : i32
        %lt3A_760 = arith.constant 0 : i32
        %lt3A_761 = arith.cmpi slt, %select_n3A_754, %lt3A_760 : i32
        %ne3A_762 = arith.xori %lt3A_759, %lt3A_761 : i1
        %and3A_763 = arith.andi %ne3A_762, %ne3A_757 : i1
        %add3A_764 = arith.addi %rem3A_755, %select_n3A_754 : i32
        %select_n3A_765 = arith.select %and3A_763, %add3A_764, %rem3A_755 : i32
        %eq3A_766 = arith.constant 2 : i32
        %eq3A_767 = arith.cmpi eq, %select_n3A_765, %eq3A_766 : i32
        %convert_element_type3A_768 = arith.extui %eq3A_767 : i1 to i32
        %cond3A_769 = arith.constant 0 : i32
        %cond3A_770 = arith.cmpi ne, %convert_element_type3A_768, %cond3A_769 : i32
        scf.if %cond3A_770 {
          %add3A_771 = arith.constant 2 : i32
          %add3A_772 = arith.addi %scan3A_170, %add3A_771 : i32
          %dma_start3A_773 = arith.constant 16 : i32
          %dma_start3A_774 = arith.constant 0 : i32
          %dma_start3A_775 = tpu.memref_slice %arg7[%dma_start3A_773, %dma_start3A_774] : memref<24x64xi32, #tpu.memory_space<vmem>> -> memref<8x64xi32, #tpu.memory_space<vmem>>
          %dma_start3A_776 = arith.constant 0 : i32
          %dma_start3A_777 = arith.constant 0 : i32
          %dma_start3A_778 = tpu.memref_slice %arg3[%add3A, %add3A_772, %dma_start3A_776, %dma_start3A_777] : memref<32x20x8x64xi32, #tpu.memory_space<hbm>> -> memref<1x1x8x64xi32, #tpu.memory_space<hbm>>
          %dma_start3A_779 = tpu.memref_squeeze %dma_start3A_778 : memref<1x1x8x64xi32, #tpu.memory_space<hbm>> -> memref<8x64xi32, #tpu.memory_space<hbm>>
          %dma_start3A_780 = arith.constant 16 : i32
          %dma_start3A_781 = arith.constant 0 : i32
          %dma_start3A_782 = tpu.memref_slice %arg7[%dma_start3A_780, %dma_start3A_781] : memref<24x64xi32, #tpu.memory_space<vmem>> -> memref<8x64xi32, #tpu.memory_space<vmem>>
          %dma_start3A_783 = arith.constant 0 : i32
          %dma_start3A_784 = arith.constant 0 : i32
          %dma_start3A_785 = tpu.memref_slice %arg3[%add3A, %add3A_772, %dma_start3A_783, %dma_start3A_784] : memref<32x20x8x64xi32, #tpu.memory_space<hbm>> -> memref<1x1x8x64xi32, #tpu.memory_space<hbm>>
          %dma_start3A_786 = tpu.memref_squeeze %dma_start3A_785 : memref<1x1x8x64xi32, #tpu.memory_space<hbm>> -> memref<8x64xi32, #tpu.memory_space<hbm>>
          tpu.enqueue_dma source(%dma_start3A_786 : memref<8x64xi32, #tpu.memory_space<hbm>>) target(%dma_start3A_782 : memref<8x64xi32, #tpu.memory_space<vmem>>) target_semaphore(%arg22 : memref<!tpu.dma_semaphore, #tpu.memory_space<semaphore_mem>>)
          %dma_start3A_787 = arith.constant 16 : i32
          %dma_start3A_788 = arith.constant 0 : i32
          %dma_start3A_789 = tpu.memref_slice %arg8[%dma_start3A_787, %dma_start3A_788] : memref<24x64xi32, #tpu.memory_space<vmem>> -> memref<8x64xi32, #tpu.memory_space<vmem>>
          %dma_start3A_790 = arith.constant 0 : i32
          %dma_start3A_791 = arith.constant 0 : i32
          %dma_start3A_792 = tpu.memref_slice %arg4[%add3A, %add3A_772, %dma_start3A_790, %dma_start3A_791] : memref<32x20x8x64xi32, #tpu.memory_space<hbm>> -> memref<1x1x8x64xi32, #tpu.memory_space<hbm>>
          %dma_start3A_793 = tpu.memref_squeeze %dma_start3A_792 : memref<1x1x8x64xi32, #tpu.memory_space<hbm>> -> memref<8x64xi32, #tpu.memory_space<hbm>>
          %dma_start3A_794 = arith.constant 16 : i32
          %dma_start3A_795 = arith.constant 0 : i32
          %dma_start3A_796 = tpu.memref_slice %arg8[%dma_start3A_794, %dma_start3A_795] : memref<24x64xi32, #tpu.memory_space<vmem>> -> memref<8x64xi32, #tpu.memory_space<vmem>>
          %dma_start3A_797 = arith.constant 0 : i32
          %dma_start3A_798 = arith.constant 0 : i32
          %dma_start3A_799 = tpu.memref_slice %arg4[%add3A, %add3A_772, %dma_start3A_797, %dma_start3A_798] : memref<32x20x8x64xi32, #tpu.memory_space<hbm>> -> memref<1x1x8x64xi32, #tpu.memory_space<hbm>>
          %dma_start3A_800 = tpu.memref_squeeze %dma_start3A_799 : memref<1x1x8x64xi32, #tpu.memory_space<hbm>> -> memref<8x64xi32, #tpu.memory_space<hbm>>
          tpu.enqueue_dma source(%dma_start3A_800 : memref<8x64xi32, #tpu.memory_space<hbm>>) target(%dma_start3A_796 : memref<8x64xi32, #tpu.memory_space<vmem>>) target_semaphore(%arg22 : memref<!tpu.dma_semaphore, #tpu.memory_space<semaphore_mem>>)
          %dma_start3A_801 = arith.constant 16 : i32
          %dma_start3A_802 = arith.constant 0 : i32
          %dma_start3A_803 = tpu.memref_slice %arg9[%dma_start3A_801, %dma_start3A_802] : memref<24x64xf32, #tpu.memory_space<vmem>> -> memref<8x64xf32, #tpu.memory_space<vmem>>
          %dma_start3A_804 = arith.constant 0 : i32
          %dma_start3A_805 = arith.constant 0 : i32
          %dma_start3A_806 = tpu.memref_slice %arg5[%add3A, %add3A_772, %dma_start3A_804, %dma_start3A_805] : memref<32x20x8x64xf32, #tpu.memory_space<hbm>> -> memref<1x1x8x64xf32, #tpu.memory_space<hbm>>
          %dma_start3A_807 = tpu.memref_squeeze %dma_start3A_806 : memref<1x1x8x64xf32, #tpu.memory_space<hbm>> -> memref<8x64xf32, #tpu.memory_space<hbm>>
          %dma_start3A_808 = arith.constant 16 : i32
          %dma_start3A_809 = arith.constant 0 : i32
          %dma_start3A_810 = tpu.memref_slice %arg9[%dma_start3A_808, %dma_start3A_809] : memref<24x64xf32, #tpu.memory_space<vmem>> -> memref<8x64xf32, #tpu.memory_space<vmem>>
          %dma_start3A_811 = arith.constant 0 : i32
          %dma_start3A_812 = arith.constant 0 : i32
          %dma_start3A_813 = tpu.memref_slice %arg5[%add3A, %add3A_772, %dma_start3A_811, %dma_start3A_812] : memref<32x20x8x64xf32, #tpu.memory_space<hbm>> -> memref<1x1x8x64xf32, #tpu.memory_space<hbm>>
          %dma_start3A_814 = tpu.memref_squeeze %dma_start3A_813 : memref<1x1x8x64xf32, #tpu.memory_space<hbm>> -> memref<8x64xf32, #tpu.memory_space<hbm>>
          tpu.enqueue_dma source(%dma_start3A_814 : memref<8x64xf32, #tpu.memory_space<hbm>>) target(%dma_start3A_810 : memref<8x64xf32, #tpu.memory_space<vmem>>) target_semaphore(%arg22 : memref<!tpu.dma_semaphore, #tpu.memory_space<semaphore_mem>>)
        } else {
        }
      } else {
      }
      %dma_wait3A_464 = arith.constant 0 : i32
      %dma_wait3A_465 = arith.constant 0 : i32
      %dma_wait3A_466 = arith.constant 0 : i32
      %dma_wait3A_467 = arith.constant 0 : i32
      %dma_wait3A_468 = tpu.memref_slice %arg10[%dma_wait3A_465, %dma_wait3A_466, %dma_wait3A_467] : memref<4x64x128xf32, #tpu.memory_space<vmem>> -> memref<1x64x128xf32, #tpu.memory_space<vmem>>
      %dma_wait3A_469 = tpu.memref_squeeze %dma_wait3A_468 : memref<1x64x128xf32, #tpu.memory_space<vmem>> -> memref<64x128xf32, #tpu.memory_space<vmem>>
      %dma_wait3A_470 = arith.constant 0 : i32
      %dma_wait3A_471 = tpu.memref_slice %arg7[%dma_wait3A_464, %dma_wait3A_470] : memref<24x64xi32, #tpu.memory_space<vmem>> -> memref<1x64xi32, #tpu.memory_space<vmem>>
      %dma_wait3A_472 = tpu.memref_squeeze %dma_wait3A_471 : memref<1x64xi32, #tpu.memory_space<vmem>> -> memref<64xi32, #tpu.memory_space<vmem>>
      %dma_wait3A_473 = arith.constant 0 : i32
      %dma_wait3A_474 = arith.constant 0 : i32
      %dma_wait3A_475 = tpu.memref_slice %arg2[%dma_wait3A_473, %dma_wait3A_474] : memref<10000x128xf32, #tpu.memory_space<hbm>> -> memref<10000x128xf32, #tpu.memory_space<hbm>>
      tpu.wait_indirect_dma semaphore(%arg12 : memref<!tpu.dma_semaphore, #tpu.memory_space<semaphore_mem>>) src(%dma_wait3A_475 : memref<10000x128xf32, #tpu.memory_space<hbm>>) dst(%dma_wait3A_469 : memref<64x128xf32, #tpu.memory_space<vmem>>)
      %dma_wait3A_476 = arith.constant 2 : i32
      %dma_wait3A_477 = arith.constant 0 : i32
      %dma_wait3A_478 = arith.constant 0 : i32
      %dma_wait3A_479 = arith.constant 0 : i32
      %dma_wait3A_480 = tpu.memref_slice %arg10[%dma_wait3A_476, %dma_wait3A_478, %dma_wait3A_479] : memref<4x64x128xf32, #tpu.memory_space<vmem>> -> memref<1x64x128xf32, #tpu.memory_space<vmem>>
      %dma_wait3A_481 = tpu.memref_squeeze %dma_wait3A_480 : memref<1x64x128xf32, #tpu.memory_space<vmem>> -> memref<64x128xf32, #tpu.memory_space<vmem>>
      %dma_wait3A_482 = arith.constant 0 : i32
      %dma_wait3A_483 = tpu.memref_slice %arg8[%dma_wait3A_477, %dma_wait3A_482] : memref<24x64xi32, #tpu.memory_space<vmem>> -> memref<1x64xi32, #tpu.memory_space<vmem>>
      %dma_wait3A_484 = tpu.memref_squeeze %dma_wait3A_483 : memref<1x64xi32, #tpu.memory_space<vmem>> -> memref<64xi32, #tpu.memory_space<vmem>>
      %dma_wait3A_485 = arith.constant 0 : i32
      %dma_wait3A_486 = arith.constant 0 : i32
      %dma_wait3A_487 = tpu.memref_slice %arg11[%dma_wait3A_485, %dma_wait3A_486] : memref<10000x128xf32, #tpu.memory_space<vmem_shared>> -> memref<10000x128xf32, #tpu.memory_space<vmem_shared>>
      tpu.wait_indirect_dma semaphore(%arg18 : memref<!tpu.dma_semaphore, #tpu.memory_space<semaphore_mem>>) src(%dma_wait3A_481 : memref<64x128xf32, #tpu.memory_space<vmem>>) dst(%dma_wait3A_487 : memref<10000x128xf32, #tpu.memory_space<vmem_shared>>)
      %add3A_488 = arith.constant 4 : i32
      %add3A_489 = arith.constant 2 : i32
      %add3A_490 = arith.addi %add3A_488, %add3A_489 : i32
      %mul3A_491 = arith.constant 8 : i32
      %mul3A_492 = arith.muli %select_n3A_182, %mul3A_491 : i32
      %add3A_493 = arith.addi %mul3A_492, %add3A_490 : i32
      %dma_start3A_494 = arith.constant 2 : i32
      %dma_start3A_495 = arith.constant 0 : i32
      %dma_start3A_496 = arith.constant 0 : i32
      %dma_start3A_497 = tpu.memref_slice %arg10[%dma_start3A_494, %dma_start3A_495, %dma_start3A_496] : memref<4x64x128xf32, #tpu.memory_space<vmem>> -> memref<1x64x128xf32, #tpu.memory_space<vmem>>
      %dma_start3A_498 = tpu.memref_squeeze %dma_start3A_497 : memref<1x64x128xf32, #tpu.memory_space<vmem>> -> memref<64x128xf32, #tpu.memory_space<vmem>>
      %dma_start3A_499 = arith.constant 0 : i32
      %dma_start3A_500 = tpu.memref_slice %arg7[%add3A_493, %dma_start3A_499] : memref<24x64xi32, #tpu.memory_space<vmem>> -> memref<1x64xi32, #tpu.memory_space<vmem>>
      %dma_start3A_501 = tpu.memref_squeeze %dma_start3A_500 : memref<1x64xi32, #tpu.memory_space<vmem>> -> memref<64xi32, #tpu.memory_space<vmem>>
      %dma_start3A_502 = arith.constant 0 : i32
      %dma_start3A_503 = arith.constant 0 : i32
      %dma_start3A_504 = tpu.memref_slice %arg2[%dma_start3A_502, %dma_start3A_503] : memref<10000x128xf32, #tpu.memory_space<hbm>> -> memref<10000x128xf32, #tpu.memory_space<hbm>>
      tpu.enqueue_indirect_dma source(%dma_start3A_504 : memref<10000x128xf32, #tpu.memory_space<hbm>>) target(%dma_start3A_498 : memref<64x128xf32, #tpu.memory_space<vmem>>) offsets(%dma_start3A_501 : memref<64xi32, #tpu.memory_space<vmem>>) semaphore(%arg14 : memref<!tpu.dma_semaphore, #tpu.memory_space<semaphore_mem>>)
      %scan3A_505 = arith.constant 4 : i32
      %scan3A_506 = arith.constant 0 : i32
      %scan3A_507 = arith.constant 0 : i32
      %scan3A_508 = arith.constant 4 : i32
      %scan3A_509 = arith.addi %scan3A_507, %scan3A_508 : i32
      %scan3A_510 = arith.constant 1 : i32
      %scan3A_511 = scf.for %scan3A_702 = %scan3A_507 to %scan3A_509 step %scan3A_510 iter_args(%scan3A_703 = %scan3A_506) -> (i32)  : i32 {
        %mul3A_704 = arith.constant 8 : i32
        %mul3A_705 = arith.muli %select_n3A_182, %mul3A_704 : i32
        %add3A_706 = arith.addi %mul3A_705, %scan3A_505 : i32
        %mul3A_707 = arith.constant 16 : i32
        %mul3A_708 = arith.muli %scan3A_702, %mul3A_707 : i32
        %get3A = arith.index_cast %add3A_706 : i32 to index
        %get3A_709 = arith.index_cast %mul3A_708 : i32 to index
        %get3A_710 = tpu.vector_load %arg9[%get3A, %get3A_709] {strides = array<i32>} : memref<24x64xf32, #tpu.memory_space<vmem>>, vector<1x16xf32>,
        %get3A_711 = vector.shape_cast %get3A_710 : vector<1x16xf32> to vector<16xf32>
        %parallel_loop3A = arith.constant 0 : i32
        %parallel_loop3A_712 = arith.constant 16 : i32
        %parallel_loop3A_713 = arith.constant 1 : i32
        scf.for %parallel_loop3A_715 = %parallel_loop3A to %parallel_loop3A_712 step %parallel_loop3A_713  : i32 {
          %parallel_loop3A_716 = vector.broadcast %parallel_loop3A_715 : i32 to vector<16x1xi32>
          %parallel_loop3A_717 = vector.shape_cast %parallel_loop3A_716 : vector<16x1xi32> to vector<16xi32>
          %parallel_loop3A_718 = tpu.dynamic_gather %get3A_711[%parallel_loop3A_717] in [0] : vector<16xf32>, vector<16xi32> -> vector<16xf32>
          %parallel_loop3A_719 = arith.constant 16 : i32
          %parallel_loop3A_720 = arith.muli %scan3A_702, %parallel_loop3A_719 : i32
          %parallel_loop3A_721 = arith.addi %parallel_loop3A_720, %parallel_loop3A_715 : i32
          %parallel_loop3A_722 = arith.constant 0 : i32
          %parallel_loop3A_723 = arith.index_cast %parallel_loop3A_722 : i32 to index
          %parallel_loop3A_724 = arith.index_cast %parallel_loop3A_721 : i32 to index
          %parallel_loop3A_725 = arith.constant 0 : index
          %parallel_loop3A_726 = tpu.vector_load %arg10[%parallel_loop3A_723, %parallel_loop3A_724, %parallel_loop3A_725] {strides = array<i32>} : memref<4x64x128xf32, #tpu.memory_space<vmem>>, vector<1x1x16xf32>,
          %parallel_loop3A_727 = vector.shape_cast %parallel_loop3A_726 : vector<1x1x16xf32> to vector<16xf32>
          %parallel_loop3A_728 = arith.mulf %parallel_loop3A_727, %parallel_loop3A_718 : vector<16xf32>
          %parallel_loop3A_729 = arith.constant 0 : i32
          %parallel_loop3A_730 = arith.index_cast %parallel_loop3A_729 : i32 to index
          %parallel_loop3A_731 = arith.index_cast %parallel_loop3A_721 : i32 to index
          %parallel_loop3A_732 = arith.constant 0 : index
          %parallel_loop3A_733 = tpu.vector_load %arg10[%parallel_loop3A_730, %parallel_loop3A_731, %parallel_loop3A_732] {strides = array<i32>} : memref<4x64x128xf32, #tpu.memory_space<vmem>>, vector<1x1x16xf32>,
          %parallel_loop3A_734 = vector.shape_cast %parallel_loop3A_733 : vector<1x1x16xf32> to vector<16xf32>
          %parallel_loop3A_735 = vector.shape_cast %parallel_loop3A_728 : vector<16xf32> to vector<1x1x16xf32>
          tpu.vector_store %arg10[%parallel_loop3A_730, %parallel_loop3A_731, %parallel_loop3A_732], %parallel_loop3A_735 {strides = array<i32>} : memref<4x64x128xf32, #tpu.memory_space<vmem>>, vector<1x1x16xf32>,
          %parallel_loop3A_736 = arith.constant 0 : i32
          %parallel_loop3A_737 = arith.index_cast %parallel_loop3A_736 : i32 to index
          %parallel_loop3A_738 = arith.index_cast %parallel_loop3A_721 : i32 to index
          %parallel_loop3A_739 = arith.constant 16 : index
          %parallel_loop3A_740 = tpu.vector_load %arg10[%parallel_loop3A_737, %parallel_loop3A_738, %parallel_loop3A_739] {strides = array<i32>} : memref<4x64x128xf32, #tpu.memory_space<vmem>>, vector<1x1x16xf32>,
          %parallel_loop3A_741 = vector.shape_cast %parallel_loop3A_740 : vector<1x1x16xf32> to vector<16xf32>
          %parallel_loop3A_742 = arith.mulf %parallel_loop3A_741, %parallel_loop3A_718 : vector<16xf32>
          %parallel_loop3A_743 = arith.constant 0 : i32
          %parallel_loop3A_744 = arith.index_cast %parallel_loop3A_743 : i32 to index
          %parallel_loop3A_745 = arith.index_cast %parallel_loop3A_721 : i32 to index
          %parallel_loop3A_746 = arith.constant 16 : index
          %parallel_loop3A_747 = tpu.vector_load %arg10[%parallel_loop3A_744, %parallel_loop3A_745, %parallel_loop3A_746] {strides = array<i32>} : memref<4x64x128xf32, #tpu.memory_space<vmem>>, vector<1x1x16xf32>,
          %parallel_loop3A_748 = vector.shape_cast %parallel_loop3A_747 : vector<1x1x16xf32> to vector<16xf32>
          %parallel_loop3A_749 = vector.shape_cast %parallel_loop3A_742 : vector<16xf32> to vector<1x1x16xf32>
          tpu.vector_store %arg10[%parallel_loop3A_744, %parallel_loop3A_745, %parallel_loop3A_746], %parallel_loop3A_749 {strides = array<i32>} : memref<4x64x128xf32, #tpu.memory_space<vmem>>, vector<1x1x16xf32>,
          %parallel_loop3A_750 = arith.constant 0 : i32
          %parallel_loop3A_751 = arith.index_cast %parallel_loop3A_750 : i32 to index
          %parallel_loop3A_752 = arith.index_cast %parallel_loop3A_721 : i32 to index
          %parallel_loop3A_753 = arith.constant 32 : index
          %parallel_loop3A_754 = tpu.vector_load %arg10[%parallel_loop3A_751, %parallel_loop3A_752, %parallel_loop3A_753] {strides = array<i32>} : memref<4x64x128xf32, #tpu.memory_space<vmem>>, vector<1x1x16xf32>,
          %parallel_loop3A_755 = vector.shape_cast %parallel_loop3A_754 : vector<1x1x16xf32> to vector<16xf32>
          %parallel_loop3A_756 = arith.mulf %parallel_loop3A_755, %parallel_loop3A_718 : vector<16xf32>
          %parallel_loop3A_757 = arith.constant 0 : i32
          %parallel_loop3A_758 = arith.index_cast %parallel_loop3A_757 : i32 to index
          %parallel_loop3A_759 = arith.index_cast %parallel_loop3A_721 : i32 to index
          %parallel_loop3A_760 = arith.constant 32 : index
          %parallel_loop3A_761 = tpu.vector_load %arg10[%parallel_loop3A_758, %parallel_loop3A_759, %parallel_loop3A_760] {strides = array<i32>} : memref<4x64x128xf32, #tpu.memory_space<vmem>>, vector<1x1x16xf32>,
          %parallel_loop3A_762 = vector.shape_cast %parallel_loop3A_761 : vector<1x1x16xf32> to vector<16xf32>
          %parallel_loop3A_763 = vector.shape_cast %parallel_loop3A_756 : vector<16xf32> to vector<1x1x16xf32>
          tpu.vector_store %arg10[%parallel_loop3A_758, %parallel_loop3A_759, %parallel_loop3A_760], %parallel_loop3A_763 {strides = array<i32>} : memref<4x64x128xf32, #tpu.memory_space<vmem>>, vector<1x1x16xf32>,
          %parallel_loop3A_764 = arith.constant 0 : i32
          %parallel_loop3A_765 = arith.index_cast %parallel_loop3A_764 : i32 to index
          %parallel_loop3A_766 = arith.index_cast %parallel_loop3A_721 : i32 to index
          %parallel_loop3A_767 = arith.constant 48 : index
          %parallel_loop3A_768 = tpu.vector_load %arg10[%parallel_loop3A_765, %parallel_loop3A_766, %parallel_loop3A_767] {strides = array<i32>} : memref<4x64x128xf32, #tpu.memory_space<vmem>>, vector<1x1x16xf32>,
          %parallel_loop3A_769 = vector.shape_cast %parallel_loop3A_768 : vector<1x1x16xf32> to vector<16xf32>
          %parallel_loop3A_770 = arith.mulf %parallel_loop3A_769, %parallel_loop3A_718 : vector<16xf32>
          %parallel_loop3A_771 = arith.constant 0 : i32
          %parallel_loop3A_772 = arith.index_cast %parallel_loop3A_771 : i32 to index
          %parallel_loop3A_773 = arith.index_cast %parallel_loop3A_721 : i32 to index
          %parallel_loop3A_774 = arith.constant 48 : index
          %parallel_loop3A_775 = tpu.vector_load %arg10[%parallel_loop3A_772, %parallel_loop3A_773, %parallel_loop3A_774] {strides = array<i32>} : memref<4x64x128xf32, #tpu.memory_space<vmem>>, vector<1x1x16xf32>,
          %parallel_loop3A_776 = vector.shape_cast %parallel_loop3A_775 : vector<1x1x16xf32> to vector<16xf32>
          %parallel_loop3A_777 = vector.shape_cast %parallel_loop3A_770 : vector<16xf32> to vector<1x1x16xf32>
          tpu.vector_store %arg10[%parallel_loop3A_772, %parallel_loop3A_773, %parallel_loop3A_774], %parallel_loop3A_777 {strides = array<i32>} : memref<4x64x128xf32, #tpu.memory_space<vmem>>, vector<1x1x16xf32>,
          %parallel_loop3A_778 = arith.constant 0 : i32
          %parallel_loop3A_779 = arith.index_cast %parallel_loop3A_778 : i32 to index
          %parallel_loop3A_780 = arith.index_cast %parallel_loop3A_721 : i32 to index
          %parallel_loop3A_781 = arith.constant 64 : index
          %parallel_loop3A_782 = tpu.vector_load %arg10[%parallel_loop3A_779, %parallel_loop3A_780, %parallel_loop3A_781] {strides = array<i32>} : memref<4x64x128xf32, #tpu.memory_space<vmem>>, vector<1x1x16xf32>,
          %parallel_loop3A_783 = vector.shape_cast %parallel_loop3A_782 : vector<1x1x16xf32> to vector<16xf32>
          %parallel_loop3A_784 = arith.mulf %parallel_loop3A_783, %parallel_loop3A_718 : vector<16xf32>
          %parallel_loop3A_785 = arith.constant 0 : i32
          %parallel_loop3A_786 = arith.index_cast %parallel_loop3A_785 : i32 to index
          %parallel_loop3A_787 = arith.index_cast %parallel_loop3A_721 : i32 to index
          %parallel_loop3A_788 = arith.constant 64 : index
          %parallel_loop3A_789 = tpu.vector_load %arg10[%parallel_loop3A_786, %parallel_loop3A_787, %parallel_loop3A_788] {strides = array<i32>} : memref<4x64x128xf32, #tpu.memory_space<vmem>>, vector<1x1x16xf32>,
          %parallel_loop3A_790 = vector.shape_cast %parallel_loop3A_789 : vector<1x1x16xf32> to vector<16xf32>
          %parallel_loop3A_791 = vector.shape_cast %parallel_loop3A_784 : vector<16xf32> to vector<1x1x16xf32>
          tpu.vector_store %arg10[%parallel_loop3A_786, %parallel_loop3A_787, %parallel_loop3A_788], %parallel_loop3A_791 {strides = array<i32>} : memref<4x64x128xf32, #tpu.memory_space<vmem>>, vector<1x1x16xf32>,
          %parallel_loop3A_792 = arith.constant 0 : i32
          %parallel_loop3A_793 = arith.index_cast %parallel_loop3A_792 : i32 to index
          %parallel_loop3A_794 = arith.index_cast %parallel_loop3A_721 : i32 to index
          %parallel_loop3A_795 = arith.constant 80 : index
          %parallel_loop3A_796 = tpu.vector_load %arg10[%parallel_loop3A_793, %parallel_loop3A_794, %parallel_loop3A_795] {strides = array<i32>} : memref<4x64x128xf32, #tpu.memory_space<vmem>>, vector<1x1x16xf32>,
          %parallel_loop3A_797 = vector.shape_cast %parallel_loop3A_796 : vector<1x1x16xf32> to vector<16xf32>
          %parallel_loop3A_798 = arith.mulf %parallel_loop3A_797, %parallel_loop3A_718 : vector<16xf32>
          %parallel_loop3A_799 = arith.constant 0 : i32
          %parallel_loop3A_800 = arith.index_cast %parallel_loop3A_799 : i32 to index
          %parallel_loop3A_801 = arith.index_cast %parallel_loop3A_721 : i32 to index
          %parallel_loop3A_802 = arith.constant 80 : index
          %parallel_loop3A_803 = tpu.vector_load %arg10[%parallel_loop3A_800, %parallel_loop3A_801, %parallel_loop3A_802] {strides = array<i32>} : memref<4x64x128xf32, #tpu.memory_space<vmem>>, vector<1x1x16xf32>,
          %parallel_loop3A_804 = vector.shape_cast %parallel_loop3A_803 : vector<1x1x16xf32> to vector<16xf32>
          %parallel_loop3A_805 = vector.shape_cast %parallel_loop3A_798 : vector<16xf32> to vector<1x1x16xf32>
          tpu.vector_store %arg10[%parallel_loop3A_800, %parallel_loop3A_801, %parallel_loop3A_802], %parallel_loop3A_805 {strides = array<i32>} : memref<4x64x128xf32, #tpu.memory_space<vmem>>, vector<1x1x16xf32>,
          %parallel_loop3A_806 = arith.constant 0 : i32
          %parallel_loop3A_807 = arith.index_cast %parallel_loop3A_806 : i32 to index
          %parallel_loop3A_808 = arith.index_cast %parallel_loop3A_721 : i32 to index
          %parallel_loop3A_809 = arith.constant 96 : index
          %parallel_loop3A_810 = tpu.vector_load %arg10[%parallel_loop3A_807, %parallel_loop3A_808, %parallel_loop3A_809] {strides = array<i32>} : memref<4x64x128xf32, #tpu.memory_space<vmem>>, vector<1x1x16xf32>,
          %parallel_loop3A_811 = vector.shape_cast %parallel_loop3A_810 : vector<1x1x16xf32> to vector<16xf32>
          %parallel_loop3A_812 = arith.mulf %parallel_loop3A_811, %parallel_loop3A_718 : vector<16xf32>
          %parallel_loop3A_813 = arith.constant 0 : i32
          %parallel_loop3A_814 = arith.index_cast %parallel_loop3A_813 : i32 to index
          %parallel_loop3A_815 = arith.index_cast %parallel_loop3A_721 : i32 to index
          %parallel_loop3A_816 = arith.constant 96 : index
          %parallel_loop3A_817 = tpu.vector_load %arg10[%parallel_loop3A_814, %parallel_loop3A_815, %parallel_loop3A_816] {strides = array<i32>} : memref<4x64x128xf32, #tpu.memory_space<vmem>>, vector<1x1x16xf32>,
          %parallel_loop3A_818 = vector.shape_cast %parallel_loop3A_817 : vector<1x1x16xf32> to vector<16xf32>
          %parallel_loop3A_819 = vector.shape_cast %parallel_loop3A_812 : vector<16xf32> to vector<1x1x16xf32>
          tpu.vector_store %arg10[%parallel_loop3A_814, %parallel_loop3A_815, %parallel_loop3A_816], %parallel_loop3A_819 {strides = array<i32>} : memref<4x64x128xf32, #tpu.memory_space<vmem>>, vector<1x1x16xf32>,
          %parallel_loop3A_820 = arith.constant 0 : i32
          %parallel_loop3A_821 = arith.index_cast %parallel_loop3A_820 : i32 to index
          %parallel_loop3A_822 = arith.index_cast %parallel_loop3A_721 : i32 to index
          %parallel_loop3A_823 = arith.constant 112 : index
          %parallel_loop3A_824 = tpu.vector_load %arg10[%parallel_loop3A_821, %parallel_loop3A_822, %parallel_loop3A_823] {strides = array<i32>} : memref<4x64x128xf32, #tpu.memory_space<vmem>>, vector<1x1x16xf32>,
          %parallel_loop3A_825 = vector.shape_cast %parallel_loop3A_824 : vector<1x1x16xf32> to vector<16xf32>
          %parallel_loop3A_826 = arith.mulf %parallel_loop3A_825, %parallel_loop3A_718 : vector<16xf32>
          %parallel_loop3A_827 = arith.constant 0 : i32
          %parallel_loop3A_828 = arith.index_cast %parallel_loop3A_827 : i32 to index
          %parallel_loop3A_829 = arith.index_cast %parallel_loop3A_721 : i32 to index
          %parallel_loop3A_830 = arith.constant 112 : index
          %parallel_loop3A_831 = tpu.vector_load %arg10[%parallel_loop3A_828, %parallel_loop3A_829, %parallel_loop3A_830] {strides = array<i32>} : memref<4x64x128xf32, #tpu.memory_space<vmem>>, vector<1x1x16xf32>,
          %parallel_loop3A_832 = vector.shape_cast %parallel_loop3A_831 : vector<1x1x16xf32> to vector<16xf32>
          %parallel_loop3A_833 = vector.shape_cast %parallel_loop3A_826 : vector<16xf32> to vector<1x1x16xf32>
          tpu.vector_store %arg10[%parallel_loop3A_828, %parallel_loop3A_829, %parallel_loop3A_830], %parallel_loop3A_833 {strides = array<i32>} : memref<4x64x128xf32, #tpu.memory_space<vmem>>, vector<1x1x16xf32>,
        } {sc.loop_unroll_factor = 4 : i64, sc.parallel_access}
        %scan3A_714 = arith.constant 0 : i32
        scf.yield %scan3A_714 : i32
      }
      %scan3A_512 = arith.constant 4 : i32
      %mul3A_513 = arith.constant 8 : i32
      %mul3A_514 = arith.muli %select_n3A_182, %mul3A_513 : i32
      %add3A_515 = arith.constant 4 : i32
      %add3A_516 = arith.addi %mul3A_514, %add3A_515 : i32
      %dma_start3A_517 = arith.constant 0 : i32
      %dma_start3A_518 = arith.constant 0 : i32
      %dma_start3A_519 = arith.constant 0 : i32
      %dma_start3A_520 = tpu.memref_slice %arg10[%dma_start3A_517, %dma_start3A_518, %dma_start3A_519] : memref<4x64x128xf32, #tpu.memory_space<vmem>> -> memref<1x64x128xf32, #tpu.memory_space<vmem>>
      %dma_start3A_521 = tpu.memref_squeeze %dma_start3A_520 : memref<1x64x128xf32, #tpu.memory_space<vmem>> -> memref<64x128xf32, #tpu.memory_space<vmem>>
      %dma_start3A_522 = arith.constant 0 : i32
      %dma_start3A_523 = tpu.memref_slice %arg8[%add3A_516, %dma_start3A_522] : memref<24x64xi32, #tpu.memory_space<vmem>> -> memref<1x64xi32, #tpu.memory_space<vmem>>
      %dma_start3A_524 = tpu.memref_squeeze %dma_start3A_523 : memref<1x64xi32, #tpu.memory_space<vmem>> -> memref<64xi32, #tpu.memory_space<vmem>>
      %dma_start3A_525 = arith.constant 0 : i32
      %dma_start3A_526 = arith.constant 0 : i32
      %dma_start3A_527 = tpu.memref_slice %arg11[%dma_start3A_525, %dma_start3A_526] : memref<10000x128xf32, #tpu.memory_space<vmem_shared>> -> memref<10000x128xf32, #tpu.memory_space<vmem_shared>>
      tpu.enqueue_indirect_dma source(%dma_start3A_521 : memref<64x128xf32, #tpu.memory_space<vmem>>) target(%dma_start3A_527 : memref<10000x128xf32, #tpu.memory_space<vmem_shared>>) offsets(%dma_start3A_524 : memref<64xi32, #tpu.memory_space<vmem>>) semaphore(%arg16 : memref<!tpu.dma_semaphore, #tpu.memory_space<semaphore_mem>>) {add = true}
      %dma_wait3A_528 = arith.constant 0 : i32
      %dma_wait3A_529 = arith.constant 1 : i32
      %dma_wait3A_530 = arith.constant 0 : i32
      %dma_wait3A_531 = arith.constant 0 : i32
      %dma_wait3A_532 = tpu.memref_slice %arg10[%dma_wait3A_529, %dma_wait3A_530, %dma_wait3A_531] : memref<4x64x128xf32, #tpu.memory_space<vmem>> -> memref<1x64x128xf32, #tpu.memory_space<vmem>>
      %dma_wait3A_533 = tpu.memref_squeeze %dma_wait3A_532 : memref<1x64x128xf32, #tpu.memory_space<vmem>> -> memref<64x128xf32, #tpu.memory_space<vmem>>
      %dma_wait3A_534 = arith.constant 0 : i32
      %dma_wait3A_535 = tpu.memref_slice %arg7[%dma_wait3A_528, %dma_wait3A_534] : memref<24x64xi32, #tpu.memory_space<vmem>> -> memref<1x64xi32, #tpu.memory_space<vmem>>
      %dma_wait3A_536 = tpu.memref_squeeze %dma_wait3A_535 : memref<1x64xi32, #tpu.memory_space<vmem>> -> memref<64xi32, #tpu.memory_space<vmem>>
      %dma_wait3A_537 = arith.constant 0 : i32
      %dma_wait3A_538 = arith.constant 0 : i32
      %dma_wait3A_539 = tpu.memref_slice %arg2[%dma_wait3A_537, %dma_wait3A_538] : memref<10000x128xf32, #tpu.memory_space<hbm>> -> memref<10000x128xf32, #tpu.memory_space<hbm>>
      tpu.wait_indirect_dma semaphore(%arg13 : memref<!tpu.dma_semaphore, #tpu.memory_space<semaphore_mem>>) src(%dma_wait3A_539 : memref<10000x128xf32, #tpu.memory_space<hbm>>) dst(%dma_wait3A_533 : memref<64x128xf32, #tpu.memory_space<vmem>>)
      %dma_wait3A_540 = arith.constant 3 : i32
      %dma_wait3A_541 = arith.constant 0 : i32
      %dma_wait3A_542 = arith.constant 0 : i32
      %dma_wait3A_543 = arith.constant 0 : i32
      %dma_wait3A_544 = tpu.memref_slice %arg10[%dma_wait3A_540, %dma_wait3A_542, %dma_wait3A_543] : memref<4x64x128xf32, #tpu.memory_space<vmem>> -> memref<1x64x128xf32, #tpu.memory_space<vmem>>
      %dma_wait3A_545 = tpu.memref_squeeze %dma_wait3A_544 : memref<1x64x128xf32, #tpu.memory_space<vmem>> -> memref<64x128xf32, #tpu.memory_space<vmem>>
      %dma_wait3A_546 = arith.constant 0 : i32
      %dma_wait3A_547 = tpu.memref_slice %arg8[%dma_wait3A_541, %dma_wait3A_546] : memref<24x64xi32, #tpu.memory_space<vmem>> -> memref<1x64xi32, #tpu.memory_space<vmem>>
      %dma_wait3A_548 = tpu.memref_squeeze %dma_wait3A_547 : memref<1x64xi32, #tpu.memory_space<vmem>> -> memref<64xi32, #tpu.memory_space<vmem>>
      %dma_wait3A_549 = arith.constant 0 : i32
      %dma_wait3A_550 = arith.constant 0 : i32
      %dma_wait3A_551 = tpu.memref_slice %arg11[%dma_wait3A_549, %dma_wait3A_550] : memref<10000x128xf32, #tpu.memory_space<vmem_shared>> -> memref<10000x128xf32, #tpu.memory_space<vmem_shared>>
      tpu.wait_indirect_dma semaphore(%arg19 : memref<!tpu.dma_semaphore, #tpu.memory_space<semaphore_mem>>) src(%dma_wait3A_545 : memref<64x128xf32, #tpu.memory_space<vmem>>) dst(%dma_wait3A_551 : memref<10000x128xf32, #tpu.memory_space<vmem_shared>>)
      %add3A_552 = arith.constant 5 : i32
      %add3A_553 = arith.constant 2 : i32
      %add3A_554 = arith.addi %add3A_552, %add3A_553 : i32
      %mul3A_555 = arith.constant 8 : i32
      %mul3A_556 = arith.muli %select_n3A_182, %mul3A_555 : i32
      %add3A_557 = arith.addi %mul3A_556, %add3A_554 : i32
      %dma_start3A_558 = arith.constant 3 : i32
      %dma_start3A_559 = arith.constant 0 : i32
      %dma_start3A_560 = arith.constant 0 : i32
      %dma_start3A_561 = tpu.memref_slice %arg10[%dma_start3A_558, %dma_start3A_559, %dma_start3A_560] : memref<4x64x128xf32, #tpu.memory_space<vmem>> -> memref<1x64x128xf32, #tpu.memory_space<vmem>>
      %dma_start3A_562 = tpu.memref_squeeze %dma_start3A_561 : memref<1x64x128xf32, #tpu.memory_space<vmem>> -> memref<64x128xf32, #tpu.memory_space<vmem>>
      %dma_start3A_563 = arith.constant 0 : i32
      %dma_start3A_564 = tpu.memref_slice %arg7[%add3A_557, %dma_start3A_563] : memref<24x64xi32, #tpu.memory_space<vmem>> -> memref<1x64xi32, #tpu.memory_space<vmem>>
      %dma_start3A_565 = tpu.memref_squeeze %dma_start3A_564 : memref<1x64xi32, #tpu.memory_space<vmem>> -> memref<64xi32, #tpu.memory_space<vmem>>
      %dma_start3A_566 = arith.constant 0 : i32
      %dma_start3A_567 = arith.constant 0 : i32
      %dma_start3A_568 = tpu.memref_slice %arg2[%dma_start3A_566, %dma_start3A_567] : memref<10000x128xf32, #tpu.memory_space<hbm>> -> memref<10000x128xf32, #tpu.memory_space<hbm>>
      tpu.enqueue_indirect_dma source(%dma_start3A_568 : memref<10000x128xf32, #tpu.memory_space<hbm>>) target(%dma_start3A_562 : memref<64x128xf32, #tpu.memory_space<vmem>>) offsets(%dma_start3A_565 : memref<64xi32, #tpu.memory_space<vmem>>) semaphore(%arg15 : memref<!tpu.dma_semaphore, #tpu.memory_space<semaphore_mem>>)
      %scan3A_569 = arith.constant 5 : i32
      %scan3A_570 = arith.constant 0 : i32
      %scan3A_571 = arith.constant 0 : i32
      %scan3A_572 = arith.constant 4 : i32
      %scan3A_573 = arith.addi %scan3A_571, %scan3A_572 : i32
      %scan3A_574 = arith.constant 1 : i32
      %scan3A_575 = scf.for %scan3A_702 = %scan3A_571 to %scan3A_573 step %scan3A_574 iter_args(%scan3A_703 = %scan3A_570) -> (i32)  : i32 {
        %mul3A_704 = arith.constant 8 : i32
        %mul3A_705 = arith.muli %select_n3A_182, %mul3A_704 : i32
        %add3A_706 = arith.addi %mul3A_705, %scan3A_569 : i32
        %mul3A_707 = arith.constant 16 : i32
        %mul3A_708 = arith.muli %scan3A_702, %mul3A_707 : i32
        %get3A = arith.index_cast %add3A_706 : i32 to index
        %get3A_709 = arith.index_cast %mul3A_708 : i32 to index
        %get3A_710 = tpu.vector_load %arg9[%get3A, %get3A_709] {strides = array<i32>} : memref<24x64xf32, #tpu.memory_space<vmem>>, vector<1x16xf32>,
        %get3A_711 = vector.shape_cast %get3A_710 : vector<1x16xf32> to vector<16xf32>
        %parallel_loop3A = arith.constant 0 : i32
        %parallel_loop3A_712 = arith.constant 16 : i32
        %parallel_loop3A_713 = arith.constant 1 : i32
        scf.for %parallel_loop3A_715 = %parallel_loop3A to %parallel_loop3A_712 step %parallel_loop3A_713  : i32 {
          %parallel_loop3A_716 = vector.broadcast %parallel_loop3A_715 : i32 to vector<16x1xi32>
          %parallel_loop3A_717 = vector.shape_cast %parallel_loop3A_716 : vector<16x1xi32> to vector<16xi32>
          %parallel_loop3A_718 = tpu.dynamic_gather %get3A_711[%parallel_loop3A_717] in [0] : vector<16xf32>, vector<16xi32> -> vector<16xf32>
          %parallel_loop3A_719 = arith.constant 16 : i32
          %parallel_loop3A_720 = arith.muli %scan3A_702, %parallel_loop3A_719 : i32
          %parallel_loop3A_721 = arith.addi %parallel_loop3A_720, %parallel_loop3A_715 : i32
          %parallel_loop3A_722 = arith.constant 1 : i32
          %parallel_loop3A_723 = arith.index_cast %parallel_loop3A_722 : i32 to index
          %parallel_loop3A_724 = arith.index_cast %parallel_loop3A_721 : i32 to index
          %parallel_loop3A_725 = arith.constant 0 : index
          %parallel_loop3A_726 = tpu.vector_load %arg10[%parallel_loop3A_723, %parallel_loop3A_724, %parallel_loop3A_725] {strides = array<i32>} : memref<4x64x128xf32, #tpu.memory_space<vmem>>, vector<1x1x16xf32>,
          %parallel_loop3A_727 = vector.shape_cast %parallel_loop3A_726 : vector<1x1x16xf32> to vector<16xf32>
          %parallel_loop3A_728 = arith.mulf %parallel_loop3A_727, %parallel_loop3A_718 : vector<16xf32>
          %parallel_loop3A_729 = arith.constant 1 : i32
          %parallel_loop3A_730 = arith.index_cast %parallel_loop3A_729 : i32 to index
          %parallel_loop3A_731 = arith.index_cast %parallel_loop3A_721 : i32 to index
          %parallel_loop3A_732 = arith.constant 0 : index
          %parallel_loop3A_733 = tpu.vector_load %arg10[%parallel_loop3A_730, %parallel_loop3A_731, %parallel_loop3A_732] {strides = array<i32>} : memref<4x64x128xf32, #tpu.memory_space<vmem>>, vector<1x1x16xf32>,
          %parallel_loop3A_734 = vector.shape_cast %parallel_loop3A_733 : vector<1x1x16xf32> to vector<16xf32>
          %parallel_loop3A_735 = vector.shape_cast %parallel_loop3A_728 : vector<16xf32> to vector<1x1x16xf32>
          tpu.vector_store %arg10[%parallel_loop3A_730, %parallel_loop3A_731, %parallel_loop3A_732], %parallel_loop3A_735 {strides = array<i32>} : memref<4x64x128xf32, #tpu.memory_space<vmem>>, vector<1x1x16xf32>,
          %parallel_loop3A_736 = arith.constant 1 : i32
          %parallel_loop3A_737 = arith.index_cast %parallel_loop3A_736 : i32 to index
          %parallel_loop3A_738 = arith.index_cast %parallel_loop3A_721 : i32 to index
          %parallel_loop3A_739 = arith.constant 16 : index
          %parallel_loop3A_740 = tpu.vector_load %arg10[%parallel_loop3A_737, %parallel_loop3A_738, %parallel_loop3A_739] {strides = array<i32>} : memref<4x64x128xf32, #tpu.memory_space<vmem>>, vector<1x1x16xf32>,
          %parallel_loop3A_741 = vector.shape_cast %parallel_loop3A_740 : vector<1x1x16xf32> to vector<16xf32>
          %parallel_loop3A_742 = arith.mulf %parallel_loop3A_741, %parallel_loop3A_718 : vector<16xf32>
          %parallel_loop3A_743 = arith.constant 1 : i32
          %parallel_loop3A_744 = arith.index_cast %parallel_loop3A_743 : i32 to index
          %parallel_loop3A_745 = arith.index_cast %parallel_loop3A_721 : i32 to index
          %parallel_loop3A_746 = arith.constant 16 : index
          %parallel_loop3A_747 = tpu.vector_load %arg10[%parallel_loop3A_744, %parallel_loop3A_745, %parallel_loop3A_746] {strides = array<i32>} : memref<4x64x128xf32, #tpu.memory_space<vmem>>, vector<1x1x16xf32>,
          %parallel_loop3A_748 = vector.shape_cast %parallel_loop3A_747 : vector<1x1x16xf32> to vector<16xf32>
          %parallel_loop3A_749 = vector.shape_cast %parallel_loop3A_742 : vector<16xf32> to vector<1x1x16xf32>
          tpu.vector_store %arg10[%parallel_loop3A_744, %parallel_loop3A_745, %parallel_loop3A_746], %parallel_loop3A_749 {strides = array<i32>} : memref<4x64x128xf32, #tpu.memory_space<vmem>>, vector<1x1x16xf32>,
          %parallel_loop3A_750 = arith.constant 1 : i32
          %parallel_loop3A_751 = arith.index_cast %parallel_loop3A_750 : i32 to index
          %parallel_loop3A_752 = arith.index_cast %parallel_loop3A_721 : i32 to index
          %parallel_loop3A_753 = arith.constant 32 : index
          %parallel_loop3A_754 = tpu.vector_load %arg10[%parallel_loop3A_751, %parallel_loop3A_752, %parallel_loop3A_753] {strides = array<i32>} : memref<4x64x128xf32, #tpu.memory_space<vmem>>, vector<1x1x16xf32>,
          %parallel_loop3A_755 = vector.shape_cast %parallel_loop3A_754 : vector<1x1x16xf32> to vector<16xf32>
          %parallel_loop3A_756 = arith.mulf %parallel_loop3A_755, %parallel_loop3A_718 : vector<16xf32>
          %parallel_loop3A_757 = arith.constant 1 : i32
          %parallel_loop3A_758 = arith.index_cast %parallel_loop3A_757 : i32 to index
          %parallel_loop3A_759 = arith.index_cast %parallel_loop3A_721 : i32 to index
          %parallel_loop3A_760 = arith.constant 32 : index
          %parallel_loop3A_761 = tpu.vector_load %arg10[%parallel_loop3A_758, %parallel_loop3A_759, %parallel_loop3A_760] {strides = array<i32>} : memref<4x64x128xf32, #tpu.memory_space<vmem>>, vector<1x1x16xf32>,
          %parallel_loop3A_762 = vector.shape_cast %parallel_loop3A_761 : vector<1x1x16xf32> to vector<16xf32>
          %parallel_loop3A_763 = vector.shape_cast %parallel_loop3A_756 : vector<16xf32> to vector<1x1x16xf32>
          tpu.vector_store %arg10[%parallel_loop3A_758, %parallel_loop3A_759, %parallel_loop3A_760], %parallel_loop3A_763 {strides = array<i32>} : memref<4x64x128xf32, #tpu.memory_space<vmem>>, vector<1x1x16xf32>,
          %parallel_loop3A_764 = arith.constant 1 : i32
          %parallel_loop3A_765 = arith.index_cast %parallel_loop3A_764 : i32 to index
          %parallel_loop3A_766 = arith.index_cast %parallel_loop3A_721 : i32 to index
          %parallel_loop3A_767 = arith.constant 48 : index
          %parallel_loop3A_768 = tpu.vector_load %arg10[%parallel_loop3A_765, %parallel_loop3A_766, %parallel_loop3A_767] {strides = array<i32>} : memref<4x64x128xf32, #tpu.memory_space<vmem>>, vector<1x1x16xf32>,
          %parallel_loop3A_769 = vector.shape_cast %parallel_loop3A_768 : vector<1x1x16xf32> to vector<16xf32>
          %parallel_loop3A_770 = arith.mulf %parallel_loop3A_769, %parallel_loop3A_718 : vector<16xf32>
          %parallel_loop3A_771 = arith.constant 1 : i32
          %parallel_loop3A_772 = arith.index_cast %parallel_loop3A_771 : i32 to index
          %parallel_loop3A_773 = arith.index_cast %parallel_loop3A_721 : i32 to index
          %parallel_loop3A_774 = arith.constant 48 : index
          %parallel_loop3A_775 = tpu.vector_load %arg10[%parallel_loop3A_772, %parallel_loop3A_773, %parallel_loop3A_774] {strides = array<i32>} : memref<4x64x128xf32, #tpu.memory_space<vmem>>, vector<1x1x16xf32>,
          %parallel_loop3A_776 = vector.shape_cast %parallel_loop3A_775 : vector<1x1x16xf32> to vector<16xf32>
          %parallel_loop3A_777 = vector.shape_cast %parallel_loop3A_770 : vector<16xf32> to vector<1x1x16xf32>
          tpu.vector_store %arg10[%parallel_loop3A_772, %parallel_loop3A_773, %parallel_loop3A_774], %parallel_loop3A_777 {strides = array<i32>} : memref<4x64x128xf32, #tpu.memory_space<vmem>>, vector<1x1x16xf32>,
          %parallel_loop3A_778 = arith.constant 1 : i32
          %parallel_loop3A_779 = arith.index_cast %parallel_loop3A_778 : i32 to index
          %parallel_loop3A_780 = arith.index_cast %parallel_loop3A_721 : i32 to index
          %parallel_loop3A_781 = arith.constant 64 : index
          %parallel_loop3A_782 = tpu.vector_load %arg10[%parallel_loop3A_779, %parallel_loop3A_780, %parallel_loop3A_781] {strides = array<i32>} : memref<4x64x128xf32, #tpu.memory_space<vmem>>, vector<1x1x16xf32>,
          %parallel_loop3A_783 = vector.shape_cast %parallel_loop3A_782 : vector<1x1x16xf32> to vector<16xf32>
          %parallel_loop3A_784 = arith.mulf %parallel_loop3A_783, %parallel_loop3A_718 : vector<16xf32>
          %parallel_loop3A_785 = arith.constant 1 : i32
          %parallel_loop3A_786 = arith.index_cast %parallel_loop3A_785 : i32 to index
          %parallel_loop3A_787 = arith.index_cast %parallel_loop3A_721 : i32 to index
          %parallel_loop3A_788 = arith.constant 64 : index
          %parallel_loop3A_789 = tpu.vector_load %arg10[%parallel_loop3A_786, %parallel_loop3A_787, %parallel_loop3A_788] {strides = array<i32>} : memref<4x64x128xf32, #tpu.memory_space<vmem>>, vector<1x1x16xf32>,
          %parallel_loop3A_790 = vector.shape_cast %parallel_loop3A_789 : vector<1x1x16xf32> to vector<16xf32>
          %parallel_loop3A_791 = vector.shape_cast %parallel_loop3A_784 : vector<16xf32> to vector<1x1x16xf32>
          tpu.vector_store %arg10[%parallel_loop3A_786, %parallel_loop3A_787, %parallel_loop3A_788], %parallel_loop3A_791 {strides = array<i32>} : memref<4x64x128xf32, #tpu.memory_space<vmem>>, vector<1x1x16xf32>,
          %parallel_loop3A_792 = arith.constant 1 : i32
          %parallel_loop3A_793 = arith.index_cast %parallel_loop3A_792 : i32 to index
          %parallel_loop3A_794 = arith.index_cast %parallel_loop3A_721 : i32 to index
          %parallel_loop3A_795 = arith.constant 80 : index
          %parallel_loop3A_796 = tpu.vector_load %arg10[%parallel_loop3A_793, %parallel_loop3A_794, %parallel_loop3A_795] {strides = array<i32>} : memref<4x64x128xf32, #tpu.memory_space<vmem>>, vector<1x1x16xf32>,
          %parallel_loop3A_797 = vector.shape_cast %parallel_loop3A_796 : vector<1x1x16xf32> to vector<16xf32>
          %parallel_loop3A_798 = arith.mulf %parallel_loop3A_797, %parallel_loop3A_718 : vector<16xf32>
          %parallel_loop3A_799 = arith.constant 1 : i32
          %parallel_loop3A_800 = arith.index_cast %parallel_loop3A_799 : i32 to index
          %parallel_loop3A_801 = arith.index_cast %parallel_loop3A_721 : i32 to index
          %parallel_loop3A_802 = arith.constant 80 : index
          %parallel_loop3A_803 = tpu.vector_load %arg10[%parallel_loop3A_800, %parallel_loop3A_801, %parallel_loop3A_802] {strides = array<i32>} : memref<4x64x128xf32, #tpu.memory_space<vmem>>, vector<1x1x16xf32>,
          %parallel_loop3A_804 = vector.shape_cast %parallel_loop3A_803 : vector<1x1x16xf32> to vector<16xf32>
          %parallel_loop3A_805 = vector.shape_cast %parallel_loop3A_798 : vector<16xf32> to vector<1x1x16xf32>
          tpu.vector_store %arg10[%parallel_loop3A_800, %parallel_loop3A_801, %parallel_loop3A_802], %parallel_loop3A_805 {strides = array<i32>} : memref<4x64x128xf32, #tpu.memory_space<vmem>>, vector<1x1x16xf32>,
          %parallel_loop3A_806 = arith.constant 1 : i32
          %parallel_loop3A_807 = arith.index_cast %parallel_loop3A_806 : i32 to index
          %parallel_loop3A_808 = arith.index_cast %parallel_loop3A_721 : i32 to index
          %parallel_loop3A_809 = arith.constant 96 : index
          %parallel_loop3A_810 = tpu.vector_load %arg10[%parallel_loop3A_807, %parallel_loop3A_808, %parallel_loop3A_809] {strides = array<i32>} : memref<4x64x128xf32, #tpu.memory_space<vmem>>, vector<1x1x16xf32>,
          %parallel_loop3A_811 = vector.shape_cast %parallel_loop3A_810 : vector<1x1x16xf32> to vector<16xf32>
          %parallel_loop3A_812 = arith.mulf %parallel_loop3A_811, %parallel_loop3A_718 : vector<16xf32>
          %parallel_loop3A_813 = arith.constant 1 : i32
          %parallel_loop3A_814 = arith.index_cast %parallel_loop3A_813 : i32 to index
          %parallel_loop3A_815 = arith.index_cast %parallel_loop3A_721 : i32 to index
          %parallel_loop3A_816 = arith.constant 96 : index
          %parallel_loop3A_817 = tpu.vector_load %arg10[%parallel_loop3A_814, %parallel_loop3A_815, %parallel_loop3A_816] {strides = array<i32>} : memref<4x64x128xf32, #tpu.memory_space<vmem>>, vector<1x1x16xf32>,
          %parallel_loop3A_818 = vector.shape_cast %parallel_loop3A_817 : vector<1x1x16xf32> to vector<16xf32>
          %parallel_loop3A_819 = vector.shape_cast %parallel_loop3A_812 : vector<16xf32> to vector<1x1x16xf32>
          tpu.vector_store %arg10[%parallel_loop3A_814, %parallel_loop3A_815, %parallel_loop3A_816], %parallel_loop3A_819 {strides = array<i32>} : memref<4x64x128xf32, #tpu.memory_space<vmem>>, vector<1x1x16xf32>,
          %parallel_loop3A_820 = arith.constant 1 : i32
          %parallel_loop3A_821 = arith.index_cast %parallel_loop3A_820 : i32 to index
          %parallel_loop3A_822 = arith.index_cast %parallel_loop3A_721 : i32 to index
          %parallel_loop3A_823 = arith.constant 112 : index
          %parallel_loop3A_824 = tpu.vector_load %arg10[%parallel_loop3A_821, %parallel_loop3A_822, %parallel_loop3A_823] {strides = array<i32>} : memref<4x64x128xf32, #tpu.memory_space<vmem>>, vector<1x1x16xf32>,
          %parallel_loop3A_825 = vector.shape_cast %parallel_loop3A_824 : vector<1x1x16xf32> to vector<16xf32>
          %parallel_loop3A_826 = arith.mulf %parallel_loop3A_825, %parallel_loop3A_718 : vector<16xf32>
          %parallel_loop3A_827 = arith.constant 1 : i32
          %parallel_loop3A_828 = arith.index_cast %parallel_loop3A_827 : i32 to index
          %parallel_loop3A_829 = arith.index_cast %parallel_loop3A_721 : i32 to index
          %parallel_loop3A_830 = arith.constant 112 : index
          %parallel_loop3A_831 = tpu.vector_load %arg10[%parallel_loop3A_828, %parallel_loop3A_829, %parallel_loop3A_830] {strides = array<i32>} : memref<4x64x128xf32, #tpu.memory_space<vmem>>, vector<1x1x16xf32>,
          %parallel_loop3A_832 = vector.shape_cast %parallel_loop3A_831 : vector<1x1x16xf32> to vector<16xf32>
          %parallel_loop3A_833 = vector.shape_cast %parallel_loop3A_826 : vector<16xf32> to vector<1x1x16xf32>
          tpu.vector_store %arg10[%parallel_loop3A_828, %parallel_loop3A_829, %parallel_loop3A_830], %parallel_loop3A_833 {strides = array<i32>} : memref<4x64x128xf32, #tpu.memory_space<vmem>>, vector<1x1x16xf32>,
        } {sc.loop_unroll_factor = 4 : i64, sc.parallel_access}
        %scan3A_714 = arith.constant 0 : i32
        scf.yield %scan3A_714 : i32
      }
      %scan3A_576 = arith.constant 4 : i32
      %mul3A_577 = arith.constant 8 : i32
      %mul3A_578 = arith.muli %select_n3A_182, %mul3A_577 : i32
      %add3A_579 = arith.constant 5 : i32
      %add3A_580 = arith.addi %mul3A_578, %add3A_579 : i32
      %dma_start3A_581 = arith.constant 1 : i32
      %dma_start3A_582 = arith.constant 0 : i32
      %dma_start3A_583 = arith.constant 0 : i32
      %dma_start3A_584 = tpu.memref_slice %arg10[%dma_start3A_581, %dma_start3A_582, %dma_start3A_583] : memref<4x64x128xf32, #tpu.memory_space<vmem>> -> memref<1x64x128xf32, #tpu.memory_space<vmem>>
      %dma_start3A_585 = tpu.memref_squeeze %dma_start3A_584 : memref<1x64x128xf32, #tpu.memory_space<vmem>> -> memref<64x128xf32, #tpu.memory_space<vmem>>
      %dma_start3A_586 = arith.constant 0 : i32
      %dma_start3A_587 = tpu.memref_slice %arg8[%add3A_580, %dma_start3A_586] : memref<24x64xi32, #tpu.memory_space<vmem>> -> memref<1x64xi32, #tpu.memory_space<vmem>>
      %dma_start3A_588 = tpu.memref_squeeze %dma_start3A_587 : memref<1x64xi32, #tpu.memory_space<vmem>> -> memref<64xi32, #tpu.memory_space<vmem>>
      %dma_start3A_589 = arith.constant 0 : i32
      %dma_start3A_590 = arith.constant 0 : i32
      %dma_start3A_591 = tpu.memref_slice %arg11[%dma_start3A_589, %dma_start3A_590] : memref<10000x128xf32, #tpu.memory_space<vmem_shared>> -> memref<10000x128xf32, #tpu.memory_space<vmem_shared>>
      tpu.enqueue_indirect_dma source(%dma_start3A_585 : memref<64x128xf32, #tpu.memory_space<vmem>>) target(%dma_start3A_591 : memref<10000x128xf32, #tpu.memory_space<vmem_shared>>) offsets(%dma_start3A_588 : memref<64xi32, #tpu.memory_space<vmem>>) semaphore(%arg17 : memref<!tpu.dma_semaphore, #tpu.memory_space<semaphore_mem>>) {add = true}
      %lt3A_592 = arith.constant 19 : i32
      %lt3A_593 = arith.cmpi slt, %scan3A_170, %lt3A_592 : i32
      %convert_element_type3A_594 = arith.extui %lt3A_593 : i1 to i32
      %cond3A_595 = arith.constant 0 : i32
      %cond3A_596 = arith.cmpi ne, %convert_element_type3A_594, %cond3A_595 : i32
      scf.if %cond3A_596 {
        %eq3A_702 = arith.constant 0 : i32
        %eq3A_703 = arith.cmpi eq, %select_n3A_200, %eq3A_702 : i32
        %convert_element_type3A_704 = arith.extui %eq3A_703 : i1 to i32
        %cond3A_705 = arith.constant 0 : i32
        %cond3A_706 = arith.cmpi ne, %convert_element_type3A_704, %cond3A_705 : i32
        scf.if %cond3A_706 {
          %dma_wait3A_717 = arith.constant 0 : i32
          %dma_wait3A_718 = arith.constant 0 : i32
          %dma_wait3A_719 = arith.constant 0 : i32
          %dma_wait3A_720 = tpu.memref_slice %arg7[%dma_wait3A_718, %dma_wait3A_719] : memref<24x64xi32, #tpu.memory_space<vmem>> -> memref<8x64xi32, #tpu.memory_space<vmem>>
          %dma_wait3A_721 = arith.constant 0 : i32
          %dma_wait3A_722 = arith.constant 0 : i32
          %dma_wait3A_723 = tpu.memref_slice %arg3[%add3A, %dma_wait3A_717, %dma_wait3A_721, %dma_wait3A_722] : memref<32x20x8x64xi32, #tpu.memory_space<hbm>> -> memref<1x1x8x64xi32, #tpu.memory_space<hbm>>
          %dma_wait3A_724 = tpu.memref_squeeze %dma_wait3A_723 : memref<1x1x8x64xi32, #tpu.memory_space<hbm>> -> memref<8x64xi32, #tpu.memory_space<hbm>>
          %dma_wait3A_725 = arith.constant 0 : i32
          %dma_wait3A_726 = arith.constant 0 : i32
          %dma_wait3A_727 = tpu.memref_slice %arg7[%dma_wait3A_725, %dma_wait3A_726] : memref<24x64xi32, #tpu.memory_space<vmem>> -> memref<8x64xi32, #tpu.memory_space<vmem>>
          %dma_wait3A_728 = arith.constant 0 : i32
          %dma_wait3A_729 = arith.constant 0 : i32
          %dma_wait3A_730 = tpu.memref_slice %arg3[%add3A, %dma_wait3A_717, %dma_wait3A_728, %dma_wait3A_729] : memref<32x20x8x64xi32, #tpu.memory_space<hbm>> -> memref<1x1x8x64xi32, #tpu.memory_space<hbm>>
          %dma_wait3A_731 = tpu.memref_squeeze %dma_wait3A_730 : memref<1x1x8x64xi32, #tpu.memory_space<hbm>> -> memref<8x64xi32, #tpu.memory_space<hbm>>
          tpu.wait_dma2 semaphore(%arg20 : memref<!tpu.dma_semaphore, #tpu.memory_space<semaphore_mem>>) src(%dma_wait3A_731 : memref<8x64xi32, #tpu.memory_space<hbm>>) dst(%dma_wait3A_727 : memref<8x64xi32, #tpu.memory_space<vmem>>)
          %dma_wait3A_732 = arith.constant 0 : i32
          %dma_wait3A_733 = arith.constant 0 : i32
          %dma_wait3A_734 = arith.constant 0 : i32
          %dma_wait3A_735 = tpu.memref_slice %arg8[%dma_wait3A_733, %dma_wait3A_734] : memref<24x64xi32, #tpu.memory_space<vmem>> -> memref<8x64xi32, #tpu.memory_space<vmem>>
          %dma_wait3A_736 = arith.constant 0 : i32
          %dma_wait3A_737 = arith.constant 0 : i32
          %dma_wait3A_738 = tpu.memref_slice %arg4[%add3A, %dma_wait3A_732, %dma_wait3A_736, %dma_wait3A_737] : memref<32x20x8x64xi32, #tpu.memory_space<hbm>> -> memref<1x1x8x64xi32, #tpu.memory_space<hbm>>
          %dma_wait3A_739 = tpu.memref_squeeze %dma_wait3A_738 : memref<1x1x8x64xi32, #tpu.memory_space<hbm>> -> memref<8x64xi32, #tpu.memory_space<hbm>>
          %dma_wait3A_740 = arith.constant 0 : i32
          %dma_wait3A_741 = arith.constant 0 : i32
          %dma_wait3A_742 = tpu.memref_slice %arg8[%dma_wait3A_740, %dma_wait3A_741] : memref<24x64xi32, #tpu.memory_space<vmem>> -> memref<8x64xi32, #tpu.memory_space<vmem>>
          %dma_wait3A_743 = arith.constant 0 : i32
          %dma_wait3A_744 = arith.constant 0 : i32
          %dma_wait3A_745 = tpu.memref_slice %arg4[%add3A, %dma_wait3A_732, %dma_wait3A_743, %dma_wait3A_744] : memref<32x20x8x64xi32, #tpu.memory_space<hbm>> -> memref<1x1x8x64xi32, #tpu.memory_space<hbm>>
          %dma_wait3A_746 = tpu.memref_squeeze %dma_wait3A_745 : memref<1x1x8x64xi32, #tpu.memory_space<hbm>> -> memref<8x64xi32, #tpu.memory_space<hbm>>
          tpu.wait_dma2 semaphore(%arg20 : memref<!tpu.dma_semaphore, #tpu.memory_space<semaphore_mem>>) src(%dma_wait3A_746 : memref<8x64xi32, #tpu.memory_space<hbm>>) dst(%dma_wait3A_742 : memref<8x64xi32, #tpu.memory_space<vmem>>)
          %dma_wait3A_747 = arith.constant 0 : i32
          %dma_wait3A_748 = arith.constant 0 : i32
          %dma_wait3A_749 = arith.constant 0 : i32
          %dma_wait3A_750 = tpu.memref_slice %arg9[%dma_wait3A_748, %dma_wait3A_749] : memref<24x64xf32, #tpu.memory_space<vmem>> -> memref<8x64xf32, #tpu.memory_space<vmem>>
          %dma_wait3A_751 = arith.constant 0 : i32
          %dma_wait3A_752 = arith.constant 0 : i32
          %dma_wait3A_753 = tpu.memref_slice %arg5[%add3A, %dma_wait3A_747, %dma_wait3A_751, %dma_wait3A_752] : memref<32x20x8x64xf32, #tpu.memory_space<hbm>> -> memref<1x1x8x64xf32, #tpu.memory_space<hbm>>
          %dma_wait3A_754 = tpu.memref_squeeze %dma_wait3A_753 : memref<1x1x8x64xf32, #tpu.memory_space<hbm>> -> memref<8x64xf32, #tpu.memory_space<hbm>>
          %dma_wait3A_755 = arith.constant 0 : i32
          %dma_wait3A_756 = arith.constant 0 : i32
          %dma_wait3A_757 = tpu.memref_slice %arg9[%dma_wait3A_755, %dma_wait3A_756] : memref<24x64xf32, #tpu.memory_space<vmem>> -> memref<8x64xf32, #tpu.memory_space<vmem>>
          %dma_wait3A_758 = arith.constant 0 : i32
          %dma_wait3A_759 = arith.constant 0 : i32
          %dma_wait3A_760 = tpu.memref_slice %arg5[%add3A, %dma_wait3A_747, %dma_wait3A_758, %dma_wait3A_759] : memref<32x20x8x64xf32, #tpu.memory_space<hbm>> -> memref<1x1x8x64xf32, #tpu.memory_space<hbm>>
          %dma_wait3A_761 = tpu.memref_squeeze %dma_wait3A_760 : memref<1x1x8x64xf32, #tpu.memory_space<hbm>> -> memref<8x64xf32, #tpu.memory_space<hbm>>
          tpu.wait_dma2 semaphore(%arg20 : memref<!tpu.dma_semaphore, #tpu.memory_space<semaphore_mem>>) src(%dma_wait3A_761 : memref<8x64xf32, #tpu.memory_space<hbm>>) dst(%dma_wait3A_757 : memref<8x64xf32, #tpu.memory_space<vmem>>)
        } else {
        }
        %eq3A_707 = arith.constant 1 : i32
        %eq3A_708 = arith.cmpi eq, %select_n3A_200, %eq3A_707 : i32
        %convert_element_type3A_709 = arith.extui %eq3A_708 : i1 to i32
        %cond3A_710 = arith.constant 0 : i32
        %cond3A_711 = arith.cmpi ne, %convert_element_type3A_709, %cond3A_710 : i32
        scf.if %cond3A_711 {
          %dma_wait3A_717 = arith.constant 0 : i32
          %dma_wait3A_718 = arith.constant 8 : i32
          %dma_wait3A_719 = arith.constant 0 : i32
          %dma_wait3A_720 = tpu.memref_slice %arg7[%dma_wait3A_718, %dma_wait3A_719] : memref<24x64xi32, #tpu.memory_space<vmem>> -> memref<8x64xi32, #tpu.memory_space<vmem>>
          %dma_wait3A_721 = arith.constant 0 : i32
          %dma_wait3A_722 = arith.constant 0 : i32
          %dma_wait3A_723 = tpu.memref_slice %arg3[%add3A, %dma_wait3A_717, %dma_wait3A_721, %dma_wait3A_722] : memref<32x20x8x64xi32, #tpu.memory_space<hbm>> -> memref<1x1x8x64xi32, #tpu.memory_space<hbm>>
          %dma_wait3A_724 = tpu.memref_squeeze %dma_wait3A_723 : memref<1x1x8x64xi32, #tpu.memory_space<hbm>> -> memref<8x64xi32, #tpu.memory_space<hbm>>
          %dma_wait3A_725 = arith.constant 8 : i32
          %dma_wait3A_726 = arith.constant 0 : i32
          %dma_wait3A_727 = tpu.memref_slice %arg7[%dma_wait3A_725, %dma_wait3A_726] : memref<24x64xi32, #tpu.memory_space<vmem>> -> memref<8x64xi32, #tpu.memory_space<vmem>>
          %dma_wait3A_728 = arith.constant 0 : i32
          %dma_wait3A_729 = arith.constant 0 : i32
          %dma_wait3A_730 = tpu.memref_slice %arg3[%add3A, %dma_wait3A_717, %dma_wait3A_728, %dma_wait3A_729] : memref<32x20x8x64xi32, #tpu.memory_space<hbm>> -> memref<1x1x8x64xi32, #tpu.memory_space<hbm>>
          %dma_wait3A_731 = tpu.memref_squeeze %dma_wait3A_730 : memref<1x1x8x64xi32, #tpu.memory_space<hbm>> -> memref<8x64xi32, #tpu.memory_space<hbm>>
          tpu.wait_dma2 semaphore(%arg21 : memref<!tpu.dma_semaphore, #tpu.memory_space<semaphore_mem>>) src(%dma_wait3A_731 : memref<8x64xi32, #tpu.memory_space<hbm>>) dst(%dma_wait3A_727 : memref<8x64xi32, #tpu.memory_space<vmem>>)
          %dma_wait3A_732 = arith.constant 0 : i32
          %dma_wait3A_733 = arith.constant 8 : i32
          %dma_wait3A_734 = arith.constant 0 : i32
          %dma_wait3A_735 = tpu.memref_slice %arg8[%dma_wait3A_733, %dma_wait3A_734] : memref<24x64xi32, #tpu.memory_space<vmem>> -> memref<8x64xi32, #tpu.memory_space<vmem>>
          %dma_wait3A_736 = arith.constant 0 : i32
          %dma_wait3A_737 = arith.constant 0 : i32
          %dma_wait3A_738 = tpu.memref_slice %arg4[%add3A, %dma_wait3A_732, %dma_wait3A_736, %dma_wait3A_737] : memref<32x20x8x64xi32, #tpu.memory_space<hbm>> -> memref<1x1x8x64xi32, #tpu.memory_space<hbm>>
          %dma_wait3A_739 = tpu.memref_squeeze %dma_wait3A_738 : memref<1x1x8x64xi32, #tpu.memory_space<hbm>> -> memref<8x64xi32, #tpu.memory_space<hbm>>
          %dma_wait3A_740 = arith.constant 8 : i32
          %dma_wait3A_741 = arith.constant 0 : i32
          %dma_wait3A_742 = tpu.memref_slice %arg8[%dma_wait3A_740, %dma_wait3A_741] : memref<24x64xi32, #tpu.memory_space<vmem>> -> memref<8x64xi32, #tpu.memory_space<vmem>>
          %dma_wait3A_743 = arith.constant 0 : i32
          %dma_wait3A_744 = arith.constant 0 : i32
          %dma_wait3A_745 = tpu.memref_slice %arg4[%add3A, %dma_wait3A_732, %dma_wait3A_743, %dma_wait3A_744] : memref<32x20x8x64xi32, #tpu.memory_space<hbm>> -> memref<1x1x8x64xi32, #tpu.memory_space<hbm>>
          %dma_wait3A_746 = tpu.memref_squeeze %dma_wait3A_745 : memref<1x1x8x64xi32, #tpu.memory_space<hbm>> -> memref<8x64xi32, #tpu.memory_space<hbm>>
          tpu.wait_dma2 semaphore(%arg21 : memref<!tpu.dma_semaphore, #tpu.memory_space<semaphore_mem>>) src(%dma_wait3A_746 : memref<8x64xi32, #tpu.memory_space<hbm>>) dst(%dma_wait3A_742 : memref<8x64xi32, #tpu.memory_space<vmem>>)
          %dma_wait3A_747 = arith.constant 0 : i32
          %dma_wait3A_748 = arith.constant 8 : i32
          %dma_wait3A_749 = arith.constant 0 : i32
          %dma_wait3A_750 = tpu.memref_slice %arg9[%dma_wait3A_748, %dma_wait3A_749] : memref<24x64xf32, #tpu.memory_space<vmem>> -> memref<8x64xf32, #tpu.memory_space<vmem>>
          %dma_wait3A_751 = arith.constant 0 : i32
          %dma_wait3A_752 = arith.constant 0 : i32
          %dma_wait3A_753 = tpu.memref_slice %arg5[%add3A, %dma_wait3A_747, %dma_wait3A_751, %dma_wait3A_752] : memref<32x20x8x64xf32, #tpu.memory_space<hbm>> -> memref<1x1x8x64xf32, #tpu.memory_space<hbm>>
          %dma_wait3A_754 = tpu.memref_squeeze %dma_wait3A_753 : memref<1x1x8x64xf32, #tpu.memory_space<hbm>> -> memref<8x64xf32, #tpu.memory_space<hbm>>
          %dma_wait3A_755 = arith.constant 8 : i32
          %dma_wait3A_756 = arith.constant 0 : i32
          %dma_wait3A_757 = tpu.memref_slice %arg9[%dma_wait3A_755, %dma_wait3A_756] : memref<24x64xf32, #tpu.memory_space<vmem>> -> memref<8x64xf32, #tpu.memory_space<vmem>>
          %dma_wait3A_758 = arith.constant 0 : i32
          %dma_wait3A_759 = arith.constant 0 : i32
          %dma_wait3A_760 = tpu.memref_slice %arg5[%add3A, %dma_wait3A_747, %dma_wait3A_758, %dma_wait3A_759] : memref<32x20x8x64xf32, #tpu.memory_space<hbm>> -> memref<1x1x8x64xf32, #tpu.memory_space<hbm>>
          %dma_wait3A_761 = tpu.memref_squeeze %dma_wait3A_760 : memref<1x1x8x64xf32, #tpu.memory_space<hbm>> -> memref<8x64xf32, #tpu.memory_space<hbm>>
          tpu.wait_dma2 semaphore(%arg21 : memref<!tpu.dma_semaphore, #tpu.memory_space<semaphore_mem>>) src(%dma_wait3A_761 : memref<8x64xf32, #tpu.memory_space<hbm>>) dst(%dma_wait3A_757 : memref<8x64xf32, #tpu.memory_space<vmem>>)
        } else {
        }
        %eq3A_712 = arith.constant 2 : i32
        %eq3A_713 = arith.cmpi eq, %select_n3A_200, %eq3A_712 : i32
        %convert_element_type3A_714 = arith.extui %eq3A_713 : i1 to i32
        %cond3A_715 = arith.constant 0 : i32
        %cond3A_716 = arith.cmpi ne, %convert_element_type3A_714, %cond3A_715 : i32
        scf.if %cond3A_716 {
          %dma_wait3A_717 = arith.constant 0 : i32
          %dma_wait3A_718 = arith.constant 16 : i32
          %dma_wait3A_719 = arith.constant 0 : i32
          %dma_wait3A_720 = tpu.memref_slice %arg7[%dma_wait3A_718, %dma_wait3A_719] : memref<24x64xi32, #tpu.memory_space<vmem>> -> memref<8x64xi32, #tpu.memory_space<vmem>>
          %dma_wait3A_721 = arith.constant 0 : i32
          %dma_wait3A_722 = arith.constant 0 : i32
          %dma_wait3A_723 = tpu.memref_slice %arg3[%add3A, %dma_wait3A_717, %dma_wait3A_721, %dma_wait3A_722] : memref<32x20x8x64xi32, #tpu.memory_space<hbm>> -> memref<1x1x8x64xi32, #tpu.memory_space<hbm>>
          %dma_wait3A_724 = tpu.memref_squeeze %dma_wait3A_723 : memref<1x1x8x64xi32, #tpu.memory_space<hbm>> -> memref<8x64xi32, #tpu.memory_space<hbm>>
          %dma_wait3A_725 = arith.constant 16 : i32
          %dma_wait3A_726 = arith.constant 0 : i32
          %dma_wait3A_727 = tpu.memref_slice %arg7[%dma_wait3A_725, %dma_wait3A_726] : memref<24x64xi32, #tpu.memory_space<vmem>> -> memref<8x64xi32, #tpu.memory_space<vmem>>
          %dma_wait3A_728 = arith.constant 0 : i32
          %dma_wait3A_729 = arith.constant 0 : i32
          %dma_wait3A_730 = tpu.memref_slice %arg3[%add3A, %dma_wait3A_717, %dma_wait3A_728, %dma_wait3A_729] : memref<32x20x8x64xi32, #tpu.memory_space<hbm>> -> memref<1x1x8x64xi32, #tpu.memory_space<hbm>>
          %dma_wait3A_731 = tpu.memref_squeeze %dma_wait3A_730 : memref<1x1x8x64xi32, #tpu.memory_space<hbm>> -> memref<8x64xi32, #tpu.memory_space<hbm>>
          tpu.wait_dma2 semaphore(%arg22 : memref<!tpu.dma_semaphore, #tpu.memory_space<semaphore_mem>>) src(%dma_wait3A_731 : memref<8x64xi32, #tpu.memory_space<hbm>>) dst(%dma_wait3A_727 : memref<8x64xi32, #tpu.memory_space<vmem>>)
          %dma_wait3A_732 = arith.constant 0 : i32
          %dma_wait3A_733 = arith.constant 16 : i32
          %dma_wait3A_734 = arith.constant 0 : i32
          %dma_wait3A_735 = tpu.memref_slice %arg8[%dma_wait3A_733, %dma_wait3A_734] : memref<24x64xi32, #tpu.memory_space<vmem>> -> memref<8x64xi32, #tpu.memory_space<vmem>>
          %dma_wait3A_736 = arith.constant 0 : i32
          %dma_wait3A_737 = arith.constant 0 : i32
          %dma_wait3A_738 = tpu.memref_slice %arg4[%add3A, %dma_wait3A_732, %dma_wait3A_736, %dma_wait3A_737] : memref<32x20x8x64xi32, #tpu.memory_space<hbm>> -> memref<1x1x8x64xi32, #tpu.memory_space<hbm>>
          %dma_wait3A_739 = tpu.memref_squeeze %dma_wait3A_738 : memref<1x1x8x64xi32, #tpu.memory_space<hbm>> -> memref<8x64xi32, #tpu.memory_space<hbm>>
          %dma_wait3A_740 = arith.constant 16 : i32
          %dma_wait3A_741 = arith.constant 0 : i32
          %dma_wait3A_742 = tpu.memref_slice %arg8[%dma_wait3A_740, %dma_wait3A_741] : memref<24x64xi32, #tpu.memory_space<vmem>> -> memref<8x64xi32, #tpu.memory_space<vmem>>
          %dma_wait3A_743 = arith.constant 0 : i32
          %dma_wait3A_744 = arith.constant 0 : i32
          %dma_wait3A_745 = tpu.memref_slice %arg4[%add3A, %dma_wait3A_732, %dma_wait3A_743, %dma_wait3A_744] : memref<32x20x8x64xi32, #tpu.memory_space<hbm>> -> memref<1x1x8x64xi32, #tpu.memory_space<hbm>>
          %dma_wait3A_746 = tpu.memref_squeeze %dma_wait3A_745 : memref<1x1x8x64xi32, #tpu.memory_space<hbm>> -> memref<8x64xi32, #tpu.memory_space<hbm>>
          tpu.wait_dma2 semaphore(%arg22 : memref<!tpu.dma_semaphore, #tpu.memory_space<semaphore_mem>>) src(%dma_wait3A_746 : memref<8x64xi32, #tpu.memory_space<hbm>>) dst(%dma_wait3A_742 : memref<8x64xi32, #tpu.memory_space<vmem>>)
          %dma_wait3A_747 = arith.constant 0 : i32
          %dma_wait3A_748 = arith.constant 16 : i32
          %dma_wait3A_749 = arith.constant 0 : i32
          %dma_wait3A_750 = tpu.memref_slice %arg9[%dma_wait3A_748, %dma_wait3A_749] : memref<24x64xf32, #tpu.memory_space<vmem>> -> memref<8x64xf32, #tpu.memory_space<vmem>>
          %dma_wait3A_751 = arith.constant 0 : i32
          %dma_wait3A_752 = arith.constant 0 : i32
          %dma_wait3A_753 = tpu.memref_slice %arg5[%add3A, %dma_wait3A_747, %dma_wait3A_751, %dma_wait3A_752] : memref<32x20x8x64xf32, #tpu.memory_space<hbm>> -> memref<1x1x8x64xf32, #tpu.memory_space<hbm>>
          %dma_wait3A_754 = tpu.memref_squeeze %dma_wait3A_753 : memref<1x1x8x64xf32, #tpu.memory_space<hbm>> -> memref<8x64xf32, #tpu.memory_space<hbm>>
          %dma_wait3A_755 = arith.constant 16 : i32
          %dma_wait3A_756 = arith.constant 0 : i32
          %dma_wait3A_757 = tpu.memref_slice %arg9[%dma_wait3A_755, %dma_wait3A_756] : memref<24x64xf32, #tpu.memory_space<vmem>> -> memref<8x64xf32, #tpu.memory_space<vmem>>
          %dma_wait3A_758 = arith.constant 0 : i32
          %dma_wait3A_759 = arith.constant 0 : i32
          %dma_wait3A_760 = tpu.memref_slice %arg5[%add3A, %dma_wait3A_747, %dma_wait3A_758, %dma_wait3A_759] : memref<32x20x8x64xf32, #tpu.memory_space<hbm>> -> memref<1x1x8x64xf32, #tpu.memory_space<hbm>>
          %dma_wait3A_761 = tpu.memref_squeeze %dma_wait3A_760 : memref<1x1x8x64xf32, #tpu.memory_space<hbm>> -> memref<8x64xf32, #tpu.memory_space<hbm>>
          tpu.wait_dma2 semaphore(%arg22 : memref<!tpu.dma_semaphore, #tpu.memory_space<semaphore_mem>>) src(%dma_wait3A_761 : memref<8x64xf32, #tpu.memory_space<hbm>>) dst(%dma_wait3A_757 : memref<8x64xf32, #tpu.memory_space<vmem>>)
        } else {
        }
      } else {
      }
      %dma_wait3A_597 = arith.constant 0 : i32
      %dma_wait3A_598 = arith.constant 2 : i32
      %dma_wait3A_599 = arith.constant 0 : i32
      %dma_wait3A_600 = arith.constant 0 : i32
      %dma_wait3A_601 = tpu.memref_slice %arg10[%dma_wait3A_598, %dma_wait3A_599, %dma_wait3A_600] : memref<4x64x128xf32, #tpu.memory_space<vmem>> -> memref<1x64x128xf32, #tpu.memory_space<vmem>>
      %dma_wait3A_602 = tpu.memref_squeeze %dma_wait3A_601 : memref<1x64x128xf32, #tpu.memory_space<vmem>> -> memref<64x128xf32, #tpu.memory_space<vmem>>
      %dma_wait3A_603 = arith.constant 0 : i32
      %dma_wait3A_604 = tpu.memref_slice %arg7[%dma_wait3A_597, %dma_wait3A_603] : memref<24x64xi32, #tpu.memory_space<vmem>> -> memref<1x64xi32, #tpu.memory_space<vmem>>
      %dma_wait3A_605 = tpu.memref_squeeze %dma_wait3A_604 : memref<1x64xi32, #tpu.memory_space<vmem>> -> memref<64xi32, #tpu.memory_space<vmem>>
      %dma_wait3A_606 = arith.constant 0 : i32
      %dma_wait3A_607 = arith.constant 0 : i32
      %dma_wait3A_608 = tpu.memref_slice %arg2[%dma_wait3A_606, %dma_wait3A_607] : memref<10000x128xf32, #tpu.memory_space<hbm>> -> memref<10000x128xf32, #tpu.memory_space<hbm>>
      tpu.wait_indirect_dma semaphore(%arg14 : memref<!tpu.dma_semaphore, #tpu.memory_space<semaphore_mem>>) src(%dma_wait3A_608 : memref<10000x128xf32, #tpu.memory_space<hbm>>) dst(%dma_wait3A_602 : memref<64x128xf32, #tpu.memory_space<vmem>>)
      %dma_wait3A_609 = arith.constant 0 : i32
      %dma_wait3A_610 = arith.constant 0 : i32
      %dma_wait3A_611 = arith.constant 0 : i32
      %dma_wait3A_612 = arith.constant 0 : i32
      %dma_wait3A_613 = tpu.memref_slice %arg10[%dma_wait3A_609, %dma_wait3A_611, %dma_wait3A_612] : memref<4x64x128xf32, #tpu.memory_space<vmem>> -> memref<1x64x128xf32, #tpu.memory_space<vmem>>
      %dma_wait3A_614 = tpu.memref_squeeze %dma_wait3A_613 : memref<1x64x128xf32, #tpu.memory_space<vmem>> -> memref<64x128xf32, #tpu.memory_space<vmem>>
      %dma_wait3A_615 = arith.constant 0 : i32
      %dma_wait3A_616 = tpu.memref_slice %arg8[%dma_wait3A_610, %dma_wait3A_615] : memref<24x64xi32, #tpu.memory_space<vmem>> -> memref<1x64xi32, #tpu.memory_space<vmem>>
      %dma_wait3A_617 = tpu.memref_squeeze %dma_wait3A_616 : memref<1x64xi32, #tpu.memory_space<vmem>> -> memref<64xi32, #tpu.memory_space<vmem>>
      %dma_wait3A_618 = arith.constant 0 : i32
      %dma_wait3A_619 = arith.constant 0 : i32
      %dma_wait3A_620 = tpu.memref_slice %arg11[%dma_wait3A_618, %dma_wait3A_619] : memref<10000x128xf32, #tpu.memory_space<vmem_shared>> -> memref<10000x128xf32, #tpu.memory_space<vmem_shared>>
      tpu.wait_indirect_dma semaphore(%arg16 : memref<!tpu.dma_semaphore, #tpu.memory_space<semaphore_mem>>) src(%dma_wait3A_614 : memref<64x128xf32, #tpu.memory_space<vmem>>) dst(%dma_wait3A_620 : memref<10000x128xf32, #tpu.memory_space<vmem_shared>>)
      %lt3A_621 = arith.constant 19 : i32
      %lt3A_622 = arith.cmpi slt, %scan3A_170, %lt3A_621 : i32
      %convert_element_type3A_623 = arith.extui %lt3A_622 : i1 to i32
      %cond3A_624 = arith.constant 0 : i32
      %cond3A_625 = arith.cmpi ne, %convert_element_type3A_623, %cond3A_624 : i32
      scf.if %cond3A_625 {
        %mul3A_702 = arith.constant 8 : i32
        %mul3A_703 = arith.muli %select_n3A_200, %mul3A_702 : i32
        %add3A_704 = arith.constant 0 : i32
        %add3A_705 = arith.addi %mul3A_703, %add3A_704 : i32
        %dma_start3A_706 = arith.constant 0 : i32
        %dma_start3A_707 = arith.constant 0 : i32
        %dma_start3A_708 = arith.constant 0 : i32
        %dma_start3A_709 = tpu.memref_slice %arg10[%dma_start3A_706, %dma_start3A_707, %dma_start3A_708] : memref<4x64x128xf32, #tpu.memory_space<vmem>> -> memref<1x64x128xf32, #tpu.memory_space<vmem>>
        %dma_start3A_710 = tpu.memref_squeeze %dma_start3A_709 : memref<1x64x128xf32, #tpu.memory_space<vmem>> -> memref<64x128xf32, #tpu.memory_space<vmem>>
        %dma_start3A_711 = arith.constant 0 : i32
        %dma_start3A_712 = tpu.memref_slice %arg7[%add3A_705, %dma_start3A_711] : memref<24x64xi32, #tpu.memory_space<vmem>> -> memref<1x64xi32, #tpu.memory_space<vmem>>
        %dma_start3A_713 = tpu.memref_squeeze %dma_start3A_712 : memref<1x64xi32, #tpu.memory_space<vmem>> -> memref<64xi32, #tpu.memory_space<vmem>>
        %dma_start3A_714 = arith.constant 0 : i32
        %dma_start3A_715 = arith.constant 0 : i32
        %dma_start3A_716 = tpu.memref_slice %arg2[%dma_start3A_714, %dma_start3A_715] : memref<10000x128xf32, #tpu.memory_space<hbm>> -> memref<10000x128xf32, #tpu.memory_space<hbm>>
        tpu.enqueue_indirect_dma source(%dma_start3A_716 : memref<10000x128xf32, #tpu.memory_space<hbm>>) target(%dma_start3A_710 : memref<64x128xf32, #tpu.memory_space<vmem>>) offsets(%dma_start3A_713 : memref<64xi32, #tpu.memory_space<vmem>>) semaphore(%arg12 : memref<!tpu.dma_semaphore, #tpu.memory_space<semaphore_mem>>)
      } else {
      }
      %scan3A_626 = arith.constant 6 : i32
      %scan3A_627 = arith.constant 0 : i32
      %scan3A_628 = arith.constant 0 : i32
      %scan3A_629 = arith.constant 4 : i32
      %scan3A_630 = arith.addi %scan3A_628, %scan3A_629 : i32
      %scan3A_631 = arith.constant 1 : i32
      %scan3A_632 = scf.for %scan3A_702 = %scan3A_628 to %scan3A_630 step %scan3A_631 iter_args(%scan3A_703 = %scan3A_627) -> (i32)  : i32 {
        %mul3A_704 = arith.constant 8 : i32
        %mul3A_705 = arith.muli %select_n3A_182, %mul3A_704 : i32
        %add3A_706 = arith.addi %mul3A_705, %scan3A_626 : i32
        %mul3A_707 = arith.constant 16 : i32
        %mul3A_708 = arith.muli %scan3A_702, %mul3A_707 : i32
        %get3A = arith.index_cast %add3A_706 : i32 to index
        %get3A_709 = arith.index_cast %mul3A_708 : i32 to index
        %get3A_710 = tpu.vector_load %arg9[%get3A, %get3A_709] {strides = array<i32>} : memref<24x64xf32, #tpu.memory_space<vmem>>, vector<1x16xf32>,
        %get3A_711 = vector.shape_cast %get3A_710 : vector<1x16xf32> to vector<16xf32>
        %parallel_loop3A = arith.constant 0 : i32
        %parallel_loop3A_712 = arith.constant 16 : i32
        %parallel_loop3A_713 = arith.constant 1 : i32
        scf.for %parallel_loop3A_715 = %parallel_loop3A to %parallel_loop3A_712 step %parallel_loop3A_713  : i32 {
          %parallel_loop3A_716 = vector.broadcast %parallel_loop3A_715 : i32 to vector<16x1xi32>
          %parallel_loop3A_717 = vector.shape_cast %parallel_loop3A_716 : vector<16x1xi32> to vector<16xi32>
          %parallel_loop3A_718 = tpu.dynamic_gather %get3A_711[%parallel_loop3A_717] in [0] : vector<16xf32>, vector<16xi32> -> vector<16xf32>
          %parallel_loop3A_719 = arith.constant 16 : i32
          %parallel_loop3A_720 = arith.muli %scan3A_702, %parallel_loop3A_719 : i32
          %parallel_loop3A_721 = arith.addi %parallel_loop3A_720, %parallel_loop3A_715 : i32
          %parallel_loop3A_722 = arith.constant 2 : i32
          %parallel_loop3A_723 = arith.index_cast %parallel_loop3A_722 : i32 to index
          %parallel_loop3A_724 = arith.index_cast %parallel_loop3A_721 : i32 to index
          %parallel_loop3A_725 = arith.constant 0 : index
          %parallel_loop3A_726 = tpu.vector_load %arg10[%parallel_loop3A_723, %parallel_loop3A_724, %parallel_loop3A_725] {strides = array<i32>} : memref<4x64x128xf32, #tpu.memory_space<vmem>>, vector<1x1x16xf32>,
          %parallel_loop3A_727 = vector.shape_cast %parallel_loop3A_726 : vector<1x1x16xf32> to vector<16xf32>
          %parallel_loop3A_728 = arith.mulf %parallel_loop3A_727, %parallel_loop3A_718 : vector<16xf32>
          %parallel_loop3A_729 = arith.constant 2 : i32
          %parallel_loop3A_730 = arith.index_cast %parallel_loop3A_729 : i32 to index
          %parallel_loop3A_731 = arith.index_cast %parallel_loop3A_721 : i32 to index
          %parallel_loop3A_732 = arith.constant 0 : index
          %parallel_loop3A_733 = tpu.vector_load %arg10[%parallel_loop3A_730, %parallel_loop3A_731, %parallel_loop3A_732] {strides = array<i32>} : memref<4x64x128xf32, #tpu.memory_space<vmem>>, vector<1x1x16xf32>,
          %parallel_loop3A_734 = vector.shape_cast %parallel_loop3A_733 : vector<1x1x16xf32> to vector<16xf32>
          %parallel_loop3A_735 = vector.shape_cast %parallel_loop3A_728 : vector<16xf32> to vector<1x1x16xf32>
          tpu.vector_store %arg10[%parallel_loop3A_730, %parallel_loop3A_731, %parallel_loop3A_732], %parallel_loop3A_735 {strides = array<i32>} : memref<4x64x128xf32, #tpu.memory_space<vmem>>, vector<1x1x16xf32>,
          %parallel_loop3A_736 = arith.constant 2 : i32
          %parallel_loop3A_737 = arith.index_cast %parallel_loop3A_736 : i32 to index
          %parallel_loop3A_738 = arith.index_cast %parallel_loop3A_721 : i32 to index
          %parallel_loop3A_739 = arith.constant 16 : index
          %parallel_loop3A_740 = tpu.vector_load %arg10[%parallel_loop3A_737, %parallel_loop3A_738, %parallel_loop3A_739] {strides = array<i32>} : memref<4x64x128xf32, #tpu.memory_space<vmem>>, vector<1x1x16xf32>,
          %parallel_loop3A_741 = vector.shape_cast %parallel_loop3A_740 : vector<1x1x16xf32> to vector<16xf32>
          %parallel_loop3A_742 = arith.mulf %parallel_loop3A_741, %parallel_loop3A_718 : vector<16xf32>
          %parallel_loop3A_743 = arith.constant 2 : i32
          %parallel_loop3A_744 = arith.index_cast %parallel_loop3A_743 : i32 to index
          %parallel_loop3A_745 = arith.index_cast %parallel_loop3A_721 : i32 to index
          %parallel_loop3A_746 = arith.constant 16 : index
          %parallel_loop3A_747 = tpu.vector_load %arg10[%parallel_loop3A_744, %parallel_loop3A_745, %parallel_loop3A_746] {strides = array<i32>} : memref<4x64x128xf32, #tpu.memory_space<vmem>>, vector<1x1x16xf32>,
          %parallel_loop3A_748 = vector.shape_cast %parallel_loop3A_747 : vector<1x1x16xf32> to vector<16xf32>
          %parallel_loop3A_749 = vector.shape_cast %parallel_loop3A_742 : vector<16xf32> to vector<1x1x16xf32>
          tpu.vector_store %arg10[%parallel_loop3A_744, %parallel_loop3A_745, %parallel_loop3A_746], %parallel_loop3A_749 {strides = array<i32>} : memref<4x64x128xf32, #tpu.memory_space<vmem>>, vector<1x1x16xf32>,
          %parallel_loop3A_750 = arith.constant 2 : i32
          %parallel_loop3A_751 = arith.index_cast %parallel_loop3A_750 : i32 to index
          %parallel_loop3A_752 = arith.index_cast %parallel_loop3A_721 : i32 to index
          %parallel_loop3A_753 = arith.constant 32 : index
          %parallel_loop3A_754 = tpu.vector_load %arg10[%parallel_loop3A_751, %parallel_loop3A_752, %parallel_loop3A_753] {strides = array<i32>} : memref<4x64x128xf32, #tpu.memory_space<vmem>>, vector<1x1x16xf32>,
          %parallel_loop3A_755 = vector.shape_cast %parallel_loop3A_754 : vector<1x1x16xf32> to vector<16xf32>
          %parallel_loop3A_756 = arith.mulf %parallel_loop3A_755, %parallel_loop3A_718 : vector<16xf32>
          %parallel_loop3A_757 = arith.constant 2 : i32
          %parallel_loop3A_758 = arith.index_cast %parallel_loop3A_757 : i32 to index
          %parallel_loop3A_759 = arith.index_cast %parallel_loop3A_721 : i32 to index
          %parallel_loop3A_760 = arith.constant 32 : index
          %parallel_loop3A_761 = tpu.vector_load %arg10[%parallel_loop3A_758, %parallel_loop3A_759, %parallel_loop3A_760] {strides = array<i32>} : memref<4x64x128xf32, #tpu.memory_space<vmem>>, vector<1x1x16xf32>,
          %parallel_loop3A_762 = vector.shape_cast %parallel_loop3A_761 : vector<1x1x16xf32> to vector<16xf32>
          %parallel_loop3A_763 = vector.shape_cast %parallel_loop3A_756 : vector<16xf32> to vector<1x1x16xf32>
          tpu.vector_store %arg10[%parallel_loop3A_758, %parallel_loop3A_759, %parallel_loop3A_760], %parallel_loop3A_763 {strides = array<i32>} : memref<4x64x128xf32, #tpu.memory_space<vmem>>, vector<1x1x16xf32>,
          %parallel_loop3A_764 = arith.constant 2 : i32
          %parallel_loop3A_765 = arith.index_cast %parallel_loop3A_764 : i32 to index
          %parallel_loop3A_766 = arith.index_cast %parallel_loop3A_721 : i32 to index
          %parallel_loop3A_767 = arith.constant 48 : index
          %parallel_loop3A_768 = tpu.vector_load %arg10[%parallel_loop3A_765, %parallel_loop3A_766, %parallel_loop3A_767] {strides = array<i32>} : memref<4x64x128xf32, #tpu.memory_space<vmem>>, vector<1x1x16xf32>,
          %parallel_loop3A_769 = vector.shape_cast %parallel_loop3A_768 : vector<1x1x16xf32> to vector<16xf32>
          %parallel_loop3A_770 = arith.mulf %parallel_loop3A_769, %parallel_loop3A_718 : vector<16xf32>
          %parallel_loop3A_771 = arith.constant 2 : i32
          %parallel_loop3A_772 = arith.index_cast %parallel_loop3A_771 : i32 to index
          %parallel_loop3A_773 = arith.index_cast %parallel_loop3A_721 : i32 to index
          %parallel_loop3A_774 = arith.constant 48 : index
          %parallel_loop3A_775 = tpu.vector_load %arg10[%parallel_loop3A_772, %parallel_loop3A_773, %parallel_loop3A_774] {strides = array<i32>} : memref<4x64x128xf32, #tpu.memory_space<vmem>>, vector<1x1x16xf32>,
          %parallel_loop3A_776 = vector.shape_cast %parallel_loop3A_775 : vector<1x1x16xf32> to vector<16xf32>
          %parallel_loop3A_777 = vector.shape_cast %parallel_loop3A_770 : vector<16xf32> to vector<1x1x16xf32>
          tpu.vector_store %arg10[%parallel_loop3A_772, %parallel_loop3A_773, %parallel_loop3A_774], %parallel_loop3A_777 {strides = array<i32>} : memref<4x64x128xf32, #tpu.memory_space<vmem>>, vector<1x1x16xf32>,
          %parallel_loop3A_778 = arith.constant 2 : i32
          %parallel_loop3A_779 = arith.index_cast %parallel_loop3A_778 : i32 to index
          %parallel_loop3A_780 = arith.index_cast %parallel_loop3A_721 : i32 to index
          %parallel_loop3A_781 = arith.constant 64 : index
          %parallel_loop3A_782 = tpu.vector_load %arg10[%parallel_loop3A_779, %parallel_loop3A_780, %parallel_loop3A_781] {strides = array<i32>} : memref<4x64x128xf32, #tpu.memory_space<vmem>>, vector<1x1x16xf32>,
          %parallel_loop3A_783 = vector.shape_cast %parallel_loop3A_782 : vector<1x1x16xf32> to vector<16xf32>
          %parallel_loop3A_784 = arith.mulf %parallel_loop3A_783, %parallel_loop3A_718 : vector<16xf32>
          %parallel_loop3A_785 = arith.constant 2 : i32
          %parallel_loop3A_786 = arith.index_cast %parallel_loop3A_785 : i32 to index
          %parallel_loop3A_787 = arith.index_cast %parallel_loop3A_721 : i32 to index
          %parallel_loop3A_788 = arith.constant 64 : index
          %parallel_loop3A_789 = tpu.vector_load %arg10[%parallel_loop3A_786, %parallel_loop3A_787, %parallel_loop3A_788] {strides = array<i32>} : memref<4x64x128xf32, #tpu.memory_space<vmem>>, vector<1x1x16xf32>,
          %parallel_loop3A_790 = vector.shape_cast %parallel_loop3A_789 : vector<1x1x16xf32> to vector<16xf32>
          %parallel_loop3A_791 = vector.shape_cast %parallel_loop3A_784 : vector<16xf32> to vector<1x1x16xf32>
          tpu.vector_store %arg10[%parallel_loop3A_786, %parallel_loop3A_787, %parallel_loop3A_788], %parallel_loop3A_791 {strides = array<i32>} : memref<4x64x128xf32, #tpu.memory_space<vmem>>, vector<1x1x16xf32>,
          %parallel_loop3A_792 = arith.constant 2 : i32
          %parallel_loop3A_793 = arith.index_cast %parallel_loop3A_792 : i32 to index
          %parallel_loop3A_794 = arith.index_cast %parallel_loop3A_721 : i32 to index
          %parallel_loop3A_795 = arith.constant 80 : index
          %parallel_loop3A_796 = tpu.vector_load %arg10[%parallel_loop3A_793, %parallel_loop3A_794, %parallel_loop3A_795] {strides = array<i32>} : memref<4x64x128xf32, #tpu.memory_space<vmem>>, vector<1x1x16xf32>,
          %parallel_loop3A_797 = vector.shape_cast %parallel_loop3A_796 : vector<1x1x16xf32> to vector<16xf32>
          %parallel_loop3A_798 = arith.mulf %parallel_loop3A_797, %parallel_loop3A_718 : vector<16xf32>
          %parallel_loop3A_799 = arith.constant 2 : i32
          %parallel_loop3A_800 = arith.index_cast %parallel_loop3A_799 : i32 to index
          %parallel_loop3A_801 = arith.index_cast %parallel_loop3A_721 : i32 to index
          %parallel_loop3A_802 = arith.constant 80 : index
          %parallel_loop3A_803 = tpu.vector_load %arg10[%parallel_loop3A_800, %parallel_loop3A_801, %parallel_loop3A_802] {strides = array<i32>} : memref<4x64x128xf32, #tpu.memory_space<vmem>>, vector<1x1x16xf32>,
          %parallel_loop3A_804 = vector.shape_cast %parallel_loop3A_803 : vector<1x1x16xf32> to vector<16xf32>
          %parallel_loop3A_805 = vector.shape_cast %parallel_loop3A_798 : vector<16xf32> to vector<1x1x16xf32>
          tpu.vector_store %arg10[%parallel_loop3A_800, %parallel_loop3A_801, %parallel_loop3A_802], %parallel_loop3A_805 {strides = array<i32>} : memref<4x64x128xf32, #tpu.memory_space<vmem>>, vector<1x1x16xf32>,
          %parallel_loop3A_806 = arith.constant 2 : i32
          %parallel_loop3A_807 = arith.index_cast %parallel_loop3A_806 : i32 to index
          %parallel_loop3A_808 = arith.index_cast %parallel_loop3A_721 : i32 to index
          %parallel_loop3A_809 = arith.constant 96 : index
          %parallel_loop3A_810 = tpu.vector_load %arg10[%parallel_loop3A_807, %parallel_loop3A_808, %parallel_loop3A_809] {strides = array<i32>} : memref<4x64x128xf32, #tpu.memory_space<vmem>>, vector<1x1x16xf32>,
          %parallel_loop3A_811 = vector.shape_cast %parallel_loop3A_810 : vector<1x1x16xf32> to vector<16xf32>
          %parallel_loop3A_812 = arith.mulf %parallel_loop3A_811, %parallel_loop3A_718 : vector<16xf32>
          %parallel_loop3A_813 = arith.constant 2 : i32
          %parallel_loop3A_814 = arith.index_cast %parallel_loop3A_813 : i32 to index
          %parallel_loop3A_815 = arith.index_cast %parallel_loop3A_721 : i32 to index
          %parallel_loop3A_816 = arith.constant 96 : index
          %parallel_loop3A_817 = tpu.vector_load %arg10[%parallel_loop3A_814, %parallel_loop3A_815, %parallel_loop3A_816] {strides = array<i32>} : memref<4x64x128xf32, #tpu.memory_space<vmem>>, vector<1x1x16xf32>,
          %parallel_loop3A_818 = vector.shape_cast %parallel_loop3A_817 : vector<1x1x16xf32> to vector<16xf32>
          %parallel_loop3A_819 = vector.shape_cast %parallel_loop3A_812 : vector<16xf32> to vector<1x1x16xf32>
          tpu.vector_store %arg10[%parallel_loop3A_814, %parallel_loop3A_815, %parallel_loop3A_816], %parallel_loop3A_819 {strides = array<i32>} : memref<4x64x128xf32, #tpu.memory_space<vmem>>, vector<1x1x16xf32>,
          %parallel_loop3A_820 = arith.constant 2 : i32
          %parallel_loop3A_821 = arith.index_cast %parallel_loop3A_820 : i32 to index
          %parallel_loop3A_822 = arith.index_cast %parallel_loop3A_721 : i32 to index
          %parallel_loop3A_823 = arith.constant 112 : index
          %parallel_loop3A_824 = tpu.vector_load %arg10[%parallel_loop3A_821, %parallel_loop3A_822, %parallel_loop3A_823] {strides = array<i32>} : memref<4x64x128xf32, #tpu.memory_space<vmem>>, vector<1x1x16xf32>,
          %parallel_loop3A_825 = vector.shape_cast %parallel_loop3A_824 : vector<1x1x16xf32> to vector<16xf32>
          %parallel_loop3A_826 = arith.mulf %parallel_loop3A_825, %parallel_loop3A_718 : vector<16xf32>
          %parallel_loop3A_827 = arith.constant 2 : i32
          %parallel_loop3A_828 = arith.index_cast %parallel_loop3A_827 : i32 to index
          %parallel_loop3A_829 = arith.index_cast %parallel_loop3A_721 : i32 to index
          %parallel_loop3A_830 = arith.constant 112 : index
          %parallel_loop3A_831 = tpu.vector_load %arg10[%parallel_loop3A_828, %parallel_loop3A_829, %parallel_loop3A_830] {strides = array<i32>} : memref<4x64x128xf32, #tpu.memory_space<vmem>>, vector<1x1x16xf32>,
          %parallel_loop3A_832 = vector.shape_cast %parallel_loop3A_831 : vector<1x1x16xf32> to vector<16xf32>
          %parallel_loop3A_833 = vector.shape_cast %parallel_loop3A_826 : vector<16xf32> to vector<1x1x16xf32>
          tpu.vector_store %arg10[%parallel_loop3A_828, %parallel_loop3A_829, %parallel_loop3A_830], %parallel_loop3A_833 {strides = array<i32>} : memref<4x64x128xf32, #tpu.memory_space<vmem>>, vector<1x1x16xf32>,
        } {sc.loop_unroll_factor = 4 : i64, sc.parallel_access}
        %scan3A_714 = arith.constant 0 : i32
        scf.yield %scan3A_714 : i32
      }
      %scan3A_633 = arith.constant 4 : i32
      %mul3A_634 = arith.constant 8 : i32
      %mul3A_635 = arith.muli %select_n3A_182, %mul3A_634 : i32
      %add3A_636 = arith.constant 6 : i32
      %add3A_637 = arith.addi %mul3A_635, %add3A_636 : i32
      %dma_start3A_638 = arith.constant 2 : i32
      %dma_start3A_639 = arith.constant 0 : i32
      %dma_start3A_640 = arith.constant 0 : i32
      %dma_start3A_641 = tpu.memref_slice %arg10[%dma_start3A_638, %dma_start3A_639, %dma_start3A_640] : memref<4x64x128xf32, #tpu.memory_space<vmem>> -> memref<1x64x128xf32, #tpu.memory_space<vmem>>
      %dma_start3A_642 = tpu.memref_squeeze %dma_start3A_641 : memref<1x64x128xf32, #tpu.memory_space<vmem>> -> memref<64x128xf32, #tpu.memory_space<vmem>>
      %dma_start3A_643 = arith.constant 0 : i32
      %dma_start3A_644 = tpu.memref_slice %arg8[%add3A_637, %dma_start3A_643] : memref<24x64xi32, #tpu.memory_space<vmem>> -> memref<1x64xi32, #tpu.memory_space<vmem>>
      %dma_start3A_645 = tpu.memref_squeeze %dma_start3A_644 : memref<1x64xi32, #tpu.memory_space<vmem>> -> memref<64xi32, #tpu.memory_space<vmem>>
      %dma_start3A_646 = arith.constant 0 : i32
      %dma_start3A_647 = arith.constant 0 : i32
      %dma_start3A_648 = tpu.memref_slice %arg11[%dma_start3A_646, %dma_start3A_647] : memref<10000x128xf32, #tpu.memory_space<vmem_shared>> -> memref<10000x128xf32, #tpu.memory_space<vmem_shared>>
      tpu.enqueue_indirect_dma source(%dma_start3A_642 : memref<64x128xf32, #tpu.memory_space<vmem>>) target(%dma_start3A_648 : memref<10000x128xf32, #tpu.memory_space<vmem_shared>>) offsets(%dma_start3A_645 : memref<64xi32, #tpu.memory_space<vmem>>) semaphore(%arg18 : memref<!tpu.dma_semaphore, #tpu.memory_space<semaphore_mem>>) {add = true}
      %dma_wait3A_649 = arith.constant 0 : i32
      %dma_wait3A_650 = arith.constant 3 : i32
      %dma_wait3A_651 = arith.constant 0 : i32
      %dma_wait3A_652 = arith.constant 0 : i32
      %dma_wait3A_653 = tpu.memref_slice %arg10[%dma_wait3A_650, %dma_wait3A_651, %dma_wait3A_652] : memref<4x64x128xf32, #tpu.memory_space<vmem>> -> memref<1x64x128xf32, #tpu.memory_space<vmem>>
      %dma_wait3A_654 = tpu.memref_squeeze %dma_wait3A_653 : memref<1x64x128xf32, #tpu.memory_space<vmem>> -> memref<64x128xf32, #tpu.memory_space<vmem>>
      %dma_wait3A_655 = arith.constant 0 : i32
      %dma_wait3A_656 = tpu.memref_slice %arg7[%dma_wait3A_649, %dma_wait3A_655] : memref<24x64xi32, #tpu.memory_space<vmem>> -> memref<1x64xi32, #tpu.memory_space<vmem>>
      %dma_wait3A_657 = tpu.memref_squeeze %dma_wait3A_656 : memref<1x64xi32, #tpu.memory_space<vmem>> -> memref<64xi32, #tpu.memory_space<vmem>>
      %dma_wait3A_658 = arith.constant 0 : i32
      %dma_wait3A_659 = arith.constant 0 : i32
      %dma_wait3A_660 = tpu.memref_slice %arg2[%dma_wait3A_658, %dma_wait3A_659] : memref<10000x128xf32, #tpu.memory_space<hbm>> -> memref<10000x128xf32, #tpu.memory_space<hbm>>
      tpu.wait_indirect_dma semaphore(%arg15 : memref<!tpu.dma_semaphore, #tpu.memory_space<semaphore_mem>>) src(%dma_wait3A_660 : memref<10000x128xf32, #tpu.memory_space<hbm>>) dst(%dma_wait3A_654 : memref<64x128xf32, #tpu.memory_space<vmem>>)
      %dma_wait3A_661 = arith.constant 1 : i32
      %dma_wait3A_662 = arith.constant 0 : i32
      %dma_wait3A_663 = arith.constant 0 : i32
      %dma_wait3A_664 = arith.constant 0 : i32
      %dma_wait3A_665 = tpu.memref_slice %arg10[%dma_wait3A_661, %dma_wait3A_663, %dma_wait3A_664] : memref<4x64x128xf32, #tpu.memory_space<vmem>> -> memref<1x64x128xf32, #tpu.memory_space<vmem>>
      %dma_wait3A_666 = tpu.memref_squeeze %dma_wait3A_665 : memref<1x64x128xf32, #tpu.memory_space<vmem>> -> memref<64x128xf32, #tpu.memory_space<vmem>>
      %dma_wait3A_667 = arith.constant 0 : i32
      %dma_wait3A_668 = tpu.memref_slice %arg8[%dma_wait3A_662, %dma_wait3A_667] : memref<24x64xi32, #tpu.memory_space<vmem>> -> memref<1x64xi32, #tpu.memory_space<vmem>>
      %dma_wait3A_669 = tpu.memref_squeeze %dma_wait3A_668 : memref<1x64xi32, #tpu.memory_space<vmem>> -> memref<64xi32, #tpu.memory_space<vmem>>
      %dma_wait3A_670 = arith.constant 0 : i32
      %dma_wait3A_671 = arith.constant 0 : i32
      %dma_wait3A_672 = tpu.memref_slice %arg11[%dma_wait3A_670, %dma_wait3A_671] : memref<10000x128xf32, #tpu.memory_space<vmem_shared>> -> memref<10000x128xf32, #tpu.memory_space<vmem_shared>>
      tpu.wait_indirect_dma semaphore(%arg17 : memref<!tpu.dma_semaphore, #tpu.memory_space<semaphore_mem>>) src(%dma_wait3A_666 : memref<64x128xf32, #tpu.memory_space<vmem>>) dst(%dma_wait3A_672 : memref<10000x128xf32, #tpu.memory_space<vmem_shared>>)
      %lt3A_673 = arith.constant 19 : i32
      %lt3A_674 = arith.cmpi slt, %scan3A_170, %lt3A_673 : i32
      %convert_element_type3A_675 = arith.extui %lt3A_674 : i1 to i32
      %cond3A_676 = arith.constant 0 : i32
      %cond3A_677 = arith.cmpi ne, %convert_element_type3A_675, %cond3A_676 : i32
      scf.if %cond3A_677 {
        %mul3A_702 = arith.constant 8 : i32
        %mul3A_703 = arith.muli %select_n3A_200, %mul3A_702 : i32
        %add3A_704 = arith.constant 1 : i32
        %add3A_705 = arith.addi %mul3A_703, %add3A_704 : i32
        %dma_start3A_706 = arith.constant 1 : i32
        %dma_start3A_707 = arith.constant 0 : i32
        %dma_start3A_708 = arith.constant 0 : i32
        %dma_start3A_709 = tpu.memref_slice %arg10[%dma_start3A_706, %dma_start3A_707, %dma_start3A_708] : memref<4x64x128xf32, #tpu.memory_space<vmem>> -> memref<1x64x128xf32, #tpu.memory_space<vmem>>
        %dma_start3A_710 = tpu.memref_squeeze %dma_start3A_709 : memref<1x64x128xf32, #tpu.memory_space<vmem>> -> memref<64x128xf32, #tpu.memory_space<vmem>>
        %dma_start3A_711 = arith.constant 0 : i32
        %dma_start3A_712 = tpu.memref_slice %arg7[%add3A_705, %dma_start3A_711] : memref<24x64xi32, #tpu.memory_space<vmem>> -> memref<1x64xi32, #tpu.memory_space<vmem>>
        %dma_start3A_713 = tpu.memref_squeeze %dma_start3A_712 : memref<1x64xi32, #tpu.memory_space<vmem>> -> memref<64xi32, #tpu.memory_space<vmem>>
        %dma_start3A_714 = arith.constant 0 : i32
        %dma_start3A_715 = arith.constant 0 : i32
        %dma_start3A_716 = tpu.memref_slice %arg2[%dma_start3A_714, %dma_start3A_715] : memref<10000x128xf32, #tpu.memory_space<hbm>> -> memref<10000x128xf32, #tpu.memory_space<hbm>>
        tpu.enqueue_indirect_dma source(%dma_start3A_716 : memref<10000x128xf32, #tpu.memory_space<hbm>>) target(%dma_start3A_710 : memref<64x128xf32, #tpu.memory_space<vmem>>) offsets(%dma_start3A_713 : memref<64xi32, #tpu.memory_space<vmem>>) semaphore(%arg13 : memref<!tpu.dma_semaphore, #tpu.memory_space<semaphore_mem>>)
      } else {
      }
      %scan3A_678 = arith.constant 7 : i32
      %scan3A_679 = arith.constant 0 : i32
      %scan3A_680 = arith.constant 0 : i32
      %scan3A_681 = arith.constant 4 : i32
      %scan3A_682 = arith.addi %scan3A_680, %scan3A_681 : i32
      %scan3A_683 = arith.constant 1 : i32
      %scan3A_684 = scf.for %scan3A_702 = %scan3A_680 to %scan3A_682 step %scan3A_683 iter_args(%scan3A_703 = %scan3A_679) -> (i32)  : i32 {
        %mul3A_704 = arith.constant 8 : i32
        %mul3A_705 = arith.muli %select_n3A_182, %mul3A_704 : i32
        %add3A_706 = arith.addi %mul3A_705, %scan3A_678 : i32
        %mul3A_707 = arith.constant 16 : i32
        %mul3A_708 = arith.muli %scan3A_702, %mul3A_707 : i32
        %get3A = arith.index_cast %add3A_706 : i32 to index
        %get3A_709 = arith.index_cast %mul3A_708 : i32 to index
        %get3A_710 = tpu.vector_load %arg9[%get3A, %get3A_709] {strides = array<i32>} : memref<24x64xf32, #tpu.memory_space<vmem>>, vector<1x16xf32>,
        %get3A_711 = vector.shape_cast %get3A_710 : vector<1x16xf32> to vector<16xf32>
        %parallel_loop3A = arith.constant 0 : i32
        %parallel_loop3A_712 = arith.constant 16 : i32
        %parallel_loop3A_713 = arith.constant 1 : i32
        scf.for %parallel_loop3A_715 = %parallel_loop3A to %parallel_loop3A_712 step %parallel_loop3A_713  : i32 {
          %parallel_loop3A_716 = vector.broadcast %parallel_loop3A_715 : i32 to vector<16x1xi32>
          %parallel_loop3A_717 = vector.shape_cast %parallel_loop3A_716 : vector<16x1xi32> to vector<16xi32>
          %parallel_loop3A_718 = tpu.dynamic_gather %get3A_711[%parallel_loop3A_717] in [0] : vector<16xf32>, vector<16xi32> -> vector<16xf32>
          %parallel_loop3A_719 = arith.constant 16 : i32
          %parallel_loop3A_720 = arith.muli %scan3A_702, %parallel_loop3A_719 : i32
          %parallel_loop3A_721 = arith.addi %parallel_loop3A_720, %parallel_loop3A_715 : i32
          %parallel_loop3A_722 = arith.constant 3 : i32
          %parallel_loop3A_723 = arith.index_cast %parallel_loop3A_722 : i32 to index
          %parallel_loop3A_724 = arith.index_cast %parallel_loop3A_721 : i32 to index
          %parallel_loop3A_725 = arith.constant 0 : index
          %parallel_loop3A_726 = tpu.vector_load %arg10[%parallel_loop3A_723, %parallel_loop3A_724, %parallel_loop3A_725] {strides = array<i32>} : memref<4x64x128xf32, #tpu.memory_space<vmem>>, vector<1x1x16xf32>,
          %parallel_loop3A_727 = vector.shape_cast %parallel_loop3A_726 : vector<1x1x16xf32> to vector<16xf32>
          %parallel_loop3A_728 = arith.mulf %parallel_loop3A_727, %parallel_loop3A_718 : vector<16xf32>
          %parallel_loop3A_729 = arith.constant 3 : i32
          %parallel_loop3A_730 = arith.index_cast %parallel_loop3A_729 : i32 to index
          %parallel_loop3A_731 = arith.index_cast %parallel_loop3A_721 : i32 to index
          %parallel_loop3A_732 = arith.constant 0 : index
          %parallel_loop3A_733 = tpu.vector_load %arg10[%parallel_loop3A_730, %parallel_loop3A_731, %parallel_loop3A_732] {strides = array<i32>} : memref<4x64x128xf32, #tpu.memory_space<vmem>>, vector<1x1x16xf32>,
          %parallel_loop3A_734 = vector.shape_cast %parallel_loop3A_733 : vector<1x1x16xf32> to vector<16xf32>
          %parallel_loop3A_735 = vector.shape_cast %parallel_loop3A_728 : vector<16xf32> to vector<1x1x16xf32>
          tpu.vector_store %arg10[%parallel_loop3A_730, %parallel_loop3A_731, %parallel_loop3A_732], %parallel_loop3A_735 {strides = array<i32>} : memref<4x64x128xf32, #tpu.memory_space<vmem>>, vector<1x1x16xf32>,
          %parallel_loop3A_736 = arith.constant 3 : i32
          %parallel_loop3A_737 = arith.index_cast %parallel_loop3A_736 : i32 to index
          %parallel_loop3A_738 = arith.index_cast %parallel_loop3A_721 : i32 to index
          %parallel_loop3A_739 = arith.constant 16 : index
          %parallel_loop3A_740 = tpu.vector_load %arg10[%parallel_loop3A_737, %parallel_loop3A_738, %parallel_loop3A_739] {strides = array<i32>} : memref<4x64x128xf32, #tpu.memory_space<vmem>>, vector<1x1x16xf32>,
          %parallel_loop3A_741 = vector.shape_cast %parallel_loop3A_740 : vector<1x1x16xf32> to vector<16xf32>
          %parallel_loop3A_742 = arith.mulf %parallel_loop3A_741, %parallel_loop3A_718 : vector<16xf32>
          %parallel_loop3A_743 = arith.constant 3 : i32
          %parallel_loop3A_744 = arith.index_cast %parallel_loop3A_743 : i32 to index
          %parallel_loop3A_745 = arith.index_cast %parallel_loop3A_721 : i32 to index
          %parallel_loop3A_746 = arith.constant 16 : index
          %parallel_loop3A_747 = tpu.vector_load %arg10[%parallel_loop3A_744, %parallel_loop3A_745, %parallel_loop3A_746] {strides = array<i32>} : memref<4x64x128xf32, #tpu.memory_space<vmem>>, vector<1x1x16xf32>,
          %parallel_loop3A_748 = vector.shape_cast %parallel_loop3A_747 : vector<1x1x16xf32> to vector<16xf32>
          %parallel_loop3A_749 = vector.shape_cast %parallel_loop3A_742 : vector<16xf32> to vector<1x1x16xf32>
          tpu.vector_store %arg10[%parallel_loop3A_744, %parallel_loop3A_745, %parallel_loop3A_746], %parallel_loop3A_749 {strides = array<i32>} : memref<4x64x128xf32, #tpu.memory_space<vmem>>, vector<1x1x16xf32>,
          %parallel_loop3A_750 = arith.constant 3 : i32
          %parallel_loop3A_751 = arith.index_cast %parallel_loop3A_750 : i32 to index
          %parallel_loop3A_752 = arith.index_cast %parallel_loop3A_721 : i32 to index
          %parallel_loop3A_753 = arith.constant 32 : index
          %parallel_loop3A_754 = tpu.vector_load %arg10[%parallel_loop3A_751, %parallel_loop3A_752, %parallel_loop3A_753] {strides = array<i32>} : memref<4x64x128xf32, #tpu.memory_space<vmem>>, vector<1x1x16xf32>,
          %parallel_loop3A_755 = vector.shape_cast %parallel_loop3A_754 : vector<1x1x16xf32> to vector<16xf32>
          %parallel_loop3A_756 = arith.mulf %parallel_loop3A_755, %parallel_loop3A_718 : vector<16xf32>
          %parallel_loop3A_757 = arith.constant 3 : i32
          %parallel_loop3A_758 = arith.index_cast %parallel_loop3A_757 : i32 to index
          %parallel_loop3A_759 = arith.index_cast %parallel_loop3A_721 : i32 to index
          %parallel_loop3A_760 = arith.constant 32 : index
          %parallel_loop3A_761 = tpu.vector_load %arg10[%parallel_loop3A_758, %parallel_loop3A_759, %parallel_loop3A_760] {strides = array<i32>} : memref<4x64x128xf32, #tpu.memory_space<vmem>>, vector<1x1x16xf32>,
          %parallel_loop3A_762 = vector.shape_cast %parallel_loop3A_761 : vector<1x1x16xf32> to vector<16xf32>
          %parallel_loop3A_763 = vector.shape_cast %parallel_loop3A_756 : vector<16xf32> to vector<1x1x16xf32>
          tpu.vector_store %arg10[%parallel_loop3A_758, %parallel_loop3A_759, %parallel_loop3A_760], %parallel_loop3A_763 {strides = array<i32>} : memref<4x64x128xf32, #tpu.memory_space<vmem>>, vector<1x1x16xf32>,
          %parallel_loop3A_764 = arith.constant 3 : i32
          %parallel_loop3A_765 = arith.index_cast %parallel_loop3A_764 : i32 to index
          %parallel_loop3A_766 = arith.index_cast %parallel_loop3A_721 : i32 to index
          %parallel_loop3A_767 = arith.constant 48 : index
          %parallel_loop3A_768 = tpu.vector_load %arg10[%parallel_loop3A_765, %parallel_loop3A_766, %parallel_loop3A_767] {strides = array<i32>} : memref<4x64x128xf32, #tpu.memory_space<vmem>>, vector<1x1x16xf32>,
          %parallel_loop3A_769 = vector.shape_cast %parallel_loop3A_768 : vector<1x1x16xf32> to vector<16xf32>
          %parallel_loop3A_770 = arith.mulf %parallel_loop3A_769, %parallel_loop3A_718 : vector<16xf32>
          %parallel_loop3A_771 = arith.constant 3 : i32
          %parallel_loop3A_772 = arith.index_cast %parallel_loop3A_771 : i32 to index
          %parallel_loop3A_773 = arith.index_cast %parallel_loop3A_721 : i32 to index
          %parallel_loop3A_774 = arith.constant 48 : index
          %parallel_loop3A_775 = tpu.vector_load %arg10[%parallel_loop3A_772, %parallel_loop3A_773, %parallel_loop3A_774] {strides = array<i32>} : memref<4x64x128xf32, #tpu.memory_space<vmem>>, vector<1x1x16xf32>,
          %parallel_loop3A_776 = vector.shape_cast %parallel_loop3A_775 : vector<1x1x16xf32> to vector<16xf32>
          %parallel_loop3A_777 = vector.shape_cast %parallel_loop3A_770 : vector<16xf32> to vector<1x1x16xf32>
          tpu.vector_store %arg10[%parallel_loop3A_772, %parallel_loop3A_773, %parallel_loop3A_774], %parallel_loop3A_777 {strides = array<i32>} : memref<4x64x128xf32, #tpu.memory_space<vmem>>, vector<1x1x16xf32>,
          %parallel_loop3A_778 = arith.constant 3 : i32
          %parallel_loop3A_779 = arith.index_cast %parallel_loop3A_778 : i32 to index
          %parallel_loop3A_780 = arith.index_cast %parallel_loop3A_721 : i32 to index
          %parallel_loop3A_781 = arith.constant 64 : index
          %parallel_loop3A_782 = tpu.vector_load %arg10[%parallel_loop3A_779, %parallel_loop3A_780, %parallel_loop3A_781] {strides = array<i32>} : memref<4x64x128xf32, #tpu.memory_space<vmem>>, vector<1x1x16xf32>,
          %parallel_loop3A_783 = vector.shape_cast %parallel_loop3A_782 : vector<1x1x16xf32> to vector<16xf32>
          %parallel_loop3A_784 = arith.mulf %parallel_loop3A_783, %parallel_loop3A_718 : vector<16xf32>
          %parallel_loop3A_785 = arith.constant 3 : i32
          %parallel_loop3A_786 = arith.index_cast %parallel_loop3A_785 : i32 to index
          %parallel_loop3A_787 = arith.index_cast %parallel_loop3A_721 : i32 to index
          %parallel_loop3A_788 = arith.constant 64 : index
          %parallel_loop3A_789 = tpu.vector_load %arg10[%parallel_loop3A_786, %parallel_loop3A_787, %parallel_loop3A_788] {strides = array<i32>} : memref<4x64x128xf32, #tpu.memory_space<vmem>>, vector<1x1x16xf32>,
          %parallel_loop3A_790 = vector.shape_cast %parallel_loop3A_789 : vector<1x1x16xf32> to vector<16xf32>
          %parallel_loop3A_791 = vector.shape_cast %parallel_loop3A_784 : vector<16xf32> to vector<1x1x16xf32>
          tpu.vector_store %arg10[%parallel_loop3A_786, %parallel_loop3A_787, %parallel_loop3A_788], %parallel_loop3A_791 {strides = array<i32>} : memref<4x64x128xf32, #tpu.memory_space<vmem>>, vector<1x1x16xf32>,
          %parallel_loop3A_792 = arith.constant 3 : i32
          %parallel_loop3A_793 = arith.index_cast %parallel_loop3A_792 : i32 to index
          %parallel_loop3A_794 = arith.index_cast %parallel_loop3A_721 : i32 to index
          %parallel_loop3A_795 = arith.constant 80 : index
          %parallel_loop3A_796 = tpu.vector_load %arg10[%parallel_loop3A_793, %parallel_loop3A_794, %parallel_loop3A_795] {strides = array<i32>} : memref<4x64x128xf32, #tpu.memory_space<vmem>>, vector<1x1x16xf32>,
          %parallel_loop3A_797 = vector.shape_cast %parallel_loop3A_796 : vector<1x1x16xf32> to vector<16xf32>
          %parallel_loop3A_798 = arith.mulf %parallel_loop3A_797, %parallel_loop3A_718 : vector<16xf32>
          %parallel_loop3A_799 = arith.constant 3 : i32
          %parallel_loop3A_800 = arith.index_cast %parallel_loop3A_799 : i32 to index
          %parallel_loop3A_801 = arith.index_cast %parallel_loop3A_721 : i32 to index
          %parallel_loop3A_802 = arith.constant 80 : index
          %parallel_loop3A_803 = tpu.vector_load %arg10[%parallel_loop3A_800, %parallel_loop3A_801, %parallel_loop3A_802] {strides = array<i32>} : memref<4x64x128xf32, #tpu.memory_space<vmem>>, vector<1x1x16xf32>,
          %parallel_loop3A_804 = vector.shape_cast %parallel_loop3A_803 : vector<1x1x16xf32> to vector<16xf32>
          %parallel_loop3A_805 = vector.shape_cast %parallel_loop3A_798 : vector<16xf32> to vector<1x1x16xf32>
          tpu.vector_store %arg10[%parallel_loop3A_800, %parallel_loop3A_801, %parallel_loop3A_802], %parallel_loop3A_805 {strides = array<i32>} : memref<4x64x128xf32, #tpu.memory_space<vmem>>, vector<1x1x16xf32>,
          %parallel_loop3A_806 = arith.constant 3 : i32
          %parallel_loop3A_807 = arith.index_cast %parallel_loop3A_806 : i32 to index
          %parallel_loop3A_808 = arith.index_cast %parallel_loop3A_721 : i32 to index
          %parallel_loop3A_809 = arith.constant 96 : index
          %parallel_loop3A_810 = tpu.vector_load %arg10[%parallel_loop3A_807, %parallel_loop3A_808, %parallel_loop3A_809] {strides = array<i32>} : memref<4x64x128xf32, #tpu.memory_space<vmem>>, vector<1x1x16xf32>,
          %parallel_loop3A_811 = vector.shape_cast %parallel_loop3A_810 : vector<1x1x16xf32> to vector<16xf32>
          %parallel_loop3A_812 = arith.mulf %parallel_loop3A_811, %parallel_loop3A_718 : vector<16xf32>
          %parallel_loop3A_813 = arith.constant 3 : i32
          %parallel_loop3A_814 = arith.index_cast %parallel_loop3A_813 : i32 to index
          %parallel_loop3A_815 = arith.index_cast %parallel_loop3A_721 : i32 to index
          %parallel_loop3A_816 = arith.constant 96 : index
          %parallel_loop3A_817 = tpu.vector_load %arg10[%parallel_loop3A_814, %parallel_loop3A_815, %parallel_loop3A_816] {strides = array<i32>} : memref<4x64x128xf32, #tpu.memory_space<vmem>>, vector<1x1x16xf32>,
          %parallel_loop3A_818 = vector.shape_cast %parallel_loop3A_817 : vector<1x1x16xf32> to vector<16xf32>
          %parallel_loop3A_819 = vector.shape_cast %parallel_loop3A_812 : vector<16xf32> to vector<1x1x16xf32>
          tpu.vector_store %arg10[%parallel_loop3A_814, %parallel_loop3A_815, %parallel_loop3A_816], %parallel_loop3A_819 {strides = array<i32>} : memref<4x64x128xf32, #tpu.memory_space<vmem>>, vector<1x1x16xf32>,
          %parallel_loop3A_820 = arith.constant 3 : i32
          %parallel_loop3A_821 = arith.index_cast %parallel_loop3A_820 : i32 to index
          %parallel_loop3A_822 = arith.index_cast %parallel_loop3A_721 : i32 to index
          %parallel_loop3A_823 = arith.constant 112 : index
          %parallel_loop3A_824 = tpu.vector_load %arg10[%parallel_loop3A_821, %parallel_loop3A_822, %parallel_loop3A_823] {strides = array<i32>} : memref<4x64x128xf32, #tpu.memory_space<vmem>>, vector<1x1x16xf32>,
          %parallel_loop3A_825 = vector.shape_cast %parallel_loop3A_824 : vector<1x1x16xf32> to vector<16xf32>
          %parallel_loop3A_826 = arith.mulf %parallel_loop3A_825, %parallel_loop3A_718 : vector<16xf32>
          %parallel_loop3A_827 = arith.constant 3 : i32
          %parallel_loop3A_828 = arith.index_cast %parallel_loop3A_827 : i32 to index
          %parallel_loop3A_829 = arith.index_cast %parallel_loop3A_721 : i32 to index
          %parallel_loop3A_830 = arith.constant 112 : index
          %parallel_loop3A_831 = tpu.vector_load %arg10[%parallel_loop3A_828, %parallel_loop3A_829, %parallel_loop3A_830] {strides = array<i32>} : memref<4x64x128xf32, #tpu.memory_space<vmem>>, vector<1x1x16xf32>,
          %parallel_loop3A_832 = vector.shape_cast %parallel_loop3A_831 : vector<1x1x16xf32> to vector<16xf32>
          %parallel_loop3A_833 = vector.shape_cast %parallel_loop3A_826 : vector<16xf32> to vector<1x1x16xf32>
          tpu.vector_store %arg10[%parallel_loop3A_828, %parallel_loop3A_829, %parallel_loop3A_830], %parallel_loop3A_833 {strides = array<i32>} : memref<4x64x128xf32, #tpu.memory_space<vmem>>, vector<1x1x16xf32>,
        } {sc.loop_unroll_factor = 4 : i64, sc.parallel_access}
        %scan3A_714 = arith.constant 0 : i32
        scf.yield %scan3A_714 : i32
      }
      %scan3A_685 = arith.constant 4 : i32
      %mul3A_686 = arith.constant 8 : i32
      %mul3A_687 = arith.muli %select_n3A_182, %mul3A_686 : i32
      %add3A_688 = arith.constant 7 : i32
      %add3A_689 = arith.addi %mul3A_687, %add3A_688 : i32
      %dma_start3A_690 = arith.constant 3 : i32
      %dma_start3A_691 = arith.constant 0 : i32
      %dma_start3A_692 = arith.constant 0 : i32
      %dma_start3A_693 = tpu.memref_slice %arg10[%dma_start3A_690, %dma_start3A_691, %dma_start3A_692] : memref<4x64x128xf32, #tpu.memory_space<vmem>> -> memref<1x64x128xf32, #tpu.memory_space<vmem>>
      %dma_start3A_694 = tpu.memref_squeeze %dma_start3A_693 : memref<1x64x128xf32, #tpu.memory_space<vmem>> -> memref<64x128xf32, #tpu.memory_space<vmem>>
      %dma_start3A_695 = arith.constant 0 : i32
      %dma_start3A_696 = tpu.memref_slice %arg8[%add3A_689, %dma_start3A_695] : memref<24x64xi32, #tpu.memory_space<vmem>> -> memref<1x64xi32, #tpu.memory_space<vmem>>
      %dma_start3A_697 = tpu.memref_squeeze %dma_start3A_696 : memref<1x64xi32, #tpu.memory_space<vmem>> -> memref<64xi32, #tpu.memory_space<vmem>>
      %dma_start3A_698 = arith.constant 0 : i32
      %dma_start3A_699 = arith.constant 0 : i32
      %dma_start3A_700 = tpu.memref_slice %arg11[%dma_start3A_698, %dma_start3A_699] : memref<10000x128xf32, #tpu.memory_space<vmem_shared>> -> memref<10000x128xf32, #tpu.memory_space<vmem_shared>>
      tpu.enqueue_indirect_dma source(%dma_start3A_694 : memref<64x128xf32, #tpu.memory_space<vmem>>) target(%dma_start3A_700 : memref<10000x128xf32, #tpu.memory_space<vmem_shared>>) offsets(%dma_start3A_697 : memref<64xi32, #tpu.memory_space<vmem>>) semaphore(%arg19 : memref<!tpu.dma_semaphore, #tpu.memory_space<semaphore_mem>>) {add = true}
      %scan3A_701 = arith.constant 0 : i32
      scf.yield %scan3A_701 : i32
    }
    %scan3A_139 = arith.constant 20 : i32
    %dma_wait3A = arith.constant 2 : i32
    %dma_wait3A_140 = arith.constant 0 : i32
    %dma_wait3A_141 = arith.constant 0 : i32
    %dma_wait3A_142 = arith.constant 0 : i32
    %dma_wait3A_143 = tpu.memref_slice %arg10[%dma_wait3A, %dma_wait3A_141, %dma_wait3A_142] : memref<4x64x128xf32, #tpu.memory_space<vmem>> -> memref<1x64x128xf32, #tpu.memory_space<vmem>>
    %dma_wait3A_144 = tpu.memref_squeeze %dma_wait3A_143 : memref<1x64x128xf32, #tpu.memory_space<vmem>> -> memref<64x128xf32, #tpu.memory_space<vmem>>
    %dma_wait3A_145 = arith.constant 0 : i32
    %dma_wait3A_146 = tpu.memref_slice %arg8[%dma_wait3A_140, %dma_wait3A_145] : memref<24x64xi32, #tpu.memory_space<vmem>> -> memref<1x64xi32, #tpu.memory_space<vmem>>
    %dma_wait3A_147 = tpu.memref_squeeze %dma_wait3A_146 : memref<1x64xi32, #tpu.memory_space<vmem>> -> memref<64xi32, #tpu.memory_space<vmem>>
    %dma_wait3A_148 = arith.constant 0 : i32
    %dma_wait3A_149 = arith.constant 0 : i32
    %dma_wait3A_150 = tpu.memref_slice %arg11[%dma_wait3A_148, %dma_wait3A_149] : memref<10000x128xf32, #tpu.memory_space<vmem_shared>> -> memref<10000x128xf32, #tpu.memory_space<vmem_shared>>
    tpu.wait_indirect_dma semaphore(%arg18 : memref<!tpu.dma_semaphore, #tpu.memory_space<semaphore_mem>>) src(%dma_wait3A_144 : memref<64x128xf32, #tpu.memory_space<vmem>>) dst(%dma_wait3A_150 : memref<10000x128xf32, #tpu.memory_space<vmem_shared>>)
    %dma_wait3A_151 = arith.constant 3 : i32
    %dma_wait3A_152 = arith.constant 0 : i32
    %dma_wait3A_153 = arith.constant 0 : i32
    %dma_wait3A_154 = arith.constant 0 : i32
    %dma_wait3A_155 = tpu.memref_slice %arg10[%dma_wait3A_151, %dma_wait3A_153, %dma_wait3A_154] : memref<4x64x128xf32, #tpu.memory_space<vmem>> -> memref<1x64x128xf32, #tpu.memory_space<vmem>>
    %dma_wait3A_156 = tpu.memref_squeeze %dma_wait3A_155 : memref<1x64x128xf32, #tpu.memory_space<vmem>> -> memref<64x128xf32, #tpu.memory_space<vmem>>
    %dma_wait3A_157 = arith.constant 0 : i32
    %dma_wait3A_158 = tpu.memref_slice %arg8[%dma_wait3A_152, %dma_wait3A_157] : memref<24x64xi32, #tpu.memory_space<vmem>> -> memref<1x64xi32, #tpu.memory_space<vmem>>
    %dma_wait3A_159 = tpu.memref_squeeze %dma_wait3A_158 : memref<1x64xi32, #tpu.memory_space<vmem>> -> memref<64xi32, #tpu.memory_space<vmem>>
    %dma_wait3A_160 = arith.constant 0 : i32
    %dma_wait3A_161 = arith.constant 0 : i32
    %dma_wait3A_162 = tpu.memref_slice %arg11[%dma_wait3A_160, %dma_wait3A_161] : memref<10000x128xf32, #tpu.memory_space<vmem_shared>> -> memref<10000x128xf32, #tpu.memory_space<vmem_shared>>
    tpu.wait_indirect_dma semaphore(%arg19 : memref<!tpu.dma_semaphore, #tpu.memory_space<semaphore_mem>>) src(%dma_wait3A_156 : memref<64x128xf32, #tpu.memory_space<vmem>>) dst(%dma_wait3A_162 : memref<10000x128xf32, #tpu.memory_space<vmem_shared>>)
    %barrier3A_163 = arith.constant 0 : index
    tpu.barrier barrier_id(%barrier3A_163)
    %lt3A = arith.constant 15 : i32
    %lt3A_164 = arith.cmpi slt, %arg1, %lt3A : i32
    %convert_element_type3A = arith.extui %lt3A_164 : i1 to i32
    %cond3A = arith.constant 0 : i32
    %cond3A_165 = arith.cmpi ne, %convert_element_type3A, %cond3A : i32
    scf.if %cond3A_165 {
      %mul3A_170 = arith.constant 632 : i32
      %mul3A_171 = arith.muli %arg1, %mul3A_170 : i32
      "tpu.region"() ({
        %run_scoped3A_172 = tpu.sem_alloc : memref<!tpu.dma_semaphore, #tpu.memory_space<semaphore_mem>>
        %dma_start3A_173 = arith.constant 0 : i32
        %dma_start3A_174 = tpu.memref_slice %arg6[%arg0, %mul3A_171, %dma_start3A_173] : memref<2x10000x128xf32, #tpu.memory_space<hbm>> -> memref<1x632x128xf32, #tpu.memory_space<hbm>>
        %dma_start3A_175 = tpu.memref_squeeze %dma_start3A_174 : memref<1x632x128xf32, #tpu.memory_space<hbm>> -> memref<632x128xf32, #tpu.memory_space<hbm>>
        %dma_start3A_176 = arith.constant 0 : i32
        %dma_start3A_177 = tpu.memref_slice %arg11[%mul3A_171, %dma_start3A_176] : memref<10000x128xf32, #tpu.memory_space<vmem_shared>> -> memref<632x128xf32, #tpu.memory_space<vmem_shared>>
        tpu.enqueue_dma source(%dma_start3A_177 : memref<632x128xf32, #tpu.memory_space<vmem_shared>>) target(%dma_start3A_175 : memref<632x128xf32, #tpu.memory_space<hbm>>) target_semaphore(%run_scoped3A_172 : memref<!tpu.dma_semaphore, #tpu.memory_space<semaphore_mem>>)
        %dma_wait3A_178 = arith.constant 0 : i32
        %dma_wait3A_179 = tpu.memref_slice %arg6[%arg0, %mul3A_171, %dma_wait3A_178] : memref<2x10000x128xf32, #tpu.memory_space<hbm>> -> memref<1x632x128xf32, #tpu.memory_space<hbm>>
        %dma_wait3A_180 = tpu.memref_squeeze %dma_wait3A_179 : memref<1x632x128xf32, #tpu.memory_space<hbm>> -> memref<632x128xf32, #tpu.memory_space<hbm>>
        %dma_wait3A_181 = arith.constant 0 : i32
        %dma_wait3A_182 = tpu.memref_slice %arg11[%mul3A_171, %dma_wait3A_181] : memref<10000x128xf32, #tpu.memory_space<vmem_shared>> -> memref<632x128xf32, #tpu.memory_space<vmem_shared>>
        tpu.wait_dma2 semaphore(%run_scoped3A_172 : memref<!tpu.dma_semaphore, #tpu.memory_space<semaphore_mem>>) src(%dma_wait3A_182 : memref<632x128xf32, #tpu.memory_space<vmem_shared>>) dst(%dma_wait3A_180 : memref<632x128xf32, #tpu.memory_space<hbm>>)
        tpu.yield
      }) : () -> ()
    } else {
    }
    %eq3A = arith.constant 15 : i32
    %eq3A_166 = arith.cmpi eq, %arg1, %eq3A : i32
    %convert_element_type3A_167 = arith.extui %eq3A_166 : i1 to i32
    %cond3A_168 = arith.constant 0 : i32
    %cond3A_169 = arith.cmpi ne, %convert_element_type3A_167, %cond3A_168 : i32
    scf.if %cond3A_169 {
      "tpu.region"() ({
        %run_scoped3A_170 = tpu.sem_alloc : memref<!tpu.dma_semaphore, #tpu.memory_space<semaphore_mem>>
        %dma_start3A_171 = arith.constant 9480 : i32
        %dma_start3A_172 = arith.constant 0 : i32
        %dma_start3A_173 = tpu.memref_slice %arg6[%arg0, %dma_start3A_171, %dma_start3A_172] : memref<2x10000x128xf32, #tpu.memory_space<hbm>> -> memref<1x520x128xf32, #tpu.memory_space<hbm>>
        %dma_start3A_174 = tpu.memref_squeeze %dma_start3A_173 : memref<1x520x128xf32, #tpu.memory_space<hbm>> -> memref<520x128xf32, #tpu.memory_space<hbm>>
        %dma_start3A_175 = arith.constant 9480 : i32
        %dma_start3A_176 = arith.constant 0 : i32
        %dma_start3A_177 = tpu.memref_slice %arg11[%dma_start3A_175, %dma_start3A_176] : memref<10000x128xf32, #tpu.memory_space<vmem_shared>> -> memref<520x128xf32, #tpu.memory_space<vmem_shared>>
        tpu.enqueue_dma source(%dma_start3A_177 : memref<520x128xf32, #tpu.memory_space<vmem_shared>>) target(%dma_start3A_174 : memref<520x128xf32, #tpu.memory_space<hbm>>) target_semaphore(%run_scoped3A_170 : memref<!tpu.dma_semaphore, #tpu.memory_space<semaphore_mem>>)
        %dma_wait3A_178 = arith.constant 9480 : i32
        %dma_wait3A_179 = arith.constant 0 : i32
        %dma_wait3A_180 = tpu.memref_slice %arg6[%arg0, %dma_wait3A_178, %dma_wait3A_179] : memref<2x10000x128xf32, #tpu.memory_space<hbm>> -> memref<1x520x128xf32, #tpu.memory_space<hbm>>
        %dma_wait3A_181 = tpu.memref_squeeze %dma_wait3A_180 : memref<1x520x128xf32, #tpu.memory_space<hbm>> -> memref<520x128xf32, #tpu.memory_space<hbm>>
        %dma_wait3A_182 = arith.constant 9480 : i32
        %dma_wait3A_183 = arith.constant 0 : i32
        %dma_wait3A_184 = tpu.memref_slice %arg11[%dma_wait3A_182, %dma_wait3A_183] : memref<10000x128xf32, #tpu.memory_space<vmem_shared>> -> memref<520x128xf32, #tpu.memory_space<vmem_shared>>
        tpu.wait_dma2 semaphore(%run_scoped3A_170 : memref<!tpu.dma_semaphore, #tpu.memory_space<semaphore_mem>>) src(%dma_wait3A_184 : memref<520x128xf32, #tpu.memory_space<vmem_shared>>) dst(%dma_wait3A_181 : memref<520x128xf32, #tpu.memory_space<hbm>>)
        tpu.yield
      }) : () -> ()
    } else {
    }
    return
  }
}

module attributes {stable_mosaic.version = 14 : i64} {
  func.func @_norm_kernel(%arg0: memref<2x10000x128xf32, #tpu.memory_space<vmem>>, %arg1: memref<10000x128xf32, #tpu.memory_space<vmem>>) attributes {dimension_semantics = [], scalar_prefetch = 0 : i64, scratch_operands = 0 : i64, tpu.core_type = #tpu.core_type<tc>} {
    %get3A = arith.constant 0 : index
    %get3A_0 = arith.constant 0 : index
    %get3A_1 = arith.constant 0 : index
    %get3A_2 = vector.load %arg0[%get3A, %get3A_0, %get3A_1] : memref<2x10000x128xf32, #tpu.memory_space<vmem>>, vector<1x10000x128xf32>
    %get3A_3 = vector.shape_cast %get3A_2 : vector<1x10000x128xf32> to vector<10000x128xf32>
    %get3A_4 = arith.constant 1 : index
    %get3A_5 = arith.constant 0 : index
    %get3A_6 = arith.constant 0 : index
    %get3A_7 = vector.load %arg0[%get3A_4, %get3A_5, %get3A_6] : memref<2x10000x128xf32, #tpu.memory_space<vmem>>, vector<1x10000x128xf32>
    %get3A_8 = vector.shape_cast %get3A_7 : vector<1x10000x128xf32> to vector<10000x128xf32>
    %add3A = arith.addf %get3A_3, %get3A_8 : vector<10000x128xf32>
    %mul3A = arith.mulf %add3A, %add3A : vector<10000x128xf32>
    %reduce_sum3A = arith.constant dense<0.000000e+00> : vector<10000xf32>
    %reduce_sum3A_9 = vector.multi_reduction <add>, %mul3A, %reduce_sum3A [1] : vector<10000x128xf32> to vector<10000xf32>
    %broadcast_in_dim3A = vector.shape_cast %reduce_sum3A_9 : vector<10000xf32> to vector<10000x1xf32>
    %sqrt3A = math.sqrt %broadcast_in_dim3A : vector<10000x1xf32>
    %max3A = arith.constant 9.99999996E-13 : f32
    %max3A_10 = vector.broadcast %max3A : f32 to vector<10000x1xf32>
    %max3A_11 = arith.maximumf %sqrt3A, %max3A_10 : vector<10000x1xf32>
    %div3A = vector.broadcast %max3A_11 : vector<10000x1xf32> to vector<10000x128xf32>
    %div3A_12 = arith.divf %add3A, %div3A : vector<10000x128xf32>
    %swap3A = arith.constant 0 : index
    %swap3A_13 = arith.constant 0 : index
    %swap3A_14 = vector.load %arg1[%swap3A, %swap3A_13] : memref<10000x128xf32, #tpu.memory_space<vmem>>, vector<10000x128xf32>
    tpu.vector_store %arg1[%swap3A, %swap3A_13], %div3A_12 {strides = array<i32>} : memref<10000x128xf32, #tpu.memory_space<vmem>>, vector<10000x128xf32>,
    return
  }
}

</mosaic_0001>

<sc_bundles>
// kernel: kernel.4.cloned.1.call-start
scs
__scs_entry_jumppad:
0x0: {  	(pc) =	sbr.rel $0x88, $3  }
0x1: {  	(tag) =	ssettag $0x0;
	lr =	simm.s32 $0x1  }
0x2: {  	[smem:$0x3F9E] =	sst lr;
	_ =	strace $0xD0000000  }
0x3: {  	_ = 	snop  }
0x4: {  	_ = 	snop  }
0x5: {  	_ = 	snop  }
0x6: {  	_ = 	snop  }
0x7: {  	_ = 	snop  }
__scs_overlays_trampoline_lowered:
0x8: {  	[smem:$0x3FAD] =	sst s0  }
0x9: {  	[smem:$0x3FAE] =	sst s1  }
0xa: {  	[smem:$0x3FAF] =	sst s2  }
0xb: {  	[smem:$0x3FB0] =	sst s3  }
0xc: {  	[smem:$0x3FB1] =	sst s4  }
0xd: {  	[smem:$0x3FB2] =	sst s5  }
0xe: {  	[smem:$0x3FB3] =	sst s6  }
0xf: {  	[smem:$0x3FB4] =	sst s7  }
0x10: {  	[smem:$0x3FB5] =	sst s8  }
0x11: {  	[smem:$0x3FB6] =	sst s9;
	s0 =	simm.s32 @!p0 $0x0  }
0x12: {  	s1 =	sld [smem:$0x3F9C];
	s0 =	simm.s32 @p0 $0x1  }
0x13: {  	[smem:$0x3FB7] =	sst s0;
	s0 =	simm.s32 @!p1 $0x0  }
0x14: {  	s2 =	sld [smem:$0x3F9B];
	s0 =	simm.s32 @p1 $0x1  }
0x15: {  	[smem:$0x3FB8] =	sst s0;
	s0 =	simm.s32 @!p2 $0x0  }
0x16: {  	s3 =	sld [smem:$0x3FDB];
	s0 =	simm.s32 @p2 $0x1  }
0x17: {  	s4 =	simm.s32 $0x1BF5;
	[smem:$0x3FBA] =	sst s0  }
0x18: {  	s0 =	sld [smem:$0x3F9D];
	_ =	swait.ge [sflag:s4], $0x0  }
0x19: {  	s7 =	sld [smem:$0x3F9E]  }
0x1a: {  	s8 =	sadd.s32 $0xFFFFE003, lr  }
0x1b: {  	s9 =	sadd.s32 $0xFFFFFEF7, lr;
	s5 =	simm.s32 $0xFFFFFFFF;
	p2 =	slt.u32 s8, $0xFFFFF086  }
0x1c: {  	p1 =	slt.u32 s9, $0xF7A;
	s5 =	simm.s32 @!p2 $0x0  }
0x1d: {  	s5 =	simm.s32 @p1 $0x1;
	p0 =	seq.s32 s7, s2  }
0x1e: {  	s7 =	smul.u32 @!p0 $0xF7A, s2;
	p2 =	seq.s32 @!p0 s5, $0x0  }
0x1f: {  	s9 =	smul.u32 $0xF7A, s1;
	s8 =	simm.s32 @!p0 $0x1BF5;
	p2 =	por !p2, p0  }
0x20: {  	[sflag:s8] =	ssyncset.s32 @!p0 $0xFFFFF086;
	s6 =	sadd.s32 @!p0 s3, s7;
	s7 =	simm.s32 @!p0 $0x108  }
0x21: {  	s3 =	sadd.s32 s3, s9;
	s6 =	sadd.s32 @!p0 $0x88, s6;
	s7 =	simm.s32 @p2 $0x1082  }
0x22: {  	[simem:s7], [sflag:s8] =	dma.local @!p0 [hbm:s6], $0xF7A  }
0x23: {  	s9 =	sor.u32 $0xD0000000, s2;
	s6 =	simm.s32 $0x108;
	_ =	swait.ge @!p0 [sflag:s8], $0x0  }
0x24: {  	s3 =	sadd.s32 $0x88, s3;
	s6 =	simm.s32 @!p1 $0x1082;
	[sflag:s4] =	ssyncset.s32 $0xFFFFF086  }
0x25: {  	[simem:s6], [sflag:s4] =	dma.local [hbm:s3], $0xF7A  }
0x26: {  	[smem:$0x3F9E] =	sst s1;
	(tag) =	ssettag s2;
	_ =	strace s9  }
0x27: {  	s1 =	sld [smem:$0x3FAE]  }
0x28: {  	s2 =	sld [smem:$0x3FAF]  }
0x29: {  	s4 =	sld [smem:$0x3FB1]  }
0x2a: {  	p0 =	seq.s32 s5, $0x0;
	s5 =	sld [smem:$0x3FB2]  }
0x2b: {  	s6 =	sld [smem:$0x3FB3]  }
0x2c: {  	s7 =	sld [smem:$0x3FB4]  }
0x2d: {  	s3 =	simm.s32 $0x108;
	s8 =	sld [smem:$0x3FB5]  }
0x2e: {  	s3 =	simm.s32 @!p0 $0x1082;
	s9 =	sld [smem:$0x3FB6]  }
0x2f: {  	lr =	sadd.s32 s0, s3;
	s0 =	sld [smem:$0x3FAD]  }
0x30: {  	s3 =	sld [smem:$0x3FB0]  }
0x31: {  	[smem:$0x3FB9] =	sst s10  }
0x32: {  	s10 =	sld [smem:$0x3FB7];
	_ =	sdelay $0x3  }
0x33: {  	p0 =	seq.s32 s10, $0x1;
	s10 =	sld [smem:$0x3FB9];
	_ =	sdelay $0x3  }
0x34: {  	[smem:$0x3FB9] =	sst s10  }
0x35: {  	s10 =	sld [smem:$0x3FB8];
	_ =	sdelay $0x3  }
0x36: {  	p1 =	seq.s32 s10, $0x1;
	s10 =	sld [smem:$0x3FB9];
	_ =	sdelay $0x3  }
0x37: {  	[smem:$0x3FB9] =	sst s10  }
0x38: {  	s10 =	sld [smem:$0x3FBA]  }
0x39: {  	_ = 	snop;
	(pc) =	sbr.ind lr, $3  }
0x3a: {  	_ = 	snop  }
0x3b: {  	_ = 	snop  }
0x3c: {  	p2 =	seq.s32 s10, $0x1;
	s10 =	sld [smem:$0x3FB9]  }
0x3d: {  	_ =	shalt  }
0x3e: {  	_ =	shalt  }
0x3f: {  	_ =	shalt  }
0x40: {  	_ =	shalt  }
0x41: {  	_ =	shalt  }
0x42: {  	_ =	shalt  }
0x43: {  	_ =	shalt  }
0x44: {  	_ =	shalt  }
0x45: {  	_ =	shalt  }
0x46: {  	_ =	shalt  }
0x47: {  	_ =	shalt  }
0x48: {  	_ =	shalt  }
0x49: {  	_ =	shalt  }
0x4a: {  	_ =	shalt  }
0x4b: {  	_ =	shalt  }
0x4c: {  	_ =	shalt  }
0x4d: {  	_ =	shalt  }
0x4e: {  	_ =	shalt  }
0x4f: {  	_ =	shalt  }
0x50: {  	_ =	shalt  }
0x51: {  	_ =	shalt  }
0x52: {  	_ =	shalt  }
0x53: {  	_ =	shalt  }
0x54: {  	_ =	shalt  }
0x55: {  	_ =	shalt  }
0x56: {  	_ =	shalt  }
0x57: {  	_ =	shalt  }
0x58: {  	_ =	shalt  }
0x59: {  	_ =	shalt  }
0x5a: {  	_ =	shalt  }
0x5b: {  	_ =	shalt  }
0x5c: {  	_ =	shalt  }
0x5d: {  	_ =	shalt  }
0x5e: {  	_ =	shalt  }
0x5f: {  	_ =	shalt  }
0x60: {  	_ =	shalt  }
0x61: {  	_ =	shalt  }
0x62: {  	_ =	shalt  }
0x63: {  	_ =	shalt  }
0x64: {  	_ =	shalt  }
0x65: {  	_ =	shalt  }
0x66: {  	_ =	shalt  }
0x67: {  	_ =	shalt  }
0x68: {  	_ =	shalt  }
0x69: {  	_ =	shalt  }
0x6a: {  	_ =	shalt  }
0x6b: {  	_ =	shalt  }
0x6c: {  	_ =	shalt  }
0x6d: {  	_ =	shalt  }
0x6e: {  	_ =	shalt  }
0x6f: {  	_ =	shalt  }
0x70: {  	_ =	shalt  }
0x71: {  	_ =	shalt  }
0x72: {  	_ =	shalt  }
0x73: {  	_ =	shalt  }
0x74: {  	_ =	shalt  }
0x75: {  	_ =	shalt  }
0x76: {  	_ =	shalt  }
0x77: {  	_ =	shalt  }
0x78: {  	_ =	shalt  }
0x79: {  	_ =	shalt  }
0x7a: {  	_ =	shalt  }
0x7b: {  	_ =	shalt  }
0x7c: {  	_ =	shalt  }
0x7d: {  	_ =	shalt  }
0x7e: {  	_ =	shalt  }
0x7f: {  	_ =	shalt  }
0x80: {  	_ =	shalt  }
0x81: {  	_ =	shalt  }
0x82: {  	_ =	shalt  }
0x83: {  	_ =	shalt  }
0x84: {  	_ =	shalt  }
0x85: {  	_ =	shalt  }
0x86: {  	_ =	shalt  }
0x87: {  	_ =	shalt  }
.Lfunc_end0:
.L_simem_size_0:
called_computation_lowered:
.L_overlay_start_0:
0x88: {  	s2 =	sld [smem:$0x3FD9]  }
0x89: {  	s3 =	sld [smem:$0x3FFE];
	_ =	sdelay $0x1  }
0x8a: {  	s1 =	srdreg.scid  }
0x8b: {  	s0 =	sand.u32 $0x1, s1  }
0x8c: {  	s17 =	sshll.u32 s0, $0xA;
	s2 =	sadd.s32 s3, s2  }
0x8d: {  	s2 =	sadd.s32 s2, s17  }
0x8e: {  	[smem:$0x3FC5] =	sst s2  }
0x8f: {  	_ = 	snop  }
0x90: {  	s2 =	sld [smem:$0x3FC9]  }
0x91: {  	s18 =	sld [smem:$0x3FD0];
	(tm) =	ssettm $0x1  }
0x92: {  	s4 =	sld [smem:$0x3FFB];
	_ =	sdelay $0x3  }
0x93: {  	_ =	strace s4  }
0x94: {  	s4 =	sld [smem:$0x3FFC];
	_ =	sdelay $0x3  }
0x95: {  	_ =	strace s4  }
0x96: {  	s4 =	sld [smem:$0x3FFD];
	_ =	sdelay $0x3  }
0x97: {  	_ =	strace s4  }
0x98: {  	_ =	strace $0x8FFFFFFF  }
0x99: {  	s19 =	sld [smem:$0x3FDB];
	_ =	sdelay $0x1  }
0x9a: {  	s5 =	simm.s32 $_scs_section_size  }
0x9b: {  	s6 =	simm.s32 $_size__tile_overlayer_lowered;
	s7 =	simm.s32 $_tile_overlayer_lowered  }
0x9c: {  	s22 =	simm.s32 $0x1BFF;
	s21 =	sshll.u32 s7, $0x1;
	s4 =	sadd.s32 s5, s19  }
0x9d: {  	s8 =	simm.s32 $0x0;
	s20 =	sshll.u32 s6, $0x1;
	s6 =	sadd.s32 s21, s4  }
0x9e: {  	[timem:s8], [sflag:s22] =	dma.local [hbm:s6], s20  }
0x9f: {  	_ =	swait.ge [sflag:s22], s20  }
0xa0: {  	s5 =	ssub.s32 $0x0, s20;
	[sflag:s22] =	ssyncset.done $0x0  }
0xa1: {  	[sflag:s22] =	ssyncadd.s32 s5;
	_ =	sdelay $0x1  }
0xa2: {  	s23 =	simm.s32 $0x1B8B  }
0xa3: {  	_ =	swait.ge [sflag:s23], $0x1  }
0xa4: {  	[sflag:s23] =	ssyncset.done $0x0  }
0xa5: {  	s25 =	simm.s32 $0x1B8E;
	s24 =	sld [smem:$0x3FFE];
	[sflag:s23] =	ssyncadd.s32 $0xFFFFFFFF  }
0xa6: {  	s26 =	simm.s32 $execute0_lowered;
	[smem:$0x3FD2] =	sst s25  }
0xa7: {  	s6 =	sshll.u32 s26, $0x1;
	_ =	strace $0x80000046;
	[dreg:$0x1] =	wrdreg $0xFFFFFFFF  }
0xa8: {  	s28 =	simm.s32 $_size_execute0_lowered;
	s4 =	sadd.s32 s4, s6;
	[dreg:$0x0] =	wrdreg $0x0  }
0xa9: {  	s6 =	sshll.u32 s28, $0x1;
	[dreg:$0x2] =	wrdreg s4  }
0xaa: {  	[dreg:$0x3] =	wrdreg s6  }
0xab: {  	[dreg:$0x4] =	wrdreg $0xC0  }
0xac: {  	_ =	task [dreg:s8], $0x5FFFF  }
0xad: {  	[dreg:$0x1] =	wrdreg $0xFFFFFFFF  }
0xae: {  	[dreg:$0x0] =	wrdreg $0x60  }
0xaf: {  	[dreg:$0x2] =	wrdreg s2  }
0xb0: {  	[dreg:$0x3] =	wrdreg s18  }
0xb1: {  	[dreg:$0x4] =	wrdreg s24  }
0xb2: {  	[dreg:$0x5] =	wrdreg $0xA4000  }
0xb3: {  	[dreg:$0x6] =	wrdreg $0x9  }
0xb4: {  	_ =	task.clear_ibuf [dreg:s8], $0x7FFFF;
	_ =	strace $0x90000046  }
0xb5: {  	s29 =	simm.s32 $0x9;
	_ =	strace $0x80000048  }
0xb6: {  	_ =	swait.ge [sflag:s29], $0x1  }
0xb7: {  	[sflag:s29] =	ssyncadd.s32 $0xFFFFFFFF  }
0xb8: {  	_ =	strace $0x90000048  }
0xb9: {  	_ =	sfence  }
0xba: {  	s30 =	sld [smem:$0x0];
	_ =	sdelay $0x2  }
0xbb: {  	s31 =	sshll.u32 s1, $0xD;
	s1 =	sshrl.u32 s1, $0x2  }
0xbc: {  	s3 =	sand.u32 $0x4000, s31;
	s1 =	sadd.s32 s1, s30  }
0xbd: {  	s0 =	sor.u32 s3, s0;
	s1 =	sshll.u32 s1, $0x11  }
0xbe: {  	s0 =	sor.u32 s1, s0  }
0xbf: {  	s0 =	sadd.s32 $0x8F2B, s0  }
0xc0: {  	[sflag:s0] =	ssyncadd.remote.s32 $0x1  }
0xc1: {  	_ =	sfence.sel $0xFFFF  }
0xc2: {  	[dreg:$0x0] =	wrdreg $0xFFFFFFFF;
	(pc) =	sbr.abs _section_cstart, $3  }
0xc3: {  	[dreg:$0x1] =	wrdreg $0xFFFFFFFF  }
0xc4: {  	_ =	task.clear_ibuf [dreg:s8], $0x2FFFF;
	_ =	strace $0x9FFFFFFF  }
0xc5: {  	(tm) =	ssettm $0x7FFFFFFF  }
tec
execute0_lowered:
.L_overlay_start_1:
0x0: {  	(tag) =	ssettag $0x1  }
0x1: {  	s1 =	rddreg [dreg:$0x0]  }
0x2: {  	s5 =	rddreg [dreg:$0x1]  }
0x3: {  	s0 =	rddreg [dreg:$0x2]  }
0x4: {  	s3 =	rddreg [dreg:$0x3];
	s2 =	srdreg.scid  }
0x5: {  	s6 =	simm.s32 $0x0;
	s8 =	stileid.u32;
	s2 =	sand.u32 $0x1, s2  }
0x6: {  	[smem:$0x7FF] =	sst s6;
	s9 =	sadd.s32 $0x14200, s0;
	s16 =	smul.u32 $0x4E200, s8  }
0x7: {  	s10 =	sadd.s32 $0x200, s0;
	s4 =	sshll.u32 s2, $0x4;
	_ =	strace $0x80000047  }
0x8: {  	[dreg:$0x6] =	wrdreg s9;
	s4 =	sor.u32 s8, s4;
	s6 =	sshrl.u32 s16, $0x2  }
0x9: {  	[dreg:$0x7] =	wrdreg s10;
	s7 =	smul.u32 $0x5000, s4;
	s20 =	sadd.s32 s6, s3  }
0xa: {  	s0 =	sadd.s32 $0x28200, s0;
	[dreg:$0xe] =	wrdreg s20  }
0xb: {  	s22 =	smul.u32 $0x13C00, s8;
	s6 =	sadd.s32 $0x2000, s20;
	[dreg:$0x5] =	wrdreg s7  }
0xc: {  	s25 =	smul.u32 $0x4F000, s8;
	s21 =	sadd.s32 $0x4000, s20;
	[dreg:$0xf] =	wrdreg s6  }
0xd: {  	s13 =	ssub.s32 $0x2, s2;
	s23 =	sadd.s32 $0x6000, s20;
	[dreg:$0x10] =	wrdreg s21  }
0xe: {  	s14 =	sshrl.u32 s13, $0x1;
	s24 =	sadd.s32 $0x8000, s20;
	[dreg:$0x11] =	wrdreg s23  }
0xf: {  	s4 =	ssub.s32 s13, s14;
	s26 =	sadd.s32 $0xA000, s20;
	[dreg:$0x12] =	wrdreg s24  }
0x10: {  	p0 =	seq.s32 s8, $0xF;
	s4 =	smax.u32 s4, $0x1;
	[dreg:$0x13] =	wrdreg s26  }
0x11: {  	s2 =	smul.u32 $0x138800, s2;
	s28 =	sadd.s32 $0xC000, s20;
	[dreg:$0x16] =	wrdreg s4  }
0x12: {  	s16 =	simm.s32 $0x8400;
	s29 =	sadd.s32 $0xE000, s20;
	[dreg:$0x19] =	wrdreg s28  }
0x13: {  	s30 =	sadd.s32 $0x10000, s20;
	s31 =	sadd.s32 $0x12000, s20;
	[dreg:$0x1a] =	wrdreg s29  }
0x14: {  	s20 =	simm.s32 $0x2;
	s7 =	sshrl.u32 s7, $0x3;
	[dreg:$0x1b] =	wrdreg s30  }
0x15: {  	s6 =	sadd.s32 s22, s2;
	s2 =	sshrl.u32 s2, $0x3;
	[dreg:$0x1c] =	wrdreg s31  }
0x16: {  	s21 =	simm.s32 $0x8;
	s22 =	simm.s32 $0x3;
	s23 =	simm.s32 $0x5  }
0x17: {  	s24 =	simm.s32 $0x4;
	s4 =	simm.s32 $0x0;
	s15 =	sadd.s32 s5, s7  }
0x18: {  	s11 =	sadd.s32 s9, s7;
	s17 =	sadd.s32 s10, s7;
	[dreg:$0x8] =	wrdreg s15  }
0x19: {  	s7 =	sor.u32 $0x80, s7;
	s6 =	sshrl.u32 s6, $0x3;
	[dreg:$0x9] =	wrdreg s11  }
0x1a: {  	s2 =	sadd.s32 s0, s2;
	[dreg:$0xa] =	wrdreg s17;
	s5 =	sadd.s32 s5, s7  }
0x1b: {  	s18 =	sadd.s32 s9, s7;
	s19 =	sadd.s32 s10, s7;
	s7 =	sshrl.u32 s25, $0x2  }
0x1c: {  	s0 =	sadd.s32 s0, s6;
	s2 =	sadd.s32 $0x25080, s2;
	[dreg:$0xb] =	wrdreg s5  }
0x1d: {  	s9 =	simm.s32 $0x40;
	s10 =	simm.s32 $0x2400;
	[dreg:$0xc] =	wrdreg s18  }
0x1e: {  	s11 =	simm.s32 $0x4400;
	s17 =	simm.s32 $0x1;
	[dreg:$0xd] =	wrdreg s19  }
0x1f: {  	s25 =	simm.s32 $0x6;
	[dreg:$0x15] =	wrdreg s2;
	s2 =	sadd.s32 $0x128400, s3  }
0x20: {  	[dreg:$0x14] =	wrdreg s0;
	s0 =	sadd.s32 s7, s3;
	s2 =	sshrl.u32 @p0 s2, $0x3  }
0x21: {  	s5 =	simm.s32 $0xC;
	s0 =	sshrl.u32 @!p0 s0, $0x3;
	[dreg:$0x17] =	wrdreg s2  }
0x22: {  	v0 =	vimm.f32 $0.0e+00;
	s18 =	simm.s32 $0x7;
	s19 =	simm.s32 $0x6400;
	[dreg:$0x18] =	wrdreg s0  }
.LBB2_1:
0x23: {  	[dreg:$0x1d] =	wrdreg s4  }
0x24: {  	s2 =	simm.s32 $0x0;
	s0 =	rddreg [dreg:$0x8]  }
0x25: {  	[tilespmem:s2], [sflag:$0xC] =	stream.linear.gather [hbm4b:s0+s2], $0x400, $0x38;
	[tilespmem:$0x1DC80] =	vst v63  }
0x26: {  	_ =	swait.ge [sflag:s5], $0x400  }
0x27: {  	[sflag:s5] =	ssyncset.done $0x0  }
0x28: {  	s6 =	simm.s32 $0xC00;
	s4 =	rddreg [dreg:$0x9];
	[sflag:s5] =	ssyncadd.s32 $0xFFFFFC00  }
0x29: {  	[tilespmem:s6], [sflag:$0xC] =	stream.linear.gather [hbm4b:s4+s2], $0x400, $0x38;
	[tilespmem:$0x1DC80] =	vst v63  }
0x2a: {  	_ =	swait.ge [sflag:s5], $0x400  }
0x2b: {  	[sflag:s5] =	ssyncset.done $0x0  }
0x2c: {  	s8 =	simm.s32 $0x1800;
	s7 =	rddreg [dreg:$0xa];
	[sflag:s5] =	ssyncadd.s32 $0xFFFFFC00  }
0x2d: {  	[tilespmem:s8], [sflag:$0xC] =	stream.linear.gather [hbm4b:s7+s2], $0x400, $0x38;
	[tilespmem:$0x1DC80] =	vst v63  }
0x2e: {  	_ =	swait.ge [sflag:s5], $0x400  }
0x2f: {  	[sflag:s5] =	ssyncset.done $0x0  }
0x30: {  	[sflag:s5] =	ssyncadd.s32 $0xFFFFFC00  }
0x31: {  	[tilespmem:s10], [sflag:$0x1] =	stream.indirect.gather [hbm4b:s1+s9], $0x80, s2, s9, $0xb8;
	[tilespmem:$0x1DC80] =	vst v63  }
0x32: {  	s12 =	simm.s32 $0x80  }
0x33: {  	[tilespmem:s11], [sflag:$0x2] =	stream.indirect.gather [hbm4b:s1+s9], $0x80, s12, s9, $0xb8;
	[tilespmem:$0x1DC80] =	vst v63  }
0x34: {  	s14 =	simm.s32 $0x400;
	s13 =	rddreg [dreg:$0xb]  }
0x35: {  	[tilespmem:s14], [sflag:$0xA] =	stream.linear.gather [hbm4b:s13+s2], $0x400, $0x38;
	[tilespmem:$0x1DC80] =	vst v63  }
0x36: {  	s26 =	simm.s32 $0x1000;
	s15 =	rddreg [dreg:$0xc]  }
0x37: {  	[tilespmem:s26], [sflag:$0xA] =	stream.linear.gather [hbm4b:s15+s2], $0x400, $0x38;
	[tilespmem:$0x1DC80] =	vst v63  }
0x38: {  	s29 =	simm.s32 $0x1C00;
	s30 =	sand.u32 $0x7E00, s2;
	s28 =	rddreg [dreg:$0xd]  }
0x39: {  	[tilespmem:s29], [sflag:$0xA] =	stream.linear.gather [hbm4b:s28+s2], $0x400, $0x38;
	[tilespmem:$0x1DC80] =	vst v63  }
0x3a: {  	s31 =	sshrl.u32 s30, $0x2;
	s2 =	sand.u32 $0x70, s2  }
0x3b: {  	s0 =	simm.s32 $0x40;
	s4 =	sor.u32 s2, s31;
	s2 =	simm.s32 $0x0  }
.LBB2_2:
0x3c: {  	p1 =	sne.s32 s0, $0x7FC0  }
0x3d: {  	[tilespmem:s4+$0x8400] =	vst v0;
	s2 =	sadd.s32 $0x10, s2;
	s4 =	smov.u32 s0;
	s0 =	sadd.s32 $0x40, s0  }
.Ltmp0:
0x3e: {  	(pc) =	sbr.rel @p1 .LBB2_2-.Ltmp0, $4  }
0x3f: {  	_ = 	snop  }
0x40: {  	s4 =	sand.u32 $0x7E00, s4  }
0x41: {  	s6 =	sand.u32 $0x70, s2;
	s4 =	sshrl.u32 s4, $0x2  }
0x42: {  	s4 =	sor.u32 s6, s4  }
0x43: {  	[tilespmem:s4+$0x8400] =	vst v0;
	s0 =	rddreg [dreg:$0xe]  }
0x44: {  	[spmem:s0] =	stream.linear.scatter [tilespmem:s16], [sflag:$0xC], $0x2000, $0x38;
	[tilespmem:$0x1DC80] =	vst v63  }
0x45: {  	_ =	swait.ge [sflag:s5], $0x2000  }
0x46: {  	[sflag:s5] =	ssyncset.done $0x0  }
0x47: {  	s8 =	rddreg [dreg:$0xf];
	[sflag:s5] =	ssyncadd.s32 $0xFFFFE000  }
0x48: {  	[spmem:s8] =	stream.linear.scatter [tilespmem:s16], [sflag:$0xC], $0x2000, $0x38;
	[tilespmem:$0x1DC80] =	vst v63  }
0x49: {  	_ =	swait.ge [sflag:s5], $0x2000  }
0x4a: {  	[sflag:s5] =	ssyncset.done $0x0  }
0x4b: {  	s12 =	rddreg [dreg:$0x10];
	[sflag:s5] =	ssyncadd.s32 $0xFFFFE000  }
0x4c: {  	[spmem:s12] =	stream.linear.scatter [tilespmem:s16], [sflag:$0xC], $0x2000, $0x38;
	[tilespmem:$0x1DC80] =	vst v63  }
0x4d: {  	_ =	swait.ge [sflag:s5], $0x2000  }
0x4e: {  	[sflag:s5] =	ssyncset.done $0x0  }
0x4f: {  	s13 =	rddreg [dreg:$0x11];
	[sflag:s5] =	ssyncadd.s32 $0xFFFFE000  }
0x50: {  	[spmem:s13] =	stream.linear.scatter [tilespmem:s16], [sflag:$0xC], $0x2000, $0x38;
	[tilespmem:$0x1DC80] =	vst v63  }
0x51: {  	_ =	swait.ge [sflag:s5], $0x2000  }
0x52: {  	[sflag:s5] =	ssyncset.done $0x0  }
0x53: {  	s14 =	rddreg [dreg:$0x12];
	[sflag:s5] =	ssyncadd.s32 $0xFFFFE000  }
0x54: {  	[spmem:s14] =	stream.linear.scatter [tilespmem:s16], [sflag:$0xC], $0x2000, $0x38;
	[tilespmem:$0x1DC80] =	vst v63  }
0x55: {  	_ =	swait.ge [sflag:s5], $0x2000  }
0x56: {  	[sflag:s5] =	ssyncset.done $0x0  }
0x57: {  	s15 =	rddreg [dreg:$0x13];
	[sflag:s5] =	ssyncadd.s32 $0xFFFFE000  }
0x58: {  	[spmem:s15] =	stream.linear.scatter [tilespmem:s16], [sflag:$0xC], $0x2000, $0x38;
	[tilespmem:$0x1DC80] =	vst v63  }
0x59: {  	_ =	swait.ge [sflag:s5], $0x2000  }
0x5a: {  	[sflag:s5] =	ssyncset.done $0x0  }
0x5b: {  	s26 =	rddreg [dreg:$0x19];
	[sflag:s5] =	ssyncadd.s32 $0xFFFFE000  }
0x5c: {  	[spmem:s26] =	stream.linear.scatter [tilespmem:s16], [sflag:$0xC], $0x2000, $0x38;
	[tilespmem:$0x1DC80] =	vst v63  }
0x5d: {  	_ =	swait.ge [sflag:s5], $0x2000  }
0x5e: {  	[sflag:s5] =	ssyncset.done $0x0  }
0x5f: {  	s28 =	rddreg [dreg:$0x1a];
	[sflag:s5] =	ssyncadd.s32 $0xFFFFE000  }
0x60: {  	[spmem:s28] =	stream.linear.scatter [tilespmem:s16], [sflag:$0xC], $0x2000, $0x38;
	[tilespmem:$0x1DC80] =	vst v63  }
0x61: {  	_ =	swait.ge [sflag:s5], $0x2000  }
0x62: {  	[sflag:s5] =	ssyncset.done $0x0  }
0x63: {  	s29 =	rddreg [dreg:$0x1b];
	[sflag:s5] =	ssyncadd.s32 $0xFFFFE000  }
0x64: {  	[spmem:s29] =	stream.linear.scatter [tilespmem:s16], [sflag:$0xC], $0x2000, $0x38;
	[tilespmem:$0x1DC80] =	vst v63  }
0x65: {  	_ =	swait.ge [sflag:s5], $0x2000  }
0x66: {  	[sflag:s5] =	ssyncset.done $0x0  }
0x67: {  	s30 =	rddreg [dreg:$0x1c];
	[sflag:s5] =	ssyncadd.s32 $0xFFFFE000  }
0x68: {  	[spmem:s30] =	stream.linear.scatter [tilespmem:s16], [sflag:$0xC], $0x1880, $0x38;
	[tilespmem:$0x1DC80] =	vst v63  }
0x69: {  	_ =	swait.ge [sflag:s5], $0x1880  }
0x6a: {  	[sflag:s5] =	ssyncset.done $0x0  }
0x6b: {  	[sflag:s5] =	ssyncadd.s32 $0xFFFFE780  }
0x6c: {  	s31 =	simm.s32 $0xC00;
	[bflag:$0x0] =	sbarrier.arrive $0xFFFF  }
0x6d: {  	[spmem:s3] =	stream.indirect.scatter.add.f32 [tilespmem:s16], [sflag:$0x7], $0x80, s31, s9, $0xb8;
	[tilespmem:$0x1DC80] =	vst v63  }
0x6e: {  	s15 =	simm.s32 $0x0  }
0x6f: {  	[spmem:s3] =	stream.indirect.scatter.add.f32 [tilespmem:s16], [sflag:$0x8], $0x80, s31, s9, $0xb8;
	[tilespmem:$0x1DC80] =	vst v63  }
.LBB2_4:
0x70: {  	s0 =	smul.u32 $0xAB, s15;
	_ =	sdelay $0x1  }
0x71: {  	s0 =	sshrl.u32 s0, $0x9  }
0x72: {  	s0 =	sand.u32 $0x7F, s0  }
0x73: {  	_ =	swait.ge [sflag:s17], $0x2000;
	s0 =	smul.u32 $0x3, s0  }
0x74: {  	[sflag:s17] =	ssyncset.done $0x0  }
0x75: {  	[sflag:s17] =	ssyncadd.s32 $0xFFFFE000;
	s0 =	ssub.s32 s15, s0  }
0x76: {  	_ =	swait.ge [sflag:s18], $0x2000;
	s0 =	sand.u32 $0xFF, s0  }
0x77: {  	[sflag:s18] =	ssyncset.done $0x0;
	s26 =	sshll.u32 s0, $0xA;
	s0 =	sshll.u32 s0, $0xC  }
0x78: {  	s12 =	simm.s32 $0x0;
	[sflag:s18] =	ssyncadd.s32 $0xFFFFE000;
	s13 =	sshrl.u32 s0, $0x2  }
0x79: {  	s4 =	sor.u32 $0x100, s26;
	s0 =	simm.s32 $0x2500;
	s2 =	sadd.s32 $0x1800, s13  }
0x7a: {  	[tilespmem:s19], [sflag:$0x3] =	stream.indirect.gather [hbm4b:s1+s9], $0x80, s4, s9, $0xb8;
	v1 =	vmov s2;
	[tilespmem:$0x1DC80] =	vst v63  }
.LBB2_5:
0x7b: {  	_ =	sdelay $0x2  }
0x7c: {  	s2 =	sshll.u32 s12, $0x4  }
0x7d: {  	v2 =	vld.idx.msk [tilespmem:v1+s2+$0x0 ss:$0x1], $0xffff;
	_ =	sdelay $0x1  }
0x7e: {  	v3 =	vld [tilespmem:s0+$0xFFFFFF00]  }
0x7f: {  	s28 =	simm.s32 $0x0;
	v5 =	vld [tilespmem:s0+$0xFFFFFF10]  }
0x80: {  	v4 =	vld [tilespmem:s0+$0xF0];
	v6 =	vmov s28  }
0x81: {  	v8 =	vld [tilespmem:s0+$0xFFFFFF30];
	s29 =	simm.s32 $0x3;
	v6 =	vperm.xlane v2, v6  }
0x82: {  	v7 =	vld [tilespmem:s0+$0xFFFFFF20];
	v10 =	vmov s29  }
0x83: {  	v12 =	vld [tilespmem:s0+$0xFFFFFF50];
	v11 =	vmul.f32 v3, v6;
	v3 =	vperm.xlane v2, v10  }
0x84: {  	v10 =	vld [tilespmem:s0+$0xFFFFFF60];
	v5 =	vmul.f32 v5, v6  }
0x85: {  	v9 =	vld [tilespmem:s0+$0xFFFFFF40];
	[tilespmem:s0+$0xFFFFFF00] =	vst v11;
	v4 =	vmul.f32 v4, v3  }
0x86: {  	v11 =	vld [tilespmem:s0+$0xFFFFFF70];
	[tilespmem:s0+$0xFFFFFF10] =	vst v5;
	v5 =	vmul.f32 v8, v6  }
0x87: {  	v13 =	vld [tilespmem:s0+$0xFFFFFF80];
	[tilespmem:s0+$0xF0] =	vst v4;
	v4 =	vmul.f32 v7, v6  }
0x88: {  	s30 =	simm.s32 $0x1;
	v14 =	vld [tilespmem:s0+$0xFFFFFFA0];
	[tilespmem:s0+$0xFFFFFF30] =	vst v5;
	v5 =	vmul.f32 v12, v6  }
0x89: {  	v8 =	vmov s30;
	v7 =	vld [tilespmem:s0+$0xFFFFFF90];
	v10 =	vmul.f32 v10, v6;
	[tilespmem:s0+$0xFFFFFF20] =	vst v4  }
0x8a: {  	v59 =	vld [tilespmem:s0+$0xFFFFFFC0];
	v8 =	vperm.xlane v2, v8;
	v4 =	vmul.f32 v9, v6;
	[tilespmem:s0+$0xFFFFFF50] =	vst v5  }
0x8b: {  	v9 =	vld [tilespmem:s0+$0xFFFFFFB0];
	v6 =	vmul.f32 v11, v6;
	[tilespmem:s0+$0xFFFFFF60] =	vst v10  }
0x8c: {  	v5 =	vld [tilespmem:s0+$0xFFFFFFE0];
	[tilespmem:s0+$0xFFFFFF40] =	vst v4;
	v4 =	vmul.f32 v13, v8  }
0x8d: {  	v60 =	vld [tilespmem:s0+$0xFFFFFFD0];
	[tilespmem:s0+$0xFFFFFF70] =	vst v6;
	v6 =	vmul.f32 v14, v8  }
0x8e: {  	[tilespmem:s0+$0xFFFFFF80] =	vst v4;
	v4 =	vmul.f32 v7, v8;
	v7 =	vld [tilespmem:s0+$0xFFFFFFF0]  }
0x8f: {  	v10 =	vld [tilespmem:s0+$0x0];
	[tilespmem:s0+$0xFFFFFFA0] =	vst v6;
	v6 =	vmul.f32 v59, v8  }
0x90: {  	s31 =	simm.s32 $0x2;
	[tilespmem:s0+$0xFFFFFF90] =	vst v4;
	v4 =	vmul.f32 v9, v8;
	v9 =	vld [tilespmem:s0+$0x10]  }
0x91: {  	v61 =	vld [tilespmem:s0+$0x20];
	v11 =	vmov s31;
	v5 =	vmul.f32 v5, v8;
	[tilespmem:s0+$0xFFFFFFC0] =	vst v6  }
0x92: {  	v62 =	vld [tilespmem:s0+$0x30];
	v11 =	vperm.xlane v2, v11;
	[tilespmem:s0+$0xFFFFFFB0] =	vst v4;
	v4 =	vmul.f32 v60, v8  }
0x93: {  	v6 =	vld [tilespmem:s0+$0x40];
	[tilespmem:s0+$0xFFFFFFE0] =	vst v5;
	v7 =	vmul.f32 v7, v8  }
0x94: {  	[tilespmem:s0+$0xFFFFFFD0] =	vst v4;
	v4 =	vmul.f32 v10, v11;
	v10 =	vld [tilespmem:s0+$0x50]  }
0x95: {  	v5 =	vld [tilespmem:s0+$0x60];
	v8 =	vmul.f32 v9, v11;
	[tilespmem:s0+$0xFFFFFFF0] =	vst v7  }
0x96: {  	v7 =	vld [tilespmem:s0+$0x70];
	[tilespmem:s0+$0x0] =	vst v4;
	v4 =	vmul.f32 v61, v11  }
0x97: {  	v9 =	vld [tilespmem:s0+$0x80];
	[tilespmem:s0+$0x10] =	vst v8;
	v8 =	vmul.f32 v62, v11  }
0x98: {  	[tilespmem:s0+$0x20] =	vst v4;
	v4 =	vmul.f32 v6, v11;
	v6 =	vld [tilespmem:s0+$0x90]  }
0x99: {  	v63 =	vld [tilespmem:s0+$0xA0];
	[tilespmem:s0+$0x30] =	vst v8;
	v10 =	vmul.f32 v10, v11  }
0x9a: {  	v8 =	vld [tilespmem:s0+$0xB0];
	[tilespmem:s0+$0x40] =	vst v4;
	v4 =	vmul.f32 v5, v11  }
0x9b: {  	[tilespmem:s0+$0x50] =	vst v10;
	v10 =	vmul.f32 v7, v11;
	v7 =	vld [tilespmem:s0+$0xC0]  }
0x9c: {  	v5 =	vld [tilespmem:s0+$0xD0];
	v11 =	vmul.f32 v9, v3;
	[tilespmem:s0+$0x60] =	vst v4  }
0x9d: {  	s2 =	sadd.s32 $0x200, s0;
	v4 =	vld [tilespmem:s0+$0xE0];
	[tilespmem:s0+$0x70] =	vst v10;
	v9 =	vmul.f32 v6, v3  }
0x9e: {  	s6 =	simm.s32 $0x4;
	s8 =	simm.s32 $0x8;
	s7 =	smov.u32 s0;
	v6 =	vld [tilespmem:s2+$0xF0];
	[tilespmem:s0+$0x80] =	vst v11;
	v10 =	vmul.f32 v63, v3  }
.LBB2_6:
0x9f: {  	p1 =	slt.u32 s8, $0xC;
	v11 =	vld [tilespmem:s2+$0xFFFFFF00];
	s14 =	sadd.s32 $0x3, s6;
	[tilespmem:s7+$0x90] =	vst v9;
	v8 =	vmul.f32 v8, v3  }
0xa0: {  	v9 =	vld [tilespmem:s2+$0xFFFFFF10];
	v12 =	vmov s14;
	[tilespmem:s7+$0xA0] =	vst v10;
	v7 =	vmul.f32 v7, v3  }
0xa1: {  	v10 =	vmov s6;
	v13 =	vld [tilespmem:s2+$0xFFFFFF20];
	v12 =	vperm.xlane v2, v12;
	[tilespmem:s7+$0xB0] =	vst v8;
	v5 =	vmul.f32 v5, v3  }
0xa2: {  	v8 =	vperm.xlane v2, v10;
	v10 =	vld [tilespmem:s2+$0xFFFFFF30];
	[tilespmem:s7+$0xC0] =	vst v7;
	v4 =	vmul.f32 v4, v3  }
0xa3: {  	v7 =	vld [tilespmem:s2+$0xFFFFFF40];
	v6 =	vmul.f32 v6, v12;
	[tilespmem:s7+$0xD0] =	vst v5;
	v3 =	vmov v12  }
0xa4: {  	v5 =	vmul.f32 v11, v8;
	v11 =	vld [tilespmem:s2+$0xFFFFFF50];
	[tilespmem:s7+$0xE0] =	vst v4;
	s7 =	smov.u32 s2  }
0xa5: {  	v4 =	vmul.f32 v9, v8;
	v9 =	vld [tilespmem:s2+$0xFFFFFF60];
	[tilespmem:s2+$0xF0] =	vst v6  }
0xa6: {  	[tilespmem:s2+$0xFFFFFF00] =	vst v5;
	v5 =	vmul.f32 v13, v8;
	v6 =	vld [tilespmem:s2+$0xFFFFFF70]  }
0xa7: {  	[tilespmem:s2+$0xFFFFFF10] =	vst v4;
	v4 =	vmul.f32 v10, v8;
	v10 =	vld [tilespmem:s2+$0xFFFFFF80]  }
0xa8: {  	s14 =	sadd.s32 $0x1, s6;
	[tilespmem:s2+$0xFFFFFF20] =	vst v5;
	v5 =	vmul.f32 v7, v8;
	v7 =	vld [tilespmem:s2+$0xFFFFFF90]  }
0xa9: {  	[tilespmem:s2+$0xFFFFFF30] =	vst v4;
	v4 =	vmul.f32 v11, v8;
	v11 =	vmov s14;
	v12 =	vld [tilespmem:s2+$0xFFFFFFA0]  }
0xaa: {  	[tilespmem:s2+$0xFFFFFF40] =	vst v5;
	v5 =	vmul.f32 v9, v8;
	v9 =	vperm.xlane v2, v11;
	v11 =	vld [tilespmem:s2+$0xFFFFFFB0]  }
0xab: {  	[tilespmem:s2+$0xFFFFFF50] =	vst v4;
	v4 =	vmul.f32 v6, v8;
	v6 =	vld [tilespmem:s2+$0xFFFFFFC0]  }
0xac: {  	[tilespmem:s2+$0xFFFFFF60] =	vst v5;
	v5 =	vmul.f32 v10, v9;
	v8 =	vld [tilespmem:s2+$0xFFFFFFD0]  }
0xad: {  	[tilespmem:s2+$0xFFFFFF70] =	vst v4;
	v4 =	vmul.f32 v7, v9;
	v7 =	vld [tilespmem:s2+$0xFFFFFFE0]  }
0xae: {  	[tilespmem:s2+$0xFFFFFF80] =	vst v5;
	v5 =	vmul.f32 v12, v9;
	v10 =	vld [tilespmem:s2+$0xFFFFFFF0]  }
0xaf: {  	[tilespmem:s2+$0xFFFFFF90] =	vst v4;
	v4 =	vmul.f32 v11, v9;
	v11 =	vld [tilespmem:s2+$0x0]  }
0xb0: {  	s14 =	sadd.s32 $0x2, s6;
	s6 =	smov.u32 s8;
	[tilespmem:s2+$0xFFFFFFA0] =	vst v5;
	v5 =	vmul.f32 v6, v9;
	v6 =	vld [tilespmem:s2+$0x10]  }
0xb1: {  	[tilespmem:s2+$0xFFFFFFB0] =	vst v4;
	v4 =	vmul.f32 v8, v9;
	v8 =	vmov s14;
	v12 =	vld [tilespmem:s2+$0x20]  }
0xb2: {  	[tilespmem:s2+$0xFFFFFFC0] =	vst v5;
	v5 =	vmul.f32 v7, v9;
	v7 =	vperm.xlane v2, v8;
	v8 =	vld [tilespmem:s2+$0x30]  }
0xb3: {  	[tilespmem:s2+$0xFFFFFFD0] =	vst v4;
	v4 =	vmul.f32 v10, v9;
	v9 =	vld [tilespmem:s2+$0x40]  }
0xb4: {  	[tilespmem:s2+$0xFFFFFFE0] =	vst v5;
	v5 =	vmul.f32 v11, v7;
	v10 =	vld [tilespmem:s2+$0x50]  }
0xb5: {  	[tilespmem:s2+$0xFFFFFFF0] =	vst v4;
	v4 =	vmul.f32 v6, v7;
	v6 =	vld [tilespmem:s2+$0x60]  }
0xb6: {  	[tilespmem:s2+$0x0] =	vst v5;
	v5 =	vmul.f32 v12, v7;
	v11 =	vld [tilespmem:s2+$0x70]  }
0xb7: {  	[tilespmem:s2+$0x10] =	vst v4;
	v4 =	vmul.f32 v8, v7;
	v12 =	vld [tilespmem:s2+$0x80]  }
0xb8: {  	[tilespmem:s2+$0x20] =	vst v5;
	v5 =	vmul.f32 v9, v7;
	v9 =	vld [tilespmem:s2+$0x90]  }
0xb9: {  	[tilespmem:s2+$0x30] =	vst v4;
	v4 =	vmul.f32 v10, v7;
	v10 =	vld [tilespmem:s2+$0xA0]  }
.Ltmp1:
0xba: {  	[tilespmem:s2+$0x40] =	vst v5;
	v5 =	vmul.f32 v6, v7;
	v8 =	vld [tilespmem:s2+$0xB0];
	(pc) =	sbr.rel @p1 .LBB2_6-.Ltmp1, $4  }
0xbb: {  	[tilespmem:s2+$0x50] =	vst v4;
	v4 =	vmul.f32 v11, v7;
	v7 =	vld [tilespmem:s2+$0xC0]  }
0xbc: {  	[tilespmem:s2+$0x60] =	vst v5;
	v11 =	vmul.f32 v12, v3;
	v5 =	vld [tilespmem:s2+$0xD0]  }
0xbd: {  	s2 =	sadd.s32 $0x200, s2;
	[tilespmem:s7+$0x70] =	vst v4;
	v9 =	vmul.f32 v9, v3;
	v4 =	vld [tilespmem:s7+$0xE0]  }
0xbe: {  	s8 =	sadd.s32 $0x4, s8;
	v6 =	vld [tilespmem:s2+$0xF0];
	[tilespmem:s7+$0x80] =	vst v11;
	v10 =	vmul.f32 v10, v3  }
0xbf: {  	v11 =	vld [tilespmem:s2+$0xFFFFFF00];
	[tilespmem:s7+$0x90] =	vst v9;
	v8 =	vmul.f32 v8, v3;
	s8 =	sadd.s32 $0x3, s6  }
0xc0: {  	v12 =	vld [tilespmem:s2+$0xFFFFFF10];
	[tilespmem:s7+$0xA0] =	vst v10;
	v7 =	vmul.f32 v7, v3;
	v15 =	vmov s8  }
0xc1: {  	v13 =	vmov s6;
	v14 =	vld [tilespmem:s2+$0xFFFFFF20];
	[tilespmem:s7+$0xB0] =	vst v8;
	v15 =	vperm.xlane v2, v15;
	v5 =	vmul.f32 v5, v3  }
0xc2: {  	v22 =	vld [tilespmem:s2+$0xFFFFFF40];
	v20 =	vperm.xlane v2, v13;
	[tilespmem:s7+$0xC0] =	vst v7;
	v3 =	vmul.f32 v4, v3  }
0xc3: {  	v28 =	vld [tilespmem:s2+$0xFFFFFF80];
	v26 =	vmul.f32 v6, v15;
	[tilespmem:s7+$0xD0] =	vst v5  }
0xc4: {  	v25 =	vld [tilespmem:s2+$0xFFFFFF60];
	s30 =	sadd.s32 $0x1, s6;
	v23 =	vmul.f32 v11, v20;
	[tilespmem:s7+$0xE0] =	vst v3  }
0xc5: {  	v21 =	vld [tilespmem:s2+$0xFFFFFF30];
	v31 =	vmov s30;
	v3 =	vmul.f32 v12, v20;
	[tilespmem:s2+$0xF0] =	vst v26  }
0xc6: {  	v27 =	vld [tilespmem:s2+$0xFFFFFF70];
	v34 =	vperm.xlane v2, v31;
	v29 =	vmul.f32 v14, v20;
	[tilespmem:s2+$0xFFFFFF00] =	vst v23  }
0xc7: {  	v24 =	vld [tilespmem:s2+$0xFFFFFF50];
	v33 =	vmul.f32 v22, v20;
	[tilespmem:s2+$0xFFFFFF10] =	vst v3  }
0xc8: {  	v30 =	vld [tilespmem:s2+$0xFFFFFF90];
	v37 =	vmul.f32 v28, v34;
	[tilespmem:s2+$0xFFFFFF20] =	vst v29  }
0xc9: {  	v32 =	vld [tilespmem:s2+$0xFFFFFFA0];
	v7 =	vmul.f32 v25, v20;
	[tilespmem:s2+$0xFFFFFF40] =	vst v33  }
0xca: {  	v35 =	vld [tilespmem:s2+$0xFFFFFFB0];
	v3 =	vmul.f32 v21, v20;
	[tilespmem:s2+$0xFFFFFF80] =	vst v37  }
0xcb: {  	v36 =	vld [tilespmem:s2+$0xFFFFFFC0];
	v5 =	vmul.f32 v27, v20;
	[tilespmem:s2+$0xFFFFFF60] =	vst v7  }
0xcc: {  	v38 =	vld [tilespmem:s2+$0xFFFFFFD0];
	[tilespmem:s2+$0xFFFFFF30] =	vst v3;
	v3 =	vmul.f32 v24, v20  }
0xcd: {  	v42 =	vld [tilespmem:s2+$0x0];
	v39 =	vmul.f32 v30, v34;
	[tilespmem:s2+$0xFFFFFF70] =	vst v5  }
0xce: {  	s31 =	sadd.s32 $0x2, s6;
	v41 =	vmul.f32 v32, v34;
	[tilespmem:s2+$0xFFFFFF50] =	vst v3;
	v3 =	vld [tilespmem:s2+$0xFFFFFFE0]  }
0xcf: {  	v44 =	vld [tilespmem:s2+$0x10];
	v46 =	vmov s31;
	v43 =	vmul.f32 v35, v34;
	[tilespmem:s2+$0xFFFFFF90] =	vst v39  }
0xd0: {  	v47 =	vld [tilespmem:s2+$0x20];
	v2 =	vperm.xlane v2, v46;
	v45 =	vmul.f32 v36, v34;
	[tilespmem:s2+$0xFFFFFFA0] =	vst v41  }
0xd1: {  	v49 =	vld [tilespmem:s2+$0x30];
	v48 =	vmul.f32 v38, v34;
	[tilespmem:s2+$0xFFFFFFB0] =	vst v43  }
0xd2: {  	v50 =	vld [tilespmem:s2+$0x40];
	v51 =	vmul.f32 v42, v2;
	[tilespmem:s2+$0xFFFFFFC0] =	vst v45  }
0xd3: {  	v52 =	vld [tilespmem:s2+$0x50];
	[tilespmem:s2+$0xFFFFFFD0] =	vst v48;
	v3 =	vmul.f32 v3, v34  }
0xd4: {  	v40 =	vld [tilespmem:s2+$0xFFFFFFF0];
	v9 =	vmul.f32 v44, v2;
	[tilespmem:s2+$0x0] =	vst v51  }
0xd5: {  	v53 =	vmul.f32 v47, v2;
	[tilespmem:s2+$0xFFFFFFE0] =	vst v3;
	v3 =	vld [tilespmem:s2+$0x60]  }
0xd6: {  	v54 =	vld [tilespmem:s2+$0x70];
	v6 =	vmul.f32 v49, v2;
	[tilespmem:s2+$0x10] =	vst v9  }
0xd7: {  	v55 =	vld [tilespmem:s2+$0x80];
	v56 =	vmul.f32 v50, v2;
	[tilespmem:s2+$0x20] =	vst v53  }
0xd8: {  	v57 =	vld [tilespmem:s2+$0x90];
	v58 =	vmul.f32 v52, v2;
	[tilespmem:s2+$0x30] =	vst v6  }
0xd9: {  	v59 =	vld [tilespmem:s2+$0xA0];
	v7 =	vmul.f32 v40, v34;
	[tilespmem:s2+$0x40] =	vst v56  }
0xda: {  	v60 =	vld [tilespmem:s2+$0xB0];
	[tilespmem:s2+$0x50] =	vst v58;
	v3 =	vmul.f32 v3, v2  }
0xdb: {  	v61 =	vld [tilespmem:s2+$0xC0];
	[tilespmem:s2+$0xFFFFFFF0] =	vst v7;
	v2 =	vmul.f32 v54, v2  }
0xdc: {  	v62 =	vld [tilespmem:s2+$0xD0];
	[tilespmem:s2+$0x60] =	vst v3;
	v3 =	vmul.f32 v55, v15  }
0xdd: {  	v63 =	vld [tilespmem:s2+$0xE0];
	[tilespmem:s2+$0x70] =	vst v2;
	v2 =	vmul.f32 v57, v15  }
0xde: {  	s12 =	sadd.s32 $0x1, s12;
	[tilespmem:s2+$0x80] =	vst v3;
	v3 =	vmul.f32 v59, v15  }
0xdf: {  	p1 =	sne.s32 s12, $0x4;
	[tilespmem:s2+$0x90] =	vst v2;
	v2 =	vmul.f32 v60, v15  }
.Ltmp2:
0xe0: {  	[tilespmem:s2+$0xA0] =	vst v3;
	v3 =	vmul.f32 v61, v15;
	(pc) =	sbr.rel @p1 .LBB2_5-.Ltmp2, $4  }
0xe1: {  	[tilespmem:s2+$0xB0] =	vst v2;
	v2 =	vmul.f32 v62, v15  }
0xe2: {  	[tilespmem:s2+$0xC0] =	vst v3;
	v3 =	vmul.f32 v63, v15  }
0xe3: {  	[tilespmem:s2+$0xD0] =	vst v2  }
0xe4: {  	s0 =	sadd.s32 $0x800, s0;
	[tilespmem:s2+$0xE0] =	vst v3  }
0xe5: {  	s0 =	sadd.s32 $0xC00, s13  }
0xe6: {  	[spmem:s3] =	stream.indirect.scatter.add.f32 [tilespmem:s10], [sflag:$0x5], $0x80, s0, s9, $0xb8;
	[tilespmem:$0x1DC80] =	vst v63  }
0xe7: {  	_ =	swait.ge [sflag:s20], $0x2000  }
0xe8: {  	[sflag:s20] =	ssyncset.done $0x0  }
0xe9: {  	[sflag:s20] =	ssyncadd.s32 $0xFFFFE000  }
0xea: {  	s12 =	sor.u32 $0x180, s26;
	_ =	swait.ge [sflag:s21], $0x2000  }
0xeb: {  	s2 =	sadd.s32 $0x1880, s13;
	s14 =	simm.s32 $0x0;
	[sflag:s21] =	ssyncset.done $0x0  }
0xec: {  	s28 =	simm.s32 $0x0;
	s0 =	simm.s32 $0x45F0;
	[sflag:s21] =	ssyncadd.s32 $0xFFFFE000  }
0xed: {  	v1 =	vmov s2;
	[tilespmem:s16], [sflag:$0x4] =	stream.indirect.gather [hbm4b:s1+s9], $0x80, s12, s9, $0xb8;
	[tilespmem:$0x1DC80] =	vst v63  }
.LBB2_9:
0xee: {  	_ =	sdelay $0x2  }
0xef: {  	s2 =	sshll.u32 s28, $0x4  }
0xf0: {  	v2 =	vld.idx.msk [tilespmem:v1+s2+$0x0 ss:$0x1], $0xffff;
	_ =	sdelay $0x1  }
0xf1: {  	v3 =	vld [tilespmem:s0+$0xFFFFFE10]  }
0xf2: {  	v5 =	vld [tilespmem:s0+$0xFFFFFE20]  }
0xf3: {  	v4 =	vld [tilespmem:s0+$0x0];
	v6 =	vmov s14  }
0xf4: {  	v8 =	vld [tilespmem:s0+$0xFFFFFE40];
	s29 =	simm.s32 $0x3;
	v6 =	vperm.xlane v2, v6  }
0xf5: {  	v7 =	vld [tilespmem:s0+$0xFFFFFE30];
	v10 =	vmov s29  }
0xf6: {  	v12 =	vld [tilespmem:s0+$0xFFFFFE60];
	v11 =	vmul.f32 v3, v6;
	v3 =	vperm.xlane v2, v10  }
0xf7: {  	v10 =	vld [tilespmem:s0+$0xFFFFFE70];
	v5 =	vmul.f32 v5, v6  }
0xf8: {  	v9 =	vld [tilespmem:s0+$0xFFFFFE50];
	[tilespmem:s0+$0xFFFFFE10] =	vst v11;
	v4 =	vmul.f32 v4, v3  }
0xf9: {  	v11 =	vld [tilespmem:s0+$0xFFFFFE80];
	[tilespmem:s0+$0xFFFFFE20] =	vst v5;
	v5 =	vmul.f32 v8, v6  }
0xfa: {  	v13 =	vld [tilespmem:s0+$0xFFFFFE90];
	[tilespmem:s0+$0x0] =	vst v4;
	v4 =	vmul.f32 v7, v6  }
0xfb: {  	s30 =	simm.s32 $0x1;
	v14 =	vld [tilespmem:s0+$0xFFFFFEB0];
	[tilespmem:s0+$0xFFFFFE40] =	vst v5;
	v5 =	vmul.f32 v12, v6  }
0xfc: {  	v8 =	vmov s30;
	v7 =	vld [tilespmem:s0+$0xFFFFFEA0];
	v10 =	vmul.f32 v10, v6;
	[tilespmem:s0+$0xFFFFFE30] =	vst v4  }
0xfd: {  	v59 =	vld [tilespmem:s0+$0xFFFFFED0];
	v8 =	vperm.xlane v2, v8;
	v4 =	vmul.f32 v9, v6;
	[tilespmem:s0+$0xFFFFFE60] =	vst v5  }
0xfe: {  	v9 =	vld [tilespmem:s0+$0xFFFFFEC0];
	v6 =	vmul.f32 v11, v6;
	[tilespmem:s0+$0xFFFFFE70] =	vst v10  }
0xff: {  	v5 =	vld [tilespmem:s0+$0xFFFFFEF0];
	[tilespmem:s0+$0xFFFFFE50] =	vst v4;
	v4 =	vmul.f32 v13, v8  }
0x100: {  	v60 =	vld [tilespmem:s0+$0xFFFFFEE0];
	[tilespmem:s0+$0xFFFFFE80] =	vst v6;
	v6 =	vmul.f32 v14, v8  }
0x101: {  	[tilespmem:s0+$0xFFFFFE90] =	vst v4;
	v4 =	vmul.f32 v7, v8;
	v7 =	vld [tilespmem:s0+$0xFFFFFF00]  }
0x102: {  	v10 =	vld [tilespmem:s0+$0xFFFFFF10];
	[tilespmem:s0+$0xFFFFFEB0] =	vst v6;
	v6 =	vmul.f32 v59, v8  }
0x103: {  	s31 =	simm.s32 $0x2;
	[tilespmem:s0+$0xFFFFFEA0] =	vst v4;
	v4 =	vmul.f32 v9, v8;
	v9 =	vld [tilespmem:s0+$0xFFFFFF20]  }
0x104: {  	v61 =	vld [tilespmem:s0+$0xFFFFFF30];
	v11 =	vmov s31;
	v5 =	vmul.f32 v5, v8;
	[tilespmem:s0+$0xFFFFFED0] =	vst v6  }
0x105: {  	v62 =	vld [tilespmem:s0+$0xFFFFFF40];
	v11 =	vperm.xlane v2, v11;
	[tilespmem:s0+$0xFFFFFEC0] =	vst v4;
	v4 =	vmul.f32 v60, v8  }
0x106: {  	v6 =	vld [tilespmem:s0+$0xFFFFFF50];
	[tilespmem:s0+$0xFFFFFEF0] =	vst v5;
	v7 =	vmul.f32 v7, v8  }
0x107: {  	[tilespmem:s0+$0xFFFFFEE0] =	vst v4;
	v4 =	vmul.f32 v10, v11;
	v10 =	vld [tilespmem:s0+$0xFFFFFF60]  }
0x108: {  	v5 =	vld [tilespmem:s0+$0xFFFFFF70];
	v8 =	vmul.f32 v9, v11;
	[tilespmem:s0+$0xFFFFFF00] =	vst v7  }
0x109: {  	v7 =	vld [tilespmem:s0+$0xFFFFFF80];
	[tilespmem:s0+$0xFFFFFF10] =	vst v4;
	v4 =	vmul.f32 v61, v11  }
0x10a: {  	v9 =	vld [tilespmem:s0+$0xFFFFFF90];
	[tilespmem:s0+$0xFFFFFF20] =	vst v8;
	v8 =	vmul.f32 v62, v11  }
0x10b: {  	[tilespmem:s0+$0xFFFFFF30] =	vst v4;
	v4 =	vmul.f32 v6, v11;
	v6 =	vld [tilespmem:s0+$0xFFFFFFA0]  }
0x10c: {  	v63 =	vld [tilespmem:s0+$0xFFFFFFB0];
	[tilespmem:s0+$0xFFFFFF40] =	vst v8;
	v10 =	vmul.f32 v10, v11  }
0x10d: {  	v8 =	vld [tilespmem:s0+$0xFFFFFFC0];
	[tilespmem:s0+$0xFFFFFF50] =	vst v4;
	v4 =	vmul.f32 v5, v11  }
0x10e: {  	[tilespmem:s0+$0xFFFFFF60] =	vst v10;
	v10 =	vmul.f32 v7, v11;
	v7 =	vld [tilespmem:s0+$0xFFFFFFD0]  }
0x10f: {  	v5 =	vld [tilespmem:s0+$0xFFFFFFE0];
	v11 =	vmul.f32 v9, v3;
	[tilespmem:s0+$0xFFFFFF70] =	vst v4  }
0x110: {  	s2 =	sadd.s32 $0x200, s0;
	v4 =	vld [tilespmem:s0+$0xFFFFFFF0];
	[tilespmem:s0+$0xFFFFFF80] =	vst v10;
	v9 =	vmul.f32 v6, v3  }
0x111: {  	s6 =	simm.s32 $0x4;
	s8 =	simm.s32 $0x8;
	s7 =	smov.u32 s0;
	v6 =	vld [tilespmem:s2+$0x0];
	[tilespmem:s0+$0xFFFFFF90] =	vst v11;
	v10 =	vmul.f32 v63, v3  }
.LBB2_10:
0x112: {  	p1 =	slt.u32 s8, $0xC;
	v11 =	vld [tilespmem:s2+$0xFFFFFE10];
	s29 =	sadd.s32 $0x3, s6;
	[tilespmem:s7+$0xFFFFFFA0] =	vst v9;
	v8 =	vmul.f32 v8, v3  }
0x113: {  	v9 =	vld [tilespmem:s2+$0xFFFFFE20];
	v12 =	vmov s29;
	[tilespmem:s7+$0xFFFFFFB0] =	vst v10;
	v7 =	vmul.f32 v7, v3  }
0x114: {  	v10 =	vmov s6;
	v13 =	vld [tilespmem:s2+$0xFFFFFE30];
	v12 =	vperm.xlane v2, v12;
	[tilespmem:s7+$0xFFFFFFC0] =	vst v8;
	v5 =	vmul.f32 v5, v3  }
0x115: {  	v8 =	vperm.xlane v2, v10;
	v10 =	vld [tilespmem:s2+$0xFFFFFE40];
	[tilespmem:s7+$0xFFFFFFD0] =	vst v7;
	v4 =	vmul.f32 v4, v3  }
0x116: {  	v7 =	vld [tilespmem:s2+$0xFFFFFE50];
	v6 =	vmul.f32 v6, v12;
	[tilespmem:s7+$0xFFFFFFE0] =	vst v5;
	v3 =	vmov v12  }
0x117: {  	v5 =	vmul.f32 v11, v8;
	v11 =	vld [tilespmem:s2+$0xFFFFFE60];
	[tilespmem:s7+$0xFFFFFFF0] =	vst v4;
	s7 =	smov.u32 s2  }
0x118: {  	v4 =	vmul.f32 v9, v8;
	v9 =	vld [tilespmem:s2+$0xFFFFFE70];
	[tilespmem:s2+$0x0] =	vst v6  }
0x119: {  	[tilespmem:s2+$0xFFFFFE10] =	vst v5;
	v5 =	vmul.f32 v13, v8;
	v6 =	vld [tilespmem:s2+$0xFFFFFE80]  }
0x11a: {  	[tilespmem:s2+$0xFFFFFE20] =	vst v4;
	v4 =	vmul.f32 v10, v8;
	v10 =	vld [tilespmem:s2+$0xFFFFFE90]  }
0x11b: {  	s29 =	sadd.s32 $0x1, s6;
	[tilespmem:s2+$0xFFFFFE30] =	vst v5;
	v5 =	vmul.f32 v7, v8;
	v7 =	vld [tilespmem:s2+$0xFFFFFEA0]  }
0x11c: {  	[tilespmem:s2+$0xFFFFFE40] =	vst v4;
	v4 =	vmul.f32 v11, v8;
	v11 =	vmov s29;
	v12 =	vld [tilespmem:s2+$0xFFFFFEB0]  }
0x11d: {  	[tilespmem:s2+$0xFFFFFE50] =	vst v5;
	v5 =	vmul.f32 v9, v8;
	v9 =	vperm.xlane v2, v11;
	v11 =	vld [tilespmem:s2+$0xFFFFFEC0]  }
0x11e: {  	[tilespmem:s2+$0xFFFFFE60] =	vst v4;
	v4 =	vmul.f32 v6, v8;
	v6 =	vld [tilespmem:s2+$0xFFFFFED0]  }
0x11f: {  	[tilespmem:s2+$0xFFFFFE70] =	vst v5;
	v5 =	vmul.f32 v10, v9;
	v8 =	vld [tilespmem:s2+$0xFFFFFEE0]  }
0x120: {  	[tilespmem:s2+$0xFFFFFE80] =	vst v4;
	v4 =	vmul.f32 v7, v9;
	v7 =	vld [tilespmem:s2+$0xFFFFFEF0]  }
0x121: {  	[tilespmem:s2+$0xFFFFFE90] =	vst v5;
	v5 =	vmul.f32 v12, v9;
	v10 =	vld [tilespmem:s2+$0xFFFFFF00]  }
0x122: {  	[tilespmem:s2+$0xFFFFFEA0] =	vst v4;
	v4 =	vmul.f32 v11, v9;
	v11 =	vld [tilespmem:s2+$0xFFFFFF10]  }
0x123: {  	s29 =	sadd.s32 $0x2, s6;
	s6 =	smov.u32 s8;
	[tilespmem:s2+$0xFFFFFEB0] =	vst v5;
	v5 =	vmul.f32 v6, v9;
	v6 =	vld [tilespmem:s2+$0xFFFFFF20]  }
0x124: {  	[tilespmem:s2+$0xFFFFFEC0] =	vst v4;
	v4 =	vmul.f32 v8, v9;
	v8 =	vmov s29;
	v12 =	vld [tilespmem:s2+$0xFFFFFF30]  }
0x125: {  	[tilespmem:s2+$0xFFFFFED0] =	vst v5;
	v5 =	vmul.f32 v7, v9;
	v7 =	vperm.xlane v2, v8;
	v8 =	vld [tilespmem:s2+$0xFFFFFF40]  }
0x126: {  	[tilespmem:s2+$0xFFFFFEE0] =	vst v4;
	v4 =	vmul.f32 v10, v9;
	v9 =	vld [tilespmem:s2+$0xFFFFFF50]  }
0x127: {  	[tilespmem:s2+$0xFFFFFEF0] =	vst v5;
	v5 =	vmul.f32 v11, v7;
	v10 =	vld [tilespmem:s2+$0xFFFFFF60]  }
0x128: {  	[tilespmem:s2+$0xFFFFFF00] =	vst v4;
	v4 =	vmul.f32 v6, v7;
	v6 =	vld [tilespmem:s2+$0xFFFFFF70]  }
0x129: {  	[tilespmem:s2+$0xFFFFFF10] =	vst v5;
	v5 =	vmul.f32 v12, v7;
	v11 =	vld [tilespmem:s2+$0xFFFFFF80]  }
0x12a: {  	[tilespmem:s2+$0xFFFFFF20] =	vst v4;
	v4 =	vmul.f32 v8, v7;
	v12 =	vld [tilespmem:s2+$0xFFFFFF90]  }
0x12b: {  	[tilespmem:s2+$0xFFFFFF30] =	vst v5;
	v5 =	vmul.f32 v9, v7;
	v9 =	vld [tilespmem:s2+$0xFFFFFFA0]  }
0x12c: {  	[tilespmem:s2+$0xFFFFFF40] =	vst v4;
	v4 =	vmul.f32 v10, v7;
	v10 =	vld [tilespmem:s2+$0xFFFFFFB0]  }
.Ltmp3:
0x12d: {  	[tilespmem:s2+$0xFFFFFF50] =	vst v5;
	v5 =	vmul.f32 v6, v7;
	v8 =	vld [tilespmem:s2+$0xFFFFFFC0];
	(pc) =	sbr.rel @p1 .LBB2_10-.Ltmp3, $4  }
0x12e: {  	[tilespmem:s2+$0xFFFFFF60] =	vst v4;
	v4 =	vmul.f32 v11, v7;
	v7 =	vld [tilespmem:s2+$0xFFFFFFD0]  }
0x12f: {  	[tilespmem:s2+$0xFFFFFF70] =	vst v5;
	v11 =	vmul.f32 v12, v3;
	v5 =	vld [tilespmem:s2+$0xFFFFFFE0]  }
0x130: {  	s2 =	sadd.s32 $0x200, s2;
	[tilespmem:s7+$0xFFFFFF80] =	vst v4;
	v9 =	vmul.f32 v9, v3;
	v4 =	vld [tilespmem:s7+$0xFFFFFFF0]  }
0x131: {  	s8 =	sadd.s32 $0x4, s8;
	v6 =	vld [tilespmem:s2+$0x0];
	[tilespmem:s7+$0xFFFFFF90] =	vst v11;
	v10 =	vmul.f32 v10, v3  }
0x132: {  	v11 =	vld [tilespmem:s2+$0xFFFFFE10];
	[tilespmem:s7+$0xFFFFFFA0] =	vst v9;
	v8 =	vmul.f32 v8, v3;
	s8 =	sadd.s32 $0x3, s6  }
0x133: {  	v12 =	vld [tilespmem:s2+$0xFFFFFE20];
	[tilespmem:s7+$0xFFFFFFB0] =	vst v10;
	v7 =	vmul.f32 v7, v3;
	v15 =	vmov s8  }
0x134: {  	v13 =	vmov s6;
	v14 =	vld [tilespmem:s2+$0xFFFFFE30];
	[tilespmem:s7+$0xFFFFFFC0] =	vst v8;
	v15 =	vperm.xlane v2, v15;
	v5 =	vmul.f32 v5, v3  }
0x135: {  	v22 =	vld [tilespmem:s2+$0xFFFFFE50];
	v20 =	vperm.xlane v2, v13;
	[tilespmem:s7+$0xFFFFFFD0] =	vst v7;
	v3 =	vmul.f32 v4, v3  }
0x136: {  	v28 =	vld [tilespmem:s2+$0xFFFFFE90];
	v26 =	vmul.f32 v6, v15;
	[tilespmem:s7+$0xFFFFFFE0] =	vst v5  }
0x137: {  	v25 =	vld [tilespmem:s2+$0xFFFFFE70];
	s30 =	sadd.s32 $0x1, s6;
	v23 =	vmul.f32 v11, v20;
	[tilespmem:s7+$0xFFFFFFF0] =	vst v3  }
0x138: {  	v21 =	vld [tilespmem:s2+$0xFFFFFE40];
	v31 =	vmov s30;
	v3 =	vmul.f32 v12, v20;
	[tilespmem:s2+$0x0] =	vst v26  }
0x139: {  	v27 =	vld [tilespmem:s2+$0xFFFFFE80];
	v34 =	vperm.xlane v2, v31;
	v29 =	vmul.f32 v14, v20;
	[tilespmem:s2+$0xFFFFFE10] =	vst v23  }
0x13a: {  	v24 =	vld [tilespmem:s2+$0xFFFFFE60];
	v33 =	vmul.f32 v22, v20;
	[tilespmem:s2+$0xFFFFFE20] =	vst v3  }
0x13b: {  	v30 =	vld [tilespmem:s2+$0xFFFFFEA0];
	v37 =	vmul.f32 v28, v34;
	[tilespmem:s2+$0xFFFFFE30] =	vst v29  }
0x13c: {  	v32 =	vld [tilespmem:s2+$0xFFFFFEB0];
	v7 =	vmul.f32 v25, v20;
	[tilespmem:s2+$0xFFFFFE50] =	vst v33  }
0x13d: {  	v35 =	vld [tilespmem:s2+$0xFFFFFEC0];
	v3 =	vmul.f32 v21, v20;
	[tilespmem:s2+$0xFFFFFE90] =	vst v37  }
0x13e: {  	v36 =	vld [tilespmem:s2+$0xFFFFFED0];
	v5 =	vmul.f32 v27, v20;
	[tilespmem:s2+$0xFFFFFE70] =	vst v7  }
0x13f: {  	v38 =	vld [tilespmem:s2+$0xFFFFFEE0];
	[tilespmem:s2+$0xFFFFFE40] =	vst v3;
	v3 =	vmul.f32 v24, v20  }
0x140: {  	v42 =	vld [tilespmem:s2+$0xFFFFFF10];
	v39 =	vmul.f32 v30, v34;
	[tilespmem:s2+$0xFFFFFE80] =	vst v5  }
0x141: {  	s31 =	sadd.s32 $0x2, s6;
	v41 =	vmul.f32 v32, v34;
	[tilespmem:s2+$0xFFFFFE60] =	vst v3;
	v3 =	vld [tilespmem:s2+$0xFFFFFEF0]  }
0x142: {  	v44 =	vld [tilespmem:s2+$0xFFFFFF20];
	v46 =	vmov s31;
	v43 =	vmul.f32 v35, v34;
	[tilespmem:s2+$0xFFFFFEA0] =	vst v39  }
0x143: {  	v47 =	vld [tilespmem:s2+$0xFFFFFF30];
	v2 =	vperm.xlane v2, v46;
	v45 =	vmul.f32 v36, v34;
	[tilespmem:s2+$0xFFFFFEB0] =	vst v41  }
0x144: {  	v49 =	vld [tilespmem:s2+$0xFFFFFF40];
	v48 =	vmul.f32 v38, v34;
	[tilespmem:s2+$0xFFFFFEC0] =	vst v43  }
0x145: {  	v50 =	vld [tilespmem:s2+$0xFFFFFF50];
	v51 =	vmul.f32 v42, v2;
	[tilespmem:s2+$0xFFFFFED0] =	vst v45  }
0x146: {  	v52 =	vld [tilespmem:s2+$0xFFFFFF60];
	[tilespmem:s2+$0xFFFFFEE0] =	vst v48;
	v3 =	vmul.f32 v3, v34  }
0x147: {  	v40 =	vld [tilespmem:s2+$0xFFFFFF00];
	v9 =	vmul.f32 v44, v2;
	[tilespmem:s2+$0xFFFFFF10] =	vst v51  }
0x148: {  	v53 =	vmul.f32 v47, v2;
	[tilespmem:s2+$0xFFFFFEF0] =	vst v3;
	v3 =	vld [tilespmem:s2+$0xFFFFFF70]  }
0x149: {  	v54 =	vld [tilespmem:s2+$0xFFFFFF80];
	v6 =	vmul.f32 v49, v2;
	[tilespmem:s2+$0xFFFFFF20] =	vst v9  }
0x14a: {  	v55 =	vld [tilespmem:s2+$0xFFFFFF90];
	v56 =	vmul.f32 v50, v2;
	[tilespmem:s2+$0xFFFFFF30] =	vst v53  }
0x14b: {  	v57 =	vld [tilespmem:s2+$0xFFFFFFA0];
	v58 =	vmul.f32 v52, v2;
	[tilespmem:s2+$0xFFFFFF40] =	vst v6  }
0x14c: {  	v59 =	vld [tilespmem:s2+$0xFFFFFFB0];
	v7 =	vmul.f32 v40, v34;
	[tilespmem:s2+$0xFFFFFF50] =	vst v56  }
0x14d: {  	v60 =	vld [tilespmem:s2+$0xFFFFFFC0];
	[tilespmem:s2+$0xFFFFFF60] =	vst v58;
	v3 =	vmul.f32 v3, v2  }
0x14e: {  	v61 =	vld [tilespmem:s2+$0xFFFFFFD0];
	[tilespmem:s2+$0xFFFFFF00] =	vst v7;
	v2 =	vmul.f32 v54, v2  }
0x14f: {  	v62 =	vld [tilespmem:s2+$0xFFFFFFE0];
	[tilespmem:s2+$0xFFFFFF70] =	vst v3;
	v3 =	vmul.f32 v55, v15  }
0x150: {  	v63 =	vld [tilespmem:s2+$0xFFFFFFF0];
	[tilespmem:s2+$0xFFFFFF80] =	vst v2;
	v2 =	vmul.f32 v57, v15  }
0x151: {  	s28 =	sadd.s32 $0x1, s28;
	[tilespmem:s2+$0xFFFFFF90] =	vst v3;
	v3 =	vmul.f32 v59, v15  }
0x152: {  	p1 =	sne.s32 s28, $0x4;
	[tilespmem:s2+$0xFFFFFFA0] =	vst v2;
	v2 =	vmul.f32 v60, v15  }
.Ltmp4:
0x153: {  	[tilespmem:s2+$0xFFFFFFB0] =	vst v3;
	v3 =	vmul.f32 v61, v15;
	(pc) =	sbr.rel @p1 .LBB2_9-.Ltmp4, $4  }
0x154: {  	[tilespmem:s2+$0xFFFFFFC0] =	vst v2;
	v2 =	vmul.f32 v62, v15  }
0x155: {  	[tilespmem:s2+$0xFFFFFFD0] =	vst v3;
	v3 =	vmul.f32 v63, v15  }
0x156: {  	[tilespmem:s2+$0xFFFFFFE0] =	vst v2  }
0x157: {  	s0 =	sadd.s32 $0x800, s0;
	[tilespmem:s2+$0xFFFFFFF0] =	vst v3  }
0x158: {  	s0 =	sadd.s32 $0xC80, s13  }
0x159: {  	[spmem:s3] =	stream.indirect.scatter.add.f32 [tilespmem:s11], [sflag:$0x6], $0x80, s0, s9, $0xb8;
	[tilespmem:$0x1DC80] =	vst v63  }
0x15a: {  	_ =	swait.ge [sflag:s22], $0x2000  }
0x15b: {  	[sflag:s22] =	ssyncset.done $0x0  }
0x15c: {  	[sflag:s22] =	ssyncadd.s32 $0xFFFFE000  }
0x15d: {  	s29 =	sor.u32 $0x200, s26;
	_ =	swait.ge [sflag:s23], $0x2000  }
0x15e: {  	s2 =	sadd.s32 $0x1800, s4;
	s13 =	simm.s32 $0x0;
	[sflag:s23] =	ssyncset.done $0x0  }
0x15f: {  	s14 =	simm.s32 $0x0;
	s0 =	simm.s32 $0x65F0;
	[sflag:s23] =	ssyncadd.s32 $0xFFFFE000  }
0x160: {  	v1 =	vmov s2;
	[tilespmem:s10], [sflag:$0x1] =	stream.indirect.gather [hbm4b:s1+s9], $0x80, s29, s9, $0xb8;
	[tilespmem:$0x1DC80] =	vst v63  }
.LBB2_13:
0x161: {  	_ =	sdelay $0x2  }
0x162: {  	s2 =	sshll.u32 s14, $0x4  }
0x163: {  	v2 =	vld.idx.msk [tilespmem:v1+s2+$0x0 ss:$0x1], $0xffff;
	_ =	sdelay $0x1  }
0x164: {  	v3 =	vld [tilespmem:s0+$0xFFFFFE10]  }
0x165: {  	v5 =	vld [tilespmem:s0+$0xFFFFFE20]  }
0x166: {  	v4 =	vld [tilespmem:s0+$0x0];
	v6 =	vmov s13  }
0x167: {  	v8 =	vld [tilespmem:s0+$0xFFFFFE40];
	s28 =	simm.s32 $0x3;
	v6 =	vperm.xlane v2, v6  }
0x168: {  	v7 =	vld [tilespmem:s0+$0xFFFFFE30];
	v10 =	vmov s28  }
0x169: {  	v12 =	vld [tilespmem:s0+$0xFFFFFE60];
	v11 =	vmul.f32 v3, v6;
	v3 =	vperm.xlane v2, v10  }
0x16a: {  	v10 =	vld [tilespmem:s0+$0xFFFFFE70];
	v5 =	vmul.f32 v5, v6  }
0x16b: {  	v9 =	vld [tilespmem:s0+$0xFFFFFE50];
	[tilespmem:s0+$0xFFFFFE10] =	vst v11;
	v4 =	vmul.f32 v4, v3  }
0x16c: {  	v11 =	vld [tilespmem:s0+$0xFFFFFE80];
	[tilespmem:s0+$0xFFFFFE20] =	vst v5;
	v5 =	vmul.f32 v8, v6  }
0x16d: {  	v13 =	vld [tilespmem:s0+$0xFFFFFE90];
	[tilespmem:s0+$0x0] =	vst v4;
	v4 =	vmul.f32 v7, v6  }
0x16e: {  	s30 =	simm.s32 $0x1;
	v14 =	vld [tilespmem:s0+$0xFFFFFEB0];
	[tilespmem:s0+$0xFFFFFE40] =	vst v5;
	v5 =	vmul.f32 v12, v6  }
0x16f: {  	v8 =	vmov s30;
	v7 =	vld [tilespmem:s0+$0xFFFFFEA0];
	v10 =	vmul.f32 v10, v6;
	[tilespmem:s0+$0xFFFFFE30] =	vst v4  }
0x170: {  	v59 =	vld [tilespmem:s0+$0xFFFFFED0];
	v8 =	vperm.xlane v2, v8;
	v4 =	vmul.f32 v9, v6;
	[tilespmem:s0+$0xFFFFFE60] =	vst v5  }
0x171: {  	v9 =	vld [tilespmem:s0+$0xFFFFFEC0];
	v6 =	vmul.f32 v11, v6;
	[tilespmem:s0+$0xFFFFFE70] =	vst v10  }
0x172: {  	v5 =	vld [tilespmem:s0+$0xFFFFFEF0];
	[tilespmem:s0+$0xFFFFFE50] =	vst v4;
	v4 =	vmul.f32 v13, v8  }
0x173: {  	v60 =	vld [tilespmem:s0+$0xFFFFFEE0];
	[tilespmem:s0+$0xFFFFFE80] =	vst v6;
	v6 =	vmul.f32 v14, v8  }
0x174: {  	[tilespmem:s0+$0xFFFFFE90] =	vst v4;
	v4 =	vmul.f32 v7, v8;
	v7 =	vld [tilespmem:s0+$0xFFFFFF00]  }
0x175: {  	v10 =	vld [tilespmem:s0+$0xFFFFFF10];
	[tilespmem:s0+$0xFFFFFEB0] =	vst v6;
	v6 =	vmul.f32 v59, v8  }
0x176: {  	s31 =	simm.s32 $0x2;
	[tilespmem:s0+$0xFFFFFEA0] =	vst v4;
	v4 =	vmul.f32 v9, v8;
	v9 =	vld [tilespmem:s0+$0xFFFFFF20]  }
0x177: {  	v61 =	vld [tilespmem:s0+$0xFFFFFF30];
	v11 =	vmov s31;
	v5 =	vmul.f32 v5, v8;
	[tilespmem:s0+$0xFFFFFED0] =	vst v6  }
0x178: {  	v62 =	vld [tilespmem:s0+$0xFFFFFF40];
	v11 =	vperm.xlane v2, v11;
	[tilespmem:s0+$0xFFFFFEC0] =	vst v4;
	v4 =	vmul.f32 v60, v8  }
0x179: {  	v6 =	vld [tilespmem:s0+$0xFFFFFF50];
	[tilespmem:s0+$0xFFFFFEF0] =	vst v5;
	v7 =	vmul.f32 v7, v8  }
0x17a: {  	[tilespmem:s0+$0xFFFFFEE0] =	vst v4;
	v4 =	vmul.f32 v10, v11;
	v10 =	vld [tilespmem:s0+$0xFFFFFF60]  }
0x17b: {  	v5 =	vld [tilespmem:s0+$0xFFFFFF70];
	v8 =	vmul.f32 v9, v11;
	[tilespmem:s0+$0xFFFFFF00] =	vst v7  }
0x17c: {  	v7 =	vld [tilespmem:s0+$0xFFFFFF80];
	[tilespmem:s0+$0xFFFFFF10] =	vst v4;
	v4 =	vmul.f32 v61, v11  }
0x17d: {  	v9 =	vld [tilespmem:s0+$0xFFFFFF90];
	[tilespmem:s0+$0xFFFFFF20] =	vst v8;
	v8 =	vmul.f32 v62, v11  }
0x17e: {  	[tilespmem:s0+$0xFFFFFF30] =	vst v4;
	v4 =	vmul.f32 v6, v11;
	v6 =	vld [tilespmem:s0+$0xFFFFFFA0]  }
0x17f: {  	v63 =	vld [tilespmem:s0+$0xFFFFFFB0];
	[tilespmem:s0+$0xFFFFFF40] =	vst v8;
	v10 =	vmul.f32 v10, v11  }
0x180: {  	v8 =	vld [tilespmem:s0+$0xFFFFFFC0];
	[tilespmem:s0+$0xFFFFFF50] =	vst v4;
	v4 =	vmul.f32 v5, v11  }
0x181: {  	[tilespmem:s0+$0xFFFFFF60] =	vst v10;
	v10 =	vmul.f32 v7, v11;
	v7 =	vld [tilespmem:s0+$0xFFFFFFD0]  }
0x182: {  	v5 =	vld [tilespmem:s0+$0xFFFFFFE0];
	v11 =	vmul.f32 v9, v3;
	[tilespmem:s0+$0xFFFFFF70] =	vst v4  }
0x183: {  	s2 =	sadd.s32 $0x200, s0;
	v4 =	vld [tilespmem:s0+$0xFFFFFFF0];
	[tilespmem:s0+$0xFFFFFF80] =	vst v10;
	v9 =	vmul.f32 v6, v3  }
0x184: {  	s6 =	simm.s32 $0x4;
	s8 =	simm.s32 $0x8;
	s7 =	smov.u32 s0;
	v6 =	vld [tilespmem:s2+$0x0];
	[tilespmem:s0+$0xFFFFFF90] =	vst v11;
	v10 =	vmul.f32 v63, v3  }
.LBB2_14:
0x185: {  	p1 =	slt.u32 s8, $0xC;
	v11 =	vld [tilespmem:s2+$0xFFFFFE10];
	s28 =	sadd.s32 $0x3, s6;
	[tilespmem:s7+$0xFFFFFFA0] =	vst v9;
	v8 =	vmul.f32 v8, v3  }
0x186: {  	v9 =	vld [tilespmem:s2+$0xFFFFFE20];
	v12 =	vmov s28;
	[tilespmem:s7+$0xFFFFFFB0] =	vst v10;
	v7 =	vmul.f32 v7, v3  }
0x187: {  	v10 =	vmov s6;
	v13 =	vld [tilespmem:s2+$0xFFFFFE30];
	v12 =	vperm.xlane v2, v12;
	[tilespmem:s7+$0xFFFFFFC0] =	vst v8;
	v5 =	vmul.f32 v5, v3  }
0x188: {  	v8 =	vperm.xlane v2, v10;
	v10 =	vld [tilespmem:s2+$0xFFFFFE40];
	[tilespmem:s7+$0xFFFFFFD0] =	vst v7;
	v4 =	vmul.f32 v4, v3  }
0x189: {  	v7 =	vld [tilespmem:s2+$0xFFFFFE50];
	v6 =	vmul.f32 v6, v12;
	[tilespmem:s7+$0xFFFFFFE0] =	vst v5;
	v3 =	vmov v12  }
0x18a: {  	v5 =	vmul.f32 v11, v8;
	v11 =	vld [tilespmem:s2+$0xFFFFFE60];
	[tilespmem:s7+$0xFFFFFFF0] =	vst v4;
	s7 =	smov.u32 s2  }
0x18b: {  	v4 =	vmul.f32 v9, v8;
	v9 =	vld [tilespmem:s2+$0xFFFFFE70];
	[tilespmem:s2+$0x0] =	vst v6  }
0x18c: {  	[tilespmem:s2+$0xFFFFFE10] =	vst v5;
	v5 =	vmul.f32 v13, v8;
	v6 =	vld [tilespmem:s2+$0xFFFFFE80]  }
0x18d: {  	[tilespmem:s2+$0xFFFFFE20] =	vst v4;
	v4 =	vmul.f32 v10, v8;
	v10 =	vld [tilespmem:s2+$0xFFFFFE90]  }
0x18e: {  	s28 =	sadd.s32 $0x1, s6;
	[tilespmem:s2+$0xFFFFFE30] =	vst v5;
	v5 =	vmul.f32 v7, v8;
	v7 =	vld [tilespmem:s2+$0xFFFFFEA0]  }
0x18f: {  	[tilespmem:s2+$0xFFFFFE40] =	vst v4;
	v4 =	vmul.f32 v11, v8;
	v11 =	vmov s28;
	v12 =	vld [tilespmem:s2+$0xFFFFFEB0]  }
0x190: {  	[tilespmem:s2+$0xFFFFFE50] =	vst v5;
	v5 =	vmul.f32 v9, v8;
	v9 =	vperm.xlane v2, v11;
	v11 =	vld [tilespmem:s2+$0xFFFFFEC0]  }
0x191: {  	[tilespmem:s2+$0xFFFFFE60] =	vst v4;
	v4 =	vmul.f32 v6, v8;
	v6 =	vld [tilespmem:s2+$0xFFFFFED0]  }
0x192: {  	[tilespmem:s2+$0xFFFFFE70] =	vst v5;
	v5 =	vmul.f32 v10, v9;
	v8 =	vld [tilespmem:s2+$0xFFFFFEE0]  }
0x193: {  	[tilespmem:s2+$0xFFFFFE80] =	vst v4;
	v4 =	vmul.f32 v7, v9;
	v7 =	vld [tilespmem:s2+$0xFFFFFEF0]  }
0x194: {  	[tilespmem:s2+$0xFFFFFE90] =	vst v5;
	v5 =	vmul.f32 v12, v9;
	v10 =	vld [tilespmem:s2+$0xFFFFFF00]  }
0x195: {  	[tilespmem:s2+$0xFFFFFEA0] =	vst v4;
	v4 =	vmul.f32 v11, v9;
	v11 =	vld [tilespmem:s2+$0xFFFFFF10]  }
0x196: {  	s28 =	sadd.s32 $0x2, s6;
	s6 =	smov.u32 s8;
	[tilespmem:s2+$0xFFFFFEB0] =	vst v5;
	v5 =	vmul.f32 v6, v9;
	v6 =	vld [tilespmem:s2+$0xFFFFFF20]  }
0x197: {  	[tilespmem:s2+$0xFFFFFEC0] =	vst v4;
	v4 =	vmul.f32 v8, v9;
	v8 =	vmov s28;
	v12 =	vld [tilespmem:s2+$0xFFFFFF30]  }
0x198: {  	[tilespmem:s2+$0xFFFFFED0] =	vst v5;
	v5 =	vmul.f32 v7, v9;
	v7 =	vperm.xlane v2, v8;
	v8 =	vld [tilespmem:s2+$0xFFFFFF40]  }
0x199: {  	[tilespmem:s2+$0xFFFFFEE0] =	vst v4;
	v4 =	vmul.f32 v10, v9;
	v9 =	vld [tilespmem:s2+$0xFFFFFF50]  }
0x19a: {  	[tilespmem:s2+$0xFFFFFEF0] =	vst v5;
	v5 =	vmul.f32 v11, v7;
	v10 =	vld [tilespmem:s2+$0xFFFFFF60]  }
0x19b: {  	[tilespmem:s2+$0xFFFFFF00] =	vst v4;
	v4 =	vmul.f32 v6, v7;
	v6 =	vld [tilespmem:s2+$0xFFFFFF70]  }
0x19c: {  	[tilespmem:s2+$0xFFFFFF10] =	vst v5;
	v5 =	vmul.f32 v12, v7;
	v11 =	vld [tilespmem:s2+$0xFFFFFF80]  }
0x19d: {  	[tilespmem:s2+$0xFFFFFF20] =	vst v4;
	v4 =	vmul.f32 v8, v7;
	v12 =	vld [tilespmem:s2+$0xFFFFFF90]  }
0x19e: {  	[tilespmem:s2+$0xFFFFFF30] =	vst v5;
	v5 =	vmul.f32 v9, v7;
	v9 =	vld [tilespmem:s2+$0xFFFFFFA0]  }
0x19f: {  	[tilespmem:s2+$0xFFFFFF40] =	vst v4;
	v4 =	vmul.f32 v10, v7;
	v10 =	vld [tilespmem:s2+$0xFFFFFFB0]  }
.Ltmp5:
0x1a0: {  	[tilespmem:s2+$0xFFFFFF50] =	vst v5;
	v5 =	vmul.f32 v6, v7;
	v8 =	vld [tilespmem:s2+$0xFFFFFFC0];
	(pc) =	sbr.rel @p1 .LBB2_14-.Ltmp5, $4  }
0x1a1: {  	[tilespmem:s2+$0xFFFFFF60] =	vst v4;
	v4 =	vmul.f32 v11, v7;
	v7 =	vld [tilespmem:s2+$0xFFFFFFD0]  }
0x1a2: {  	[tilespmem:s2+$0xFFFFFF70] =	vst v5;
	v11 =	vmul.f32 v12, v3;
	v5 =	vld [tilespmem:s2+$0xFFFFFFE0]  }
0x1a3: {  	s2 =	sadd.s32 $0x200, s2;
	[tilespmem:s7+$0xFFFFFF80] =	vst v4;
	v9 =	vmul.f32 v9, v3;
	v4 =	vld [tilespmem:s7+$0xFFFFFFF0]  }
0x1a4: {  	s8 =	sadd.s32 $0x4, s8;
	v6 =	vld [tilespmem:s2+$0x0];
	[tilespmem:s7+$0xFFFFFF90] =	vst v11;
	v10 =	vmul.f32 v10, v3  }
0x1a5: {  	v11 =	vld [tilespmem:s2+$0xFFFFFE10];
	[tilespmem:s7+$0xFFFFFFA0] =	vst v9;
	v8 =	vmul.f32 v8, v3;
	s8 =	sadd.s32 $0x3, s6  }
0x1a6: {  	v12 =	vld [tilespmem:s2+$0xFFFFFE20];
	[tilespmem:s7+$0xFFFFFFB0] =	vst v10;
	v7 =	vmul.f32 v7, v3;
	v15 =	vmov s8  }
0x1a7: {  	v13 =	vmov s6;
	v14 =	vld [tilespmem:s2+$0xFFFFFE30];
	[tilespmem:s7+$0xFFFFFFC0] =	vst v8;
	v15 =	vperm.xlane v2, v15;
	v5 =	vmul.f32 v5, v3  }
0x1a8: {  	v22 =	vld [tilespmem:s2+$0xFFFFFE50];
	v20 =	vperm.xlane v2, v13;
	[tilespmem:s7+$0xFFFFFFD0] =	vst v7;
	v3 =	vmul.f32 v4, v3  }
0x1a9: {  	v28 =	vld [tilespmem:s2+$0xFFFFFE90];
	v26 =	vmul.f32 v6, v15;
	[tilespmem:s7+$0xFFFFFFE0] =	vst v5  }
0x1aa: {  	v25 =	vld [tilespmem:s2+$0xFFFFFE70];
	s30 =	sadd.s32 $0x1, s6;
	v23 =	vmul.f32 v11, v20;
	[tilespmem:s7+$0xFFFFFFF0] =	vst v3  }
0x1ab: {  	v21 =	vld [tilespmem:s2+$0xFFFFFE40];
	v31 =	vmov s30;
	v3 =	vmul.f32 v12, v20;
	[tilespmem:s2+$0x0] =	vst v26  }
0x1ac: {  	v27 =	vld [tilespmem:s2+$0xFFFFFE80];
	v34 =	vperm.xlane v2, v31;
	v29 =	vmul.f32 v14, v20;
	[tilespmem:s2+$0xFFFFFE10] =	vst v23  }
0x1ad: {  	v24 =	vld [tilespmem:s2+$0xFFFFFE60];
	v33 =	vmul.f32 v22, v20;
	[tilespmem:s2+$0xFFFFFE20] =	vst v3  }
0x1ae: {  	v30 =	vld [tilespmem:s2+$0xFFFFFEA0];
	v37 =	vmul.f32 v28, v34;
	[tilespmem:s2+$0xFFFFFE30] =	vst v29  }
0x1af: {  	v32 =	vld [tilespmem:s2+$0xFFFFFEB0];
	v7 =	vmul.f32 v25, v20;
	[tilespmem:s2+$0xFFFFFE50] =	vst v33  }
0x1b0: {  	v35 =	vld [tilespmem:s2+$0xFFFFFEC0];
	v3 =	vmul.f32 v21, v20;
	[tilespmem:s2+$0xFFFFFE90] =	vst v37  }
0x1b1: {  	v36 =	vld [tilespmem:s2+$0xFFFFFED0];
	v5 =	vmul.f32 v27, v20;
	[tilespmem:s2+$0xFFFFFE70] =	vst v7  }
0x1b2: {  	v38 =	vld [tilespmem:s2+$0xFFFFFEE0];
	[tilespmem:s2+$0xFFFFFE40] =	vst v3;
	v3 =	vmul.f32 v24, v20  }
0x1b3: {  	v42 =	vld [tilespmem:s2+$0xFFFFFF10];
	v39 =	vmul.f32 v30, v34;
	[tilespmem:s2+$0xFFFFFE80] =	vst v5  }
0x1b4: {  	s31 =	sadd.s32 $0x2, s6;
	v41 =	vmul.f32 v32, v34;
	[tilespmem:s2+$0xFFFFFE60] =	vst v3;
	v3 =	vld [tilespmem:s2+$0xFFFFFEF0]  }
0x1b5: {  	v44 =	vld [tilespmem:s2+$0xFFFFFF20];
	v46 =	vmov s31;
	v43 =	vmul.f32 v35, v34;
	[tilespmem:s2+$0xFFFFFEA0] =	vst v39  }
0x1b6: {  	v47 =	vld [tilespmem:s2+$0xFFFFFF30];
	v2 =	vperm.xlane v2, v46;
	v45 =	vmul.f32 v36, v34;
	[tilespmem:s2+$0xFFFFFEB0] =	vst v41  }
0x1b7: {  	v49 =	vld [tilespmem:s2+$0xFFFFFF40];
	v48 =	vmul.f32 v38, v34;
	[tilespmem:s2+$0xFFFFFEC0] =	vst v43  }
0x1b8: {  	v50 =	vld [tilespmem:s2+$0xFFFFFF50];
	v51 =	vmul.f32 v42, v2;
	[tilespmem:s2+$0xFFFFFED0] =	vst v45  }
0x1b9: {  	v52 =	vld [tilespmem:s2+$0xFFFFFF60];
	[tilespmem:s2+$0xFFFFFEE0] =	vst v48;
	v3 =	vmul.f32 v3, v34  }
0x1ba: {  	v40 =	vld [tilespmem:s2+$0xFFFFFF00];
	v9 =	vmul.f32 v44, v2;
	[tilespmem:s2+$0xFFFFFF10] =	vst v51  }
0x1bb: {  	v53 =	vmul.f32 v47, v2;
	[tilespmem:s2+$0xFFFFFEF0] =	vst v3;
	v3 =	vld [tilespmem:s2+$0xFFFFFF70]  }
0x1bc: {  	v54 =	vld [tilespmem:s2+$0xFFFFFF80];
	v6 =	vmul.f32 v49, v2;
	[tilespmem:s2+$0xFFFFFF20] =	vst v9  }
0x1bd: {  	v55 =	vld [tilespmem:s2+$0xFFFFFF90];
	v56 =	vmul.f32 v50, v2;
	[tilespmem:s2+$0xFFFFFF30] =	vst v53  }
0x1be: {  	v57 =	vld [tilespmem:s2+$0xFFFFFFA0];
	v58 =	vmul.f32 v52, v2;
	[tilespmem:s2+$0xFFFFFF40] =	vst v6  }
0x1bf: {  	v59 =	vld [tilespmem:s2+$0xFFFFFFB0];
	v7 =	vmul.f32 v40, v34;
	[tilespmem:s2+$0xFFFFFF50] =	vst v56  }
0x1c0: {  	v60 =	vld [tilespmem:s2+$0xFFFFFFC0];
	[tilespmem:s2+$0xFFFFFF60] =	vst v58;
	v3 =	vmul.f32 v3, v2  }
0x1c1: {  	v61 =	vld [tilespmem:s2+$0xFFFFFFD0];
	[tilespmem:s2+$0xFFFFFF00] =	vst v7;
	v2 =	vmul.f32 v54, v2  }
0x1c2: {  	v62 =	vld [tilespmem:s2+$0xFFFFFFE0];
	[tilespmem:s2+$0xFFFFFF70] =	vst v3;
	v3 =	vmul.f32 v55, v15  }
0x1c3: {  	v63 =	vld [tilespmem:s2+$0xFFFFFFF0];
	[tilespmem:s2+$0xFFFFFF80] =	vst v2;
	v2 =	vmul.f32 v57, v15  }
0x1c4: {  	s14 =	sadd.s32 $0x1, s14;
	[tilespmem:s2+$0xFFFFFF90] =	vst v3;
	v3 =	vmul.f32 v59, v15  }
0x1c5: {  	p1 =	sne.s32 s14, $0x4;
	[tilespmem:s2+$0xFFFFFFA0] =	vst v2;
	v2 =	vmul.f32 v60, v15  }
.Ltmp6:
0x1c6: {  	[tilespmem:s2+$0xFFFFFFB0] =	vst v3;
	v3 =	vmul.f32 v61, v15;
	(pc) =	sbr.rel @p1 .LBB2_13-.Ltmp6, $4  }
0x1c7: {  	[tilespmem:s2+$0xFFFFFFC0] =	vst v2;
	v2 =	vmul.f32 v62, v15  }
0x1c8: {  	[tilespmem:s2+$0xFFFFFFD0] =	vst v3;
	v3 =	vmul.f32 v63, v15  }
0x1c9: {  	[tilespmem:s2+$0xFFFFFFE0] =	vst v2  }
0x1ca: {  	s0 =	sadd.s32 $0x800, s0;
	[tilespmem:s2+$0xFFFFFFF0] =	vst v3  }
0x1cb: {  	s0 =	sadd.s32 $0xC00, s4  }
0x1cc: {  	[spmem:s3] =	stream.indirect.scatter.add.f32 [tilespmem:s19], [sflag:$0x7], $0x80, s0, s9, $0xb8;
	[tilespmem:$0x1DC80] =	vst v63  }
0x1cd: {  	_ =	swait.ge [sflag:s24], $0x2000  }
0x1ce: {  	[sflag:s24] =	ssyncset.done $0x0  }
0x1cf: {  	[sflag:s24] =	ssyncadd.s32 $0xFFFFE000  }
0x1d0: {  	s4 =	sor.u32 $0x280, s26;
	_ =	swait.ge [sflag:s25], $0x2000  }
0x1d1: {  	s2 =	sadd.s32 $0x1800, s12;
	s13 =	simm.s32 $0x0;
	[sflag:s25] =	ssyncset.done $0x0  }
0x1d2: {  	s14 =	simm.s32 $0x0;
	s0 =	simm.s32 $0x85F0;
	[sflag:s25] =	ssyncadd.s32 $0xFFFFE000  }
0x1d3: {  	v1 =	vmov s2;
	[tilespmem:s11], [sflag:$0x2] =	stream.indirect.gather [hbm4b:s1+s9], $0x80, s4, s9, $0xb8;
	[tilespmem:$0x1DC80] =	vst v63  }
.LBB2_17:
0x1d4: {  	_ =	sdelay $0x2  }
0x1d5: {  	s2 =	sshll.u32 s14, $0x4  }
0x1d6: {  	v2 =	vld.idx.msk [tilespmem:v1+s2+$0x0 ss:$0x1], $0xffff;
	_ =	sdelay $0x1  }
0x1d7: {  	v3 =	vld [tilespmem:s0+$0xFFFFFE10]  }
0x1d8: {  	v5 =	vld [tilespmem:s0+$0xFFFFFE20]  }
0x1d9: {  	v4 =	vld [tilespmem:s0+$0x0];
	v6 =	vmov s13  }
0x1da: {  	v8 =	vld [tilespmem:s0+$0xFFFFFE40];
	s28 =	simm.s32 $0x3;
	v6 =	vperm.xlane v2, v6  }
0x1db: {  	v7 =	vld [tilespmem:s0+$0xFFFFFE30];
	v10 =	vmov s28  }
0x1dc: {  	v12 =	vld [tilespmem:s0+$0xFFFFFE60];
	v11 =	vmul.f32 v3, v6;
	v3 =	vperm.xlane v2, v10  }
0x1dd: {  	v10 =	vld [tilespmem:s0+$0xFFFFFE70];
	v5 =	vmul.f32 v5, v6  }
0x1de: {  	v9 =	vld [tilespmem:s0+$0xFFFFFE50];
	[tilespmem:s0+$0xFFFFFE10] =	vst v11;
	v4 =	vmul.f32 v4, v3  }
0x1df: {  	v11 =	vld [tilespmem:s0+$0xFFFFFE80];
	[tilespmem:s0+$0xFFFFFE20] =	vst v5;
	v5 =	vmul.f32 v8, v6  }
0x1e0: {  	v13 =	vld [tilespmem:s0+$0xFFFFFE90];
	[tilespmem:s0+$0x0] =	vst v4;
	v4 =	vmul.f32 v7, v6  }
0x1e1: {  	s30 =	simm.s32 $0x1;
	v14 =	vld [tilespmem:s0+$0xFFFFFEB0];
	[tilespmem:s0+$0xFFFFFE40] =	vst v5;
	v5 =	vmul.f32 v12, v6  }
0x1e2: {  	v8 =	vmov s30;
	v7 =	vld [tilespmem:s0+$0xFFFFFEA0];
	v10 =	vmul.f32 v10, v6;
	[tilespmem:s0+$0xFFFFFE30] =	vst v4  }
0x1e3: {  	v59 =	vld [tilespmem:s0+$0xFFFFFED0];
	v8 =	vperm.xlane v2, v8;
	v4 =	vmul.f32 v9, v6;
	[tilespmem:s0+$0xFFFFFE60] =	vst v5  }
0x1e4: {  	v9 =	vld [tilespmem:s0+$0xFFFFFEC0];
	v6 =	vmul.f32 v11, v6;
	[tilespmem:s0+$0xFFFFFE70] =	vst v10  }
0x1e5: {  	v5 =	vld [tilespmem:s0+$0xFFFFFEF0];
	[tilespmem:s0+$0xFFFFFE50] =	vst v4;
	v4 =	vmul.f32 v13, v8  }
0x1e6: {  	v60 =	vld [tilespmem:s0+$0xFFFFFEE0];
	[tilespmem:s0+$0xFFFFFE80] =	vst v6;
	v6 =	vmul.f32 v14, v8  }
0x1e7: {  	[tilespmem:s0+$0xFFFFFE90] =	vst v4;
	v4 =	vmul.f32 v7, v8;
	v7 =	vld [tilespmem:s0+$0xFFFFFF00]  }
0x1e8: {  	v10 =	vld [tilespmem:s0+$0xFFFFFF10];
	[tilespmem:s0+$0xFFFFFEB0] =	vst v6;
	v6 =	vmul.f32 v59, v8  }
0x1e9: {  	s31 =	simm.s32 $0x2;
	[tilespmem:s0+$0xFFFFFEA0] =	vst v4;
	v4 =	vmul.f32 v9, v8;
	v9 =	vld [tilespmem:s0+$0xFFFFFF20]  }
0x1ea: {  	v61 =	vld [tilespmem:s0+$0xFFFFFF30];
	v11 =	vmov s31;
	v5 =	vmul.f32 v5, v8;
	[tilespmem:s0+$0xFFFFFED0] =	vst v6  }
0x1eb: {  	v62 =	vld [tilespmem:s0+$0xFFFFFF40];
	v11 =	vperm.xlane v2, v11;
	[tilespmem:s0+$0xFFFFFEC0] =	vst v4;
	v4 =	vmul.f32 v60, v8  }
0x1ec: {  	v6 =	vld [tilespmem:s0+$0xFFFFFF50];
	[tilespmem:s0+$0xFFFFFEF0] =	vst v5;
	v7 =	vmul.f32 v7, v8  }
0x1ed: {  	[tilespmem:s0+$0xFFFFFEE0] =	vst v4;
	v4 =	vmul.f32 v10, v11;
	v10 =	vld [tilespmem:s0+$0xFFFFFF60]  }
0x1ee: {  	v5 =	vld [tilespmem:s0+$0xFFFFFF70];
	v8 =	vmul.f32 v9, v11;
	[tilespmem:s0+$0xFFFFFF00] =	vst v7  }
0x1ef: {  	v7 =	vld [tilespmem:s0+$0xFFFFFF80];
	[tilespmem:s0+$0xFFFFFF10] =	vst v4;
	v4 =	vmul.f32 v61, v11  }
0x1f0: {  	v9 =	vld [tilespmem:s0+$0xFFFFFF90];
	[tilespmem:s0+$0xFFFFFF20] =	vst v8;
	v8 =	vmul.f32 v62, v11  }
0x1f1: {  	[tilespmem:s0+$0xFFFFFF30] =	vst v4;
	v4 =	vmul.f32 v6, v11;
	v6 =	vld [tilespmem:s0+$0xFFFFFFA0]  }
0x1f2: {  	v63 =	vld [tilespmem:s0+$0xFFFFFFB0];
	[tilespmem:s0+$0xFFFFFF40] =	vst v8;
	v10 =	vmul.f32 v10, v11  }
0x1f3: {  	v8 =	vld [tilespmem:s0+$0xFFFFFFC0];
	[tilespmem:s0+$0xFFFFFF50] =	vst v4;
	v4 =	vmul.f32 v5, v11  }
0x1f4: {  	[tilespmem:s0+$0xFFFFFF60] =	vst v10;
	v10 =	vmul.f32 v7, v11;
	v7 =	vld [tilespmem:s0+$0xFFFFFFD0]  }
0x1f5: {  	v5 =	vld [tilespmem:s0+$0xFFFFFFE0];
	v11 =	vmul.f32 v9, v3;
	[tilespmem:s0+$0xFFFFFF70] =	vst v4  }
0x1f6: {  	s2 =	sadd.s32 $0x200, s0;
	v4 =	vld [tilespmem:s0+$0xFFFFFFF0];
	[tilespmem:s0+$0xFFFFFF80] =	vst v10;
	v9 =	vmul.f32 v6, v3  }
0x1f7: {  	s6 =	simm.s32 $0x4;
	s8 =	simm.s32 $0x8;
	s7 =	smov.u32 s0;
	v6 =	vld [tilespmem:s2+$0x0];
	[tilespmem:s0+$0xFFFFFF90] =	vst v11;
	v10 =	vmul.f32 v63, v3  }
.LBB2_18:
0x1f8: {  	p1 =	slt.u32 s8, $0xC;
	v11 =	vld [tilespmem:s2+$0xFFFFFE10];
	s28 =	sadd.s32 $0x3, s6;
	[tilespmem:s7+$0xFFFFFFA0] =	vst v9;
	v8 =	vmul.f32 v8, v3  }
0x1f9: {  	v9 =	vld [tilespmem:s2+$0xFFFFFE20];
	v12 =	vmov s28;
	[tilespmem:s7+$0xFFFFFFB0] =	vst v10;
	v7 =	vmul.f32 v7, v3  }
0x1fa: {  	v10 =	vmov s6;
	v13 =	vld [tilespmem:s2+$0xFFFFFE30];
	v12 =	vperm.xlane v2, v12;
	[tilespmem:s7+$0xFFFFFFC0] =	vst v8;
	v5 =	vmul.f32 v5, v3  }
0x1fb: {  	v8 =	vperm.xlane v2, v10;
	v10 =	vld [tilespmem:s2+$0xFFFFFE40];
	[tilespmem:s7+$0xFFFFFFD0] =	vst v7;
	v4 =	vmul.f32 v4, v3  }
0x1fc: {  	v7 =	vld [tilespmem:s2+$0xFFFFFE50];
	v6 =	vmul.f32 v6, v12;
	[tilespmem:s7+$0xFFFFFFE0] =	vst v5;
	v3 =	vmov v12  }
0x1fd: {  	v5 =	vmul.f32 v11, v8;
	v11 =	vld [tilespmem:s2+$0xFFFFFE60];
	[tilespmem:s7+$0xFFFFFFF0] =	vst v4;
	s7 =	smov.u32 s2  }
0x1fe: {  	v4 =	vmul.f32 v9, v8;
	v9 =	vld [tilespmem:s2+$0xFFFFFE70];
	[tilespmem:s2+$0x0] =	vst v6  }
0x1ff: {  	[tilespmem:s2+$0xFFFFFE10] =	vst v5;
	v5 =	vmul.f32 v13, v8;
	v6 =	vld [tilespmem:s2+$0xFFFFFE80]  }
0x200: {  	[tilespmem:s2+$0xFFFFFE20] =	vst v4;
	v4 =	vmul.f32 v10, v8;
	v10 =	vld [tilespmem:s2+$0xFFFFFE90]  }
0x201: {  	s28 =	sadd.s32 $0x1, s6;
	[tilespmem:s2+$0xFFFFFE30] =	vst v5;
	v5 =	vmul.f32 v7, v8;
	v7 =	vld [tilespmem:s2+$0xFFFFFEA0]  }
0x202: {  	[tilespmem:s2+$0xFFFFFE40] =	vst v4;
	v4 =	vmul.f32 v11, v8;
	v11 =	vmov s28;
	v12 =	vld [tilespmem:s2+$0xFFFFFEB0]  }
0x203: {  	[tilespmem:s2+$0xFFFFFE50] =	vst v5;
	v5 =	vmul.f32 v9, v8;
	v9 =	vperm.xlane v2, v11;
	v11 =	vld [tilespmem:s2+$0xFFFFFEC0]  }
0x204: {  	[tilespmem:s2+$0xFFFFFE60] =	vst v4;
	v4 =	vmul.f32 v6, v8;
	v6 =	vld [tilespmem:s2+$0xFFFFFED0]  }
0x205: {  	[tilespmem:s2+$0xFFFFFE70] =	vst v5;
	v5 =	vmul.f32 v10, v9;
	v8 =	vld [tilespmem:s2+$0xFFFFFEE0]  }
0x206: {  	[tilespmem:s2+$0xFFFFFE80] =	vst v4;
	v4 =	vmul.f32 v7, v9;
	v7 =	vld [tilespmem:s2+$0xFFFFFEF0]  }
0x207: {  	[tilespmem:s2+$0xFFFFFE90] =	vst v5;
	v5 =	vmul.f32 v12, v9;
	v10 =	vld [tilespmem:s2+$0xFFFFFF00]  }
0x208: {  	[tilespmem:s2+$0xFFFFFEA0] =	vst v4;
	v4 =	vmul.f32 v11, v9;
	v11 =	vld [tilespmem:s2+$0xFFFFFF10]  }
0x209: {  	s28 =	sadd.s32 $0x2, s6;
	s6 =	smov.u32 s8;
	[tilespmem:s2+$0xFFFFFEB0] =	vst v5;
	v5 =	vmul.f32 v6, v9;
	v6 =	vld [tilespmem:s2+$0xFFFFFF20]  }
0x20a: {  	[tilespmem:s2+$0xFFFFFEC0] =	vst v4;
	v4 =	vmul.f32 v8, v9;
	v8 =	vmov s28;
	v12 =	vld [tilespmem:s2+$0xFFFFFF30]  }
0x20b: {  	[tilespmem:s2+$0xFFFFFED0] =	vst v5;
	v5 =	vmul.f32 v7, v9;
	v7 =	vperm.xlane v2, v8;
	v8 =	vld [tilespmem:s2+$0xFFFFFF40]  }
0x20c: {  	[tilespmem:s2+$0xFFFFFEE0] =	vst v4;
	v4 =	vmul.f32 v10, v9;
	v9 =	vld [tilespmem:s2+$0xFFFFFF50]  }
0x20d: {  	[tilespmem:s2+$0xFFFFFEF0] =	vst v5;
	v5 =	vmul.f32 v11, v7;
	v10 =	vld [tilespmem:s2+$0xFFFFFF60]  }
0x20e: {  	[tilespmem:s2+$0xFFFFFF00] =	vst v4;
	v4 =	vmul.f32 v6, v7;
	v6 =	vld [tilespmem:s2+$0xFFFFFF70]  }
0x20f: {  	[tilespmem:s2+$0xFFFFFF10] =	vst v5;
	v5 =	vmul.f32 v12, v7;
	v11 =	vld [tilespmem:s2+$0xFFFFFF80]  }
0x210: {  	[tilespmem:s2+$0xFFFFFF20] =	vst v4;
	v4 =	vmul.f32 v8, v7;
	v12 =	vld [tilespmem:s2+$0xFFFFFF90]  }
0x211: {  	[tilespmem:s2+$0xFFFFFF30] =	vst v5;
	v5 =	vmul.f32 v9, v7;
	v9 =	vld [tilespmem:s2+$0xFFFFFFA0]  }
0x212: {  	[tilespmem:s2+$0xFFFFFF40] =	vst v4;
	v4 =	vmul.f32 v10, v7;
	v10 =	vld [tilespmem:s2+$0xFFFFFFB0]  }
.Ltmp7:
0x213: {  	[tilespmem:s2+$0xFFFFFF50] =	vst v5;
	v5 =	vmul.f32 v6, v7;
	v8 =	vld [tilespmem:s2+$0xFFFFFFC0];
	(pc) =	sbr.rel @p1 .LBB2_18-.Ltmp7, $4  }
0x214: {  	[tilespmem:s2+$0xFFFFFF60] =	vst v4;
	v4 =	vmul.f32 v11, v7;
	v7 =	vld [tilespmem:s2+$0xFFFFFFD0]  }
0x215: {  	[tilespmem:s2+$0xFFFFFF70] =	vst v5;
	v11 =	vmul.f32 v12, v3;
	v5 =	vld [tilespmem:s2+$0xFFFFFFE0]  }
0x216: {  	s2 =	sadd.s32 $0x200, s2;
	[tilespmem:s7+$0xFFFFFF80] =	vst v4;
	v9 =	vmul.f32 v9, v3;
	v4 =	vld [tilespmem:s7+$0xFFFFFFF0]  }
0x217: {  	s8 =	sadd.s32 $0x4, s8;
	v6 =	vld [tilespmem:s2+$0x0];
	[tilespmem:s7+$0xFFFFFF90] =	vst v11;
	v10 =	vmul.f32 v10, v3  }
0x218: {  	v11 =	vld [tilespmem:s2+$0xFFFFFE10];
	[tilespmem:s7+$0xFFFFFFA0] =	vst v9;
	v8 =	vmul.f32 v8, v3;
	s8 =	sadd.s32 $0x3, s6  }
0x219: {  	v12 =	vld [tilespmem:s2+$0xFFFFFE20];
	[tilespmem:s7+$0xFFFFFFB0] =	vst v10;
	v7 =	vmul.f32 v7, v3;
	v15 =	vmov s8  }
0x21a: {  	v13 =	vmov s6;
	v14 =	vld [tilespmem:s2+$0xFFFFFE30];
	[tilespmem:s7+$0xFFFFFFC0] =	vst v8;
	v15 =	vperm.xlane v2, v15;
	v5 =	vmul.f32 v5, v3  }
0x21b: {  	v22 =	vld [tilespmem:s2+$0xFFFFFE50];
	v20 =	vperm.xlane v2, v13;
	[tilespmem:s7+$0xFFFFFFD0] =	vst v7;
	v3 =	vmul.f32 v4, v3  }
0x21c: {  	v28 =	vld [tilespmem:s2+$0xFFFFFE90];
	v26 =	vmul.f32 v6, v15;
	[tilespmem:s7+$0xFFFFFFE0] =	vst v5  }
0x21d: {  	v25 =	vld [tilespmem:s2+$0xFFFFFE70];
	s30 =	sadd.s32 $0x1, s6;
	v23 =	vmul.f32 v11, v20;
	[tilespmem:s7+$0xFFFFFFF0] =	vst v3  }
0x21e: {  	v21 =	vld [tilespmem:s2+$0xFFFFFE40];
	v31 =	vmov s30;
	v3 =	vmul.f32 v12, v20;
	[tilespmem:s2+$0x0] =	vst v26  }
0x21f: {  	v27 =	vld [tilespmem:s2+$0xFFFFFE80];
	v34 =	vperm.xlane v2, v31;
	v29 =	vmul.f32 v14, v20;
	[tilespmem:s2+$0xFFFFFE10] =	vst v23  }
0x220: {  	v24 =	vld [tilespmem:s2+$0xFFFFFE60];
	v33 =	vmul.f32 v22, v20;
	[tilespmem:s2+$0xFFFFFE20] =	vst v3  }
0x221: {  	v30 =	vld [tilespmem:s2+$0xFFFFFEA0];
	v37 =	vmul.f32 v28, v34;
	[tilespmem:s2+$0xFFFFFE30] =	vst v29  }
0x222: {  	v32 =	vld [tilespmem:s2+$0xFFFFFEB0];
	v7 =	vmul.f32 v25, v20;
	[tilespmem:s2+$0xFFFFFE50] =	vst v33  }
0x223: {  	v35 =	vld [tilespmem:s2+$0xFFFFFEC0];
	v3 =	vmul.f32 v21, v20;
	[tilespmem:s2+$0xFFFFFE90] =	vst v37  }
0x224: {  	v36 =	vld [tilespmem:s2+$0xFFFFFED0];
	v5 =	vmul.f32 v27, v20;
	[tilespmem:s2+$0xFFFFFE70] =	vst v7  }
0x225: {  	v38 =	vld [tilespmem:s2+$0xFFFFFEE0];
	[tilespmem:s2+$0xFFFFFE40] =	vst v3;
	v3 =	vmul.f32 v24, v20  }
0x226: {  	v42 =	vld [tilespmem:s2+$0xFFFFFF10];
	v39 =	vmul.f32 v30, v34;
	[tilespmem:s2+$0xFFFFFE80] =	vst v5  }
0x227: {  	s31 =	sadd.s32 $0x2, s6;
	v41 =	vmul.f32 v32, v34;
	[tilespmem:s2+$0xFFFFFE60] =	vst v3;
	v3 =	vld [tilespmem:s2+$0xFFFFFEF0]  }
0x228: {  	v44 =	vld [tilespmem:s2+$0xFFFFFF20];
	v46 =	vmov s31;
	v43 =	vmul.f32 v35, v34;
	[tilespmem:s2+$0xFFFFFEA0] =	vst v39  }
0x229: {  	v47 =	vld [tilespmem:s2+$0xFFFFFF30];
	v2 =	vperm.xlane v2, v46;
	v45 =	vmul.f32 v36, v34;
	[tilespmem:s2+$0xFFFFFEB0] =	vst v41  }
0x22a: {  	v49 =	vld [tilespmem:s2+$0xFFFFFF40];
	v48 =	vmul.f32 v38, v34;
	[tilespmem:s2+$0xFFFFFEC0] =	vst v43  }
0x22b: {  	v50 =	vld [tilespmem:s2+$0xFFFFFF50];
	v51 =	vmul.f32 v42, v2;
	[tilespmem:s2+$0xFFFFFED0] =	vst v45  }
0x22c: {  	v52 =	vld [tilespmem:s2+$0xFFFFFF60];
	[tilespmem:s2+$0xFFFFFEE0] =	vst v48;
	v3 =	vmul.f32 v3, v34  }
0x22d: {  	v40 =	vld [tilespmem:s2+$0xFFFFFF00];
	v9 =	vmul.f32 v44, v2;
	[tilespmem:s2+$0xFFFFFF10] =	vst v51  }
0x22e: {  	v53 =	vmul.f32 v47, v2;
	[tilespmem:s2+$0xFFFFFEF0] =	vst v3;
	v3 =	vld [tilespmem:s2+$0xFFFFFF70]  }
0x22f: {  	v54 =	vld [tilespmem:s2+$0xFFFFFF80];
	v6 =	vmul.f32 v49, v2;
	[tilespmem:s2+$0xFFFFFF20] =	vst v9  }
0x230: {  	v55 =	vld [tilespmem:s2+$0xFFFFFF90];
	v56 =	vmul.f32 v50, v2;
	[tilespmem:s2+$0xFFFFFF30] =	vst v53  }
0x231: {  	v57 =	vld [tilespmem:s2+$0xFFFFFFA0];
	v58 =	vmul.f32 v52, v2;
	[tilespmem:s2+$0xFFFFFF40] =	vst v6  }
0x232: {  	v59 =	vld [tilespmem:s2+$0xFFFFFFB0];
	v7 =	vmul.f32 v40, v34;
	[tilespmem:s2+$0xFFFFFF50] =	vst v56  }
0x233: {  	v60 =	vld [tilespmem:s2+$0xFFFFFFC0];
	[tilespmem:s2+$0xFFFFFF60] =	vst v58;
	v3 =	vmul.f32 v3, v2  }
0x234: {  	v61 =	vld [tilespmem:s2+$0xFFFFFFD0];
	[tilespmem:s2+$0xFFFFFF00] =	vst v7;
	v2 =	vmul.f32 v54, v2  }
0x235: {  	v62 =	vld [tilespmem:s2+$0xFFFFFFE0];
	[tilespmem:s2+$0xFFFFFF70] =	vst v3;
	v3 =	vmul.f32 v55, v15  }
0x236: {  	v63 =	vld [tilespmem:s2+$0xFFFFFFF0];
	[tilespmem:s2+$0xFFFFFF80] =	vst v2;
	v2 =	vmul.f32 v57, v15  }
0x237: {  	s14 =	sadd.s32 $0x1, s14;
	[tilespmem:s2+$0xFFFFFF90] =	vst v3;
	v3 =	vmul.f32 v59, v15  }
0x238: {  	p1 =	sne.s32 s14, $0x4;
	[tilespmem:s2+$0xFFFFFFA0] =	vst v2;
	v2 =	vmul.f32 v60, v15  }
.Ltmp8:
0x239: {  	[tilespmem:s2+$0xFFFFFFB0] =	vst v3;
	v3 =	vmul.f32 v61, v15;
	(pc) =	sbr.rel @p1 .LBB2_17-.Ltmp8, $4  }
0x23a: {  	[tilespmem:s2+$0xFFFFFFC0] =	vst v2;
	v2 =	vmul.f32 v62, v15  }
0x23b: {  	[tilespmem:s2+$0xFFFFFFD0] =	vst v3;
	v3 =	vmul.f32 v63, v15  }
0x23c: {  	[tilespmem:s2+$0xFFFFFFE0] =	vst v2  }
0x23d: {  	s0 =	sadd.s32 $0x800, s0;
	[tilespmem:s2+$0xFFFFFFF0] =	vst v3  }
0x23e: {  	p1 =	sgt.u32 s15, $0x11  }
.Ltmp9:
0x23f: {  	_ = 	snop;
	(pc) =	sbr.rel @p1 .LBB2_24-.Ltmp9, $3  }
0x240: {  	_ =	sdelay $0x1  }
0x241: {  	s0 =	sadd.s32 $0xC00, s12  }
0x242: {  	[spmem:s3] =	stream.indirect.scatter.add.f32 [tilespmem:s16], [sflag:$0x8], $0x80, s0, s9, $0xb8;
	[tilespmem:$0x1DC80] =	vst v63  }
0x243: {  	s0 =	sadd.s32 $0x2, s15  }
0x244: {  	s2 =	smul.u32 $0xAB, s0;
	_ =	sdelay $0x1  }
0x245: {  	s2 =	sshrl.u32 s2, $0x9  }
0x246: {  	s2 =	sand.u32 $0x7F, s2  }
0x247: {  	s2 =	smul.u32 $0x3, s2;
	_ =	sdelay $0x1  }
0x248: {  	s2 =	ssub.s32 s0, s2  }
0x249: {  	s7 =	sand.u32 $0xFF, s2  }
0x24a: {  	p1 =	seq.s32 s7, $0x2  }
.Ltmp10:
0x24b: {  	s28 =	rddreg [dreg:$0x5];
	s0 =	sshll.u32 s0, $0xA;
	(pc) =	sbr.rel @p1 .LBB2_23-.Ltmp10, $4  }
0x24c: {  	s30 =	rddreg [dreg:$0x1];
	s0 =	sadd.s32 s28, s0  }
0x24d: {  	s31 =	rddreg [dreg:$0x6];
	s0 =	sshrl.u32 s0, $0x3  }
0x24e: {  	s5 =	rddreg [dreg:$0x7];
	s6 =	sadd.s32 s30, s0  }
0x24f: {  	s2 =	sadd.s32 s31, s0;
	s0 =	sadd.s32 s5, s0;
	s5 =	simm.s32 $0x0  }
0x250: {  	p1 =	seq.s32 s7, $0x1  }
0x251: {  	[tilespmem:s5], [sflag:$0x9] =	stream.linear.gather @!p1 [hbm4b:s6+s5], $0x400, $0x38;
	[tilespmem:$0x1DC80] =	vst v63  }
0x252: {  	s6 =	simm.s32 @!p1 $0xC00  }
0x253: {  	[tilespmem:s6], [sflag:$0x9] =	stream.linear.gather @!p1 [hbm4b:s2+s5], $0x400, $0x38;
	[tilespmem:$0x1DC80] =	vst v63  }
0x254: {  	s2 =	simm.s32 @!p1 $0x1800  }
0x255: {  	[tilespmem:s2], [sflag:$0x9] =	stream.linear.gather @!p1 [hbm4b:s0+s5], $0x400, $0x38;
	[tilespmem:$0x1DC80] =	vst v63  }
0x256: {  	s7 =	simm.s32 @p1 $0x400  }
0x257: {  	[tilespmem:s7], [sflag:$0xA] =	stream.linear.gather @p1 [hbm4b:s6+s5], $0x400, $0x38;
	[tilespmem:$0x1DC80] =	vst v63  }
.Ltmp11:
0x258: {  	_ = 	snop;
	(pc) =	sbr.rel .LBB2_24-.Ltmp11, $4  }
0x259: {  	s6 =	simm.s32 @p1 $0x1000  }
0x25a: {  	[tilespmem:s6], [sflag:$0xA] =	stream.linear.gather @p1 [hbm4b:s2+s5], $0x400, $0x38;
	[tilespmem:$0x1DC80] =	vst v63  }
0x25b: {  	s2 =	simm.s32 @p1 $0x1C00  }
0x25c: {  	[tilespmem:s2], [sflag:$0xA] =	stream.linear.gather @p1 [hbm4b:s0+s5], $0x400, $0x38;
	[tilespmem:$0x1DC80] =	vst v63  }
.LBB2_23:
0x25d: {  	s7 =	simm.s32 $0x800  }
0x25e: {  	[tilespmem:s7], [sflag:$0xB] =	stream.linear.gather [hbm4b:s6+s5], $0x400, $0x38;
	[tilespmem:$0x1DC80] =	vst v63  }
0x25f: {  	s30 =	simm.s32 $0x1400  }
0x260: {  	[tilespmem:s30], [sflag:$0xB] =	stream.linear.gather [hbm4b:s2+s5], $0x400, $0x38;
	[tilespmem:$0x1DC80] =	vst v63  }
0x261: {  	s31 =	simm.s32 $0x2000  }
0x262: {  	[tilespmem:s31], [sflag:$0xB] =	stream.linear.gather [hbm4b:s0+s5], $0x400, $0x38;
	[tilespmem:$0x1DC80] =	vst v63  }
.LBB2_24:
0x263: {  	s28 =	sadd.s32 $0x1, s15;
	_ =	swait.ge [sflag:s17], $0x2000  }
0x264: {  	s0 =	smul.u32 $0xAB, s28;
	[sflag:s17] =	ssyncset.done $0x0  }
0x265: {  	[sflag:s17] =	ssyncadd.s32 $0xFFFFE000  }
0x266: {  	s0 =	sshrl.u32 s0, $0x9;
	_ =	swait.ge [sflag:s18], $0x2000  }
0x267: {  	s0 =	sand.u32 $0x7F, s0;
	[sflag:s18] =	ssyncset.done $0x0  }
0x268: {  	s12 =	sor.u32 $0x300, s26;
	s0 =	smul.u32 $0x3, s0;
	[sflag:s18] =	ssyncadd.s32 $0xFFFFE000  }
0x269: {  	[tilespmem:s19], [sflag:$0x3] =	stream.indirect.gather [hbm4b:s1+s9], $0x80, s12, s9, $0xb8;
	[tilespmem:$0x1DC80] =	vst v63  }
0x26a: {  	s2 =	sadd.s32 $0x1800, s29;
	s8 =	simm.s32 $0x2500;
	s14 =	ssub.s32 s28, s0  }
0x26b: {  	v1 =	vmov s2;
	s2 =	simm.s32 $0x0;
	s0 =	simm.s32 $0x0;
	s13 =	sand.u32 $0xFF, s14  }
.LBB2_25:
0x26c: {  	_ =	sdelay $0x2  }
0x26d: {  	s6 =	sshll.u32 s2, $0x4  }
0x26e: {  	v2 =	vld.idx.msk [tilespmem:v1+s6+$0x0 ss:$0x1], $0xffff;
	_ =	sdelay $0x1  }
0x26f: {  	v3 =	vld [tilespmem:s8+$0xFFFFFF00]  }
0x270: {  	v5 =	vld [tilespmem:s8+$0xFFFFFF10]  }
0x271: {  	v4 =	vld [tilespmem:s8+$0xF0];
	v6 =	vmov s0  }
0x272: {  	v8 =	vld [tilespmem:s8+$0xFFFFFF30];
	s7 =	simm.s32 $0x3;
	v6 =	vperm.xlane v2, v6  }
0x273: {  	v7 =	vld [tilespmem:s8+$0xFFFFFF20];
	v10 =	vmov s7  }
0x274: {  	v12 =	vld [tilespmem:s8+$0xFFFFFF50];
	v11 =	vmul.f32 v3, v6;
	v3 =	vperm.xlane v2, v10  }
0x275: {  	v10 =	vld [tilespmem:s8+$0xFFFFFF60];
	v5 =	vmul.f32 v5, v6  }
0x276: {  	v9 =	vld [tilespmem:s8+$0xFFFFFF40];
	[tilespmem:s8+$0xFFFFFF00] =	vst v11;
	v4 =	vmul.f32 v4, v3  }
0x277: {  	v11 =	vld [tilespmem:s8+$0xFFFFFF70];
	[tilespmem:s8+$0xFFFFFF10] =	vst v5;
	v5 =	vmul.f32 v8, v6  }
0x278: {  	v13 =	vld [tilespmem:s8+$0xFFFFFF80];
	[tilespmem:s8+$0xF0] =	vst v4;
	v4 =	vmul.f32 v7, v6  }
0x279: {  	s5 =	simm.s32 $0x1;
	v14 =	vld [tilespmem:s8+$0xFFFFFFA0];
	[tilespmem:s8+$0xFFFFFF30] =	vst v5;
	v5 =	vmul.f32 v12, v6  }
0x27a: {  	v8 =	vmov s5;
	v7 =	vld [tilespmem:s8+$0xFFFFFF90];
	v10 =	vmul.f32 v10, v6;
	[tilespmem:s8+$0xFFFFFF20] =	vst v4  }
0x27b: {  	v59 =	vld [tilespmem:s8+$0xFFFFFFC0];
	v8 =	vperm.xlane v2, v8;
	v4 =	vmul.f32 v9, v6;
	[tilespmem:s8+$0xFFFFFF50] =	vst v5  }
0x27c: {  	v9 =	vld [tilespmem:s8+$0xFFFFFFB0];
	v6 =	vmul.f32 v11, v6;
	[tilespmem:s8+$0xFFFFFF60] =	vst v10  }
0x27d: {  	v5 =	vld [tilespmem:s8+$0xFFFFFFE0];
	[tilespmem:s8+$0xFFFFFF40] =	vst v4;
	v4 =	vmul.f32 v13, v8  }
0x27e: {  	v60 =	vld [tilespmem:s8+$0xFFFFFFD0];
	[tilespmem:s8+$0xFFFFFF70] =	vst v6;
	v6 =	vmul.f32 v14, v8  }
0x27f: {  	[tilespmem:s8+$0xFFFFFF80] =	vst v4;
	v4 =	vmul.f32 v7, v8;
	v7 =	vld [tilespmem:s8+$0xFFFFFFF0]  }
0x280: {  	v10 =	vld [tilespmem:s8+$0x0];
	[tilespmem:s8+$0xFFFFFFA0] =	vst v6;
	v6 =	vmul.f32 v59, v8  }
0x281: {  	s7 =	simm.s32 $0x2;
	[tilespmem:s8+$0xFFFFFF90] =	vst v4;
	v4 =	vmul.f32 v9, v8;
	v9 =	vld [tilespmem:s8+$0x10]  }
0x282: {  	v61 =	vld [tilespmem:s8+$0x20];
	v11 =	vmov s7;
	v5 =	vmul.f32 v5, v8;
	[tilespmem:s8+$0xFFFFFFC0] =	vst v6  }
0x283: {  	v62 =	vld [tilespmem:s8+$0x30];
	v11 =	vperm.xlane v2, v11;
	[tilespmem:s8+$0xFFFFFFB0] =	vst v4;
	v4 =	vmul.f32 v60, v8  }
0x284: {  	v6 =	vld [tilespmem:s8+$0x40];
	[tilespmem:s8+$0xFFFFFFE0] =	vst v5;
	v7 =	vmul.f32 v7, v8  }
0x285: {  	[tilespmem:s8+$0xFFFFFFD0] =	vst v4;
	v4 =	vmul.f32 v10, v11;
	v10 =	vld [tilespmem:s8+$0x50]  }
0x286: {  	v5 =	vld [tilespmem:s8+$0x60];
	v8 =	vmul.f32 v9, v11;
	[tilespmem:s8+$0xFFFFFFF0] =	vst v7  }
0x287: {  	v7 =	vld [tilespmem:s8+$0x70];
	[tilespmem:s8+$0x0] =	vst v4;
	v4 =	vmul.f32 v61, v11  }
0x288: {  	v9 =	vld [tilespmem:s8+$0x80];
	[tilespmem:s8+$0x10] =	vst v8;
	v8 =	vmul.f32 v62, v11  }
0x289: {  	[tilespmem:s8+$0x20] =	vst v4;
	v4 =	vmul.f32 v6, v11;
	v6 =	vld [tilespmem:s8+$0x90]  }
0x28a: {  	v63 =	vld [tilespmem:s8+$0xA0];
	[tilespmem:s8+$0x30] =	vst v8;
	v10 =	vmul.f32 v10, v11  }
0x28b: {  	v8 =	vld [tilespmem:s8+$0xB0];
	[tilespmem:s8+$0x40] =	vst v4;
	v4 =	vmul.f32 v5, v11  }
0x28c: {  	[tilespmem:s8+$0x50] =	vst v10;
	v10 =	vmul.f32 v7, v11;
	v7 =	vld [tilespmem:s8+$0xC0]  }
0x28d: {  	v5 =	vld [tilespmem:s8+$0xD0];
	v11 =	vmul.f32 v9, v3;
	[tilespmem:s8+$0x60] =	vst v4  }
0x28e: {  	s6 =	sadd.s32 $0x200, s8;
	v4 =	vld [tilespmem:s8+$0xE0];
	[tilespmem:s8+$0x70] =	vst v10;
	v9 =	vmul.f32 v6, v3  }
0x28f: {  	s31 =	simm.s32 $0x8;
	s30 =	smov.u32 s8;
	s7 =	simm.s32 $0x4;
	v6 =	vld [tilespmem:s6+$0xF0];
	[tilespmem:s8+$0x80] =	vst v11;
	v10 =	vmul.f32 v63, v3  }
.LBB2_26:
0x290: {  	p1 =	slt.u32 s31, $0xC;
	v11 =	vld [tilespmem:s6+$0xFFFFFF00];
	s5 =	sadd.s32 $0x3, s7;
	[tilespmem:s30+$0x90] =	vst v9;
	v8 =	vmul.f32 v8, v3  }
0x291: {  	v9 =	vld [tilespmem:s6+$0xFFFFFF10];
	v12 =	vmov s5;
	[tilespmem:s30+$0xA0] =	vst v10;
	v7 =	vmul.f32 v7, v3  }
0x292: {  	v10 =	vmov s7;
	v13 =	vld [tilespmem:s6+$0xFFFFFF20];
	v12 =	vperm.xlane v2, v12;
	[tilespmem:s30+$0xB0] =	vst v8;
	v5 =	vmul.f32 v5, v3  }
0x293: {  	v8 =	vperm.xlane v2, v10;
	v10 =	vld [tilespmem:s6+$0xFFFFFF30];
	[tilespmem:s30+$0xC0] =	vst v7;
	v4 =	vmul.f32 v4, v3  }
0x294: {  	v7 =	vld [tilespmem:s6+$0xFFFFFF40];
	v6 =	vmul.f32 v6, v12;
	[tilespmem:s30+$0xD0] =	vst v5;
	v3 =	vmov v12  }
0x295: {  	v5 =	vmul.f32 v11, v8;
	v11 =	vld [tilespmem:s6+$0xFFFFFF50];
	[tilespmem:s30+$0xE0] =	vst v4;
	s30 =	smov.u32 s6  }
0x296: {  	v4 =	vmul.f32 v9, v8;
	v9 =	vld [tilespmem:s6+$0xFFFFFF60];
	[tilespmem:s6+$0xF0] =	vst v6  }
0x297: {  	[tilespmem:s6+$0xFFFFFF00] =	vst v5;
	v5 =	vmul.f32 v13, v8;
	v6 =	vld [tilespmem:s6+$0xFFFFFF70]  }
0x298: {  	[tilespmem:s6+$0xFFFFFF10] =	vst v4;
	v4 =	vmul.f32 v10, v8;
	v10 =	vld [tilespmem:s6+$0xFFFFFF80]  }
0x299: {  	s5 =	sadd.s32 $0x1, s7;
	[tilespmem:s6+$0xFFFFFF20] =	vst v5;
	v5 =	vmul.f32 v7, v8;
	v7 =	vld [tilespmem:s6+$0xFFFFFF90]  }
0x29a: {  	[tilespmem:s6+$0xFFFFFF30] =	vst v4;
	v4 =	vmul.f32 v11, v8;
	v11 =	vmov s5;
	v12 =	vld [tilespmem:s6+$0xFFFFFFA0]  }
0x29b: {  	[tilespmem:s6+$0xFFFFFF40] =	vst v5;
	v5 =	vmul.f32 v9, v8;
	v9 =	vperm.xlane v2, v11;
	v11 =	vld [tilespmem:s6+$0xFFFFFFB0]  }
0x29c: {  	[tilespmem:s6+$0xFFFFFF50] =	vst v4;
	v4 =	vmul.f32 v6, v8;
	v6 =	vld [tilespmem:s6+$0xFFFFFFC0]  }
0x29d: {  	[tilespmem:s6+$0xFFFFFF60] =	vst v5;
	v5 =	vmul.f32 v10, v9;
	v8 =	vld [tilespmem:s6+$0xFFFFFFD0]  }
0x29e: {  	[tilespmem:s6+$0xFFFFFF70] =	vst v4;
	v4 =	vmul.f32 v7, v9;
	v7 =	vld [tilespmem:s6+$0xFFFFFFE0]  }
0x29f: {  	[tilespmem:s6+$0xFFFFFF80] =	vst v5;
	v5 =	vmul.f32 v12, v9;
	v10 =	vld [tilespmem:s6+$0xFFFFFFF0]  }
0x2a0: {  	[tilespmem:s6+$0xFFFFFF90] =	vst v4;
	v4 =	vmul.f32 v11, v9;
	v11 =	vld [tilespmem:s6+$0x0]  }
0x2a1: {  	s5 =	sadd.s32 $0x2, s7;
	s7 =	smov.u32 s31;
	[tilespmem:s6+$0xFFFFFFA0] =	vst v5;
	v5 =	vmul.f32 v6, v9;
	v6 =	vld [tilespmem:s6+$0x10]  }
0x2a2: {  	[tilespmem:s6+$0xFFFFFFB0] =	vst v4;
	v4 =	vmul.f32 v8, v9;
	v8 =	vmov s5;
	v12 =	vld [tilespmem:s6+$0x20]  }
0x2a3: {  	[tilespmem:s6+$0xFFFFFFC0] =	vst v5;
	v5 =	vmul.f32 v7, v9;
	v7 =	vperm.xlane v2, v8;
	v8 =	vld [tilespmem:s6+$0x30]  }
0x2a4: {  	[tilespmem:s6+$0xFFFFFFD0] =	vst v4;
	v4 =	vmul.f32 v10, v9;
	v9 =	vld [tilespmem:s6+$0x40]  }
0x2a5: {  	[tilespmem:s6+$0xFFFFFFE0] =	vst v5;
	v5 =	vmul.f32 v11, v7;
	v10 =	vld [tilespmem:s6+$0x50]  }
0x2a6: {  	[tilespmem:s6+$0xFFFFFFF0] =	vst v4;
	v4 =	vmul.f32 v6, v7;
	v6 =	vld [tilespmem:s6+$0x60]  }
0x2a7: {  	[tilespmem:s6+$0x0] =	vst v5;
	v5 =	vmul.f32 v12, v7;
	v11 =	vld [tilespmem:s6+$0x70]  }
0x2a8: {  	[tilespmem:s6+$0x10] =	vst v4;
	v4 =	vmul.f32 v8, v7;
	v12 =	vld [tilespmem:s6+$0x80]  }
0x2a9: {  	[tilespmem:s6+$0x20] =	vst v5;
	v5 =	vmul.f32 v9, v7;
	v9 =	vld [tilespmem:s6+$0x90]  }
0x2aa: {  	[tilespmem:s6+$0x30] =	vst v4;
	v4 =	vmul.f32 v10, v7;
	v10 =	vld [tilespmem:s6+$0xA0]  }
.Ltmp12:
0x2ab: {  	[tilespmem:s6+$0x40] =	vst v5;
	v5 =	vmul.f32 v6, v7;
	v8 =	vld [tilespmem:s6+$0xB0];
	(pc) =	sbr.rel @p1 .LBB2_26-.Ltmp12, $4  }
0x2ac: {  	[tilespmem:s6+$0x50] =	vst v4;
	v4 =	vmul.f32 v11, v7;
	v7 =	vld [tilespmem:s6+$0xC0]  }
0x2ad: {  	[tilespmem:s6+$0x60] =	vst v5;
	v11 =	vmul.f32 v12, v3;
	v5 =	vld [tilespmem:s6+$0xD0]  }
0x2ae: {  	s6 =	sadd.s32 $0x200, s6;
	[tilespmem:s30+$0x70] =	vst v4;
	v9 =	vmul.f32 v9, v3;
	v4 =	vld [tilespmem:s30+$0xE0]  }
0x2af: {  	s31 =	sadd.s32 $0x4, s31;
	v6 =	vld [tilespmem:s6+$0xF0];
	[tilespmem:s30+$0x80] =	vst v11;
	v10 =	vmul.f32 v10, v3  }
0x2b0: {  	v11 =	vld [tilespmem:s6+$0xFFFFFF00];
	[tilespmem:s30+$0x90] =	vst v9;
	v8 =	vmul.f32 v8, v3;
	s5 =	sadd.s32 $0x3, s7  }
0x2b1: {  	v12 =	vld [tilespmem:s6+$0xFFFFFF10];
	[tilespmem:s30+$0xA0] =	vst v10;
	v7 =	vmul.f32 v7, v3;
	v15 =	vmov s5  }
0x2b2: {  	v13 =	vmov s7;
	v14 =	vld [tilespmem:s6+$0xFFFFFF20];
	[tilespmem:s30+$0xB0] =	vst v8;
	v15 =	vperm.xlane v2, v15;
	v5 =	vmul.f32 v5, v3  }
0x2b3: {  	v22 =	vld [tilespmem:s6+$0xFFFFFF40];
	v20 =	vperm.xlane v2, v13;
	[tilespmem:s30+$0xC0] =	vst v7;
	v3 =	vmul.f32 v4, v3  }
0x2b4: {  	v25 =	vld [tilespmem:s6+$0xFFFFFF60];
	v26 =	vmul.f32 v6, v15;
	[tilespmem:s30+$0xD0] =	vst v5  }
0x2b5: {  	v21 =	vld [tilespmem:s6+$0xFFFFFF30];
	v23 =	vmul.f32 v11, v20;
	[tilespmem:s30+$0xE0] =	vst v3  }
0x2b6: {  	v27 =	vld [tilespmem:s6+$0xFFFFFF70];
	v3 =	vmul.f32 v12, v20;
	[tilespmem:s6+$0xF0] =	vst v26  }
0x2b7: {  	v24 =	vld [tilespmem:s6+$0xFFFFFF50];
	v29 =	vmul.f32 v14, v20;
	[tilespmem:s6+$0xFFFFFF00] =	vst v23  }
0x2b8: {  	v28 =	vld [tilespmem:s6+$0xFFFFFF80];
	v33 =	vmul.f32 v22, v20;
	[tilespmem:s6+$0xFFFFFF10] =	vst v3  }
0x2b9: {  	v30 =	vld [tilespmem:s6+$0xFFFFFF90];
	s30 =	sadd.s32 $0x1, s7;
	v7 =	vmul.f32 v25, v20;
	[tilespmem:s6+$0xFFFFFF20] =	vst v29  }
0x2ba: {  	v32 =	vld [tilespmem:s6+$0xFFFFFFA0];
	v31 =	vmov s30;
	v3 =	vmul.f32 v21, v20;
	[tilespmem:s6+$0xFFFFFF40] =	vst v33  }
0x2bb: {  	v35 =	vld [tilespmem:s6+$0xFFFFFFB0];
	v5 =	vmul.f32 v27, v20;
	v34 =	vperm.xlane v2, v31;
	[tilespmem:s6+$0xFFFFFF60] =	vst v7  }
0x2bc: {  	v36 =	vld [tilespmem:s6+$0xFFFFFFC0];
	[tilespmem:s6+$0xFFFFFF30] =	vst v3;
	v3 =	vmul.f32 v24, v20  }
0x2bd: {  	v38 =	vld [tilespmem:s6+$0xFFFFFFD0];
	[tilespmem:s6+$0xFFFFFF70] =	vst v5;
	v37 =	vmul.f32 v28, v34  }
0x2be: {  	v42 =	vld [tilespmem:s6+$0x0];
	v39 =	vmul.f32 v30, v34;
	[tilespmem:s6+$0xFFFFFF50] =	vst v3  }
0x2bf: {  	s31 =	sadd.s32 $0x2, s7;
	v41 =	vmul.f32 v32, v34;
	v3 =	vld [tilespmem:s6+$0xFFFFFFE0];
	[tilespmem:s6+$0xFFFFFF80] =	vst v37  }
0x2c0: {  	v40 =	vld [tilespmem:s6+$0xFFFFFFF0];
	v46 =	vmov s31;
	v43 =	vmul.f32 v35, v34;
	[tilespmem:s6+$0xFFFFFF90] =	vst v39  }
0x2c1: {  	v44 =	vld [tilespmem:s6+$0x10];
	v2 =	vperm.xlane v2, v46;
	v45 =	vmul.f32 v36, v34;
	[tilespmem:s6+$0xFFFFFFA0] =	vst v41  }
0x2c2: {  	v47 =	vld [tilespmem:s6+$0x20];
	v48 =	vmul.f32 v38, v34;
	[tilespmem:s6+$0xFFFFFFB0] =	vst v43  }
0x2c3: {  	v49 =	vld [tilespmem:s6+$0x30];
	v51 =	vmul.f32 v42, v2;
	[tilespmem:s6+$0xFFFFFFC0] =	vst v45  }
0x2c4: {  	v50 =	vld [tilespmem:s6+$0x40];
	[tilespmem:s6+$0xFFFFFFD0] =	vst v48;
	v3 =	vmul.f32 v3, v34  }
0x2c5: {  	v52 =	vld [tilespmem:s6+$0x50];
	v7 =	vmul.f32 v40, v34;
	[tilespmem:s6+$0x0] =	vst v51  }
0x2c6: {  	v9 =	vmul.f32 v44, v2;
	[tilespmem:s6+$0xFFFFFFE0] =	vst v3;
	v3 =	vld [tilespmem:s6+$0x60]  }
0x2c7: {  	v54 =	vld [tilespmem:s6+$0x70];
	v53 =	vmul.f32 v47, v2;
	[tilespmem:s6+$0xFFFFFFF0] =	vst v7  }
0x2c8: {  	v55 =	vld [tilespmem:s6+$0x80];
	v6 =	vmul.f32 v49, v2;
	[tilespmem:s6+$0x10] =	vst v9  }
0x2c9: {  	v57 =	vld [tilespmem:s6+$0x90];
	v56 =	vmul.f32 v50, v2;
	[tilespmem:s6+$0x20] =	vst v53  }
0x2ca: {  	v59 =	vld [tilespmem:s6+$0xA0];
	v58 =	vmul.f32 v52, v2;
	[tilespmem:s6+$0x30] =	vst v6  }
0x2cb: {  	v60 =	vld [tilespmem:s6+$0xB0];
	[tilespmem:s6+$0x40] =	vst v56;
	v3 =	vmul.f32 v3, v2  }
0x2cc: {  	v61 =	vld [tilespmem:s6+$0xC0];
	[tilespmem:s6+$0x50] =	vst v58;
	v2 =	vmul.f32 v54, v2  }
0x2cd: {  	v62 =	vld [tilespmem:s6+$0xD0];
	[tilespmem:s6+$0x60] =	vst v3;
	v3 =	vmul.f32 v55, v15  }
0x2ce: {  	v63 =	vld [tilespmem:s6+$0xE0];
	[tilespmem:s6+$0x70] =	vst v2;
	v2 =	vmul.f32 v57, v15  }
0x2cf: {  	s2 =	sadd.s32 $0x1, s2;
	[tilespmem:s6+$0x80] =	vst v3;
	v3 =	vmul.f32 v59, v15  }
0x2d0: {  	p1 =	sne.s32 s2, $0x4;
	[tilespmem:s6+$0x90] =	vst v2;
	v2 =	vmul.f32 v60, v15  }
.Ltmp13:
0x2d1: {  	[tilespmem:s6+$0xA0] =	vst v3;
	v3 =	vmul.f32 v61, v15;
	(pc) =	sbr.rel @p1 .LBB2_25-.Ltmp13, $4  }
0x2d2: {  	[tilespmem:s6+$0xB0] =	vst v2;
	v2 =	vmul.f32 v62, v15  }
0x2d3: {  	[tilespmem:s6+$0xC0] =	vst v3;
	v3 =	vmul.f32 v63, v15  }
0x2d4: {  	[tilespmem:s6+$0xD0] =	vst v2  }
0x2d5: {  	s8 =	sadd.s32 $0x800, s8;
	[tilespmem:s6+$0xE0] =	vst v3  }
0x2d6: {  	s0 =	sadd.s32 $0xC00, s29  }
0x2d7: {  	[spmem:s3] =	stream.indirect.scatter.add.f32 [tilespmem:s10], [sflag:$0x5], $0x80, s0, s9, $0xb8;
	[tilespmem:$0x1DC80] =	vst v63  }
0x2d8: {  	_ =	swait.ge [sflag:s20], $0x2000  }
0x2d9: {  	[sflag:s20] =	ssyncset.done $0x0  }
0x2da: {  	[sflag:s20] =	ssyncadd.s32 $0xFFFFE000  }
0x2db: {  	s26 =	sor.u32 $0x380, s26;
	_ =	swait.ge [sflag:s21], $0x2000  }
0x2dc: {  	s2 =	sadd.s32 $0x1800, s4;
	s29 =	simm.s32 $0x45F0;
	[sflag:s21] =	ssyncset.done $0x0  }
0x2dd: {  	s0 =	simm.s32 $0x0;
	v1 =	vmov s2;
	s2 =	simm.s32 $0x0;
	[sflag:s21] =	ssyncadd.s32 $0xFFFFE000  }
0x2de: {  	[tilespmem:s16], [sflag:$0x4] =	stream.indirect.gather [hbm4b:s1+s9], $0x80, s26, s9, $0xb8;
	[tilespmem:$0x1DC80] =	vst v63  }
.LBB2_29:
0x2df: {  	_ =	sdelay $0x2  }
0x2e0: {  	s5 =	sshll.u32 s2, $0x4  }
0x2e1: {  	v2 =	vld.idx.msk [tilespmem:v1+s5+$0x0 ss:$0x1], $0xffff;
	_ =	sdelay $0x1  }
0x2e2: {  	v3 =	vld [tilespmem:s29+$0xFFFFFE10]  }
0x2e3: {  	v5 =	vld [tilespmem:s29+$0xFFFFFE20]  }
0x2e4: {  	v4 =	vld [tilespmem:s29+$0x0];
	v6 =	vmov s0  }
0x2e5: {  	v8 =	vld [tilespmem:s29+$0xFFFFFE40];
	s7 =	simm.s32 $0x3;
	v6 =	vperm.xlane v2, v6  }
0x2e6: {  	v7 =	vld [tilespmem:s29+$0xFFFFFE30];
	v10 =	vmov s7  }
0x2e7: {  	v12 =	vld [tilespmem:s29+$0xFFFFFE60];
	v11 =	vmul.f32 v3, v6;
	v3 =	vperm.xlane v2, v10  }
0x2e8: {  	v10 =	vld [tilespmem:s29+$0xFFFFFE70];
	v5 =	vmul.f32 v5, v6  }
0x2e9: {  	v9 =	vld [tilespmem:s29+$0xFFFFFE50];
	[tilespmem:s29+$0xFFFFFE10] =	vst v11;
	v4 =	vmul.f32 v4, v3  }
0x2ea: {  	v11 =	vld [tilespmem:s29+$0xFFFFFE80];
	[tilespmem:s29+$0xFFFFFE20] =	vst v5;
	v5 =	vmul.f32 v8, v6  }
0x2eb: {  	v13 =	vld [tilespmem:s29+$0xFFFFFE90];
	[tilespmem:s29+$0x0] =	vst v4;
	v4 =	vmul.f32 v7, v6  }
0x2ec: {  	s8 =	simm.s32 $0x1;
	v14 =	vld [tilespmem:s29+$0xFFFFFEB0];
	[tilespmem:s29+$0xFFFFFE40] =	vst v5;
	v5 =	vmul.f32 v12, v6  }
0x2ed: {  	v8 =	vmov s8;
	v7 =	vld [tilespmem:s29+$0xFFFFFEA0];
	v10 =	vmul.f32 v10, v6;
	[tilespmem:s29+$0xFFFFFE30] =	vst v4  }
0x2ee: {  	v59 =	vld [tilespmem:s29+$0xFFFFFED0];
	v8 =	vperm.xlane v2, v8;
	v4 =	vmul.f32 v9, v6;
	[tilespmem:s29+$0xFFFFFE60] =	vst v5  }
0x2ef: {  	v9 =	vld [tilespmem:s29+$0xFFFFFEC0];
	v6 =	vmul.f32 v11, v6;
	[tilespmem:s29+$0xFFFFFE70] =	vst v10  }
0x2f0: {  	v5 =	vld [tilespmem:s29+$0xFFFFFEF0];
	[tilespmem:s29+$0xFFFFFE50] =	vst v4;
	v4 =	vmul.f32 v13, v8  }
0x2f1: {  	v60 =	vld [tilespmem:s29+$0xFFFFFEE0];
	[tilespmem:s29+$0xFFFFFE80] =	vst v6;
	v6 =	vmul.f32 v14, v8  }
0x2f2: {  	[tilespmem:s29+$0xFFFFFE90] =	vst v4;
	v4 =	vmul.f32 v7, v8;
	v7 =	vld [tilespmem:s29+$0xFFFFFF00]  }
0x2f3: {  	v10 =	vld [tilespmem:s29+$0xFFFFFF10];
	[tilespmem:s29+$0xFFFFFEB0] =	vst v6;
	v6 =	vmul.f32 v59, v8  }
0x2f4: {  	s31 =	simm.s32 $0x2;
	[tilespmem:s29+$0xFFFFFEA0] =	vst v4;
	v4 =	vmul.f32 v9, v8;
	v9 =	vld [tilespmem:s29+$0xFFFFFF20]  }
0x2f5: {  	v61 =	vld [tilespmem:s29+$0xFFFFFF30];
	v11 =	vmov s31;
	v5 =	vmul.f32 v5, v8;
	[tilespmem:s29+$0xFFFFFED0] =	vst v6  }
0x2f6: {  	v62 =	vld [tilespmem:s29+$0xFFFFFF40];
	v11 =	vperm.xlane v2, v11;
	[tilespmem:s29+$0xFFFFFEC0] =	vst v4;
	v4 =	vmul.f32 v60, v8  }
0x2f7: {  	v6 =	vld [tilespmem:s29+$0xFFFFFF50];
	[tilespmem:s29+$0xFFFFFEF0] =	vst v5;
	v7 =	vmul.f32 v7, v8  }
0x2f8: {  	[tilespmem:s29+$0xFFFFFEE0] =	vst v4;
	v4 =	vmul.f32 v10, v11;
	v10 =	vld [tilespmem:s29+$0xFFFFFF60]  }
0x2f9: {  	v5 =	vld [tilespmem:s29+$0xFFFFFF70];
	v8 =	vmul.f32 v9, v11;
	[tilespmem:s29+$0xFFFFFF00] =	vst v7  }
0x2fa: {  	v7 =	vld [tilespmem:s29+$0xFFFFFF80];
	[tilespmem:s29+$0xFFFFFF10] =	vst v4;
	v4 =	vmul.f32 v61, v11  }
0x2fb: {  	v9 =	vld [tilespmem:s29+$0xFFFFFF90];
	[tilespmem:s29+$0xFFFFFF20] =	vst v8;
	v8 =	vmul.f32 v62, v11  }
0x2fc: {  	[tilespmem:s29+$0xFFFFFF30] =	vst v4;
	v4 =	vmul.f32 v6, v11;
	v6 =	vld [tilespmem:s29+$0xFFFFFFA0]  }
0x2fd: {  	v63 =	vld [tilespmem:s29+$0xFFFFFFB0];
	[tilespmem:s29+$0xFFFFFF40] =	vst v8;
	v10 =	vmul.f32 v10, v11  }
0x2fe: {  	v8 =	vld [tilespmem:s29+$0xFFFFFFC0];
	[tilespmem:s29+$0xFFFFFF50] =	vst v4;
	v4 =	vmul.f32 v5, v11  }
0x2ff: {  	[tilespmem:s29+$0xFFFFFF60] =	vst v10;
	v10 =	vmul.f32 v7, v11;
	v7 =	vld [tilespmem:s29+$0xFFFFFFD0]  }
0x300: {  	v5 =	vld [tilespmem:s29+$0xFFFFFFE0];
	v11 =	vmul.f32 v9, v3;
	[tilespmem:s29+$0xFFFFFF70] =	vst v4  }
0x301: {  	s6 =	sadd.s32 $0x200, s29;
	v4 =	vld [tilespmem:s29+$0xFFFFFFF0];
	[tilespmem:s29+$0xFFFFFF80] =	vst v10;
	v9 =	vmul.f32 v6, v3  }
0x302: {  	s30 =	simm.s32 $0x8;
	s7 =	simm.s32 $0x4;
	s8 =	smov.u32 s29;
	v6 =	vld [tilespmem:s6+$0x0];
	[tilespmem:s29+$0xFFFFFF90] =	vst v11;
	v10 =	vmul.f32 v63, v3  }
.LBB2_30:
0x303: {  	p1 =	slt.u32 s30, $0xC;
	v11 =	vld [tilespmem:s6+$0xFFFFFE10];
	s5 =	sadd.s32 $0x3, s7;
	[tilespmem:s8+$0xFFFFFFA0] =	vst v9;
	v8 =	vmul.f32 v8, v3  }
0x304: {  	v9 =	vld [tilespmem:s6+$0xFFFFFE20];
	v12 =	vmov s5;
	[tilespmem:s8+$0xFFFFFFB0] =	vst v10;
	v7 =	vmul.f32 v7, v3  }
0x305: {  	v10 =	vmov s7;
	v13 =	vld [tilespmem:s6+$0xFFFFFE30];
	v12 =	vperm.xlane v2, v12;
	[tilespmem:s8+$0xFFFFFFC0] =	vst v8;
	v5 =	vmul.f32 v5, v3  }
0x306: {  	v8 =	vperm.xlane v2, v10;
	v10 =	vld [tilespmem:s6+$0xFFFFFE40];
	[tilespmem:s8+$0xFFFFFFD0] =	vst v7;
	v4 =	vmul.f32 v4, v3  }
0x307: {  	v7 =	vld [tilespmem:s6+$0xFFFFFE50];
	v6 =	vmul.f32 v6, v12;
	[tilespmem:s8+$0xFFFFFFE0] =	vst v5;
	v3 =	vmov v12  }
0x308: {  	v5 =	vmul.f32 v11, v8;
	v11 =	vld [tilespmem:s6+$0xFFFFFE60];
	[tilespmem:s8+$0xFFFFFFF0] =	vst v4;
	s8 =	smov.u32 s6  }
0x309: {  	v4 =	vmul.f32 v9, v8;
	v9 =	vld [tilespmem:s6+$0xFFFFFE70];
	[tilespmem:s6+$0x0] =	vst v6  }
0x30a: {  	[tilespmem:s6+$0xFFFFFE10] =	vst v5;
	v5 =	vmul.f32 v13, v8;
	v6 =	vld [tilespmem:s6+$0xFFFFFE80]  }
0x30b: {  	[tilespmem:s6+$0xFFFFFE20] =	vst v4;
	v4 =	vmul.f32 v10, v8;
	v10 =	vld [tilespmem:s6+$0xFFFFFE90]  }
0x30c: {  	s5 =	sadd.s32 $0x1, s7;
	[tilespmem:s6+$0xFFFFFE30] =	vst v5;
	v5 =	vmul.f32 v7, v8;
	v7 =	vld [tilespmem:s6+$0xFFFFFEA0]  }
0x30d: {  	[tilespmem:s6+$0xFFFFFE40] =	vst v4;
	v4 =	vmul.f32 v11, v8;
	v11 =	vmov s5;
	v12 =	vld [tilespmem:s6+$0xFFFFFEB0]  }
0x30e: {  	[tilespmem:s6+$0xFFFFFE50] =	vst v5;
	v5 =	vmul.f32 v9, v8;
	v9 =	vperm.xlane v2, v11;
	v11 =	vld [tilespmem:s6+$0xFFFFFEC0]  }
0x30f: {  	[tilespmem:s6+$0xFFFFFE60] =	vst v4;
	v4 =	vmul.f32 v6, v8;
	v6 =	vld [tilespmem:s6+$0xFFFFFED0]  }
0x310: {  	[tilespmem:s6+$0xFFFFFE70] =	vst v5;
	v5 =	vmul.f32 v10, v9;
	v8 =	vld [tilespmem:s6+$0xFFFFFEE0]  }
0x311: {  	[tilespmem:s6+$0xFFFFFE80] =	vst v4;
	v4 =	vmul.f32 v7, v9;
	v7 =	vld [tilespmem:s6+$0xFFFFFEF0]  }
0x312: {  	[tilespmem:s6+$0xFFFFFE90] =	vst v5;
	v5 =	vmul.f32 v12, v9;
	v10 =	vld [tilespmem:s6+$0xFFFFFF00]  }
0x313: {  	[tilespmem:s6+$0xFFFFFEA0] =	vst v4;
	v4 =	vmul.f32 v11, v9;
	v11 =	vld [tilespmem:s6+$0xFFFFFF10]  }
0x314: {  	s5 =	sadd.s32 $0x2, s7;
	s7 =	smov.u32 s30;
	[tilespmem:s6+$0xFFFFFEB0] =	vst v5;
	v5 =	vmul.f32 v6, v9;
	v6 =	vld [tilespmem:s6+$0xFFFFFF20]  }
0x315: {  	[tilespmem:s6+$0xFFFFFEC0] =	vst v4;
	v4 =	vmul.f32 v8, v9;
	v8 =	vmov s5;
	v12 =	vld [tilespmem:s6+$0xFFFFFF30]  }
0x316: {  	[tilespmem:s6+$0xFFFFFED0] =	vst v5;
	v5 =	vmul.f32 v7, v9;
	v7 =	vperm.xlane v2, v8;
	v8 =	vld [tilespmem:s6+$0xFFFFFF40]  }
0x317: {  	[tilespmem:s6+$0xFFFFFEE0] =	vst v4;
	v4 =	vmul.f32 v10, v9;
	v9 =	vld [tilespmem:s6+$0xFFFFFF50]  }
0x318: {  	[tilespmem:s6+$0xFFFFFEF0] =	vst v5;
	v5 =	vmul.f32 v11, v7;
	v10 =	vld [tilespmem:s6+$0xFFFFFF60]  }
0x319: {  	[tilespmem:s6+$0xFFFFFF00] =	vst v4;
	v4 =	vmul.f32 v6, v7;
	v6 =	vld [tilespmem:s6+$0xFFFFFF70]  }
0x31a: {  	[tilespmem:s6+$0xFFFFFF10] =	vst v5;
	v5 =	vmul.f32 v12, v7;
	v11 =	vld [tilespmem:s6+$0xFFFFFF80]  }
0x31b: {  	[tilespmem:s6+$0xFFFFFF20] =	vst v4;
	v4 =	vmul.f32 v8, v7;
	v12 =	vld [tilespmem:s6+$0xFFFFFF90]  }
0x31c: {  	[tilespmem:s6+$0xFFFFFF30] =	vst v5;
	v5 =	vmul.f32 v9, v7;
	v9 =	vld [tilespmem:s6+$0xFFFFFFA0]  }
0x31d: {  	[tilespmem:s6+$0xFFFFFF40] =	vst v4;
	v4 =	vmul.f32 v10, v7;
	v10 =	vld [tilespmem:s6+$0xFFFFFFB0]  }
.Ltmp14:
0x31e: {  	[tilespmem:s6+$0xFFFFFF50] =	vst v5;
	v5 =	vmul.f32 v6, v7;
	v8 =	vld [tilespmem:s6+$0xFFFFFFC0];
	(pc) =	sbr.rel @p1 .LBB2_30-.Ltmp14, $4  }
0x31f: {  	[tilespmem:s6+$0xFFFFFF60] =	vst v4;
	v4 =	vmul.f32 v11, v7;
	v7 =	vld [tilespmem:s6+$0xFFFFFFD0]  }
0x320: {  	[tilespmem:s6+$0xFFFFFF70] =	vst v5;
	v11 =	vmul.f32 v12, v3;
	v5 =	vld [tilespmem:s6+$0xFFFFFFE0]  }
0x321: {  	s6 =	sadd.s32 $0x200, s6;
	[tilespmem:s8+$0xFFFFFF80] =	vst v4;
	v9 =	vmul.f32 v9, v3;
	v4 =	vld [tilespmem:s8+$0xFFFFFFF0]  }
0x322: {  	s30 =	sadd.s32 $0x4, s30;
	v6 =	vld [tilespmem:s6+$0x0];
	[tilespmem:s8+$0xFFFFFF90] =	vst v11;
	v10 =	vmul.f32 v10, v3  }
0x323: {  	v11 =	vld [tilespmem:s6+$0xFFFFFE10];
	[tilespmem:s8+$0xFFFFFFA0] =	vst v9;
	v8 =	vmul.f32 v8, v3;
	s5 =	sadd.s32 $0x3, s7  }
0x324: {  	v12 =	vld [tilespmem:s6+$0xFFFFFE20];
	[tilespmem:s8+$0xFFFFFFB0] =	vst v10;
	v7 =	vmul.f32 v7, v3;
	v15 =	vmov s5  }
0x325: {  	v13 =	vmov s7;
	v14 =	vld [tilespmem:s6+$0xFFFFFE30];
	[tilespmem:s8+$0xFFFFFFC0] =	vst v8;
	v15 =	vperm.xlane v2, v15;
	v5 =	vmul.f32 v5, v3  }
0x326: {  	v22 =	vld [tilespmem:s6+$0xFFFFFE50];
	v20 =	vperm.xlane v2, v13;
	[tilespmem:s8+$0xFFFFFFD0] =	vst v7;
	v3 =	vmul.f32 v4, v3  }
0x327: {  	v28 =	vld [tilespmem:s6+$0xFFFFFE90];
	v26 =	vmul.f32 v6, v15;
	[tilespmem:s8+$0xFFFFFFE0] =	vst v5  }
0x328: {  	v25 =	vld [tilespmem:s6+$0xFFFFFE70];
	s30 =	sadd.s32 $0x1, s7;
	v23 =	vmul.f32 v11, v20;
	[tilespmem:s8+$0xFFFFFFF0] =	vst v3  }
0x329: {  	v21 =	vld [tilespmem:s6+$0xFFFFFE40];
	v31 =	vmov s30;
	v3 =	vmul.f32 v12, v20;
	[tilespmem:s6+$0x0] =	vst v26  }
0x32a: {  	v27 =	vld [tilespmem:s6+$0xFFFFFE80];
	v34 =	vperm.xlane v2, v31;
	v29 =	vmul.f32 v14, v20;
	[tilespmem:s6+$0xFFFFFE10] =	vst v23  }
0x32b: {  	v24 =	vld [tilespmem:s6+$0xFFFFFE60];
	v33 =	vmul.f32 v22, v20;
	[tilespmem:s6+$0xFFFFFE20] =	vst v3  }
0x32c: {  	v30 =	vld [tilespmem:s6+$0xFFFFFEA0];
	v37 =	vmul.f32 v28, v34;
	[tilespmem:s6+$0xFFFFFE30] =	vst v29  }
0x32d: {  	v32 =	vld [tilespmem:s6+$0xFFFFFEB0];
	v7 =	vmul.f32 v25, v20;
	[tilespmem:s6+$0xFFFFFE50] =	vst v33  }
0x32e: {  	v35 =	vld [tilespmem:s6+$0xFFFFFEC0];
	v3 =	vmul.f32 v21, v20;
	[tilespmem:s6+$0xFFFFFE90] =	vst v37  }
0x32f: {  	v36 =	vld [tilespmem:s6+$0xFFFFFED0];
	v5 =	vmul.f32 v27, v20;
	[tilespmem:s6+$0xFFFFFE70] =	vst v7  }
0x330: {  	v38 =	vld [tilespmem:s6+$0xFFFFFEE0];
	[tilespmem:s6+$0xFFFFFE40] =	vst v3;
	v3 =	vmul.f32 v24, v20  }
0x331: {  	v42 =	vld [tilespmem:s6+$0xFFFFFF10];
	v39 =	vmul.f32 v30, v34;
	[tilespmem:s6+$0xFFFFFE80] =	vst v5  }
0x332: {  	s31 =	sadd.s32 $0x2, s7;
	v41 =	vmul.f32 v32, v34;
	[tilespmem:s6+$0xFFFFFE60] =	vst v3;
	v3 =	vld [tilespmem:s6+$0xFFFFFEF0]  }
0x333: {  	v44 =	vld [tilespmem:s6+$0xFFFFFF20];
	v46 =	vmov s31;
	v43 =	vmul.f32 v35, v34;
	[tilespmem:s6+$0xFFFFFEA0] =	vst v39  }
0x334: {  	v47 =	vld [tilespmem:s6+$0xFFFFFF30];
	v2 =	vperm.xlane v2, v46;
	v45 =	vmul.f32 v36, v34;
	[tilespmem:s6+$0xFFFFFEB0] =	vst v41  }
0x335: {  	v49 =	vld [tilespmem:s6+$0xFFFFFF40];
	v48 =	vmul.f32 v38, v34;
	[tilespmem:s6+$0xFFFFFEC0] =	vst v43  }
0x336: {  	v50 =	vld [tilespmem:s6+$0xFFFFFF50];
	v51 =	vmul.f32 v42, v2;
	[tilespmem:s6+$0xFFFFFED0] =	vst v45  }
0x337: {  	v52 =	vld [tilespmem:s6+$0xFFFFFF60];
	[tilespmem:s6+$0xFFFFFEE0] =	vst v48;
	v3 =	vmul.f32 v3, v34  }
0x338: {  	v40 =	vld [tilespmem:s6+$0xFFFFFF00];
	v9 =	vmul.f32 v44, v2;
	[tilespmem:s6+$0xFFFFFF10] =	vst v51  }
0x339: {  	v53 =	vmul.f32 v47, v2;
	[tilespmem:s6+$0xFFFFFEF0] =	vst v3;
	v3 =	vld [tilespmem:s6+$0xFFFFFF70]  }
0x33a: {  	v54 =	vld [tilespmem:s6+$0xFFFFFF80];
	v6 =	vmul.f32 v49, v2;
	[tilespmem:s6+$0xFFFFFF20] =	vst v9  }
0x33b: {  	v55 =	vld [tilespmem:s6+$0xFFFFFF90];
	v56 =	vmul.f32 v50, v2;
	[tilespmem:s6+$0xFFFFFF30] =	vst v53  }
0x33c: {  	v57 =	vld [tilespmem:s6+$0xFFFFFFA0];
	v58 =	vmul.f32 v52, v2;
	[tilespmem:s6+$0xFFFFFF40] =	vst v6  }
0x33d: {  	v59 =	vld [tilespmem:s6+$0xFFFFFFB0];
	v7 =	vmul.f32 v40, v34;
	[tilespmem:s6+$0xFFFFFF50] =	vst v56  }
0x33e: {  	v60 =	vld [tilespmem:s6+$0xFFFFFFC0];
	[tilespmem:s6+$0xFFFFFF60] =	vst v58;
	v3 =	vmul.f32 v3, v2  }
0x33f: {  	v61 =	vld [tilespmem:s6+$0xFFFFFFD0];
	[tilespmem:s6+$0xFFFFFF00] =	vst v7;
	v2 =	vmul.f32 v54, v2  }
0x340: {  	v62 =	vld [tilespmem:s6+$0xFFFFFFE0];
	[tilespmem:s6+$0xFFFFFF70] =	vst v3;
	v3 =	vmul.f32 v55, v15  }
0x341: {  	v63 =	vld [tilespmem:s6+$0xFFFFFFF0];
	[tilespmem:s6+$0xFFFFFF80] =	vst v2;
	v2 =	vmul.f32 v57, v15  }
0x342: {  	s2 =	sadd.s32 $0x1, s2;
	[tilespmem:s6+$0xFFFFFF90] =	vst v3;
	v3 =	vmul.f32 v59, v15  }
0x343: {  	p1 =	sne.s32 s2, $0x4;
	[tilespmem:s6+$0xFFFFFFA0] =	vst v2;
	v2 =	vmul.f32 v60, v15  }
.Ltmp15:
0x344: {  	[tilespmem:s6+$0xFFFFFFB0] =	vst v3;
	v3 =	vmul.f32 v61, v15;
	(pc) =	sbr.rel @p1 .LBB2_29-.Ltmp15, $4  }
0x345: {  	[tilespmem:s6+$0xFFFFFFC0] =	vst v2;
	v2 =	vmul.f32 v62, v15  }
0x346: {  	[tilespmem:s6+$0xFFFFFFD0] =	vst v3;
	v3 =	vmul.f32 v63, v15  }
0x347: {  	[tilespmem:s6+$0xFFFFFFE0] =	vst v2  }
0x348: {  	s29 =	sadd.s32 $0x800, s29;
	[tilespmem:s6+$0xFFFFFFF0] =	vst v3  }
0x349: {  	s0 =	sadd.s32 $0xC00, s4;
	p1 =	seq.s32 s15, $0x13  }
0x34a: {  	[spmem:s3] =	stream.indirect.scatter.add.f32 [tilespmem:s11], [sflag:$0x6], $0x80, s0, s9, $0xb8;
	[tilespmem:$0x1DC80] =	vst v63  }
0x34b: {  	s0 =	sand.u32 @!p1 $0xFF, s14  }
0x34c: {  	s2 =	simm.s32 @p1 $0x3;
	p2 =	seq.s32 @!p1 s0, $0x0  }
0x34d: {  	_ =	swait.ge @p1 [sflag:s2], $0x2000;
	p3 =	por p2, p1  }
0x34e: {  	[sflag:s2] =	ssyncset.done @p1 $0x0;
	p3 =	seq.s32 @!p3 s0, $0x2  }
0x34f: {  	[sflag:s2] =	ssyncadd.s32 @p1 $0xFFFFE000;
	p4 =	por @!p1 p3, p2  }
0x350: {  	s0 =	simm.s32 @p1 $0x5;
	p3 =	por @!p1 !p3, p2;
	p4 =	por p4, p1  }
0x351: {  	_ =	swait.ge @p1 [sflag:s0], $0x2000;
	p3 =	por !p3, p1;
	s2 =	simm.s32 @!p4 $0xA  }
0x352: {  	p2 =	por !p2, p1;
	[sflag:s0] =	ssyncset.done @p1 $0x0;
	s2 =	simm.s32 @p3 $0xB  }
0x353: {  	[sflag:s0] =	ssyncadd.s32 @p1 $0xFFFFE000;
	s2 =	simm.s32 @!p2 $0x9  }
0x354: {  	_ =	swait.ge @!p1 [sflag:s2], $0x400  }
0x355: {  	[sflag:s2] =	ssyncset.done @!p1 $0x0  }
0x356: {  	[sflag:s2] =	ssyncadd.s32 @!p1 $0xFFFFFC00  }
0x357: {  	_ =	swait.ge @!p1 [sflag:s2], $0x400  }
0x358: {  	[sflag:s2] =	ssyncset.done @!p1 $0x0  }
0x359: {  	[sflag:s2] =	ssyncadd.s32 @!p1 $0xFFFFFC00  }
0x35a: {  	_ =	swait.ge @!p1 [sflag:s2], $0x400  }
0x35b: {  	[sflag:s2] =	ssyncset.done @!p1 $0x0  }
0x35c: {  	s0 =	simm.s32 @!p1 $0x3;
	[sflag:s2] =	ssyncadd.s32 @!p1 $0xFFFFFC00  }
0x35d: {  	_ =	swait.ge @!p1 [sflag:s0], $0x2000  }
0x35e: {  	[sflag:s0] =	ssyncset.done @!p1 $0x0  }
0x35f: {  	[sflag:s0] =	ssyncadd.s32 @!p1 $0xFFFFE000;
	s0 =	simm.s32 @!p1 $0x5  }
0x360: {  	_ =	swait.ge @!p1 [sflag:s0], $0x2000  }
0x361: {  	s31 =	sadd.s32 $0x1800, s12;
	s4 =	sshll.u32 @!p1 s13, $0xA;
	[sflag:s0] =	ssyncset.done @!p1 $0x0  }
0x362: {  	s2 =	simm.s32 @!p1 $0x2400;
	[sflag:s0] =	ssyncadd.s32 @!p1 $0xFFFFE000;
	s0 =	simm.s32 @!p1 $0x40  }
0x363: {  	[tilespmem:s2], [sflag:$0x1] =	stream.indirect.gather @!p1 [hbm4b:s1+s0], $0x80, s4, s0, $0xb8;
	[tilespmem:$0x1DC80] =	vst v63  }
0x364: {  	s13 =	simm.s32 $0x65F0;
	v1 =	vmov s31;
	s0 =	simm.s32 $0x0;
	s2 =	simm.s32 $0x0  }
.LBB2_33:
0x365: {  	_ =	sdelay $0x2  }
0x366: {  	s5 =	sshll.u32 s2, $0x4  }
0x367: {  	v2 =	vld.idx.msk [tilespmem:v1+s5+$0x0 ss:$0x1], $0xffff;
	_ =	sdelay $0x1  }
0x368: {  	v3 =	vld [tilespmem:s13+$0xFFFFFE10]  }
0x369: {  	v5 =	vld [tilespmem:s13+$0xFFFFFE20]  }
0x36a: {  	v4 =	vld [tilespmem:s13+$0x0];
	v6 =	vmov s0  }
0x36b: {  	v8 =	vld [tilespmem:s13+$0xFFFFFE40];
	s29 =	simm.s32 $0x3;
	v6 =	vperm.xlane v2, v6  }
0x36c: {  	v7 =	vld [tilespmem:s13+$0xFFFFFE30];
	v10 =	vmov s29  }
0x36d: {  	v12 =	vld [tilespmem:s13+$0xFFFFFE60];
	v11 =	vmul.f32 v3, v6;
	v3 =	vperm.xlane v2, v10  }
0x36e: {  	v10 =	vld [tilespmem:s13+$0xFFFFFE70];
	v5 =	vmul.f32 v5, v6  }
0x36f: {  	v9 =	vld [tilespmem:s13+$0xFFFFFE50];
	[tilespmem:s13+$0xFFFFFE10] =	vst v11;
	v4 =	vmul.f32 v4, v3  }
0x370: {  	v11 =	vld [tilespmem:s13+$0xFFFFFE80];
	[tilespmem:s13+$0xFFFFFE20] =	vst v5;
	v5 =	vmul.f32 v8, v6  }
0x371: {  	v13 =	vld [tilespmem:s13+$0xFFFFFE90];
	[tilespmem:s13+$0x0] =	vst v4;
	v4 =	vmul.f32 v7, v6  }
0x372: {  	s30 =	simm.s32 $0x1;
	v14 =	vld [tilespmem:s13+$0xFFFFFEB0];
	[tilespmem:s13+$0xFFFFFE40] =	vst v5;
	v5 =	vmul.f32 v12, v6  }
0x373: {  	v8 =	vmov s30;
	v7 =	vld [tilespmem:s13+$0xFFFFFEA0];
	v10 =	vmul.f32 v10, v6;
	[tilespmem:s13+$0xFFFFFE30] =	vst v4  }
0x374: {  	v59 =	vld [tilespmem:s13+$0xFFFFFED0];
	v8 =	vperm.xlane v2, v8;
	v4 =	vmul.f32 v9, v6;
	[tilespmem:s13+$0xFFFFFE60] =	vst v5  }
0x375: {  	v9 =	vld [tilespmem:s13+$0xFFFFFEC0];
	v6 =	vmul.f32 v11, v6;
	[tilespmem:s13+$0xFFFFFE70] =	vst v10  }
0x376: {  	v5 =	vld [tilespmem:s13+$0xFFFFFEF0];
	[tilespmem:s13+$0xFFFFFE50] =	vst v4;
	v4 =	vmul.f32 v13, v8  }
0x377: {  	v60 =	vld [tilespmem:s13+$0xFFFFFEE0];
	[tilespmem:s13+$0xFFFFFE80] =	vst v6;
	v6 =	vmul.f32 v14, v8  }
0x378: {  	[tilespmem:s13+$0xFFFFFE90] =	vst v4;
	v4 =	vmul.f32 v7, v8;
	v7 =	vld [tilespmem:s13+$0xFFFFFF00]  }
0x379: {  	v10 =	vld [tilespmem:s13+$0xFFFFFF10];
	[tilespmem:s13+$0xFFFFFEB0] =	vst v6;
	v6 =	vmul.f32 v59, v8  }
0x37a: {  	s31 =	simm.s32 $0x2;
	[tilespmem:s13+$0xFFFFFEA0] =	vst v4;
	v4 =	vmul.f32 v9, v8;
	v9 =	vld [tilespmem:s13+$0xFFFFFF20]  }
0x37b: {  	v61 =	vld [tilespmem:s13+$0xFFFFFF30];
	v11 =	vmov s31;
	v5 =	vmul.f32 v5, v8;
	[tilespmem:s13+$0xFFFFFED0] =	vst v6  }
0x37c: {  	v62 =	vld [tilespmem:s13+$0xFFFFFF40];
	v11 =	vperm.xlane v2, v11;
	[tilespmem:s13+$0xFFFFFEC0] =	vst v4;
	v4 =	vmul.f32 v60, v8  }
0x37d: {  	v6 =	vld [tilespmem:s13+$0xFFFFFF50];
	[tilespmem:s13+$0xFFFFFEF0] =	vst v5;
	v7 =	vmul.f32 v7, v8  }
0x37e: {  	[tilespmem:s13+$0xFFFFFEE0] =	vst v4;
	v4 =	vmul.f32 v10, v11;
	v10 =	vld [tilespmem:s13+$0xFFFFFF60]  }
0x37f: {  	v5 =	vld [tilespmem:s13+$0xFFFFFF70];
	v8 =	vmul.f32 v9, v11;
	[tilespmem:s13+$0xFFFFFF00] =	vst v7  }
0x380: {  	v7 =	vld [tilespmem:s13+$0xFFFFFF80];
	[tilespmem:s13+$0xFFFFFF10] =	vst v4;
	v4 =	vmul.f32 v61, v11  }
0x381: {  	v9 =	vld [tilespmem:s13+$0xFFFFFF90];
	[tilespmem:s13+$0xFFFFFF20] =	vst v8;
	v8 =	vmul.f32 v62, v11  }
0x382: {  	[tilespmem:s13+$0xFFFFFF30] =	vst v4;
	v4 =	vmul.f32 v6, v11;
	v6 =	vld [tilespmem:s13+$0xFFFFFFA0]  }
0x383: {  	v63 =	vld [tilespmem:s13+$0xFFFFFFB0];
	[tilespmem:s13+$0xFFFFFF40] =	vst v8;
	v10 =	vmul.f32 v10, v11  }
0x384: {  	v8 =	vld [tilespmem:s13+$0xFFFFFFC0];
	[tilespmem:s13+$0xFFFFFF50] =	vst v4;
	v4 =	vmul.f32 v5, v11  }
0x385: {  	[tilespmem:s13+$0xFFFFFF60] =	vst v10;
	v10 =	vmul.f32 v7, v11;
	v7 =	vld [tilespmem:s13+$0xFFFFFFD0]  }
0x386: {  	v5 =	vld [tilespmem:s13+$0xFFFFFFE0];
	v11 =	vmul.f32 v9, v3;
	[tilespmem:s13+$0xFFFFFF70] =	vst v4  }
0x387: {  	s6 =	sadd.s32 $0x200, s13;
	v4 =	vld [tilespmem:s13+$0xFFFFFFF0];
	[tilespmem:s13+$0xFFFFFF80] =	vst v10;
	v9 =	vmul.f32 v6, v3  }
0x388: {  	s7 =	simm.s32 $0x4;
	s14 =	simm.s32 $0x8;
	s8 =	smov.u32 s13;
	v6 =	vld [tilespmem:s6+$0x0];
	[tilespmem:s13+$0xFFFFFF90] =	vst v11;
	v10 =	vmul.f32 v63, v3  }
.LBB2_34:
0x389: {  	p2 =	slt.u32 s14, $0xC;
	v11 =	vld [tilespmem:s6+$0xFFFFFE10];
	s5 =	sadd.s32 $0x3, s7;
	[tilespmem:s8+$0xFFFFFFA0] =	vst v9;
	v8 =	vmul.f32 v8, v3  }
0x38a: {  	v9 =	vld [tilespmem:s6+$0xFFFFFE20];
	v12 =	vmov s5;
	[tilespmem:s8+$0xFFFFFFB0] =	vst v10;
	v7 =	vmul.f32 v7, v3  }
0x38b: {  	v10 =	vmov s7;
	v13 =	vld [tilespmem:s6+$0xFFFFFE30];
	v12 =	vperm.xlane v2, v12;
	[tilespmem:s8+$0xFFFFFFC0] =	vst v8;
	v5 =	vmul.f32 v5, v3  }
0x38c: {  	v8 =	vperm.xlane v2, v10;
	v10 =	vld [tilespmem:s6+$0xFFFFFE40];
	[tilespmem:s8+$0xFFFFFFD0] =	vst v7;
	v4 =	vmul.f32 v4, v3  }
0x38d: {  	v7 =	vld [tilespmem:s6+$0xFFFFFE50];
	v6 =	vmul.f32 v6, v12;
	[tilespmem:s8+$0xFFFFFFE0] =	vst v5;
	v3 =	vmov v12  }
0x38e: {  	v5 =	vmul.f32 v11, v8;
	v11 =	vld [tilespmem:s6+$0xFFFFFE60];
	[tilespmem:s8+$0xFFFFFFF0] =	vst v4;
	s8 =	smov.u32 s6  }
0x38f: {  	v4 =	vmul.f32 v9, v8;
	v9 =	vld [tilespmem:s6+$0xFFFFFE70];
	[tilespmem:s6+$0x0] =	vst v6  }
0x390: {  	[tilespmem:s6+$0xFFFFFE10] =	vst v5;
	v5 =	vmul.f32 v13, v8;
	v6 =	vld [tilespmem:s6+$0xFFFFFE80]  }
0x391: {  	[tilespmem:s6+$0xFFFFFE20] =	vst v4;
	v4 =	vmul.f32 v10, v8;
	v10 =	vld [tilespmem:s6+$0xFFFFFE90]  }
0x392: {  	s5 =	sadd.s32 $0x1, s7;
	[tilespmem:s6+$0xFFFFFE30] =	vst v5;
	v5 =	vmul.f32 v7, v8;
	v7 =	vld [tilespmem:s6+$0xFFFFFEA0]  }
0x393: {  	[tilespmem:s6+$0xFFFFFE40] =	vst v4;
	v4 =	vmul.f32 v11, v8;
	v11 =	vmov s5;
	v12 =	vld [tilespmem:s6+$0xFFFFFEB0]  }
0x394: {  	[tilespmem:s6+$0xFFFFFE50] =	vst v5;
	v5 =	vmul.f32 v9, v8;
	v9 =	vperm.xlane v2, v11;
	v11 =	vld [tilespmem:s6+$0xFFFFFEC0]  }
0x395: {  	[tilespmem:s6+$0xFFFFFE60] =	vst v4;
	v4 =	vmul.f32 v6, v8;
	v6 =	vld [tilespmem:s6+$0xFFFFFED0]  }
0x396: {  	[tilespmem:s6+$0xFFFFFE70] =	vst v5;
	v5 =	vmul.f32 v10, v9;
	v8 =	vld [tilespmem:s6+$0xFFFFFEE0]  }
0x397: {  	[tilespmem:s6+$0xFFFFFE80] =	vst v4;
	v4 =	vmul.f32 v7, v9;
	v7 =	vld [tilespmem:s6+$0xFFFFFEF0]  }
0x398: {  	[tilespmem:s6+$0xFFFFFE90] =	vst v5;
	v5 =	vmul.f32 v12, v9;
	v10 =	vld [tilespmem:s6+$0xFFFFFF00]  }
0x399: {  	[tilespmem:s6+$0xFFFFFEA0] =	vst v4;
	v4 =	vmul.f32 v11, v9;
	v11 =	vld [tilespmem:s6+$0xFFFFFF10]  }
0x39a: {  	s5 =	sadd.s32 $0x2, s7;
	s7 =	smov.u32 s14;
	[tilespmem:s6+$0xFFFFFEB0] =	vst v5;
	v5 =	vmul.f32 v6, v9;
	v6 =	vld [tilespmem:s6+$0xFFFFFF20]  }
0x39b: {  	[tilespmem:s6+$0xFFFFFEC0] =	vst v4;
	v4 =	vmul.f32 v8, v9;
	v8 =	vmov s5;
	v12 =	vld [tilespmem:s6+$0xFFFFFF30]  }
0x39c: {  	[tilespmem:s6+$0xFFFFFED0] =	vst v5;
	v5 =	vmul.f32 v7, v9;
	v7 =	vperm.xlane v2, v8;
	v8 =	vld [tilespmem:s6+$0xFFFFFF40]  }
0x39d: {  	[tilespmem:s6+$0xFFFFFEE0] =	vst v4;
	v4 =	vmul.f32 v10, v9;
	v9 =	vld [tilespmem:s6+$0xFFFFFF50]  }
0x39e: {  	[tilespmem:s6+$0xFFFFFEF0] =	vst v5;
	v5 =	vmul.f32 v11, v7;
	v10 =	vld [tilespmem:s6+$0xFFFFFF60]  }
0x39f: {  	[tilespmem:s6+$0xFFFFFF00] =	vst v4;
	v4 =	vmul.f32 v6, v7;
	v6 =	vld [tilespmem:s6+$0xFFFFFF70]  }
0x3a0: {  	[tilespmem:s6+$0xFFFFFF10] =	vst v5;
	v5 =	vmul.f32 v12, v7;
	v11 =	vld [tilespmem:s6+$0xFFFFFF80]  }
0x3a1: {  	[tilespmem:s6+$0xFFFFFF20] =	vst v4;
	v4 =	vmul.f32 v8, v7;
	v12 =	vld [tilespmem:s6+$0xFFFFFF90]  }
0x3a2: {  	[tilespmem:s6+$0xFFFFFF30] =	vst v5;
	v5 =	vmul.f32 v9, v7;
	v9 =	vld [tilespmem:s6+$0xFFFFFFA0]  }
0x3a3: {  	[tilespmem:s6+$0xFFFFFF40] =	vst v4;
	v4 =	vmul.f32 v10, v7;
	v10 =	vld [tilespmem:s6+$0xFFFFFFB0]  }
.Ltmp16:
0x3a4: {  	[tilespmem:s6+$0xFFFFFF50] =	vst v5;
	v5 =	vmul.f32 v6, v7;
	v8 =	vld [tilespmem:s6+$0xFFFFFFC0];
	(pc) =	sbr.rel @p2 .LBB2_34-.Ltmp16, $4  }
0x3a5: {  	[tilespmem:s6+$0xFFFFFF60] =	vst v4;
	v4 =	vmul.f32 v11, v7;
	v7 =	vld [tilespmem:s6+$0xFFFFFFD0]  }
0x3a6: {  	[tilespmem:s6+$0xFFFFFF70] =	vst v5;
	v11 =	vmul.f32 v12, v3;
	v5 =	vld [tilespmem:s6+$0xFFFFFFE0]  }
0x3a7: {  	s6 =	sadd.s32 $0x200, s6;
	[tilespmem:s8+$0xFFFFFF80] =	vst v4;
	v9 =	vmul.f32 v9, v3;
	v4 =	vld [tilespmem:s8+$0xFFFFFFF0]  }
0x3a8: {  	s14 =	sadd.s32 $0x4, s14;
	v6 =	vld [tilespmem:s6+$0x0];
	[tilespmem:s8+$0xFFFFFF90] =	vst v11;
	v10 =	vmul.f32 v10, v3  }
0x3a9: {  	v11 =	vld [tilespmem:s6+$0xFFFFFE10];
	[tilespmem:s8+$0xFFFFFFA0] =	vst v9;
	v8 =	vmul.f32 v8, v3;
	s5 =	sadd.s32 $0x3, s7  }
0x3aa: {  	v12 =	vld [tilespmem:s6+$0xFFFFFE20];
	[tilespmem:s8+$0xFFFFFFB0] =	vst v10;
	v7 =	vmul.f32 v7, v3;
	v15 =	vmov s5  }
0x3ab: {  	v13 =	vmov s7;
	v14 =	vld [tilespmem:s6+$0xFFFFFE30];
	[tilespmem:s8+$0xFFFFFFC0] =	vst v8;
	v15 =	vperm.xlane v2, v15;
	v5 =	vmul.f32 v5, v3  }
0x3ac: {  	v22 =	vld [tilespmem:s6+$0xFFFFFE50];
	v20 =	vperm.xlane v2, v13;
	[tilespmem:s8+$0xFFFFFFD0] =	vst v7;
	v3 =	vmul.f32 v4, v3  }
0x3ad: {  	v28 =	vld [tilespmem:s6+$0xFFFFFE90];
	v26 =	vmul.f32 v6, v15;
	[tilespmem:s8+$0xFFFFFFE0] =	vst v5  }
0x3ae: {  	v25 =	vld [tilespmem:s6+$0xFFFFFE70];
	s30 =	sadd.s32 $0x1, s7;
	v23 =	vmul.f32 v11, v20;
	[tilespmem:s8+$0xFFFFFFF0] =	vst v3  }
0x3af: {  	v21 =	vld [tilespmem:s6+$0xFFFFFE40];
	v31 =	vmov s30;
	v3 =	vmul.f32 v12, v20;
	[tilespmem:s6+$0x0] =	vst v26  }
0x3b0: {  	v27 =	vld [tilespmem:s6+$0xFFFFFE80];
	v34 =	vperm.xlane v2, v31;
	v29 =	vmul.f32 v14, v20;
	[tilespmem:s6+$0xFFFFFE10] =	vst v23  }
0x3b1: {  	v24 =	vld [tilespmem:s6+$0xFFFFFE60];
	v33 =	vmul.f32 v22, v20;
	[tilespmem:s6+$0xFFFFFE20] =	vst v3  }
0x3b2: {  	v30 =	vld [tilespmem:s6+$0xFFFFFEA0];
	v37 =	vmul.f32 v28, v34;
	[tilespmem:s6+$0xFFFFFE30] =	vst v29  }
0x3b3: {  	v32 =	vld [tilespmem:s6+$0xFFFFFEB0];
	v7 =	vmul.f32 v25, v20;
	[tilespmem:s6+$0xFFFFFE50] =	vst v33  }
0x3b4: {  	v35 =	vld [tilespmem:s6+$0xFFFFFEC0];
	v3 =	vmul.f32 v21, v20;
	[tilespmem:s6+$0xFFFFFE90] =	vst v37  }
0x3b5: {  	v36 =	vld [tilespmem:s6+$0xFFFFFED0];
	v5 =	vmul.f32 v27, v20;
	[tilespmem:s6+$0xFFFFFE70] =	vst v7  }
0x3b6: {  	v38 =	vld [tilespmem:s6+$0xFFFFFEE0];
	[tilespmem:s6+$0xFFFFFE40] =	vst v3;
	v3 =	vmul.f32 v24, v20  }
0x3b7: {  	v42 =	vld [tilespmem:s6+$0xFFFFFF10];
	v39 =	vmul.f32 v30, v34;
	[tilespmem:s6+$0xFFFFFE80] =	vst v5  }
0x3b8: {  	s31 =	sadd.s32 $0x2, s7;
	v41 =	vmul.f32 v32, v34;
	[tilespmem:s6+$0xFFFFFE60] =	vst v3;
	v3 =	vld [tilespmem:s6+$0xFFFFFEF0]  }
0x3b9: {  	v44 =	vld [tilespmem:s6+$0xFFFFFF20];
	v46 =	vmov s31;
	v43 =	vmul.f32 v35, v34;
	[tilespmem:s6+$0xFFFFFEA0] =	vst v39  }
0x3ba: {  	v47 =	vld [tilespmem:s6+$0xFFFFFF30];
	v2 =	vperm.xlane v2, v46;
	v45 =	vmul.f32 v36, v34;
	[tilespmem:s6+$0xFFFFFEB0] =	vst v41  }
0x3bb: {  	v49 =	vld [tilespmem:s6+$0xFFFFFF40];
	v48 =	vmul.f32 v38, v34;
	[tilespmem:s6+$0xFFFFFEC0] =	vst v43  }
0x3bc: {  	v50 =	vld [tilespmem:s6+$0xFFFFFF50];
	v51 =	vmul.f32 v42, v2;
	[tilespmem:s6+$0xFFFFFED0] =	vst v45  }
0x3bd: {  	v52 =	vld [tilespmem:s6+$0xFFFFFF60];
	[tilespmem:s6+$0xFFFFFEE0] =	vst v48;
	v3 =	vmul.f32 v3, v34  }
0x3be: {  	v40 =	vld [tilespmem:s6+$0xFFFFFF00];
	v9 =	vmul.f32 v44, v2;
	[tilespmem:s6+$0xFFFFFF10] =	vst v51  }
0x3bf: {  	v53 =	vmul.f32 v47, v2;
	[tilespmem:s6+$0xFFFFFEF0] =	vst v3;
	v3 =	vld [tilespmem:s6+$0xFFFFFF70]  }
0x3c0: {  	v54 =	vld [tilespmem:s6+$0xFFFFFF80];
	v6 =	vmul.f32 v49, v2;
	[tilespmem:s6+$0xFFFFFF20] =	vst v9  }
0x3c1: {  	v55 =	vld [tilespmem:s6+$0xFFFFFF90];
	v56 =	vmul.f32 v50, v2;
	[tilespmem:s6+$0xFFFFFF30] =	vst v53  }
0x3c2: {  	v57 =	vld [tilespmem:s6+$0xFFFFFFA0];
	v58 =	vmul.f32 v52, v2;
	[tilespmem:s6+$0xFFFFFF40] =	vst v6  }
0x3c3: {  	v59 =	vld [tilespmem:s6+$0xFFFFFFB0];
	v7 =	vmul.f32 v40, v34;
	[tilespmem:s6+$0xFFFFFF50] =	vst v56  }
0x3c4: {  	v60 =	vld [tilespmem:s6+$0xFFFFFFC0];
	[tilespmem:s6+$0xFFFFFF60] =	vst v58;
	v3 =	vmul.f32 v3, v2  }
0x3c5: {  	v61 =	vld [tilespmem:s6+$0xFFFFFFD0];
	[tilespmem:s6+$0xFFFFFF00] =	vst v7;
	v2 =	vmul.f32 v54, v2  }
0x3c6: {  	v62 =	vld [tilespmem:s6+$0xFFFFFFE0];
	[tilespmem:s6+$0xFFFFFF70] =	vst v3;
	v3 =	vmul.f32 v55, v15  }
0x3c7: {  	v63 =	vld [tilespmem:s6+$0xFFFFFFF0];
	[tilespmem:s6+$0xFFFFFF80] =	vst v2;
	v2 =	vmul.f32 v57, v15  }
0x3c8: {  	s2 =	sadd.s32 $0x1, s2;
	[tilespmem:s6+$0xFFFFFF90] =	vst v3;
	v3 =	vmul.f32 v59, v15  }
0x3c9: {  	p2 =	sne.s32 s2, $0x4;
	[tilespmem:s6+$0xFFFFFFA0] =	vst v2;
	v2 =	vmul.f32 v60, v15  }
.Ltmp17:
0x3ca: {  	[tilespmem:s6+$0xFFFFFFB0] =	vst v3;
	v3 =	vmul.f32 v61, v15;
	(pc) =	sbr.rel @p2 .LBB2_33-.Ltmp17, $4  }
0x3cb: {  	[tilespmem:s6+$0xFFFFFFC0] =	vst v2;
	v2 =	vmul.f32 v62, v15  }
0x3cc: {  	[tilespmem:s6+$0xFFFFFFD0] =	vst v3;
	v3 =	vmul.f32 v63, v15  }
0x3cd: {  	[tilespmem:s6+$0xFFFFFFE0] =	vst v2  }
0x3ce: {  	s13 =	sadd.s32 $0x800, s13;
	[tilespmem:s6+$0xFFFFFFF0] =	vst v3  }
0x3cf: {  	s0 =	sadd.s32 $0xC00, s12  }
0x3d0: {  	[spmem:s3] =	stream.indirect.scatter.add.f32 [tilespmem:s19], [sflag:$0x7], $0x80, s0, s9, $0xb8;
	[tilespmem:$0x1DC80] =	vst v63  }
0x3d1: {  	_ =	swait.ge [sflag:s24], $0x2000  }
0x3d2: {  	[sflag:s24] =	ssyncset.done $0x0  }
0x3d3: {  	[sflag:s24] =	ssyncadd.s32 $0xFFFFE000  }
0x3d4: {  	_ =	swait.ge [sflag:s25], $0x2000  }
0x3d5: {  	s2 =	simm.s32 @!p1 $0x40;
	s31 =	sadd.s32 $0x1800, s26;
	[sflag:s25] =	ssyncset.done $0x0  }
0x3d6: {  	s0 =	sor.u32 @!p1 $0x80, s4;
	s4 =	simm.s32 @!p1 $0x4400;
	[sflag:s25] =	ssyncadd.s32 $0xFFFFE000  }
0x3d7: {  	[tilespmem:s4], [sflag:$0x2] =	stream.indirect.gather @!p1 [hbm4b:s1+s2], $0x80, s0, s2, $0xb8;
	[tilespmem:$0x1DC80] =	vst v63  }
0x3d8: {  	v1 =	vmov s31;
	s0 =	simm.s32 $0x0;
	s4 =	simm.s32 $0x85F0;
	s2 =	simm.s32 $0x0  }
.LBB2_37:
0x3d9: {  	_ =	sdelay $0x2  }
0x3da: {  	s5 =	sshll.u32 s2, $0x4  }
0x3db: {  	v2 =	vld.idx.msk [tilespmem:v1+s5+$0x0 ss:$0x1], $0xffff;
	_ =	sdelay $0x1  }
0x3dc: {  	v3 =	vld [tilespmem:s4+$0xFFFFFE10]  }
0x3dd: {  	v5 =	vld [tilespmem:s4+$0xFFFFFE20]  }
0x3de: {  	v4 =	vld [tilespmem:s4+$0x0];
	v6 =	vmov s0  }
0x3df: {  	v8 =	vld [tilespmem:s4+$0xFFFFFE40];
	s29 =	simm.s32 $0x3;
	v6 =	vperm.xlane v2, v6  }
0x3e0: {  	v7 =	vld [tilespmem:s4+$0xFFFFFE30];
	v10 =	vmov s29  }
0x3e1: {  	v12 =	vld [tilespmem:s4+$0xFFFFFE60];
	v11 =	vmul.f32 v3, v6;
	v3 =	vperm.xlane v2, v10  }
0x3e2: {  	v10 =	vld [tilespmem:s4+$0xFFFFFE70];
	v5 =	vmul.f32 v5, v6  }
0x3e3: {  	v9 =	vld [tilespmem:s4+$0xFFFFFE50];
	[tilespmem:s4+$0xFFFFFE10] =	vst v11;
	v4 =	vmul.f32 v4, v3  }
0x3e4: {  	v11 =	vld [tilespmem:s4+$0xFFFFFE80];
	[tilespmem:s4+$0xFFFFFE20] =	vst v5;
	v5 =	vmul.f32 v8, v6  }
0x3e5: {  	v13 =	vld [tilespmem:s4+$0xFFFFFE90];
	[tilespmem:s4+$0x0] =	vst v4;
	v4 =	vmul.f32 v7, v6  }
0x3e6: {  	s30 =	simm.s32 $0x1;
	v14 =	vld [tilespmem:s4+$0xFFFFFEB0];
	[tilespmem:s4+$0xFFFFFE40] =	vst v5;
	v5 =	vmul.f32 v12, v6  }
0x3e7: {  	v8 =	vmov s30;
	v7 =	vld [tilespmem:s4+$0xFFFFFEA0];
	v10 =	vmul.f32 v10, v6;
	[tilespmem:s4+$0xFFFFFE30] =	vst v4  }
0x3e8: {  	v59 =	vld [tilespmem:s4+$0xFFFFFED0];
	v8 =	vperm.xlane v2, v8;
	v4 =	vmul.f32 v9, v6;
	[tilespmem:s4+$0xFFFFFE60] =	vst v5  }
0x3e9: {  	v9 =	vld [tilespmem:s4+$0xFFFFFEC0];
	v6 =	vmul.f32 v11, v6;
	[tilespmem:s4+$0xFFFFFE70] =	vst v10  }
0x3ea: {  	v5 =	vld [tilespmem:s4+$0xFFFFFEF0];
	[tilespmem:s4+$0xFFFFFE50] =	vst v4;
	v4 =	vmul.f32 v13, v8  }
0x3eb: {  	v60 =	vld [tilespmem:s4+$0xFFFFFEE0];
	[tilespmem:s4+$0xFFFFFE80] =	vst v6;
	v6 =	vmul.f32 v14, v8  }
0x3ec: {  	[tilespmem:s4+$0xFFFFFE90] =	vst v4;
	v4 =	vmul.f32 v7, v8;
	v7 =	vld [tilespmem:s4+$0xFFFFFF00]  }
0x3ed: {  	v10 =	vld [tilespmem:s4+$0xFFFFFF10];
	[tilespmem:s4+$0xFFFFFEB0] =	vst v6;
	v6 =	vmul.f32 v59, v8  }
0x3ee: {  	s31 =	simm.s32 $0x2;
	[tilespmem:s4+$0xFFFFFEA0] =	vst v4;
	v4 =	vmul.f32 v9, v8;
	v9 =	vld [tilespmem:s4+$0xFFFFFF20]  }
0x3ef: {  	v61 =	vld [tilespmem:s4+$0xFFFFFF30];
	v11 =	vmov s31;
	v5 =	vmul.f32 v5, v8;
	[tilespmem:s4+$0xFFFFFED0] =	vst v6  }
0x3f0: {  	v62 =	vld [tilespmem:s4+$0xFFFFFF40];
	v11 =	vperm.xlane v2, v11;
	[tilespmem:s4+$0xFFFFFEC0] =	vst v4;
	v4 =	vmul.f32 v60, v8  }
0x3f1: {  	v6 =	vld [tilespmem:s4+$0xFFFFFF50];
	[tilespmem:s4+$0xFFFFFEF0] =	vst v5;
	v7 =	vmul.f32 v7, v8  }
0x3f2: {  	[tilespmem:s4+$0xFFFFFEE0] =	vst v4;
	v4 =	vmul.f32 v10, v11;
	v10 =	vld [tilespmem:s4+$0xFFFFFF60]  }
0x3f3: {  	v5 =	vld [tilespmem:s4+$0xFFFFFF70];
	v8 =	vmul.f32 v9, v11;
	[tilespmem:s4+$0xFFFFFF00] =	vst v7  }
0x3f4: {  	v7 =	vld [tilespmem:s4+$0xFFFFFF80];
	[tilespmem:s4+$0xFFFFFF10] =	vst v4;
	v4 =	vmul.f32 v61, v11  }
0x3f5: {  	v9 =	vld [tilespmem:s4+$0xFFFFFF90];
	[tilespmem:s4+$0xFFFFFF20] =	vst v8;
	v8 =	vmul.f32 v62, v11  }
0x3f6: {  	[tilespmem:s4+$0xFFFFFF30] =	vst v4;
	v4 =	vmul.f32 v6, v11;
	v6 =	vld [tilespmem:s4+$0xFFFFFFA0]  }
0x3f7: {  	v63 =	vld [tilespmem:s4+$0xFFFFFFB0];
	[tilespmem:s4+$0xFFFFFF40] =	vst v8;
	v10 =	vmul.f32 v10, v11  }
0x3f8: {  	v8 =	vld [tilespmem:s4+$0xFFFFFFC0];
	[tilespmem:s4+$0xFFFFFF50] =	vst v4;
	v4 =	vmul.f32 v5, v11  }
0x3f9: {  	[tilespmem:s4+$0xFFFFFF60] =	vst v10;
	v10 =	vmul.f32 v7, v11;
	v7 =	vld [tilespmem:s4+$0xFFFFFFD0]  }
0x3fa: {  	v5 =	vld [tilespmem:s4+$0xFFFFFFE0];
	v11 =	vmul.f32 v9, v3;
	[tilespmem:s4+$0xFFFFFF70] =	vst v4  }
0x3fb: {  	s6 =	sadd.s32 $0x200, s4;
	v4 =	vld [tilespmem:s4+$0xFFFFFFF0];
	[tilespmem:s4+$0xFFFFFF80] =	vst v10;
	v9 =	vmul.f32 v6, v3  }
0x3fc: {  	s7 =	simm.s32 $0x4;
	s12 =	simm.s32 $0x8;
	s8 =	smov.u32 s4;
	v6 =	vld [tilespmem:s6+$0x0];
	[tilespmem:s4+$0xFFFFFF90] =	vst v11;
	v10 =	vmul.f32 v63, v3  }
.LBB2_38:
0x3fd: {  	p1 =	slt.u32 s12, $0xC;
	v11 =	vld [tilespmem:s6+$0xFFFFFE10];
	s5 =	sadd.s32 $0x3, s7;
	[tilespmem:s8+$0xFFFFFFA0] =	vst v9;
	v8 =	vmul.f32 v8, v3  }
0x3fe: {  	v9 =	vld [tilespmem:s6+$0xFFFFFE20];
	v12 =	vmov s5;
	[tilespmem:s8+$0xFFFFFFB0] =	vst v10;
	v7 =	vmul.f32 v7, v3  }
0x3ff: {  	v10 =	vmov s7;
	v13 =	vld [tilespmem:s6+$0xFFFFFE30];
	v12 =	vperm.xlane v2, v12;
	[tilespmem:s8+$0xFFFFFFC0] =	vst v8;
	v5 =	vmul.f32 v5, v3  }
0x400: {  	v8 =	vperm.xlane v2, v10;
	v10 =	vld [tilespmem:s6+$0xFFFFFE40];
	[tilespmem:s8+$0xFFFFFFD0] =	vst v7;
	v4 =	vmul.f32 v4, v3  }
0x401: {  	v7 =	vld [tilespmem:s6+$0xFFFFFE50];
	v6 =	vmul.f32 v6, v12;
	[tilespmem:s8+$0xFFFFFFE0] =	vst v5;
	v3 =	vmov v12  }
0x402: {  	v5 =	vmul.f32 v11, v8;
	v11 =	vld [tilespmem:s6+$0xFFFFFE60];
	[tilespmem:s8+$0xFFFFFFF0] =	vst v4;
	s8 =	smov.u32 s6  }
0x403: {  	v4 =	vmul.f32 v9, v8;
	v9 =	vld [tilespmem:s6+$0xFFFFFE70];
	[tilespmem:s6+$0x0] =	vst v6  }
0x404: {  	[tilespmem:s6+$0xFFFFFE10] =	vst v5;
	v5 =	vmul.f32 v13, v8;
	v6 =	vld [tilespmem:s6+$0xFFFFFE80]  }
0x405: {  	[tilespmem:s6+$0xFFFFFE20] =	vst v4;
	v4 =	vmul.f32 v10, v8;
	v10 =	vld [tilespmem:s6+$0xFFFFFE90]  }
0x406: {  	s5 =	sadd.s32 $0x1, s7;
	[tilespmem:s6+$0xFFFFFE30] =	vst v5;
	v5 =	vmul.f32 v7, v8;
	v7 =	vld [tilespmem:s6+$0xFFFFFEA0]  }
0x407: {  	[tilespmem:s6+$0xFFFFFE40] =	vst v4;
	v4 =	vmul.f32 v11, v8;
	v11 =	vmov s5;
	v12 =	vld [tilespmem:s6+$0xFFFFFEB0]  }
0x408: {  	[tilespmem:s6+$0xFFFFFE50] =	vst v5;
	v5 =	vmul.f32 v9, v8;
	v9 =	vperm.xlane v2, v11;
	v11 =	vld [tilespmem:s6+$0xFFFFFEC0]  }
0x409: {  	[tilespmem:s6+$0xFFFFFE60] =	vst v4;
	v4 =	vmul.f32 v6, v8;
	v6 =	vld [tilespmem:s6+$0xFFFFFED0]  }
0x40a: {  	[tilespmem:s6+$0xFFFFFE70] =	vst v5;
	v5 =	vmul.f32 v10, v9;
	v8 =	vld [tilespmem:s6+$0xFFFFFEE0]  }
0x40b: {  	[tilespmem:s6+$0xFFFFFE80] =	vst v4;
	v4 =	vmul.f32 v7, v9;
	v7 =	vld [tilespmem:s6+$0xFFFFFEF0]  }
0x40c: {  	[tilespmem:s6+$0xFFFFFE90] =	vst v5;
	v5 =	vmul.f32 v12, v9;
	v10 =	vld [tilespmem:s6+$0xFFFFFF00]  }
0x40d: {  	[tilespmem:s6+$0xFFFFFEA0] =	vst v4;
	v4 =	vmul.f32 v11, v9;
	v11 =	vld [tilespmem:s6+$0xFFFFFF10]  }
0x40e: {  	s5 =	sadd.s32 $0x2, s7;
	s7 =	smov.u32 s12;
	[tilespmem:s6+$0xFFFFFEB0] =	vst v5;
	v5 =	vmul.f32 v6, v9;
	v6 =	vld [tilespmem:s6+$0xFFFFFF20]  }
0x40f: {  	[tilespmem:s6+$0xFFFFFEC0] =	vst v4;
	v4 =	vmul.f32 v8, v9;
	v8 =	vmov s5;
	v12 =	vld [tilespmem:s6+$0xFFFFFF30]  }
0x410: {  	[tilespmem:s6+$0xFFFFFED0] =	vst v5;
	v5 =	vmul.f32 v7, v9;
	v7 =	vperm.xlane v2, v8;
	v8 =	vld [tilespmem:s6+$0xFFFFFF40]  }
0x411: {  	[tilespmem:s6+$0xFFFFFEE0] =	vst v4;
	v4 =	vmul.f32 v10, v9;
	v9 =	vld [tilespmem:s6+$0xFFFFFF50]  }
0x412: {  	[tilespmem:s6+$0xFFFFFEF0] =	vst v5;
	v5 =	vmul.f32 v11, v7;
	v10 =	vld [tilespmem:s6+$0xFFFFFF60]  }
0x413: {  	[tilespmem:s6+$0xFFFFFF00] =	vst v4;
	v4 =	vmul.f32 v6, v7;
	v6 =	vld [tilespmem:s6+$0xFFFFFF70]  }
0x414: {  	[tilespmem:s6+$0xFFFFFF10] =	vst v5;
	v5 =	vmul.f32 v12, v7;
	v11 =	vld [tilespmem:s6+$0xFFFFFF80]  }
0x415: {  	[tilespmem:s6+$0xFFFFFF20] =	vst v4;
	v4 =	vmul.f32 v8, v7;
	v12 =	vld [tilespmem:s6+$0xFFFFFF90]  }
0x416: {  	[tilespmem:s6+$0xFFFFFF30] =	vst v5;
	v5 =	vmul.f32 v9, v7;
	v9 =	vld [tilespmem:s6+$0xFFFFFFA0]  }
0x417: {  	[tilespmem:s6+$0xFFFFFF40] =	vst v4;
	v4 =	vmul.f32 v10, v7;
	v10 =	vld [tilespmem:s6+$0xFFFFFFB0]  }
.Ltmp18:
0x418: {  	[tilespmem:s6+$0xFFFFFF50] =	vst v5;
	v5 =	vmul.f32 v6, v7;
	v8 =	vld [tilespmem:s6+$0xFFFFFFC0];
	(pc) =	sbr.rel @p1 .LBB2_38-.Ltmp18, $4  }
0x419: {  	[tilespmem:s6+$0xFFFFFF60] =	vst v4;
	v4 =	vmul.f32 v11, v7;
	v7 =	vld [tilespmem:s6+$0xFFFFFFD0]  }
0x41a: {  	[tilespmem:s6+$0xFFFFFF70] =	vst v5;
	v11 =	vmul.f32 v12, v3;
	v5 =	vld [tilespmem:s6+$0xFFFFFFE0]  }
0x41b: {  	s6 =	sadd.s32 $0x200, s6;
	[tilespmem:s8+$0xFFFFFF80] =	vst v4;
	v9 =	vmul.f32 v9, v3;
	v4 =	vld [tilespmem:s8+$0xFFFFFFF0]  }
0x41c: {  	s12 =	sadd.s32 $0x4, s12;
	v6 =	vld [tilespmem:s6+$0x0];
	[tilespmem:s8+$0xFFFFFF90] =	vst v11;
	v10 =	vmul.f32 v10, v3  }
0x41d: {  	v11 =	vld [tilespmem:s6+$0xFFFFFE10];
	[tilespmem:s8+$0xFFFFFFA0] =	vst v9;
	v8 =	vmul.f32 v8, v3;
	s5 =	sadd.s32 $0x3, s7  }
0x41e: {  	v12 =	vld [tilespmem:s6+$0xFFFFFE20];
	[tilespmem:s8+$0xFFFFFFB0] =	vst v10;
	v7 =	vmul.f32 v7, v3;
	v15 =	vmov s5  }
0x41f: {  	v13 =	vmov s7;
	v14 =	vld [tilespmem:s6+$0xFFFFFE30];
	[tilespmem:s8+$0xFFFFFFC0] =	vst v8;
	v15 =	vperm.xlane v2, v15;
	v5 =	vmul.f32 v5, v3  }
0x420: {  	v22 =	vld [tilespmem:s6+$0xFFFFFE50];
	v20 =	vperm.xlane v2, v13;
	[tilespmem:s8+$0xFFFFFFD0] =	vst v7;
	v3 =	vmul.f32 v4, v3  }
0x421: {  	v28 =	vld [tilespmem:s6+$0xFFFFFE90];
	v26 =	vmul.f32 v6, v15;
	[tilespmem:s8+$0xFFFFFFE0] =	vst v5  }
0x422: {  	v25 =	vld [tilespmem:s6+$0xFFFFFE70];
	s30 =	sadd.s32 $0x1, s7;
	v23 =	vmul.f32 v11, v20;
	[tilespmem:s8+$0xFFFFFFF0] =	vst v3  }
0x423: {  	v21 =	vld [tilespmem:s6+$0xFFFFFE40];
	v31 =	vmov s30;
	v3 =	vmul.f32 v12, v20;
	[tilespmem:s6+$0x0] =	vst v26  }
0x424: {  	v27 =	vld [tilespmem:s6+$0xFFFFFE80];
	v34 =	vperm.xlane v2, v31;
	v29 =	vmul.f32 v14, v20;
	[tilespmem:s6+$0xFFFFFE10] =	vst v23  }
0x425: {  	v24 =	vld [tilespmem:s6+$0xFFFFFE60];
	v33 =	vmul.f32 v22, v20;
	[tilespmem:s6+$0xFFFFFE20] =	vst v3  }
0x426: {  	v30 =	vld [tilespmem:s6+$0xFFFFFEA0];
	v37 =	vmul.f32 v28, v34;
	[tilespmem:s6+$0xFFFFFE30] =	vst v29  }
0x427: {  	v32 =	vld [tilespmem:s6+$0xFFFFFEB0];
	v7 =	vmul.f32 v25, v20;
	[tilespmem:s6+$0xFFFFFE50] =	vst v33  }
0x428: {  	v35 =	vld [tilespmem:s6+$0xFFFFFEC0];
	v3 =	vmul.f32 v21, v20;
	[tilespmem:s6+$0xFFFFFE90] =	vst v37  }
0x429: {  	v36 =	vld [tilespmem:s6+$0xFFFFFED0];
	v5 =	vmul.f32 v27, v20;
	[tilespmem:s6+$0xFFFFFE70] =	vst v7  }
0x42a: {  	v38 =	vld [tilespmem:s6+$0xFFFFFEE0];
	[tilespmem:s6+$0xFFFFFE40] =	vst v3;
	v3 =	vmul.f32 v24, v20  }
0x42b: {  	v42 =	vld [tilespmem:s6+$0xFFFFFF10];
	v39 =	vmul.f32 v30, v34;
	[tilespmem:s6+$0xFFFFFE80] =	vst v5  }
0x42c: {  	s31 =	sadd.s32 $0x2, s7;
	v41 =	vmul.f32 v32, v34;
	[tilespmem:s6+$0xFFFFFE60] =	vst v3;
	v3 =	vld [tilespmem:s6+$0xFFFFFEF0]  }
0x42d: {  	v44 =	vld [tilespmem:s6+$0xFFFFFF20];
	v46 =	vmov s31;
	v43 =	vmul.f32 v35, v34;
	[tilespmem:s6+$0xFFFFFEA0] =	vst v39  }
0x42e: {  	v47 =	vld [tilespmem:s6+$0xFFFFFF30];
	v2 =	vperm.xlane v2, v46;
	v45 =	vmul.f32 v36, v34;
	[tilespmem:s6+$0xFFFFFEB0] =	vst v41  }
0x42f: {  	v49 =	vld [tilespmem:s6+$0xFFFFFF40];
	v48 =	vmul.f32 v38, v34;
	[tilespmem:s6+$0xFFFFFEC0] =	vst v43  }
0x430: {  	v50 =	vld [tilespmem:s6+$0xFFFFFF50];
	v51 =	vmul.f32 v42, v2;
	[tilespmem:s6+$0xFFFFFED0] =	vst v45  }
0x431: {  	v52 =	vld [tilespmem:s6+$0xFFFFFF60];
	[tilespmem:s6+$0xFFFFFEE0] =	vst v48;
	v3 =	vmul.f32 v3, v34  }
0x432: {  	v40 =	vld [tilespmem:s6+$0xFFFFFF00];
	v9 =	vmul.f32 v44, v2;
	[tilespmem:s6+$0xFFFFFF10] =	vst v51  }
0x433: {  	v53 =	vmul.f32 v47, v2;
	[tilespmem:s6+$0xFFFFFEF0] =	vst v3;
	v3 =	vld [tilespmem:s6+$0xFFFFFF70]  }
0x434: {  	v54 =	vld [tilespmem:s6+$0xFFFFFF80];
	v6 =	vmul.f32 v49, v2;
	[tilespmem:s6+$0xFFFFFF20] =	vst v9  }
0x435: {  	v55 =	vld [tilespmem:s6+$0xFFFFFF90];
	v56 =	vmul.f32 v50, v2;
	[tilespmem:s6+$0xFFFFFF30] =	vst v53  }
0x436: {  	v57 =	vld [tilespmem:s6+$0xFFFFFFA0];
	v58 =	vmul.f32 v52, v2;
	[tilespmem:s6+$0xFFFFFF40] =	vst v6  }
0x437: {  	v59 =	vld [tilespmem:s6+$0xFFFFFFB0];
	v7 =	vmul.f32 v40, v34;
	[tilespmem:s6+$0xFFFFFF50] =	vst v56  }
0x438: {  	v60 =	vld [tilespmem:s6+$0xFFFFFFC0];
	[tilespmem:s6+$0xFFFFFF60] =	vst v58;
	v3 =	vmul.f32 v3, v2  }
0x439: {  	v61 =	vld [tilespmem:s6+$0xFFFFFFD0];
	[tilespmem:s6+$0xFFFFFF00] =	vst v7;
	v2 =	vmul.f32 v54, v2  }
0x43a: {  	v62 =	vld [tilespmem:s6+$0xFFFFFFE0];
	[tilespmem:s6+$0xFFFFFF70] =	vst v3;
	v3 =	vmul.f32 v55, v15  }
0x43b: {  	v63 =	vld [tilespmem:s6+$0xFFFFFFF0];
	[tilespmem:s6+$0xFFFFFF80] =	vst v2;
	v2 =	vmul.f32 v57, v15  }
0x43c: {  	s2 =	sadd.s32 $0x1, s2;
	[tilespmem:s6+$0xFFFFFF90] =	vst v3;
	v3 =	vmul.f32 v59, v15  }
0x43d: {  	p1 =	sne.s32 s2, $0x4;
	[tilespmem:s6+$0xFFFFFFA0] =	vst v2;
	v2 =	vmul.f32 v60, v15  }
.Ltmp19:
0x43e: {  	[tilespmem:s6+$0xFFFFFFB0] =	vst v3;
	v3 =	vmul.f32 v61, v15;
	(pc) =	sbr.rel @p1 .LBB2_37-.Ltmp19, $4  }
0x43f: {  	[tilespmem:s6+$0xFFFFFFC0] =	vst v2;
	v2 =	vmul.f32 v62, v15  }
0x440: {  	[tilespmem:s6+$0xFFFFFFD0] =	vst v3;
	v3 =	vmul.f32 v63, v15  }
0x441: {  	[tilespmem:s6+$0xFFFFFFE0] =	vst v2  }
0x442: {  	s4 =	sadd.s32 $0x800, s4;
	[tilespmem:s6+$0xFFFFFFF0] =	vst v3  }
0x443: {  	p1 =	sne.s32 s28, $0x14  }
.Ltmp20:
0x444: {  	_ = 	snop;
	(pc) =	sbr.rel @p1 .LBB2_4-.Ltmp20, $3  }
0x445: {  	_ =	sdelay $0x1  }
0x446: {  	s0 =	sadd.s32 $0xC00, s26;
	s15 =	smov.u32 s28  }
0x447: {  	[spmem:s3] =	stream.indirect.scatter.add.f32 [tilespmem:s16], [sflag:$0x8], $0x80, s0, s9, $0xb8;
	[tilespmem:$0x1DC80] =	vst v63  }
0x448: {  	_ =	swait.ge [sflag:s18], $0x2000  }
0x449: {  	[sflag:s18] =	ssyncset.done $0x0  }
0x44a: {  	[sflag:s18] =	ssyncadd.s32 $0xFFFFE000  }
0x44b: {  	_ =	swait.ge [sflag:s21], $0x2000  }
0x44c: {  	[sflag:s21] =	ssyncset.done $0x0  }
0x44d: {  	[sflag:s21] =	ssyncadd.s32 $0xFFFFE000  }
0x44e: {  	[bflag:$0x0] =	sbarrier.arrive $0xFFFF  }
0x44f: {  	s2 =	rddreg [dreg:$0x15]  }
0x450: {  	s0 =	simm.s32 @p0 $0x1FCC;
	s4 =	rddreg [dreg:$0x17]  }
0x451: {  	[hbm:s2], [sflag:s0] =	dma.local @p0 [spmem:s4], $0x2080  }
0x452: {  	s0 =	simm.s32 @p0 $0xC  }
0x453: {  	s2 =	stileid.u32;
	_ =	swait.ge @p0 [sflag:s0], $0x2080  }
0x454: {  	s2 =	sshll.u32 @!p0 s2, $0x6;
	[sflag:s0] =	ssyncset.done @p0 $0x0;
	s4 =	rddreg [dreg:$0x18]  }
0x455: {  	[sflag:s0] =	ssyncadd.s32 @p0 $0xFFFFDF80;
	s0 =	sor.u32 @!p0 $0x1C0C, s2;
	s2 =	rddreg [dreg:$0x14]  }
0x456: {  	[hbm:s2], [sflag:s0] =	dma.local @!p0 [spmem:s4], $0x2780  }
0x457: {  	s0 =	simm.s32 @!p0 $0xC  }
0x458: {  	_ =	swait.ge @!p0 [sflag:s0], $0x2780  }
0x459: {  	s30 =	rddreg [dreg:$0x1d]  }
0x45a: {  	s31 =	rddreg [dreg:$0x16];
	s4 =	sadd.s32 $0x1, s30  }
0x45b: {  	p1 =	sne.s32 s4, s31  }
.Ltmp21:
0x45c: {  	_ = 	snop;
	(pc) =	sbr.rel @p1 .LBB2_1-.Ltmp21, $3  }
0x45d: {  	_ =	sdelay $0x1  }
0x45e: {  	[sflag:s0] =	ssyncset.done @!p0 $0x0  }
0x45f: {  	s5 =	simm.s32 $0xC;
	[sflag:s0] =	ssyncadd.s32 @!p0 $0xFFFFD880  }
0x460: {  	_ =	sfence.sel $0x180000  }
0x461: {  	[bflag:$0x0] =	sbarrier.arrive $0xFFFF  }
0x462: {  	_ =	strace $0x90000047  }
0x463: {  	s0 =	stileid.u32;
	[bflag:$0x2] =	sbarrier.arrive $0xFFFF  }
0x464: {  	p0 =	sne.s32 s0, $0x0;
	s0 =	rddreg [dreg:$0x4]  }
0x465: {  	s0 =	sadd.s32 @!p0 $0x100000, s0  }
0x466: {  	[sflag:s0] =	ssyncadd.tile.s32 @!p0 $0x1;
	_ =	shalt  }
.Lfunc_end2:
_tile_overlayer_lowered:
.L_overlay_start_2:
0x467: {  	(tag) =	ssettag $0x2  }
0x468: {  	s0 =	rddreg [dreg:$0x0];
	s2 =	stileid.u32  }
0x469: {  	s1 =	rddreg [dreg:$0x1];
	p0 =	sne.s32 s2, $0x0  }
0x46a: {  	s3 =	rddreg [dreg:$0x2];
	[bflag:$0x3] =	sbarrier.arrive $0xFFFF;
	s2 =	simm.s32 @!p0 $0x1C0C  }
0x46b: {  	[timem:s3], [sflag:s2] =	dma.local @!p0 [hbm:s0], s1  }
0x46c: {  	s0 =	simm.s32 @!p0 $0xC  }
0x46d: {  	_ =	swait.ge @!p0 [sflag:s0], s1  }
0x46e: {  	s1 =	ssub.s32 @!p0 $0x0, s1;
	[sflag:s0] =	ssyncset.done @!p0 $0x0  }
0x46f: {  	[sflag:s0] =	ssyncadd.s32 @!p0 s1  }
0x470: {  	[bflag:$0x3] =	sbarrier.arrive $0xFFFF  }
0x471: {  	_ =	shalt  }

</sc_bundles>
